<compile_context>
chip_gen: v7x
topology: tpu7x:2x2x1
jax: 0.10.2.dev20260603
libtpu: 0.0.44.dev20260713+nightly
codegen_flags: <defaults>
</compile_context>

<pallas_src>
import functools

import jax
import jax.numpy as jnp
from jax import lax
from jax.experimental import pallas as pl
from jax.experimental.pallas import tpu as pltpu
from jax.experimental.pallas import tpu_sc as plsc

B = 16384
K = 64
N_JK = 151
JB_PAD = 160
NC, NS, L = 2, 16, 16
NW = NC * NS
BPW = B // NW
CH = 128
NCH = BPW // CH
BLK_PER_CH = CH // L

_mesh = plsc.VectorSubcoreMesh(core_axis_name="c", subcore_axis_name="s")


@functools.partial(
    pl.kernel,
    mesh=_mesh,
    out_type=jax.ShapeDtypeStruct((B,), jnp.float32),
    compiler_params=pltpu.CompilerParams(
        needs_layout_passes=False, use_tc_tiling_on_sc=False),
    scratch_types=[
        pltpu.VMEM((BPW,), jnp.int32),
        pltpu.VMEM((BPW,), jnp.int32),
        pltpu.VMEM((BPW, K), jnp.float32),
        pltpu.VMEM((BPW,), jnp.float32),
        pltpu.VMEM((N_JK, K), jnp.float32),
        pltpu.VMEM((JB_PAD, 1), jnp.float32),
        pltpu.VMEM((L,), jnp.float32),
        pltpu.VMEM((BPW,), jnp.float32),
    ] + [pltpu.SemaphoreType.DMA] * (2 * NCH),
)
def _sc_dot(users_hbm, jokes_hbm, ulut_hbm, jlut_hbm, ubias_hbm, jbias_hbm,
            gb_hbm, out_hbm,
            uidx_v, jdx_v, urows_v, ub_v, jlut_v, jb_v, gb_v, out_v,
            *sems):
    wid = lax.axis_index("s") * NC + lax.axis_index("c")
    base = wid * BPW

    pltpu.sync_copy(users_hbm.at[pl.ds(base, BPW)], uidx_v)

    row_cps, bias_cps = [], []
    for c in range(NCH):
        idx = uidx_v.at[pl.ds(c * CH, CH)]
        row_cps.append(pltpu.async_copy(
            ulut_hbm.at[idx], urows_v.at[pl.ds(c * CH, CH)], sems[c]))
        bias_cps.append(pltpu.async_copy(
            ubias_hbm.at[idx], ub_v.at[pl.ds(c * CH, CH)], sems[NCH + c]))

    pltpu.sync_copy(jokes_hbm.at[pl.ds(base, BPW)], jdx_v)
    pltpu.sync_copy(jlut_hbm, jlut_v)
    pltpu.sync_copy(jbias_hbm, jb_v.at[pl.ds(0, N_JK)])
    pltpu.sync_copy(gb_hbm, gb_v.at[pl.ds(0, 1)])

    lane = lax.iota(jnp.int32, L)
    zero16 = jnp.zeros((L,), jnp.int32)
    gbs = gb_v[...][0]

    def block(b, carry):
        b0 = pl.multiple_of(b * L, L)
        jvec = jdx_v[pl.ds(b0, L)]
        q = jnp.zeros((L,), jnp.float32)
        for i in range(L):
            r = b0 + i
            jr = jvec[i]
            t = urows_v[r, pl.ds(0, L)] * jlut_v[jr, pl.ds(0, L)]
            t = urows_v[r, pl.ds(L, L)] * jlut_v[jr, pl.ds(L, L)] + t
            t = urows_v[r, pl.ds(2 * L, L)] * jlut_v[jr, pl.ds(2 * L, L)] + t
            t = urows_v[r, pl.ds(3 * L, L)] * jlut_v[jr, pl.ds(3 * L, L)] + t
            s = lax.reduce_sum(t, axes=(0,))
            q = jnp.where(lane == i, s, q)
        jbv = plsc.load_gather(jb_v, [jvec, zero16])
        out_v[pl.ds(b0, L)] = q + ub_v[pl.ds(b0, L)] + jbv + gbs
        return carry

    for c in range(NCH):
        row_cps[c].wait()
        bias_cps[c].wait()
        lax.fori_loop(c * BLK_PER_CH, (c + 1) * BLK_PER_CH, block, 0,
                      unroll=False)

    pltpu.sync_copy(out_v, out_hbm.at[pl.ds(base, BPW)])


def kernel(users, jokes, user_lut, joke_lut, user_bias, joke_bias, global_bias):
    return _sc_dot(users, jokes, user_lut, joke_lut,
                   user_bias.reshape(-1), joke_bias, global_bias)

# --- scband reference (transcript-rebuilt; emitter-appended) ---
"""Pipeline reference for scband-model-34668976013706 (READ-ONLY COPY).

The authoritative reference and input builder live on the scoring server;
editing this copy changes nothing except your own understanding.
"""

import jax, jax.numpy as jnp
import numpy as np

N_USERS = 63979
N_JOKES = 151
K = 64
BATCH = 16384

def setup_inputs(seed: int = 0) -> dict:
    key = jax.random.key(seed)
    k1, k2, k3, k4, k5, k6, k7 = jax.random.split(key, 7)
    users = jax.random.randint(k1, (BATCH,), 0, N_USERS, dtype=jnp.int64 if jax.config.jax_enable_x64 else jnp.int32).astype(jnp.int32)
    jokes = jax.random.randint(k2, (BATCH,), 0, N_JOKES, dtype=jnp.int32)
    user_lut = jax.random.normal(k3, (N_USERS, K), dtype=jnp.float32)
    joke_lut = jax.random.normal(k4, (N_JOKES, K), dtype=jnp.float32)
    user_bias = jax.random.normal(k5, (N_USERS, 1), dtype=jnp.float32)
    joke_bias = jax.random.normal(k6, (N_JOKES, 1), dtype=jnp.float32)
    global_bias = jax.random.normal(k7, (1,), dtype=jnp.float32)
    return {"users": users, "jokes": jokes, "user_lut": user_lut, "joke_lut": joke_lut, "user_bias": user_bias, "joke_bias": joke_bias, "global_bias": global_bias}

def reference(users, jokes, user_lut, joke_lut, user_bias, joke_bias, global_bias):
    # embedding gathers (SparseCore-mappable)
    user_vectors = jnp.take(user_lut, users, axis=0)          # [B, K]
    joke_vectors = jnp.take(joke_lut, jokes, axis=0)          # [B, K]
    ub = jnp.take(user_bias, users, axis=0)[:, 0]             # [B]
    jb = jnp.take(joke_bias, jokes, axis=0)[:, 0]             # [B]
    # bmm(u.unsqueeze(1), j.unsqueeze(2)).squeeze() == per-row dot product
    dot = jnp.sum(user_vectors * joke_vectors, axis=-1)        # [B]
    return dot + ub + jb + global_bias[0]

if __name__ == "__main__":
    import jax
    _d = setup_inputs()
    print(jax.jit(kernel)(*tuple(_d.values())))

</pallas_src>

<mosaic_0001>
#map = affine_map<(d0, d1) -> (0)>
#map1 = affine_map<(d0, d1) -> (0, 0)>
module attributes {stable_mosaic.version = 14 : i64} {
  func.func @_sc_dot(%arg0: i32, %arg1: i32, %arg2: memref<16384xi32, #tpu.memory_space<hbm>>, %arg3: memref<16384xi32, #tpu.memory_space<hbm>>, %arg4: memref<63979x64xf32, #tpu.memory_space<hbm>>, %arg5: memref<151x64xf32, #tpu.memory_space<hbm>>, %arg6: memref<63979xf32, #tpu.memory_space<hbm>>, %arg7: memref<151x1xf32, #tpu.memory_space<hbm>>, %arg8: memref<1xf32, #tpu.memory_space<hbm>>, %arg9: memref<16384xf32, #tpu.memory_space<hbm>>, %arg10: memref<512xi32, #tpu.memory_space<vmem>>, %arg11: memref<512xi32, #tpu.memory_space<vmem>>, %arg12: memref<512x64xf32, #tpu.memory_space<vmem>>, %arg13: memref<512xf32, #tpu.memory_space<vmem>>, %arg14: memref<151x64xf32, #tpu.memory_space<vmem>>, %arg15: memref<160x1xf32, #tpu.memory_space<vmem>>, %arg16: memref<16xf32, #tpu.memory_space<vmem>>, %arg17: memref<512xf32, #tpu.memory_space<vmem>>, %arg18: memref<!tpu.dma_semaphore, #tpu.memory_space<semaphore_mem>>, %arg19: memref<!tpu.dma_semaphore, #tpu.memory_space<semaphore_mem>>, %arg20: memref<!tpu.dma_semaphore, #tpu.memory_space<semaphore_mem>>, %arg21: memref<!tpu.dma_semaphore, #tpu.memory_space<semaphore_mem>>, %arg22: memref<!tpu.dma_semaphore, #tpu.memory_space<semaphore_mem>>, %arg23: memref<!tpu.dma_semaphore, #tpu.memory_space<semaphore_mem>>, %arg24: memref<!tpu.dma_semaphore, #tpu.memory_space<semaphore_mem>>, %arg25: memref<!tpu.dma_semaphore, #tpu.memory_space<semaphore_mem>>) attributes {dimension_semantics = [#tpu.dimension_semantics<core_parallel>, #tpu.dimension_semantics<subcore_parallel>], iteration_bounds = array<i64: 2, 16>, scalar_prefetch = 0 : i64, scratch_operands = 16 : i64, tpu.core_type = #tpu.core_type<sc_vector_subcore>, window_params = [{transform_indices = #map}, {transform_indices = #map}, {transform_indices = #map1}, {transform_indices = #map1}, {transform_indices = #map}, {transform_indices = #map1}, {transform_indices = #map}, {transform_indices = #map}]} {
    %mul3A = arith.constant 2 : i32
    %mul3A_0 = arith.muli %arg1, %mul3A : i32
    %add3A = arith.addi %mul3A_0, %arg0 : i32
    %mul3A_1 = arith.constant 512 : i32
    %mul3A_2 = arith.muli %add3A, %mul3A_1 : i32
    "tpu.region"() ({
      %run_scoped3A = tpu.sem_alloc : memref<!tpu.dma_semaphore, #tpu.memory_space<semaphore_mem>>
      %dma_start3A_138 = tpu.memref_slice %arg2[%mul3A_2] : memref<16384xi32, #tpu.memory_space<hbm>> -> memref<512xi32, #tpu.memory_space<hbm>>
      %dma_start3A_139 = tpu.memref_slice %arg2[%mul3A_2] : memref<16384xi32, #tpu.memory_space<hbm>> -> memref<512xi32, #tpu.memory_space<hbm>>
      tpu.enqueue_dma source(%dma_start3A_139 : memref<512xi32, #tpu.memory_space<hbm>>) target(%arg10 : memref<512xi32, #tpu.memory_space<vmem>>) target_semaphore(%run_scoped3A : memref<!tpu.dma_semaphore, #tpu.memory_space<semaphore_mem>>)
      %dma_wait3A_140 = tpu.memref_slice %arg2[%mul3A_2] : memref<16384xi32, #tpu.memory_space<hbm>> -> memref<512xi32, #tpu.memory_space<hbm>>
      %dma_wait3A_141 = tpu.memref_slice %arg2[%mul3A_2] : memref<16384xi32, #tpu.memory_space<hbm>> -> memref<512xi32, #tpu.memory_space<hbm>>
      tpu.wait_dma2 semaphore(%run_scoped3A : memref<!tpu.dma_semaphore, #tpu.memory_space<semaphore_mem>>) src(%dma_wait3A_141 : memref<512xi32, #tpu.memory_space<hbm>>) dst(%arg10 : memref<512xi32, #tpu.memory_space<vmem>>)
      tpu.yield
    }) : () -> ()
    %dma_start3A = arith.constant 0 : i32
    %dma_start3A_3 = arith.constant 0 : i32
    %dma_start3A_4 = tpu.memref_slice %arg12[%dma_start3A, %dma_start3A_3] : memref<512x64xf32, #tpu.memory_space<vmem>> -> memref<128x64xf32, #tpu.memory_space<vmem>>
    %dma_start3A_5 = arith.constant 0 : i32
    %dma_start3A_6 = tpu.memref_slice %arg10[%dma_start3A_5] : memref<512xi32, #tpu.memory_space<vmem>> -> memref<128xi32, #tpu.memory_space<vmem>>
    %dma_start3A_7 = arith.constant 0 : i32
    %dma_start3A_8 = arith.constant 0 : i32
    %dma_start3A_9 = tpu.memref_slice %arg4[%dma_start3A_7, %dma_start3A_8] : memref<63979x64xf32, #tpu.memory_space<hbm>> -> memref<63979x64xf32, #tpu.memory_space<hbm>>
    tpu.enqueue_indirect_dma source(%dma_start3A_9 : memref<63979x64xf32, #tpu.memory_space<hbm>>) target(%dma_start3A_4 : memref<128x64xf32, #tpu.memory_space<vmem>>) offsets(%dma_start3A_6 : memref<128xi32, #tpu.memory_space<vmem>>) semaphore(%arg18 : memref<!tpu.dma_semaphore, #tpu.memory_space<semaphore_mem>>)
    %dma_start3A_10 = arith.constant 0 : i32
    %dma_start3A_11 = tpu.memref_slice %arg13[%dma_start3A_10] : memref<512xf32, #tpu.memory_space<vmem>> -> memref<128xf32, #tpu.memory_space<vmem>>
    %dma_start3A_12 = arith.constant 0 : i32
    %dma_start3A_13 = tpu.memref_slice %arg10[%dma_start3A_12] : memref<512xi32, #tpu.memory_space<vmem>> -> memref<128xi32, #tpu.memory_space<vmem>>
    %dma_start3A_14 = arith.constant 0 : i32
    %dma_start3A_15 = tpu.memref_slice %arg6[%dma_start3A_14] : memref<63979xf32, #tpu.memory_space<hbm>> -> memref<63979xf32, #tpu.memory_space<hbm>>
    tpu.enqueue_indirect_dma source(%dma_start3A_15 : memref<63979xf32, #tpu.memory_space<hbm>>) target(%dma_start3A_11 : memref<128xf32, #tpu.memory_space<vmem>>) offsets(%dma_start3A_13 : memref<128xi32, #tpu.memory_space<vmem>>) semaphore(%arg22 : memref<!tpu.dma_semaphore, #tpu.memory_space<semaphore_mem>>)
    %dma_start3A_16 = arith.constant 128 : i32
    %dma_start3A_17 = arith.constant 0 : i32
    %dma_start3A_18 = tpu.memref_slice %arg12[%dma_start3A_16, %dma_start3A_17] : memref<512x64xf32, #tpu.memory_space<vmem>> -> memref<128x64xf32, #tpu.memory_space<vmem>>
    %dma_start3A_19 = arith.constant 128 : i32
    %dma_start3A_20 = tpu.memref_slice %arg10[%dma_start3A_19] : memref<512xi32, #tpu.memory_space<vmem>> -> memref<128xi32, #tpu.memory_space<vmem>>
    %dma_start3A_21 = arith.constant 0 : i32
    %dma_start3A_22 = arith.constant 0 : i32
    %dma_start3A_23 = tpu.memref_slice %arg4[%dma_start3A_21, %dma_start3A_22] : memref<63979x64xf32, #tpu.memory_space<hbm>> -> memref<63979x64xf32, #tpu.memory_space<hbm>>
    tpu.enqueue_indirect_dma source(%dma_start3A_23 : memref<63979x64xf32, #tpu.memory_space<hbm>>) target(%dma_start3A_18 : memref<128x64xf32, #tpu.memory_space<vmem>>) offsets(%dma_start3A_20 : memref<128xi32, #tpu.memory_space<vmem>>) semaphore(%arg19 : memref<!tpu.dma_semaphore, #tpu.memory_space<semaphore_mem>>)
    %dma_start3A_24 = arith.constant 128 : i32
    %dma_start3A_25 = tpu.memref_slice %arg13[%dma_start3A_24] : memref<512xf32, #tpu.memory_space<vmem>> -> memref<128xf32, #tpu.memory_space<vmem>>
    %dma_start3A_26 = arith.constant 128 : i32
    %dma_start3A_27 = tpu.memref_slice %arg10[%dma_start3A_26] : memref<512xi32, #tpu.memory_space<vmem>> -> memref<128xi32, #tpu.memory_space<vmem>>
    %dma_start3A_28 = arith.constant 0 : i32
    %dma_start3A_29 = tpu.memref_slice %arg6[%dma_start3A_28] : memref<63979xf32, #tpu.memory_space<hbm>> -> memref<63979xf32, #tpu.memory_space<hbm>>
    tpu.enqueue_indirect_dma source(%dma_start3A_29 : memref<63979xf32, #tpu.memory_space<hbm>>) target(%dma_start3A_25 : memref<128xf32, #tpu.memory_space<vmem>>) offsets(%dma_start3A_27 : memref<128xi32, #tpu.memory_space<vmem>>) semaphore(%arg23 : memref<!tpu.dma_semaphore, #tpu.memory_space<semaphore_mem>>)
    %dma_start3A_30 = arith.constant 256 : i32
    %dma_start3A_31 = arith.constant 0 : i32
    %dma_start3A_32 = tpu.memref_slice %arg12[%dma_start3A_30, %dma_start3A_31] : memref<512x64xf32, #tpu.memory_space<vmem>> -> memref<128x64xf32, #tpu.memory_space<vmem>>
    %dma_start3A_33 = arith.constant 256 : i32
    %dma_start3A_34 = tpu.memref_slice %arg10[%dma_start3A_33] : memref<512xi32, #tpu.memory_space<vmem>> -> memref<128xi32, #tpu.memory_space<vmem>>
    %dma_start3A_35 = arith.constant 0 : i32
    %dma_start3A_36 = arith.constant 0 : i32
    %dma_start3A_37 = tpu.memref_slice %arg4[%dma_start3A_35, %dma_start3A_36] : memref<63979x64xf32, #tpu.memory_space<hbm>> -> memref<63979x64xf32, #tpu.memory_space<hbm>>
    tpu.enqueue_indirect_dma source(%dma_start3A_37 : memref<63979x64xf32, #tpu.memory_space<hbm>>) target(%dma_start3A_32 : memref<128x64xf32, #tpu.memory_space<vmem>>) offsets(%dma_start3A_34 : memref<128xi32, #tpu.memory_space<vmem>>) semaphore(%arg20 : memref<!tpu.dma_semaphore, #tpu.memory_space<semaphore_mem>>)
    %dma_start3A_38 = arith.constant 256 : i32
    %dma_start3A_39 = tpu.memref_slice %arg13[%dma_start3A_38] : memref<512xf32, #tpu.memory_space<vmem>> -> memref<128xf32, #tpu.memory_space<vmem>>
    %dma_start3A_40 = arith.constant 256 : i32
    %dma_start3A_41 = tpu.memref_slice %arg10[%dma_start3A_40] : memref<512xi32, #tpu.memory_space<vmem>> -> memref<128xi32, #tpu.memory_space<vmem>>
    %dma_start3A_42 = arith.constant 0 : i32
    %dma_start3A_43 = tpu.memref_slice %arg6[%dma_start3A_42] : memref<63979xf32, #tpu.memory_space<hbm>> -> memref<63979xf32, #tpu.memory_space<hbm>>
    tpu.enqueue_indirect_dma source(%dma_start3A_43 : memref<63979xf32, #tpu.memory_space<hbm>>) target(%dma_start3A_39 : memref<128xf32, #tpu.memory_space<vmem>>) offsets(%dma_start3A_41 : memref<128xi32, #tpu.memory_space<vmem>>) semaphore(%arg24 : memref<!tpu.dma_semaphore, #tpu.memory_space<semaphore_mem>>)
    %dma_start3A_44 = arith.constant 384 : i32
    %dma_start3A_45 = arith.constant 0 : i32
    %dma_start3A_46 = tpu.memref_slice %arg12[%dma_start3A_44, %dma_start3A_45] : memref<512x64xf32, #tpu.memory_space<vmem>> -> memref<128x64xf32, #tpu.memory_space<vmem>>
    %dma_start3A_47 = arith.constant 384 : i32
    %dma_start3A_48 = tpu.memref_slice %arg10[%dma_start3A_47] : memref<512xi32, #tpu.memory_space<vmem>> -> memref<128xi32, #tpu.memory_space<vmem>>
    %dma_start3A_49 = arith.constant 0 : i32
    %dma_start3A_50 = arith.constant 0 : i32
    %dma_start3A_51 = tpu.memref_slice %arg4[%dma_start3A_49, %dma_start3A_50] : memref<63979x64xf32, #tpu.memory_space<hbm>> -> memref<63979x64xf32, #tpu.memory_space<hbm>>
    tpu.enqueue_indirect_dma source(%dma_start3A_51 : memref<63979x64xf32, #tpu.memory_space<hbm>>) target(%dma_start3A_46 : memref<128x64xf32, #tpu.memory_space<vmem>>) offsets(%dma_start3A_48 : memref<128xi32, #tpu.memory_space<vmem>>) semaphore(%arg21 : memref<!tpu.dma_semaphore, #tpu.memory_space<semaphore_mem>>)
    %dma_start3A_52 = arith.constant 384 : i32
    %dma_start3A_53 = tpu.memref_slice %arg13[%dma_start3A_52] : memref<512xf32, #tpu.memory_space<vmem>> -> memref<128xf32, #tpu.memory_space<vmem>>
    %dma_start3A_54 = arith.constant 384 : i32
    %dma_start3A_55 = tpu.memref_slice %arg10[%dma_start3A_54] : memref<512xi32, #tpu.memory_space<vmem>> -> memref<128xi32, #tpu.memory_space<vmem>>
    %dma_start3A_56 = arith.constant 0 : i32
    %dma_start3A_57 = tpu.memref_slice %arg6[%dma_start3A_56] : memref<63979xf32, #tpu.memory_space<hbm>> -> memref<63979xf32, #tpu.memory_space<hbm>>
    tpu.enqueue_indirect_dma source(%dma_start3A_57 : memref<63979xf32, #tpu.memory_space<hbm>>) target(%dma_start3A_53 : memref<128xf32, #tpu.memory_space<vmem>>) offsets(%dma_start3A_55 : memref<128xi32, #tpu.memory_space<vmem>>) semaphore(%arg25 : memref<!tpu.dma_semaphore, #tpu.memory_space<semaphore_mem>>)
    "tpu.region"() ({
      %run_scoped3A = tpu.sem_alloc : memref<!tpu.dma_semaphore, #tpu.memory_space<semaphore_mem>>
      %dma_start3A_138 = tpu.memref_slice %arg3[%mul3A_2] : memref<16384xi32, #tpu.memory_space<hbm>> -> memref<512xi32, #tpu.memory_space<hbm>>
      %dma_start3A_139 = tpu.memref_slice %arg3[%mul3A_2] : memref<16384xi32, #tpu.memory_space<hbm>> -> memref<512xi32, #tpu.memory_space<hbm>>
      tpu.enqueue_dma source(%dma_start3A_139 : memref<512xi32, #tpu.memory_space<hbm>>) target(%arg11 : memref<512xi32, #tpu.memory_space<vmem>>) target_semaphore(%run_scoped3A : memref<!tpu.dma_semaphore, #tpu.memory_space<semaphore_mem>>)
      %dma_wait3A_140 = tpu.memref_slice %arg3[%mul3A_2] : memref<16384xi32, #tpu.memory_space<hbm>> -> memref<512xi32, #tpu.memory_space<hbm>>
      %dma_wait3A_141 = tpu.memref_slice %arg3[%mul3A_2] : memref<16384xi32, #tpu.memory_space<hbm>> -> memref<512xi32, #tpu.memory_space<hbm>>
      tpu.wait_dma2 semaphore(%run_scoped3A : memref<!tpu.dma_semaphore, #tpu.memory_space<semaphore_mem>>) src(%dma_wait3A_141 : memref<512xi32, #tpu.memory_space<hbm>>) dst(%arg11 : memref<512xi32, #tpu.memory_space<vmem>>)
      tpu.yield
    }) : () -> ()
    "tpu.region"() ({
      %run_scoped3A = tpu.sem_alloc : memref<!tpu.dma_semaphore, #tpu.memory_space<semaphore_mem>>
      tpu.enqueue_dma source(%arg5 : memref<151x64xf32, #tpu.memory_space<hbm>>) target(%arg14 : memref<151x64xf32, #tpu.memory_space<vmem>>) target_semaphore(%run_scoped3A : memref<!tpu.dma_semaphore, #tpu.memory_space<semaphore_mem>>)
      tpu.wait_dma2 semaphore(%run_scoped3A : memref<!tpu.dma_semaphore, #tpu.memory_space<semaphore_mem>>) src(%arg5 : memref<151x64xf32, #tpu.memory_space<hbm>>) dst(%arg14 : memref<151x64xf32, #tpu.memory_space<vmem>>)
      tpu.yield
    }) : () -> ()
    "tpu.region"() ({
      %run_scoped3A = tpu.sem_alloc : memref<!tpu.dma_semaphore, #tpu.memory_space<semaphore_mem>>
      %dma_start3A_138 = arith.constant 0 : i32
      %dma_start3A_139 = arith.constant 0 : i32
      %dma_start3A_140 = tpu.memref_slice %arg15[%dma_start3A_138, %dma_start3A_139] : memref<160x1xf32, #tpu.memory_space<vmem>> -> memref<151x1xf32, #tpu.memory_space<vmem>>
      %dma_start3A_141 = arith.constant 0 : i32
      %dma_start3A_142 = arith.constant 0 : i32
      %dma_start3A_143 = tpu.memref_slice %arg15[%dma_start3A_141, %dma_start3A_142] : memref<160x1xf32, #tpu.memory_space<vmem>> -> memref<151x1xf32, #tpu.memory_space<vmem>>
      tpu.enqueue_dma source(%arg7 : memref<151x1xf32, #tpu.memory_space<hbm>>) target(%dma_start3A_143 : memref<151x1xf32, #tpu.memory_space<vmem>>) target_semaphore(%run_scoped3A : memref<!tpu.dma_semaphore, #tpu.memory_space<semaphore_mem>>)
      %dma_wait3A_144 = arith.constant 0 : i32
      %dma_wait3A_145 = arith.constant 0 : i32
      %dma_wait3A_146 = tpu.memref_slice %arg15[%dma_wait3A_144, %dma_wait3A_145] : memref<160x1xf32, #tpu.memory_space<vmem>> -> memref<151x1xf32, #tpu.memory_space<vmem>>
      %dma_wait3A_147 = arith.constant 0 : i32
      %dma_wait3A_148 = arith.constant 0 : i32
      %dma_wait3A_149 = tpu.memref_slice %arg15[%dma_wait3A_147, %dma_wait3A_148] : memref<160x1xf32, #tpu.memory_space<vmem>> -> memref<151x1xf32, #tpu.memory_space<vmem>>
      tpu.wait_dma2 semaphore(%run_scoped3A : memref<!tpu.dma_semaphore, #tpu.memory_space<semaphore_mem>>) src(%arg7 : memref<151x1xf32, #tpu.memory_space<hbm>>) dst(%dma_wait3A_149 : memref<151x1xf32, #tpu.memory_space<vmem>>)
      tpu.yield
    }) : () -> ()
    "tpu.region"() ({
      %run_scoped3A = tpu.sem_alloc : memref<!tpu.dma_semaphore, #tpu.memory_space<semaphore_mem>>
      %dma_start3A_138 = arith.constant 0 : i32
      %dma_start3A_139 = tpu.memref_slice %arg16[%dma_start3A_138] : memref<16xf32, #tpu.memory_space<vmem>> -> memref<1xf32, #tpu.memory_space<vmem>>
      %dma_start3A_140 = arith.constant 0 : i32
      %dma_start3A_141 = tpu.memref_slice %arg16[%dma_start3A_140] : memref<16xf32, #tpu.memory_space<vmem>> -> memref<1xf32, #tpu.memory_space<vmem>>
      tpu.enqueue_dma source(%arg8 : memref<1xf32, #tpu.memory_space<hbm>>) target(%dma_start3A_141 : memref<1xf32, #tpu.memory_space<vmem>>) target_semaphore(%run_scoped3A : memref<!tpu.dma_semaphore, #tpu.memory_space<semaphore_mem>>)
      %dma_wait3A_142 = arith.constant 0 : i32
      %dma_wait3A_143 = tpu.memref_slice %arg16[%dma_wait3A_142] : memref<16xf32, #tpu.memory_space<vmem>> -> memref<1xf32, #tpu.memory_space<vmem>>
      %dma_wait3A_144 = arith.constant 0 : i32
      %dma_wait3A_145 = tpu.memref_slice %arg16[%dma_wait3A_144] : memref<16xf32, #tpu.memory_space<vmem>> -> memref<1xf32, #tpu.memory_space<vmem>>
      tpu.wait_dma2 semaphore(%run_scoped3A : memref<!tpu.dma_semaphore, #tpu.memory_space<semaphore_mem>>) src(%arg8 : memref<1xf32, #tpu.memory_space<hbm>>) dst(%dma_wait3A_145 : memref<1xf32, #tpu.memory_space<vmem>>)
      tpu.yield
    }) : () -> ()
    %iota3A = tpu.iota {dimensions = array<i32: 0>} : vector<16xi32>
    %broadcast_in_dim3A = arith.constant 0 : i32
    %broadcast_in_dim3A_58 = vector.broadcast %broadcast_in_dim3A : i32 to vector<16xi32>
    %get3A = arith.constant 0 : index
    %get3A_59 = tpu.vector_load %arg16[%get3A] {strides = array<i32>} : memref<16xf32, #tpu.memory_space<vmem>>, vector<16xf32>,
    %slice3A = vector.extract_strided_slice %get3A_59 {offsets = [0], sizes = [1], strides = [1]} : vector<16xf32> to vector<1xf32>
    %squeeze3A = vector.extract %slice3A[0] : f32 from vector<1xf32>
    %dma_wait3A = arith.constant 0 : i32
    %dma_wait3A_60 = arith.constant 0 : i32
    %dma_wait3A_61 = tpu.memref_slice %arg12[%dma_wait3A, %dma_wait3A_60] : memref<512x64xf32, #tpu.memory_space<vmem>> -> memref<128x64xf32, #tpu.memory_space<vmem>>
    %dma_wait3A_62 = arith.constant 0 : i32
    %dma_wait3A_63 = tpu.memref_slice %arg10[%dma_wait3A_62] : memref<512xi32, #tpu.memory_space<vmem>> -> memref<128xi32, #tpu.memory_space<vmem>>
    %dma_wait3A_64 = arith.constant 0 : i32
    %dma_wait3A_65 = arith.constant 0 : i32
    %dma_wait3A_66 = tpu.memref_slice %arg4[%dma_wait3A_64, %dma_wait3A_65] : memref<63979x64xf32, #tpu.memory_space<hbm>> -> memref<63979x64xf32, #tpu.memory_space<hbm>>
    tpu.wait_indirect_dma semaphore(%arg18 : memref<!tpu.dma_semaphore, #tpu.memory_space<semaphore_mem>>) src(%dma_wait3A_66 : memref<63979x64xf32, #tpu.memory_space<hbm>>) dst(%dma_wait3A_61 : memref<128x64xf32, #tpu.memory_space<vmem>>)
    %dma_wait3A_67 = arith.constant 0 : i32
    %dma_wait3A_68 = tpu.memref_slice %arg13[%dma_wait3A_67] : memref<512xf32, #tpu.memory_space<vmem>> -> memref<128xf32, #tpu.memory_space<vmem>>
    %dma_wait3A_69 = arith.constant 0 : i32
    %dma_wait3A_70 = tpu.memref_slice %arg10[%dma_wait3A_69] : memref<512xi32, #tpu.memory_space<vmem>> -> memref<128xi32, #tpu.memory_space<vmem>>
    %dma_wait3A_71 = arith.constant 0 : i32
    %dma_wait3A_72 = tpu.memref_slice %arg6[%dma_wait3A_71] : memref<63979xf32, #tpu.memory_space<hbm>> -> memref<63979xf32, #tpu.memory_space<hbm>>
    tpu.wait_indirect_dma semaphore(%arg22 : memref<!tpu.dma_semaphore, #tpu.memory_space<semaphore_mem>>) src(%dma_wait3A_72 : memref<63979xf32, #tpu.memory_space<hbm>>) dst(%dma_wait3A_68 : memref<128xf32, #tpu.memory_space<vmem>>)
    %scan3A = arith.constant 0 : i32
    %scan3A_73 = arith.constant 0 : i32
    %scan3A_74 = arith.constant 8 : i32
    %scan3A_75 = arith.addi %scan3A_73, %scan3A_74 : i32
    %scan3A_76 = arith.constant 1 : i32
    scf.for %scan3A_138 = %scan3A_73 to %scan3A_75 step %scan3A_76  : i32 {
      %mul3A_139 = arith.constant 16 : i32
      %mul3A_140 = arith.muli %scan3A_138, %mul3A_139 : i32
      %multiple_of3A = tpu.assume_multiple %mul3A_140, 16 : i32
      %get3A_141 = arith.index_cast %multiple_of3A : i32 to index
      %get3A_142 = tpu.vector_load %arg11[%get3A_141] {strides = array<i32>} : memref<512xi32, #tpu.memory_space<vmem>>, vector<16xi32>,
      %broadcast_in_dim3A_143 = arith.constant 0.000000e+00 : f32
      %broadcast_in_dim3A_144 = vector.broadcast %broadcast_in_dim3A_143 : f32 to vector<16xf32>
      %add3A_145 = arith.constant 0 : i32
      %add3A_146 = arith.addi %multiple_of3A, %add3A_145 : i32
      %slice3A_147 = vector.extract_strided_slice %get3A_142 {offsets = [0], sizes = [1], strides = [1]} : vector<16xi32> to vector<1xi32>
      %squeeze3A_148 = vector.extract %slice3A_147[0] : i32 from vector<1xi32>
      %get3A_149 = arith.index_cast %add3A_146 : i32 to index
      %get3A_150 = arith.constant 0 : index
      %get3A_151 = tpu.vector_load %arg12[%get3A_149, %get3A_150] {strides = array<i32>} : memref<512x64xf32, #tpu.memory_space<vmem>>, vector<16xf32>,
      %get3A_152 = arith.index_cast %squeeze3A_148 : i32 to index
      %get3A_153 = arith.constant 0 : index
      %get3A_154 = tpu.vector_load %arg14[%get3A_152, %get3A_153] {strides = array<i32>} : memref<151x64xf32, #tpu.memory_space<vmem>>, vector<16xf32>,
      %mul3A_155 = arith.mulf %get3A_151, %get3A_154 : vector<16xf32>
      %get3A_156 = arith.index_cast %add3A_146 : i32 to index
      %get3A_157 = arith.constant 16 : index
      %get3A_158 = tpu.vector_load %arg12[%get3A_156, %get3A_157] {strides = array<i32>} : memref<512x64xf32, #tpu.memory_space<vmem>>, vector<16xf32>,
      %get3A_159 = arith.index_cast %squeeze3A_148 : i32 to index
      %get3A_160 = arith.constant 16 : index
      %get3A_161 = tpu.vector_load %arg14[%get3A_159, %get3A_160] {strides = array<i32>} : memref<151x64xf32, #tpu.memory_space<vmem>>, vector<16xf32>,
      %mul3A_162 = arith.mulf %get3A_158, %get3A_161 : vector<16xf32>
      %add3A_163 = arith.addf %mul3A_162, %mul3A_155 : vector<16xf32>
      %get3A_164 = arith.index_cast %add3A_146 : i32 to index
      %get3A_165 = arith.constant 32 : index
      %get3A_166 = tpu.vector_load %arg12[%get3A_164, %get3A_165] {strides = array<i32>} : memref<512x64xf32, #tpu.memory_space<vmem>>, vector<16xf32>,
      %get3A_167 = arith.index_cast %squeeze3A_148 : i32 to index
      %get3A_168 = arith.constant 32 : index
      %get3A_169 = tpu.vector_load %arg14[%get3A_167, %get3A_168] {strides = array<i32>} : memref<151x64xf32, #tpu.memory_space<vmem>>, vector<16xf32>,
      %mul3A_170 = arith.mulf %get3A_166, %get3A_169 : vector<16xf32>
      %add3A_171 = arith.addf %mul3A_170, %add3A_163 : vector<16xf32>
      %get3A_172 = arith.index_cast %add3A_146 : i32 to index
      %get3A_173 = arith.constant 48 : index
      %get3A_174 = tpu.vector_load %arg12[%get3A_172, %get3A_173] {strides = array<i32>} : memref<512x64xf32, #tpu.memory_space<vmem>>, vector<16xf32>,
      %get3A_175 = arith.index_cast %squeeze3A_148 : i32 to index
      %get3A_176 = arith.constant 48 : index
      %get3A_177 = tpu.vector_load %arg14[%get3A_175, %get3A_176] {strides = array<i32>} : memref<151x64xf32, #tpu.memory_space<vmem>>, vector<16xf32>,
      %mul3A_178 = arith.mulf %get3A_174, %get3A_177 : vector<16xf32>
      %add3A_179 = arith.addf %mul3A_178, %add3A_171 : vector<16xf32>
      %reduce_sum3A = arith.constant true
      %reduce_sum3A_180 = vector.broadcast %reduce_sum3A : i1 to vector<16xi1>
      %reduce_sum3A_181 = tpu.scan <sum>, %add3A_179 masked %reduce_sum3A_180 : vector<16xf32>, vector<16xi1> -> vector<16xf32>
      %reduce_sum3A_182 = vector.extract %reduce_sum3A_181[15] : f32 from vector<16xf32>
      %eq3A = arith.constant 0 : i32
      %eq3A_183 = vector.broadcast %eq3A : i32 to vector<16xi32>
      %eq3A_184 = arith.cmpi eq, %iota3A, %eq3A_183 : vector<16xi32>
      %broadcast_in_dim3A_185 = vector.broadcast %reduce_sum3A_182 : f32 to vector<16xf32>
      %select_n3A = arith.select %eq3A_184, %broadcast_in_dim3A_185, %broadcast_in_dim3A_144 : vector<16xi1>, vector<16xf32>
      %add3A_186 = arith.constant 1 : i32
      %add3A_187 = arith.addi %multiple_of3A, %add3A_186 : i32
      %slice3A_188 = vector.extract_strided_slice %get3A_142 {offsets = [1], sizes = [1], strides = [1]} : vector<16xi32> to vector<1xi32>
      %squeeze3A_189 = vector.extract %slice3A_188[0] : i32 from vector<1xi32>
      %get3A_190 = arith.index_cast %add3A_187 : i32 to index
      %get3A_191 = arith.constant 0 : index
      %get3A_192 = tpu.vector_load %arg12[%get3A_190, %get3A_191] {strides = array<i32>} : memref<512x64xf32, #tpu.memory_space<vmem>>, vector<16xf32>,
      %get3A_193 = arith.index_cast %squeeze3A_189 : i32 to index
      %get3A_194 = arith.constant 0 : index
      %get3A_195 = tpu.vector_load %arg14[%get3A_193, %get3A_194] {strides = array<i32>} : memref<151x64xf32, #tpu.memory_space<vmem>>, vector<16xf32>,
      %mul3A_196 = arith.mulf %get3A_192, %get3A_195 : vector<16xf32>
      %get3A_197 = arith.index_cast %add3A_187 : i32 to index
      %get3A_198 = arith.constant 16 : index
      %get3A_199 = tpu.vector_load %arg12[%get3A_197, %get3A_198] {strides = array<i32>} : memref<512x64xf32, #tpu.memory_space<vmem>>, vector<16xf32>,
      %get3A_200 = arith.index_cast %squeeze3A_189 : i32 to index
      %get3A_201 = arith.constant 16 : index
      %get3A_202 = tpu.vector_load %arg14[%get3A_200, %get3A_201] {strides = array<i32>} : memref<151x64xf32, #tpu.memory_space<vmem>>, vector<16xf32>,
      %mul3A_203 = arith.mulf %get3A_199, %get3A_202 : vector<16xf32>
      %add3A_204 = arith.addf %mul3A_203, %mul3A_196 : vector<16xf32>
      %get3A_205 = arith.index_cast %add3A_187 : i32 to index
      %get3A_206 = arith.constant 32 : index
      %get3A_207 = tpu.vector_load %arg12[%get3A_205, %get3A_206] {strides = array<i32>} : memref<512x64xf32, #tpu.memory_space<vmem>>, vector<16xf32>,
      %get3A_208 = arith.index_cast %squeeze3A_189 : i32 to index
      %get3A_209 = arith.constant 32 : index
      %get3A_210 = tpu.vector_load %arg14[%get3A_208, %get3A_209] {strides = array<i32>} : memref<151x64xf32, #tpu.memory_space<vmem>>, vector<16xf32>,
      %mul3A_211 = arith.mulf %get3A_207, %get3A_210 : vector<16xf32>
      %add3A_212 = arith.addf %mul3A_211, %add3A_204 : vector<16xf32>
      %get3A_213 = arith.index_cast %add3A_187 : i32 to index
      %get3A_214 = arith.constant 48 : index
      %get3A_215 = tpu.vector_load %arg12[%get3A_213, %get3A_214] {strides = array<i32>} : memref<512x64xf32, #tpu.memory_space<vmem>>, vector<16xf32>,
      %get3A_216 = arith.index_cast %squeeze3A_189 : i32 to index
      %get3A_217 = arith.constant 48 : index
      %get3A_218 = tpu.vector_load %arg14[%get3A_216, %get3A_217] {strides = array<i32>} : memref<151x64xf32, #tpu.memory_space<vmem>>, vector<16xf32>,
      %mul3A_219 = arith.mulf %get3A_215, %get3A_218 : vector<16xf32>
      %add3A_220 = arith.addf %mul3A_219, %add3A_212 : vector<16xf32>
      %reduce_sum3A_221 = arith.constant true
      %reduce_sum3A_222 = vector.broadcast %reduce_sum3A_221 : i1 to vector<16xi1>
      %reduce_sum3A_223 = tpu.scan <sum>, %add3A_220 masked %reduce_sum3A_222 : vector<16xf32>, vector<16xi1> -> vector<16xf32>
      %reduce_sum3A_224 = vector.extract %reduce_sum3A_223[15] : f32 from vector<16xf32>
      %eq3A_225 = arith.constant 1 : i32
      %eq3A_226 = vector.broadcast %eq3A_225 : i32 to vector<16xi32>
      %eq3A_227 = arith.cmpi eq, %iota3A, %eq3A_226 : vector<16xi32>
      %broadcast_in_dim3A_228 = vector.broadcast %reduce_sum3A_224 : f32 to vector<16xf32>
      %select_n3A_229 = arith.select %eq3A_227, %broadcast_in_dim3A_228, %select_n3A : vector<16xi1>, vector<16xf32>
      %add3A_230 = arith.constant 2 : i32
      %add3A_231 = arith.addi %multiple_of3A, %add3A_230 : i32
      %slice3A_232 = vector.extract_strided_slice %get3A_142 {offsets = [2], sizes = [1], strides = [1]} : vector<16xi32> to vector<1xi32>
      %squeeze3A_233 = vector.extract %slice3A_232[0] : i32 from vector<1xi32>
      %get3A_234 = arith.index_cast %add3A_231 : i32 to index
      %get3A_235 = arith.constant 0 : index
      %get3A_236 = tpu.vector_load %arg12[%get3A_234, %get3A_235] {strides = array<i32>} : memref<512x64xf32, #tpu.memory_space<vmem>>, vector<16xf32>,
      %get3A_237 = arith.index_cast %squeeze3A_233 : i32 to index
      %get3A_238 = arith.constant 0 : index
      %get3A_239 = tpu.vector_load %arg14[%get3A_237, %get3A_238] {strides = array<i32>} : memref<151x64xf32, #tpu.memory_space<vmem>>, vector<16xf32>,
      %mul3A_240 = arith.mulf %get3A_236, %get3A_239 : vector<16xf32>
      %get3A_241 = arith.index_cast %add3A_231 : i32 to index
      %get3A_242 = arith.constant 16 : index
      %get3A_243 = tpu.vector_load %arg12[%get3A_241, %get3A_242] {strides = array<i32>} : memref<512x64xf32, #tpu.memory_space<vmem>>, vector<16xf32>,
      %get3A_244 = arith.index_cast %squeeze3A_233 : i32 to index
      %get3A_245 = arith.constant 16 : index
      %get3A_246 = tpu.vector_load %arg14[%get3A_244, %get3A_245] {strides = array<i32>} : memref<151x64xf32, #tpu.memory_space<vmem>>, vector<16xf32>,
      %mul3A_247 = arith.mulf %get3A_243, %get3A_246 : vector<16xf32>
      %add3A_248 = arith.addf %mul3A_247, %mul3A_240 : vector<16xf32>
      %get3A_249 = arith.index_cast %add3A_231 : i32 to index
      %get3A_250 = arith.constant 32 : index
      %get3A_251 = tpu.vector_load %arg12[%get3A_249, %get3A_250] {strides = array<i32>} : memref<512x64xf32, #tpu.memory_space<vmem>>, vector<16xf32>,
      %get3A_252 = arith.index_cast %squeeze3A_233 : i32 to index
      %get3A_253 = arith.constant 32 : index
      %get3A_254 = tpu.vector_load %arg14[%get3A_252, %get3A_253] {strides = array<i32>} : memref<151x64xf32, #tpu.memory_space<vmem>>, vector<16xf32>,
      %mul3A_255 = arith.mulf %get3A_251, %get3A_254 : vector<16xf32>
      %add3A_256 = arith.addf %mul3A_255, %add3A_248 : vector<16xf32>
      %get3A_257 = arith.index_cast %add3A_231 : i32 to index
      %get3A_258 = arith.constant 48 : index
      %get3A_259 = tpu.vector_load %arg12[%get3A_257, %get3A_258] {strides = array<i32>} : memref<512x64xf32, #tpu.memory_space<vmem>>, vector<16xf32>,
      %get3A_260 = arith.index_cast %squeeze3A_233 : i32 to index
      %get3A_261 = arith.constant 48 : index
      %get3A_262 = tpu.vector_load %arg14[%get3A_260, %get3A_261] {strides = array<i32>} : memref<151x64xf32, #tpu.memory_space<vmem>>, vector<16xf32>,
      %mul3A_263 = arith.mulf %get3A_259, %get3A_262 : vector<16xf32>
      %add3A_264 = arith.addf %mul3A_263, %add3A_256 : vector<16xf32>
      %reduce_sum3A_265 = arith.constant true
      %reduce_sum3A_266 = vector.broadcast %reduce_sum3A_265 : i1 to vector<16xi1>
      %reduce_sum3A_267 = tpu.scan <sum>, %add3A_264 masked %reduce_sum3A_266 : vector<16xf32>, vector<16xi1> -> vector<16xf32>
      %reduce_sum3A_268 = vector.extract %reduce_sum3A_267[15] : f32 from vector<16xf32>
      %eq3A_269 = arith.constant 2 : i32
      %eq3A_270 = vector.broadcast %eq3A_269 : i32 to vector<16xi32>
      %eq3A_271 = arith.cmpi eq, %iota3A, %eq3A_270 : vector<16xi32>
      %broadcast_in_dim3A_272 = vector.broadcast %reduce_sum3A_268 : f32 to vector<16xf32>
      %select_n3A_273 = arith.select %eq3A_271, %broadcast_in_dim3A_272, %select_n3A_229 : vector<16xi1>, vector<16xf32>
      %add3A_274 = arith.constant 3 : i32
      %add3A_275 = arith.addi %multiple_of3A, %add3A_274 : i32
      %slice3A_276 = vector.extract_strided_slice %get3A_142 {offsets = [3], sizes = [1], strides = [1]} : vector<16xi32> to vector<1xi32>
      %squeeze3A_277 = vector.extract %slice3A_276[0] : i32 from vector<1xi32>
      %get3A_278 = arith.index_cast %add3A_275 : i32 to index
      %get3A_279 = arith.constant 0 : index
      %get3A_280 = tpu.vector_load %arg12[%get3A_278, %get3A_279] {strides = array<i32>} : memref<512x64xf32, #tpu.memory_space<vmem>>, vector<16xf32>,
      %get3A_281 = arith.index_cast %squeeze3A_277 : i32 to index
      %get3A_282 = arith.constant 0 : index
      %get3A_283 = tpu.vector_load %arg14[%get3A_281, %get3A_282] {strides = array<i32>} : memref<151x64xf32, #tpu.memory_space<vmem>>, vector<16xf32>,
      %mul3A_284 = arith.mulf %get3A_280, %get3A_283 : vector<16xf32>
      %get3A_285 = arith.index_cast %add3A_275 : i32 to index
      %get3A_286 = arith.constant 16 : index
      %get3A_287 = tpu.vector_load %arg12[%get3A_285, %get3A_286] {strides = array<i32>} : memref<512x64xf32, #tpu.memory_space<vmem>>, vector<16xf32>,
      %get3A_288 = arith.index_cast %squeeze3A_277 : i32 to index
      %get3A_289 = arith.constant 16 : index
      %get3A_290 = tpu.vector_load %arg14[%get3A_288, %get3A_289] {strides = array<i32>} : memref<151x64xf32, #tpu.memory_space<vmem>>, vector<16xf32>,
      %mul3A_291 = arith.mulf %get3A_287, %get3A_290 : vector<16xf32>
      %add3A_292 = arith.addf %mul3A_291, %mul3A_284 : vector<16xf32>
      %get3A_293 = arith.index_cast %add3A_275 : i32 to index
      %get3A_294 = arith.constant 32 : index
      %get3A_295 = tpu.vector_load %arg12[%get3A_293, %get3A_294] {strides = array<i32>} : memref<512x64xf32, #tpu.memory_space<vmem>>, vector<16xf32>,
      %get3A_296 = arith.index_cast %squeeze3A_277 : i32 to index
      %get3A_297 = arith.constant 32 : index
      %get3A_298 = tpu.vector_load %arg14[%get3A_296, %get3A_297] {strides = array<i32>} : memref<151x64xf32, #tpu.memory_space<vmem>>, vector<16xf32>,
      %mul3A_299 = arith.mulf %get3A_295, %get3A_298 : vector<16xf32>
      %add3A_300 = arith.addf %mul3A_299, %add3A_292 : vector<16xf32>
      %get3A_301 = arith.index_cast %add3A_275 : i32 to index
      %get3A_302 = arith.constant 48 : index
      %get3A_303 = tpu.vector_load %arg12[%get3A_301, %get3A_302] {strides = array<i32>} : memref<512x64xf32, #tpu.memory_space<vmem>>, vector<16xf32>,
      %get3A_304 = arith.index_cast %squeeze3A_277 : i32 to index
      %get3A_305 = arith.constant 48 : index
      %get3A_306 = tpu.vector_load %arg14[%get3A_304, %get3A_305] {strides = array<i32>} : memref<151x64xf32, #tpu.memory_space<vmem>>, vector<16xf32>,
      %mul3A_307 = arith.mulf %get3A_303, %get3A_306 : vector<16xf32>
      %add3A_308 = arith.addf %mul3A_307, %add3A_300 : vector<16xf32>
      %reduce_sum3A_309 = arith.constant true
      %reduce_sum3A_310 = vector.broadcast %reduce_sum3A_309 : i1 to vector<16xi1>
      %reduce_sum3A_311 = tpu.scan <sum>, %add3A_308 masked %reduce_sum3A_310 : vector<16xf32>, vector<16xi1> -> vector<16xf32>
      %reduce_sum3A_312 = vector.extract %reduce_sum3A_311[15] : f32 from vector<16xf32>
      %eq3A_313 = arith.constant 3 : i32
      %eq3A_314 = vector.broadcast %eq3A_313 : i32 to vector<16xi32>
      %eq3A_315 = arith.cmpi eq, %iota3A, %eq3A_314 : vector<16xi32>
      %broadcast_in_dim3A_316 = vector.broadcast %reduce_sum3A_312 : f32 to vector<16xf32>
      %select_n3A_317 = arith.select %eq3A_315, %broadcast_in_dim3A_316, %select_n3A_273 : vector<16xi1>, vector<16xf32>
      %add3A_318 = arith.constant 4 : i32
      %add3A_319 = arith.addi %multiple_of3A, %add3A_318 : i32
      %slice3A_320 = vector.extract_strided_slice %get3A_142 {offsets = [4], sizes = [1], strides = [1]} : vector<16xi32> to vector<1xi32>
      %squeeze3A_321 = vector.extract %slice3A_320[0] : i32 from vector<1xi32>
      %get3A_322 = arith.index_cast %add3A_319 : i32 to index
      %get3A_323 = arith.constant 0 : index
      %get3A_324 = tpu.vector_load %arg12[%get3A_322, %get3A_323] {strides = array<i32>} : memref<512x64xf32, #tpu.memory_space<vmem>>, vector<16xf32>,
      %get3A_325 = arith.index_cast %squeeze3A_321 : i32 to index
      %get3A_326 = arith.constant 0 : index
      %get3A_327 = tpu.vector_load %arg14[%get3A_325, %get3A_326] {strides = array<i32>} : memref<151x64xf32, #tpu.memory_space<vmem>>, vector<16xf32>,
      %mul3A_328 = arith.mulf %get3A_324, %get3A_327 : vector<16xf32>
      %get3A_329 = arith.index_cast %add3A_319 : i32 to index
      %get3A_330 = arith.constant 16 : index
      %get3A_331 = tpu.vector_load %arg12[%get3A_329, %get3A_330] {strides = array<i32>} : memref<512x64xf32, #tpu.memory_space<vmem>>, vector<16xf32>,
      %get3A_332 = arith.index_cast %squeeze3A_321 : i32 to index
      %get3A_333 = arith.constant 16 : index
      %get3A_334 = tpu.vector_load %arg14[%get3A_332, %get3A_333] {strides = array<i32>} : memref<151x64xf32, #tpu.memory_space<vmem>>, vector<16xf32>,
      %mul3A_335 = arith.mulf %get3A_331, %get3A_334 : vector<16xf32>
      %add3A_336 = arith.addf %mul3A_335, %mul3A_328 : vector<16xf32>
      %get3A_337 = arith.index_cast %add3A_319 : i32 to index
      %get3A_338 = arith.constant 32 : index
      %get3A_339 = tpu.vector_load %arg12[%get3A_337, %get3A_338] {strides = array<i32>} : memref<512x64xf32, #tpu.memory_space<vmem>>, vector<16xf32>,
      %get3A_340 = arith.index_cast %squeeze3A_321 : i32 to index
      %get3A_341 = arith.constant 32 : index
      %get3A_342 = tpu.vector_load %arg14[%get3A_340, %get3A_341] {strides = array<i32>} : memref<151x64xf32, #tpu.memory_space<vmem>>, vector<16xf32>,
      %mul3A_343 = arith.mulf %get3A_339, %get3A_342 : vector<16xf32>
      %add3A_344 = arith.addf %mul3A_343, %add3A_336 : vector<16xf32>
      %get3A_345 = arith.index_cast %add3A_319 : i32 to index
      %get3A_346 = arith.constant 48 : index
      %get3A_347 = tpu.vector_load %arg12[%get3A_345, %get3A_346] {strides = array<i32>} : memref<512x64xf32, #tpu.memory_space<vmem>>, vector<16xf32>,
      %get3A_348 = arith.index_cast %squeeze3A_321 : i32 to index
      %get3A_349 = arith.constant 48 : index
      %get3A_350 = tpu.vector_load %arg14[%get3A_348, %get3A_349] {strides = array<i32>} : memref<151x64xf32, #tpu.memory_space<vmem>>, vector<16xf32>,
      %mul3A_351 = arith.mulf %get3A_347, %get3A_350 : vector<16xf32>
      %add3A_352 = arith.addf %mul3A_351, %add3A_344 : vector<16xf32>
      %reduce_sum3A_353 = arith.constant true
      %reduce_sum3A_354 = vector.broadcast %reduce_sum3A_353 : i1 to vector<16xi1>
      %reduce_sum3A_355 = tpu.scan <sum>, %add3A_352 masked %reduce_sum3A_354 : vector<16xf32>, vector<16xi1> -> vector<16xf32>
      %reduce_sum3A_356 = vector.extract %reduce_sum3A_355[15] : f32 from vector<16xf32>
      %eq3A_357 = arith.constant 4 : i32
      %eq3A_358 = vector.broadcast %eq3A_357 : i32 to vector<16xi32>
      %eq3A_359 = arith.cmpi eq, %iota3A, %eq3A_358 : vector<16xi32>
      %broadcast_in_dim3A_360 = vector.broadcast %reduce_sum3A_356 : f32 to vector<16xf32>
      %select_n3A_361 = arith.select %eq3A_359, %broadcast_in_dim3A_360, %select_n3A_317 : vector<16xi1>, vector<16xf32>
      %add3A_362 = arith.constant 5 : i32
      %add3A_363 = arith.addi %multiple_of3A, %add3A_362 : i32
      %slice3A_364 = vector.extract_strided_slice %get3A_142 {offsets = [5], sizes = [1], strides = [1]} : vector<16xi32> to vector<1xi32>
      %squeeze3A_365 = vector.extract %slice3A_364[0] : i32 from vector<1xi32>
      %get3A_366 = arith.index_cast %add3A_363 : i32 to index
      %get3A_367 = arith.constant 0 : index
      %get3A_368 = tpu.vector_load %arg12[%get3A_366, %get3A_367] {strides = array<i32>} : memref<512x64xf32, #tpu.memory_space<vmem>>, vector<16xf32>,
      %get3A_369 = arith.index_cast %squeeze3A_365 : i32 to index
      %get3A_370 = arith.constant 0 : index
      %get3A_371 = tpu.vector_load %arg14[%get3A_369, %get3A_370] {strides = array<i32>} : memref<151x64xf32, #tpu.memory_space<vmem>>, vector<16xf32>,
      %mul3A_372 = arith.mulf %get3A_368, %get3A_371 : vector<16xf32>
      %get3A_373 = arith.index_cast %add3A_363 : i32 to index
      %get3A_374 = arith.constant 16 : index
      %get3A_375 = tpu.vector_load %arg12[%get3A_373, %get3A_374] {strides = array<i32>} : memref<512x64xf32, #tpu.memory_space<vmem>>, vector<16xf32>,
      %get3A_376 = arith.index_cast %squeeze3A_365 : i32 to index
      %get3A_377 = arith.constant 16 : index
      %get3A_378 = tpu.vector_load %arg14[%get3A_376, %get3A_377] {strides = array<i32>} : memref<151x64xf32, #tpu.memory_space<vmem>>, vector<16xf32>,
      %mul3A_379 = arith.mulf %get3A_375, %get3A_378 : vector<16xf32>
      %add3A_380 = arith.addf %mul3A_379, %mul3A_372 : vector<16xf32>
      %get3A_381 = arith.index_cast %add3A_363 : i32 to index
      %get3A_382 = arith.constant 32 : index
      %get3A_383 = tpu.vector_load %arg12[%get3A_381, %get3A_382] {strides = array<i32>} : memref<512x64xf32, #tpu.memory_space<vmem>>, vector<16xf32>,
      %get3A_384 = arith.index_cast %squeeze3A_365 : i32 to index
      %get3A_385 = arith.constant 32 : index
      %get3A_386 = tpu.vector_load %arg14[%get3A_384, %get3A_385] {strides = array<i32>} : memref<151x64xf32, #tpu.memory_space<vmem>>, vector<16xf32>,
      %mul3A_387 = arith.mulf %get3A_383, %get3A_386 : vector<16xf32>
      %add3A_388 = arith.addf %mul3A_387, %add3A_380 : vector<16xf32>
      %get3A_389 = arith.index_cast %add3A_363 : i32 to index
      %get3A_390 = arith.constant 48 : index
      %get3A_391 = tpu.vector_load %arg12[%get3A_389, %get3A_390] {strides = array<i32>} : memref<512x64xf32, #tpu.memory_space<vmem>>, vector<16xf32>,
      %get3A_392 = arith.index_cast %squeeze3A_365 : i32 to index
      %get3A_393 = arith.constant 48 : index
      %get3A_394 = tpu.vector_load %arg14[%get3A_392, %get3A_393] {strides = array<i32>} : memref<151x64xf32, #tpu.memory_space<vmem>>, vector<16xf32>,
      %mul3A_395 = arith.mulf %get3A_391, %get3A_394 : vector<16xf32>
      %add3A_396 = arith.addf %mul3A_395, %add3A_388 : vector<16xf32>
      %reduce_sum3A_397 = arith.constant true
      %reduce_sum3A_398 = vector.broadcast %reduce_sum3A_397 : i1 to vector<16xi1>
      %reduce_sum3A_399 = tpu.scan <sum>, %add3A_396 masked %reduce_sum3A_398 : vector<16xf32>, vector<16xi1> -> vector<16xf32>
      %reduce_sum3A_400 = vector.extract %reduce_sum3A_399[15] : f32 from vector<16xf32>
      %eq3A_401 = arith.constant 5 : i32
      %eq3A_402 = vector.broadcast %eq3A_401 : i32 to vector<16xi32>
      %eq3A_403 = arith.cmpi eq, %iota3A, %eq3A_402 : vector<16xi32>
      %broadcast_in_dim3A_404 = vector.broadcast %reduce_sum3A_400 : f32 to vector<16xf32>
      %select_n3A_405 = arith.select %eq3A_403, %broadcast_in_dim3A_404, %select_n3A_361 : vector<16xi1>, vector<16xf32>
      %add3A_406 = arith.constant 6 : i32
      %add3A_407 = arith.addi %multiple_of3A, %add3A_406 : i32
      %slice3A_408 = vector.extract_strided_slice %get3A_142 {offsets = [6], sizes = [1], strides = [1]} : vector<16xi32> to vector<1xi32>
      %squeeze3A_409 = vector.extract %slice3A_408[0] : i32 from vector<1xi32>
      %get3A_410 = arith.index_cast %add3A_407 : i32 to index
      %get3A_411 = arith.constant 0 : index
      %get3A_412 = tpu.vector_load %arg12[%get3A_410, %get3A_411] {strides = array<i32>} : memref<512x64xf32, #tpu.memory_space<vmem>>, vector<16xf32>,
      %get3A_413 = arith.index_cast %squeeze3A_409 : i32 to index
      %get3A_414 = arith.constant 0 : index
      %get3A_415 = tpu.vector_load %arg14[%get3A_413, %get3A_414] {strides = array<i32>} : memref<151x64xf32, #tpu.memory_space<vmem>>, vector<16xf32>,
      %mul3A_416 = arith.mulf %get3A_412, %get3A_415 : vector<16xf32>
      %get3A_417 = arith.index_cast %add3A_407 : i32 to index
      %get3A_418 = arith.constant 16 : index
      %get3A_419 = tpu.vector_load %arg12[%get3A_417, %get3A_418] {strides = array<i32>} : memref<512x64xf32, #tpu.memory_space<vmem>>, vector<16xf32>,
      %get3A_420 = arith.index_cast %squeeze3A_409 : i32 to index
      %get3A_421 = arith.constant 16 : index
      %get3A_422 = tpu.vector_load %arg14[%get3A_420, %get3A_421] {strides = array<i32>} : memref<151x64xf32, #tpu.memory_space<vmem>>, vector<16xf32>,
      %mul3A_423 = arith.mulf %get3A_419, %get3A_422 : vector<16xf32>
      %add3A_424 = arith.addf %mul3A_423, %mul3A_416 : vector<16xf32>
      %get3A_425 = arith.index_cast %add3A_407 : i32 to index
      %get3A_426 = arith.constant 32 : index
      %get3A_427 = tpu.vector_load %arg12[%get3A_425, %get3A_426] {strides = array<i32>} : memref<512x64xf32, #tpu.memory_space<vmem>>, vector<16xf32>,
      %get3A_428 = arith.index_cast %squeeze3A_409 : i32 to index
      %get3A_429 = arith.constant 32 : index
      %get3A_430 = tpu.vector_load %arg14[%get3A_428, %get3A_429] {strides = array<i32>} : memref<151x64xf32, #tpu.memory_space<vmem>>, vector<16xf32>,
      %mul3A_431 = arith.mulf %get3A_427, %get3A_430 : vector<16xf32>
      %add3A_432 = arith.addf %mul3A_431, %add3A_424 : vector<16xf32>
      %get3A_433 = arith.index_cast %add3A_407 : i32 to index
      %get3A_434 = arith.constant 48 : index
      %get3A_435 = tpu.vector_load %arg12[%get3A_433, %get3A_434] {strides = array<i32>} : memref<512x64xf32, #tpu.memory_space<vmem>>, vector<16xf32>,
      %get3A_436 = arith.index_cast %squeeze3A_409 : i32 to index
      %get3A_437 = arith.constant 48 : index
      %get3A_438 = tpu.vector_load %arg14[%get3A_436, %get3A_437] {strides = array<i32>} : memref<151x64xf32, #tpu.memory_space<vmem>>, vector<16xf32>,
      %mul3A_439 = arith.mulf %get3A_435, %get3A_438 : vector<16xf32>
      %add3A_440 = arith.addf %mul3A_439, %add3A_432 : vector<16xf32>
      %reduce_sum3A_441 = arith.constant true
      %reduce_sum3A_442 = vector.broadcast %reduce_sum3A_441 : i1 to vector<16xi1>
      %reduce_sum3A_443 = tpu.scan <sum>, %add3A_440 masked %reduce_sum3A_442 : vector<16xf32>, vector<16xi1> -> vector<16xf32>
      %reduce_sum3A_444 = vector.extract %reduce_sum3A_443[15] : f32 from vector<16xf32>
      %eq3A_445 = arith.constant 6 : i32
      %eq3A_446 = vector.broadcast %eq3A_445 : i32 to vector<16xi32>
      %eq3A_447 = arith.cmpi eq, %iota3A, %eq3A_446 : vector<16xi32>
      %broadcast_in_dim3A_448 = vector.broadcast %reduce_sum3A_444 : f32 to vector<16xf32>
      %select_n3A_449 = arith.select %eq3A_447, %broadcast_in_dim3A_448, %select_n3A_405 : vector<16xi1>, vector<16xf32>
      %add3A_450 = arith.constant 7 : i32
      %add3A_451 = arith.addi %multiple_of3A, %add3A_450 : i32
      %slice3A_452 = vector.extract_strided_slice %get3A_142 {offsets = [7], sizes = [1], strides = [1]} : vector<16xi32> to vector<1xi32>
      %squeeze3A_453 = vector.extract %slice3A_452[0] : i32 from vector<1xi32>
      %get3A_454 = arith.index_cast %add3A_451 : i32 to index
      %get3A_455 = arith.constant 0 : index
      %get3A_456 = tpu.vector_load %arg12[%get3A_454, %get3A_455] {strides = array<i32>} : memref<512x64xf32, #tpu.memory_space<vmem>>, vector<16xf32>,
      %get3A_457 = arith.index_cast %squeeze3A_453 : i32 to index
      %get3A_458 = arith.constant 0 : index
      %get3A_459 = tpu.vector_load %arg14[%get3A_457, %get3A_458] {strides = array<i32>} : memref<151x64xf32, #tpu.memory_space<vmem>>, vector<16xf32>,
      %mul3A_460 = arith.mulf %get3A_456, %get3A_459 : vector<16xf32>
      %get3A_461 = arith.index_cast %add3A_451 : i32 to index
      %get3A_462 = arith.constant 16 : index
      %get3A_463 = tpu.vector_load %arg12[%get3A_461, %get3A_462] {strides = array<i32>} : memref<512x64xf32, #tpu.memory_space<vmem>>, vector<16xf32>,
      %get3A_464 = arith.index_cast %squeeze3A_453 : i32 to index
      %get3A_465 = arith.constant 16 : index
      %get3A_466 = tpu.vector_load %arg14[%get3A_464, %get3A_465] {strides = array<i32>} : memref<151x64xf32, #tpu.memory_space<vmem>>, vector<16xf32>,
      %mul3A_467 = arith.mulf %get3A_463, %get3A_466 : vector<16xf32>
      %add3A_468 = arith.addf %mul3A_467, %mul3A_460 : vector<16xf32>
      %get3A_469 = arith.index_cast %add3A_451 : i32 to index
      %get3A_470 = arith.constant 32 : index
      %get3A_471 = tpu.vector_load %arg12[%get3A_469, %get3A_470] {strides = array<i32>} : memref<512x64xf32, #tpu.memory_space<vmem>>, vector<16xf32>,
      %get3A_472 = arith.index_cast %squeeze3A_453 : i32 to index
      %get3A_473 = arith.constant 32 : index
      %get3A_474 = tpu.vector_load %arg14[%get3A_472, %get3A_473] {strides = array<i32>} : memref<151x64xf32, #tpu.memory_space<vmem>>, vector<16xf32>,
      %mul3A_475 = arith.mulf %get3A_471, %get3A_474 : vector<16xf32>
      %add3A_476 = arith.addf %mul3A_475, %add3A_468 : vector<16xf32>
      %get3A_477 = arith.index_cast %add3A_451 : i32 to index
      %get3A_478 = arith.constant 48 : index
      %get3A_479 = tpu.vector_load %arg12[%get3A_477, %get3A_478] {strides = array<i32>} : memref<512x64xf32, #tpu.memory_space<vmem>>, vector<16xf32>,
      %get3A_480 = arith.index_cast %squeeze3A_453 : i32 to index
      %get3A_481 = arith.constant 48 : index
      %get3A_482 = tpu.vector_load %arg14[%get3A_480, %get3A_481] {strides = array<i32>} : memref<151x64xf32, #tpu.memory_space<vmem>>, vector<16xf32>,
      %mul3A_483 = arith.mulf %get3A_479, %get3A_482 : vector<16xf32>
      %add3A_484 = arith.addf %mul3A_483, %add3A_476 : vector<16xf32>
      %reduce_sum3A_485 = arith.constant true
      %reduce_sum3A_486 = vector.broadcast %reduce_sum3A_485 : i1 to vector<16xi1>
      %reduce_sum3A_487 = tpu.scan <sum>, %add3A_484 masked %reduce_sum3A_486 : vector<16xf32>, vector<16xi1> -> vector<16xf32>
      %reduce_sum3A_488 = vector.extract %reduce_sum3A_487[15] : f32 from vector<16xf32>
      %eq3A_489 = arith.constant 7 : i32
      %eq3A_490 = vector.broadcast %eq3A_489 : i32 to vector<16xi32>
      %eq3A_491 = arith.cmpi eq, %iota3A, %eq3A_490 : vector<16xi32>
      %broadcast_in_dim3A_492 = vector.broadcast %reduce_sum3A_488 : f32 to vector<16xf32>
      %select_n3A_493 = arith.select %eq3A_491, %broadcast_in_dim3A_492, %select_n3A_449 : vector<16xi1>, vector<16xf32>
      %add3A_494 = arith.constant 8 : i32
      %add3A_495 = arith.addi %multiple_of3A, %add3A_494 : i32
      %slice3A_496 = vector.extract_strided_slice %get3A_142 {offsets = [8], sizes = [1], strides = [1]} : vector<16xi32> to vector<1xi32>
      %squeeze3A_497 = vector.extract %slice3A_496[0] : i32 from vector<1xi32>
      %get3A_498 = arith.index_cast %add3A_495 : i32 to index
      %get3A_499 = arith.constant 0 : index
      %get3A_500 = tpu.vector_load %arg12[%get3A_498, %get3A_499] {strides = array<i32>} : memref<512x64xf32, #tpu.memory_space<vmem>>, vector<16xf32>,
      %get3A_501 = arith.index_cast %squeeze3A_497 : i32 to index
      %get3A_502 = arith.constant 0 : index
      %get3A_503 = tpu.vector_load %arg14[%get3A_501, %get3A_502] {strides = array<i32>} : memref<151x64xf32, #tpu.memory_space<vmem>>, vector<16xf32>,
      %mul3A_504 = arith.mulf %get3A_500, %get3A_503 : vector<16xf32>
      %get3A_505 = arith.index_cast %add3A_495 : i32 to index
      %get3A_506 = arith.constant 16 : index
      %get3A_507 = tpu.vector_load %arg12[%get3A_505, %get3A_506] {strides = array<i32>} : memref<512x64xf32, #tpu.memory_space<vmem>>, vector<16xf32>,
      %get3A_508 = arith.index_cast %squeeze3A_497 : i32 to index
      %get3A_509 = arith.constant 16 : index
      %get3A_510 = tpu.vector_load %arg14[%get3A_508, %get3A_509] {strides = array<i32>} : memref<151x64xf32, #tpu.memory_space<vmem>>, vector<16xf32>,
      %mul3A_511 = arith.mulf %get3A_507, %get3A_510 : vector<16xf32>
      %add3A_512 = arith.addf %mul3A_511, %mul3A_504 : vector<16xf32>
      %get3A_513 = arith.index_cast %add3A_495 : i32 to index
      %get3A_514 = arith.constant 32 : index
      %get3A_515 = tpu.vector_load %arg12[%get3A_513, %get3A_514] {strides = array<i32>} : memref<512x64xf32, #tpu.memory_space<vmem>>, vector<16xf32>,
      %get3A_516 = arith.index_cast %squeeze3A_497 : i32 to index
      %get3A_517 = arith.constant 32 : index
      %get3A_518 = tpu.vector_load %arg14[%get3A_516, %get3A_517] {strides = array<i32>} : memref<151x64xf32, #tpu.memory_space<vmem>>, vector<16xf32>,
      %mul3A_519 = arith.mulf %get3A_515, %get3A_518 : vector<16xf32>
      %add3A_520 = arith.addf %mul3A_519, %add3A_512 : vector<16xf32>
      %get3A_521 = arith.index_cast %add3A_495 : i32 to index
      %get3A_522 = arith.constant 48 : index
      %get3A_523 = tpu.vector_load %arg12[%get3A_521, %get3A_522] {strides = array<i32>} : memref<512x64xf32, #tpu.memory_space<vmem>>, vector<16xf32>,
      %get3A_524 = arith.index_cast %squeeze3A_497 : i32 to index
      %get3A_525 = arith.constant 48 : index
      %get3A_526 = tpu.vector_load %arg14[%get3A_524, %get3A_525] {strides = array<i32>} : memref<151x64xf32, #tpu.memory_space<vmem>>, vector<16xf32>,
      %mul3A_527 = arith.mulf %get3A_523, %get3A_526 : vector<16xf32>
      %add3A_528 = arith.addf %mul3A_527, %add3A_520 : vector<16xf32>
      %reduce_sum3A_529 = arith.constant true
      %reduce_sum3A_530 = vector.broadcast %reduce_sum3A_529 : i1 to vector<16xi1>
      %reduce_sum3A_531 = tpu.scan <sum>, %add3A_528 masked %reduce_sum3A_530 : vector<16xf32>, vector<16xi1> -> vector<16xf32>
      %reduce_sum3A_532 = vector.extract %reduce_sum3A_531[15] : f32 from vector<16xf32>
      %eq3A_533 = arith.constant 8 : i32
      %eq3A_534 = vector.broadcast %eq3A_533 : i32 to vector<16xi32>
      %eq3A_535 = arith.cmpi eq, %iota3A, %eq3A_534 : vector<16xi32>
      %broadcast_in_dim3A_536 = vector.broadcast %reduce_sum3A_532 : f32 to vector<16xf32>
      %select_n3A_537 = arith.select %eq3A_535, %broadcast_in_dim3A_536, %select_n3A_493 : vector<16xi1>, vector<16xf32>
      %add3A_538 = arith.constant 9 : i32
      %add3A_539 = arith.addi %multiple_of3A, %add3A_538 : i32
      %slice3A_540 = vector.extract_strided_slice %get3A_142 {offsets = [9], sizes = [1], strides = [1]} : vector<16xi32> to vector<1xi32>
      %squeeze3A_541 = vector.extract %slice3A_540[0] : i32 from vector<1xi32>
      %get3A_542 = arith.index_cast %add3A_539 : i32 to index
      %get3A_543 = arith.constant 0 : index
      %get3A_544 = tpu.vector_load %arg12[%get3A_542, %get3A_543] {strides = array<i32>} : memref<512x64xf32, #tpu.memory_space<vmem>>, vector<16xf32>,
      %get3A_545 = arith.index_cast %squeeze3A_541 : i32 to index
      %get3A_546 = arith.constant 0 : index
      %get3A_547 = tpu.vector_load %arg14[%get3A_545, %get3A_546] {strides = array<i32>} : memref<151x64xf32, #tpu.memory_space<vmem>>, vector<16xf32>,
      %mul3A_548 = arith.mulf %get3A_544, %get3A_547 : vector<16xf32>
      %get3A_549 = arith.index_cast %add3A_539 : i32 to index
      %get3A_550 = arith.constant 16 : index
      %get3A_551 = tpu.vector_load %arg12[%get3A_549, %get3A_550] {strides = array<i32>} : memref<512x64xf32, #tpu.memory_space<vmem>>, vector<16xf32>,
      %get3A_552 = arith.index_cast %squeeze3A_541 : i32 to index
      %get3A_553 = arith.constant 16 : index
      %get3A_554 = tpu.vector_load %arg14[%get3A_552, %get3A_553] {strides = array<i32>} : memref<151x64xf32, #tpu.memory_space<vmem>>, vector<16xf32>,
      %mul3A_555 = arith.mulf %get3A_551, %get3A_554 : vector<16xf32>
      %add3A_556 = arith.addf %mul3A_555, %mul3A_548 : vector<16xf32>
      %get3A_557 = arith.index_cast %add3A_539 : i32 to index
      %get3A_558 = arith.constant 32 : index
      %get3A_559 = tpu.vector_load %arg12[%get3A_557, %get3A_558] {strides = array<i32>} : memref<512x64xf32, #tpu.memory_space<vmem>>, vector<16xf32>,
      %get3A_560 = arith.index_cast %squeeze3A_541 : i32 to index
      %get3A_561 = arith.constant 32 : index
      %get3A_562 = tpu.vector_load %arg14[%get3A_560, %get3A_561] {strides = array<i32>} : memref<151x64xf32, #tpu.memory_space<vmem>>, vector<16xf32>,
      %mul3A_563 = arith.mulf %get3A_559, %get3A_562 : vector<16xf32>
      %add3A_564 = arith.addf %mul3A_563, %add3A_556 : vector<16xf32>
      %get3A_565 = arith.index_cast %add3A_539 : i32 to index
      %get3A_566 = arith.constant 48 : index
      %get3A_567 = tpu.vector_load %arg12[%get3A_565, %get3A_566] {strides = array<i32>} : memref<512x64xf32, #tpu.memory_space<vmem>>, vector<16xf32>,
      %get3A_568 = arith.index_cast %squeeze3A_541 : i32 to index
      %get3A_569 = arith.constant 48 : index
      %get3A_570 = tpu.vector_load %arg14[%get3A_568, %get3A_569] {strides = array<i32>} : memref<151x64xf32, #tpu.memory_space<vmem>>, vector<16xf32>,
      %mul3A_571 = arith.mulf %get3A_567, %get3A_570 : vector<16xf32>
      %add3A_572 = arith.addf %mul3A_571, %add3A_564 : vector<16xf32>
      %reduce_sum3A_573 = arith.constant true
      %reduce_sum3A_574 = vector.broadcast %reduce_sum3A_573 : i1 to vector<16xi1>
      %reduce_sum3A_575 = tpu.scan <sum>, %add3A_572 masked %reduce_sum3A_574 : vector<16xf32>, vector<16xi1> -> vector<16xf32>
      %reduce_sum3A_576 = vector.extract %reduce_sum3A_575[15] : f32 from vector<16xf32>
      %eq3A_577 = arith.constant 9 : i32
      %eq3A_578 = vector.broadcast %eq3A_577 : i32 to vector<16xi32>
      %eq3A_579 = arith.cmpi eq, %iota3A, %eq3A_578 : vector<16xi32>
      %broadcast_in_dim3A_580 = vector.broadcast %reduce_sum3A_576 : f32 to vector<16xf32>
      %select_n3A_581 = arith.select %eq3A_579, %broadcast_in_dim3A_580, %select_n3A_537 : vector<16xi1>, vector<16xf32>
      %add3A_582 = arith.constant 10 : i32
      %add3A_583 = arith.addi %multiple_of3A, %add3A_582 : i32
      %slice3A_584 = vector.extract_strided_slice %get3A_142 {offsets = [10], sizes = [1], strides = [1]} : vector<16xi32> to vector<1xi32>
      %squeeze3A_585 = vector.extract %slice3A_584[0] : i32 from vector<1xi32>
      %get3A_586 = arith.index_cast %add3A_583 : i32 to index
      %get3A_587 = arith.constant 0 : index
      %get3A_588 = tpu.vector_load %arg12[%get3A_586, %get3A_587] {strides = array<i32>} : memref<512x64xf32, #tpu.memory_space<vmem>>, vector<16xf32>,
      %get3A_589 = arith.index_cast %squeeze3A_585 : i32 to index
      %get3A_590 = arith.constant 0 : index
      %get3A_591 = tpu.vector_load %arg14[%get3A_589, %get3A_590] {strides = array<i32>} : memref<151x64xf32, #tpu.memory_space<vmem>>, vector<16xf32>,
      %mul3A_592 = arith.mulf %get3A_588, %get3A_591 : vector<16xf32>
      %get3A_593 = arith.index_cast %add3A_583 : i32 to index
      %get3A_594 = arith.constant 16 : index
      %get3A_595 = tpu.vector_load %arg12[%get3A_593, %get3A_594] {strides = array<i32>} : memref<512x64xf32, #tpu.memory_space<vmem>>, vector<16xf32>,
      %get3A_596 = arith.index_cast %squeeze3A_585 : i32 to index
      %get3A_597 = arith.constant 16 : index
      %get3A_598 = tpu.vector_load %arg14[%get3A_596, %get3A_597] {strides = array<i32>} : memref<151x64xf32, #tpu.memory_space<vmem>>, vector<16xf32>,
      %mul3A_599 = arith.mulf %get3A_595, %get3A_598 : vector<16xf32>
      %add3A_600 = arith.addf %mul3A_599, %mul3A_592 : vector<16xf32>
      %get3A_601 = arith.index_cast %add3A_583 : i32 to index
      %get3A_602 = arith.constant 32 : index
      %get3A_603 = tpu.vector_load %arg12[%get3A_601, %get3A_602] {strides = array<i32>} : memref<512x64xf32, #tpu.memory_space<vmem>>, vector<16xf32>,
      %get3A_604 = arith.index_cast %squeeze3A_585 : i32 to index
      %get3A_605 = arith.constant 32 : index
      %get3A_606 = tpu.vector_load %arg14[%get3A_604, %get3A_605] {strides = array<i32>} : memref<151x64xf32, #tpu.memory_space<vmem>>, vector<16xf32>,
      %mul3A_607 = arith.mulf %get3A_603, %get3A_606 : vector<16xf32>
      %add3A_608 = arith.addf %mul3A_607, %add3A_600 : vector<16xf32>
      %get3A_609 = arith.index_cast %add3A_583 : i32 to index
      %get3A_610 = arith.constant 48 : index
      %get3A_611 = tpu.vector_load %arg12[%get3A_609, %get3A_610] {strides = array<i32>} : memref<512x64xf32, #tpu.memory_space<vmem>>, vector<16xf32>,
      %get3A_612 = arith.index_cast %squeeze3A_585 : i32 to index
      %get3A_613 = arith.constant 48 : index
      %get3A_614 = tpu.vector_load %arg14[%get3A_612, %get3A_613] {strides = array<i32>} : memref<151x64xf32, #tpu.memory_space<vmem>>, vector<16xf32>,
      %mul3A_615 = arith.mulf %get3A_611, %get3A_614 : vector<16xf32>
      %add3A_616 = arith.addf %mul3A_615, %add3A_608 : vector<16xf32>
      %reduce_sum3A_617 = arith.constant true
      %reduce_sum3A_618 = vector.broadcast %reduce_sum3A_617 : i1 to vector<16xi1>
      %reduce_sum3A_619 = tpu.scan <sum>, %add3A_616 masked %reduce_sum3A_618 : vector<16xf32>, vector<16xi1> -> vector<16xf32>
      %reduce_sum3A_620 = vector.extract %reduce_sum3A_619[15] : f32 from vector<16xf32>
      %eq3A_621 = arith.constant 10 : i32
      %eq3A_622 = vector.broadcast %eq3A_621 : i32 to vector<16xi32>
      %eq3A_623 = arith.cmpi eq, %iota3A, %eq3A_622 : vector<16xi32>
      %broadcast_in_dim3A_624 = vector.broadcast %reduce_sum3A_620 : f32 to vector<16xf32>
      %select_n3A_625 = arith.select %eq3A_623, %broadcast_in_dim3A_624, %select_n3A_581 : vector<16xi1>, vector<16xf32>
      %add3A_626 = arith.constant 11 : i32
      %add3A_627 = arith.addi %multiple_of3A, %add3A_626 : i32
      %slice3A_628 = vector.extract_strided_slice %get3A_142 {offsets = [11], sizes = [1], strides = [1]} : vector<16xi32> to vector<1xi32>
      %squeeze3A_629 = vector.extract %slice3A_628[0] : i32 from vector<1xi32>
      %get3A_630 = arith.index_cast %add3A_627 : i32 to index
      %get3A_631 = arith.constant 0 : index
      %get3A_632 = tpu.vector_load %arg12[%get3A_630, %get3A_631] {strides = array<i32>} : memref<512x64xf32, #tpu.memory_space<vmem>>, vector<16xf32>,
      %get3A_633 = arith.index_cast %squeeze3A_629 : i32 to index
      %get3A_634 = arith.constant 0 : index
      %get3A_635 = tpu.vector_load %arg14[%get3A_633, %get3A_634] {strides = array<i32>} : memref<151x64xf32, #tpu.memory_space<vmem>>, vector<16xf32>,
      %mul3A_636 = arith.mulf %get3A_632, %get3A_635 : vector<16xf32>
      %get3A_637 = arith.index_cast %add3A_627 : i32 to index
      %get3A_638 = arith.constant 16 : index
      %get3A_639 = tpu.vector_load %arg12[%get3A_637, %get3A_638] {strides = array<i32>} : memref<512x64xf32, #tpu.memory_space<vmem>>, vector<16xf32>,
      %get3A_640 = arith.index_cast %squeeze3A_629 : i32 to index
      %get3A_641 = arith.constant 16 : index
      %get3A_642 = tpu.vector_load %arg14[%get3A_640, %get3A_641] {strides = array<i32>} : memref<151x64xf32, #tpu.memory_space<vmem>>, vector<16xf32>,
      %mul3A_643 = arith.mulf %get3A_639, %get3A_642 : vector<16xf32>
      %add3A_644 = arith.addf %mul3A_643, %mul3A_636 : vector<16xf32>
      %get3A_645 = arith.index_cast %add3A_627 : i32 to index
      %get3A_646 = arith.constant 32 : index
      %get3A_647 = tpu.vector_load %arg12[%get3A_645, %get3A_646] {strides = array<i32>} : memref<512x64xf32, #tpu.memory_space<vmem>>, vector<16xf32>,
      %get3A_648 = arith.index_cast %squeeze3A_629 : i32 to index
      %get3A_649 = arith.constant 32 : index
      %get3A_650 = tpu.vector_load %arg14[%get3A_648, %get3A_649] {strides = array<i32>} : memref<151x64xf32, #tpu.memory_space<vmem>>, vector<16xf32>,
      %mul3A_651 = arith.mulf %get3A_647, %get3A_650 : vector<16xf32>
      %add3A_652 = arith.addf %mul3A_651, %add3A_644 : vector<16xf32>
      %get3A_653 = arith.index_cast %add3A_627 : i32 to index
      %get3A_654 = arith.constant 48 : index
      %get3A_655 = tpu.vector_load %arg12[%get3A_653, %get3A_654] {strides = array<i32>} : memref<512x64xf32, #tpu.memory_space<vmem>>, vector<16xf32>,
      %get3A_656 = arith.index_cast %squeeze3A_629 : i32 to index
      %get3A_657 = arith.constant 48 : index
      %get3A_658 = tpu.vector_load %arg14[%get3A_656, %get3A_657] {strides = array<i32>} : memref<151x64xf32, #tpu.memory_space<vmem>>, vector<16xf32>,
      %mul3A_659 = arith.mulf %get3A_655, %get3A_658 : vector<16xf32>
      %add3A_660 = arith.addf %mul3A_659, %add3A_652 : vector<16xf32>
      %reduce_sum3A_661 = arith.constant true
      %reduce_sum3A_662 = vector.broadcast %reduce_sum3A_661 : i1 to vector<16xi1>
      %reduce_sum3A_663 = tpu.scan <sum>, %add3A_660 masked %reduce_sum3A_662 : vector<16xf32>, vector<16xi1> -> vector<16xf32>
      %reduce_sum3A_664 = vector.extract %reduce_sum3A_663[15] : f32 from vector<16xf32>
      %eq3A_665 = arith.constant 11 : i32
      %eq3A_666 = vector.broadcast %eq3A_665 : i32 to vector<16xi32>
      %eq3A_667 = arith.cmpi eq, %iota3A, %eq3A_666 : vector<16xi32>
      %broadcast_in_dim3A_668 = vector.broadcast %reduce_sum3A_664 : f32 to vector<16xf32>
      %select_n3A_669 = arith.select %eq3A_667, %broadcast_in_dim3A_668, %select_n3A_625 : vector<16xi1>, vector<16xf32>
      %add3A_670 = arith.constant 12 : i32
      %add3A_671 = arith.addi %multiple_of3A, %add3A_670 : i32
      %slice3A_672 = vector.extract_strided_slice %get3A_142 {offsets = [12], sizes = [1], strides = [1]} : vector<16xi32> to vector<1xi32>
      %squeeze3A_673 = vector.extract %slice3A_672[0] : i32 from vector<1xi32>
      %get3A_674 = arith.index_cast %add3A_671 : i32 to index
      %get3A_675 = arith.constant 0 : index
      %get3A_676 = tpu.vector_load %arg12[%get3A_674, %get3A_675] {strides = array<i32>} : memref<512x64xf32, #tpu.memory_space<vmem>>, vector<16xf32>,
      %get3A_677 = arith.index_cast %squeeze3A_673 : i32 to index
      %get3A_678 = arith.constant 0 : index
      %get3A_679 = tpu.vector_load %arg14[%get3A_677, %get3A_678] {strides = array<i32>} : memref<151x64xf32, #tpu.memory_space<vmem>>, vector<16xf32>,
      %mul3A_680 = arith.mulf %get3A_676, %get3A_679 : vector<16xf32>
      %get3A_681 = arith.index_cast %add3A_671 : i32 to index
      %get3A_682 = arith.constant 16 : index
      %get3A_683 = tpu.vector_load %arg12[%get3A_681, %get3A_682] {strides = array<i32>} : memref<512x64xf32, #tpu.memory_space<vmem>>, vector<16xf32>,
      %get3A_684 = arith.index_cast %squeeze3A_673 : i32 to index
      %get3A_685 = arith.constant 16 : index
      %get3A_686 = tpu.vector_load %arg14[%get3A_684, %get3A_685] {strides = array<i32>} : memref<151x64xf32, #tpu.memory_space<vmem>>, vector<16xf32>,
      %mul3A_687 = arith.mulf %get3A_683, %get3A_686 : vector<16xf32>
      %add3A_688 = arith.addf %mul3A_687, %mul3A_680 : vector<16xf32>
      %get3A_689 = arith.index_cast %add3A_671 : i32 to index
      %get3A_690 = arith.constant 32 : index
      %get3A_691 = tpu.vector_load %arg12[%get3A_689, %get3A_690] {strides = array<i32>} : memref<512x64xf32, #tpu.memory_space<vmem>>, vector<16xf32>,
      %get3A_692 = arith.index_cast %squeeze3A_673 : i32 to index
      %get3A_693 = arith.constant 32 : index
      %get3A_694 = tpu.vector_load %arg14[%get3A_692, %get3A_693] {strides = array<i32>} : memref<151x64xf32, #tpu.memory_space<vmem>>, vector<16xf32>,
      %mul3A_695 = arith.mulf %get3A_691, %get3A_694 : vector<16xf32>
      %add3A_696 = arith.addf %mul3A_695, %add3A_688 : vector<16xf32>
      %get3A_697 = arith.index_cast %add3A_671 : i32 to index
      %get3A_698 = arith.constant 48 : index
      %get3A_699 = tpu.vector_load %arg12[%get3A_697, %get3A_698] {strides = array<i32>} : memref<512x64xf32, #tpu.memory_space<vmem>>, vector<16xf32>,
      %get3A_700 = arith.index_cast %squeeze3A_673 : i32 to index
      %get3A_701 = arith.constant 48 : index
      %get3A_702 = tpu.vector_load %arg14[%get3A_700, %get3A_701] {strides = array<i32>} : memref<151x64xf32, #tpu.memory_space<vmem>>, vector<16xf32>,
      %mul3A_703 = arith.mulf %get3A_699, %get3A_702 : vector<16xf32>
      %add3A_704 = arith.addf %mul3A_703, %add3A_696 : vector<16xf32>
      %reduce_sum3A_705 = arith.constant true
      %reduce_sum3A_706 = vector.broadcast %reduce_sum3A_705 : i1 to vector<16xi1>
      %reduce_sum3A_707 = tpu.scan <sum>, %add3A_704 masked %reduce_sum3A_706 : vector<16xf32>, vector<16xi1> -> vector<16xf32>
      %reduce_sum3A_708 = vector.extract %reduce_sum3A_707[15] : f32 from vector<16xf32>
      %eq3A_709 = arith.constant 12 : i32
      %eq3A_710 = vector.broadcast %eq3A_709 : i32 to vector<16xi32>
      %eq3A_711 = arith.cmpi eq, %iota3A, %eq3A_710 : vector<16xi32>
      %broadcast_in_dim3A_712 = vector.broadcast %reduce_sum3A_708 : f32 to vector<16xf32>
      %select_n3A_713 = arith.select %eq3A_711, %broadcast_in_dim3A_712, %select_n3A_669 : vector<16xi1>, vector<16xf32>
      %add3A_714 = arith.constant 13 : i32
      %add3A_715 = arith.addi %multiple_of3A, %add3A_714 : i32
      %slice3A_716 = vector.extract_strided_slice %get3A_142 {offsets = [13], sizes = [1], strides = [1]} : vector<16xi32> to vector<1xi32>
      %squeeze3A_717 = vector.extract %slice3A_716[0] : i32 from vector<1xi32>
      %get3A_718 = arith.index_cast %add3A_715 : i32 to index
      %get3A_719 = arith.constant 0 : index
      %get3A_720 = tpu.vector_load %arg12[%get3A_718, %get3A_719] {strides = array<i32>} : memref<512x64xf32, #tpu.memory_space<vmem>>, vector<16xf32>,
      %get3A_721 = arith.index_cast %squeeze3A_717 : i32 to index
      %get3A_722 = arith.constant 0 : index
      %get3A_723 = tpu.vector_load %arg14[%get3A_721, %get3A_722] {strides = array<i32>} : memref<151x64xf32, #tpu.memory_space<vmem>>, vector<16xf32>,
      %mul3A_724 = arith.mulf %get3A_720, %get3A_723 : vector<16xf32>
      %get3A_725 = arith.index_cast %add3A_715 : i32 to index
      %get3A_726 = arith.constant 16 : index
      %get3A_727 = tpu.vector_load %arg12[%get3A_725, %get3A_726] {strides = array<i32>} : memref<512x64xf32, #tpu.memory_space<vmem>>, vector<16xf32>,
      %get3A_728 = arith.index_cast %squeeze3A_717 : i32 to index
      %get3A_729 = arith.constant 16 : index
      %get3A_730 = tpu.vector_load %arg14[%get3A_728, %get3A_729] {strides = array<i32>} : memref<151x64xf32, #tpu.memory_space<vmem>>, vector<16xf32>,
      %mul3A_731 = arith.mulf %get3A_727, %get3A_730 : vector<16xf32>
      %add3A_732 = arith.addf %mul3A_731, %mul3A_724 : vector<16xf32>
      %get3A_733 = arith.index_cast %add3A_715 : i32 to index
      %get3A_734 = arith.constant 32 : index
      %get3A_735 = tpu.vector_load %arg12[%get3A_733, %get3A_734] {strides = array<i32>} : memref<512x64xf32, #tpu.memory_space<vmem>>, vector<16xf32>,
      %get3A_736 = arith.index_cast %squeeze3A_717 : i32 to index
      %get3A_737 = arith.constant 32 : index
      %get3A_738 = tpu.vector_load %arg14[%get3A_736, %get3A_737] {strides = array<i32>} : memref<151x64xf32, #tpu.memory_space<vmem>>, vector<16xf32>,
      %mul3A_739 = arith.mulf %get3A_735, %get3A_738 : vector<16xf32>
      %add3A_740 = arith.addf %mul3A_739, %add3A_732 : vector<16xf32>
      %get3A_741 = arith.index_cast %add3A_715 : i32 to index
      %get3A_742 = arith.constant 48 : index
      %get3A_743 = tpu.vector_load %arg12[%get3A_741, %get3A_742] {strides = array<i32>} : memref<512x64xf32, #tpu.memory_space<vmem>>, vector<16xf32>,
      %get3A_744 = arith.index_cast %squeeze3A_717 : i32 to index
      %get3A_745 = arith.constant 48 : index
      %get3A_746 = tpu.vector_load %arg14[%get3A_744, %get3A_745] {strides = array<i32>} : memref<151x64xf32, #tpu.memory_space<vmem>>, vector<16xf32>,
      %mul3A_747 = arith.mulf %get3A_743, %get3A_746 : vector<16xf32>
      %add3A_748 = arith.addf %mul3A_747, %add3A_740 : vector<16xf32>
      %reduce_sum3A_749 = arith.constant true
      %reduce_sum3A_750 = vector.broadcast %reduce_sum3A_749 : i1 to vector<16xi1>
      %reduce_sum3A_751 = tpu.scan <sum>, %add3A_748 masked %reduce_sum3A_750 : vector<16xf32>, vector<16xi1> -> vector<16xf32>
      %reduce_sum3A_752 = vector.extract %reduce_sum3A_751[15] : f32 from vector<16xf32>
      %eq3A_753 = arith.constant 13 : i32
      %eq3A_754 = vector.broadcast %eq3A_753 : i32 to vector<16xi32>
      %eq3A_755 = arith.cmpi eq, %iota3A, %eq3A_754 : vector<16xi32>
      %broadcast_in_dim3A_756 = vector.broadcast %reduce_sum3A_752 : f32 to vector<16xf32>
      %select_n3A_757 = arith.select %eq3A_755, %broadcast_in_dim3A_756, %select_n3A_713 : vector<16xi1>, vector<16xf32>
      %add3A_758 = arith.constant 14 : i32
      %add3A_759 = arith.addi %multiple_of3A, %add3A_758 : i32
      %slice3A_760 = vector.extract_strided_slice %get3A_142 {offsets = [14], sizes = [1], strides = [1]} : vector<16xi32> to vector<1xi32>
      %squeeze3A_761 = vector.extract %slice3A_760[0] : i32 from vector<1xi32>
      %get3A_762 = arith.index_cast %add3A_759 : i32 to index
      %get3A_763 = arith.constant 0 : index
      %get3A_764 = tpu.vector_load %arg12[%get3A_762, %get3A_763] {strides = array<i32>} : memref<512x64xf32, #tpu.memory_space<vmem>>, vector<16xf32>,
      %get3A_765 = arith.index_cast %squeeze3A_761 : i32 to index
      %get3A_766 = arith.constant 0 : index
      %get3A_767 = tpu.vector_load %arg14[%get3A_765, %get3A_766] {strides = array<i32>} : memref<151x64xf32, #tpu.memory_space<vmem>>, vector<16xf32>,
      %mul3A_768 = arith.mulf %get3A_764, %get3A_767 : vector<16xf32>
      %get3A_769 = arith.index_cast %add3A_759 : i32 to index
      %get3A_770 = arith.constant 16 : index
      %get3A_771 = tpu.vector_load %arg12[%get3A_769, %get3A_770] {strides = array<i32>} : memref<512x64xf32, #tpu.memory_space<vmem>>, vector<16xf32>,
      %get3A_772 = arith.index_cast %squeeze3A_761 : i32 to index
      %get3A_773 = arith.constant 16 : index
      %get3A_774 = tpu.vector_load %arg14[%get3A_772, %get3A_773] {strides = array<i32>} : memref<151x64xf32, #tpu.memory_space<vmem>>, vector<16xf32>,
      %mul3A_775 = arith.mulf %get3A_771, %get3A_774 : vector<16xf32>
      %add3A_776 = arith.addf %mul3A_775, %mul3A_768 : vector<16xf32>
      %get3A_777 = arith.index_cast %add3A_759 : i32 to index
      %get3A_778 = arith.constant 32 : index
      %get3A_779 = tpu.vector_load %arg12[%get3A_777, %get3A_778] {strides = array<i32>} : memref<512x64xf32, #tpu.memory_space<vmem>>, vector<16xf32>,
      %get3A_780 = arith.index_cast %squeeze3A_761 : i32 to index
      %get3A_781 = arith.constant 32 : index
      %get3A_782 = tpu.vector_load %arg14[%get3A_780, %get3A_781] {strides = array<i32>} : memref<151x64xf32, #tpu.memory_space<vmem>>, vector<16xf32>,
      %mul3A_783 = arith.mulf %get3A_779, %get3A_782 : vector<16xf32>
      %add3A_784 = arith.addf %mul3A_783, %add3A_776 : vector<16xf32>
      %get3A_785 = arith.index_cast %add3A_759 : i32 to index
      %get3A_786 = arith.constant 48 : index
      %get3A_787 = tpu.vector_load %arg12[%get3A_785, %get3A_786] {strides = array<i32>} : memref<512x64xf32, #tpu.memory_space<vmem>>, vector<16xf32>,
      %get3A_788 = arith.index_cast %squeeze3A_761 : i32 to index
      %get3A_789 = arith.constant 48 : index
      %get3A_790 = tpu.vector_load %arg14[%get3A_788, %get3A_789] {strides = array<i32>} : memref<151x64xf32, #tpu.memory_space<vmem>>, vector<16xf32>,
      %mul3A_791 = arith.mulf %get3A_787, %get3A_790 : vector<16xf32>
      %add3A_792 = arith.addf %mul3A_791, %add3A_784 : vector<16xf32>
      %reduce_sum3A_793 = arith.constant true
      %reduce_sum3A_794 = vector.broadcast %reduce_sum3A_793 : i1 to vector<16xi1>
      %reduce_sum3A_795 = tpu.scan <sum>, %add3A_792 masked %reduce_sum3A_794 : vector<16xf32>, vector<16xi1> -> vector<16xf32>
      %reduce_sum3A_796 = vector.extract %reduce_sum3A_795[15] : f32 from vector<16xf32>
      %eq3A_797 = arith.constant 14 : i32
      %eq3A_798 = vector.broadcast %eq3A_797 : i32 to vector<16xi32>
      %eq3A_799 = arith.cmpi eq, %iota3A, %eq3A_798 : vector<16xi32>
      %broadcast_in_dim3A_800 = vector.broadcast %reduce_sum3A_796 : f32 to vector<16xf32>
      %select_n3A_801 = arith.select %eq3A_799, %broadcast_in_dim3A_800, %select_n3A_757 : vector<16xi1>, vector<16xf32>
      %add3A_802 = arith.constant 15 : i32
      %add3A_803 = arith.addi %multiple_of3A, %add3A_802 : i32
      %slice3A_804 = vector.extract_strided_slice %get3A_142 {offsets = [15], sizes = [1], strides = [1]} : vector<16xi32> to vector<1xi32>
      %squeeze3A_805 = vector.extract %slice3A_804[0] : i32 from vector<1xi32>
      %get3A_806 = arith.index_cast %add3A_803 : i32 to index
      %get3A_807 = arith.constant 0 : index
      %get3A_808 = tpu.vector_load %arg12[%get3A_806, %get3A_807] {strides = array<i32>} : memref<512x64xf32, #tpu.memory_space<vmem>>, vector<16xf32>,
      %get3A_809 = arith.index_cast %squeeze3A_805 : i32 to index
      %get3A_810 = arith.constant 0 : index
      %get3A_811 = tpu.vector_load %arg14[%get3A_809, %get3A_810] {strides = array<i32>} : memref<151x64xf32, #tpu.memory_space<vmem>>, vector<16xf32>,
      %mul3A_812 = arith.mulf %get3A_808, %get3A_811 : vector<16xf32>
      %get3A_813 = arith.index_cast %add3A_803 : i32 to index
      %get3A_814 = arith.constant 16 : index
      %get3A_815 = tpu.vector_load %arg12[%get3A_813, %get3A_814] {strides = array<i32>} : memref<512x64xf32, #tpu.memory_space<vmem>>, vector<16xf32>,
      %get3A_816 = arith.index_cast %squeeze3A_805 : i32 to index
      %get3A_817 = arith.constant 16 : index
      %get3A_818 = tpu.vector_load %arg14[%get3A_816, %get3A_817] {strides = array<i32>} : memref<151x64xf32, #tpu.memory_space<vmem>>, vector<16xf32>,
      %mul3A_819 = arith.mulf %get3A_815, %get3A_818 : vector<16xf32>
      %add3A_820 = arith.addf %mul3A_819, %mul3A_812 : vector<16xf32>
      %get3A_821 = arith.index_cast %add3A_803 : i32 to index
      %get3A_822 = arith.constant 32 : index
      %get3A_823 = tpu.vector_load %arg12[%get3A_821, %get3A_822] {strides = array<i32>} : memref<512x64xf32, #tpu.memory_space<vmem>>, vector<16xf32>,
      %get3A_824 = arith.index_cast %squeeze3A_805 : i32 to index
      %get3A_825 = arith.constant 32 : index
      %get3A_826 = tpu.vector_load %arg14[%get3A_824, %get3A_825] {strides = array<i32>} : memref<151x64xf32, #tpu.memory_space<vmem>>, vector<16xf32>,
      %mul3A_827 = arith.mulf %get3A_823, %get3A_826 : vector<16xf32>
      %add3A_828 = arith.addf %mul3A_827, %add3A_820 : vector<16xf32>
      %get3A_829 = arith.index_cast %add3A_803 : i32 to index
      %get3A_830 = arith.constant 48 : index
      %get3A_831 = tpu.vector_load %arg12[%get3A_829, %get3A_830] {strides = array<i32>} : memref<512x64xf32, #tpu.memory_space<vmem>>, vector<16xf32>,
      %get3A_832 = arith.index_cast %squeeze3A_805 : i32 to index
      %get3A_833 = arith.constant 48 : index
      %get3A_834 = tpu.vector_load %arg14[%get3A_832, %get3A_833] {strides = array<i32>} : memref<151x64xf32, #tpu.memory_space<vmem>>, vector<16xf32>,
      %mul3A_835 = arith.mulf %get3A_831, %get3A_834 : vector<16xf32>
      %add3A_836 = arith.addf %mul3A_835, %add3A_828 : vector<16xf32>
      %reduce_sum3A_837 = arith.constant true
      %reduce_sum3A_838 = vector.broadcast %reduce_sum3A_837 : i1 to vector<16xi1>
      %reduce_sum3A_839 = tpu.scan <sum>, %add3A_836 masked %reduce_sum3A_838 : vector<16xf32>, vector<16xi1> -> vector<16xf32>
      %reduce_sum3A_840 = vector.extract %reduce_sum3A_839[15] : f32 from vector<16xf32>
      %eq3A_841 = arith.constant 15 : i32
      %eq3A_842 = vector.broadcast %eq3A_841 : i32 to vector<16xi32>
      %eq3A_843 = arith.cmpi eq, %iota3A, %eq3A_842 : vector<16xi32>
      %broadcast_in_dim3A_844 = vector.broadcast %reduce_sum3A_840 : f32 to vector<16xf32>
      %select_n3A_845 = arith.select %eq3A_843, %broadcast_in_dim3A_844, %select_n3A_801 : vector<16xi1>, vector<16xf32>
      %gather3A = tpu.vector_load_idx %arg15[%get3A_142, %broadcast_in_dim3A_58] : memref<160x1xf32, #tpu.memory_space<vmem>>[vector<16xi32>, vector<16xi32>], vector<16xf32>,
      %get3A_846 = arith.index_cast %multiple_of3A : i32 to index
      %get3A_847 = tpu.vector_load %arg13[%get3A_846] {strides = array<i32>} : memref<512xf32, #tpu.memory_space<vmem>>, vector<16xf32>,
      %add3A_848 = arith.addf %select_n3A_845, %get3A_847 : vector<16xf32>
      %add3A_849 = arith.addf %add3A_848, %gather3A : vector<16xf32>
      %add3A_850 = vector.broadcast %squeeze3A : f32 to vector<16xf32>
      %add3A_851 = arith.addf %add3A_849, %add3A_850 : vector<16xf32>
      %swap3A = arith.index_cast %multiple_of3A : i32 to index
      %swap3A_852 = tpu.vector_load %arg17[%swap3A] {strides = array<i32>} : memref<512xf32, #tpu.memory_space<vmem>>, vector<16xf32>,
      tpu.vector_store %arg17[%swap3A], %add3A_851 {strides = array<i32>} : memref<512xf32, #tpu.memory_space<vmem>>, vector<16xf32>,
    }
    %scan3A_77 = arith.constant 8 : i32
    %dma_wait3A_78 = arith.constant 128 : i32
    %dma_wait3A_79 = arith.constant 0 : i32
    %dma_wait3A_80 = tpu.memref_slice %arg12[%dma_wait3A_78, %dma_wait3A_79] : memref<512x64xf32, #tpu.memory_space<vmem>> -> memref<128x64xf32, #tpu.memory_space<vmem>>
    %dma_wait3A_81 = arith.constant 128 : i32
    %dma_wait3A_82 = tpu.memref_slice %arg10[%dma_wait3A_81] : memref<512xi32, #tpu.memory_space<vmem>> -> memref<128xi32, #tpu.memory_space<vmem>>
    %dma_wait3A_83 = arith.constant 0 : i32
    %dma_wait3A_84 = arith.constant 0 : i32
    %dma_wait3A_85 = tpu.memref_slice %arg4[%dma_wait3A_83, %dma_wait3A_84] : memref<63979x64xf32, #tpu.memory_space<hbm>> -> memref<63979x64xf32, #tpu.memory_space<hbm>>
    tpu.wait_indirect_dma semaphore(%arg19 : memref<!tpu.dma_semaphore, #tpu.memory_space<semaphore_mem>>) src(%dma_wait3A_85 : memref<63979x64xf32, #tpu.memory_space<hbm>>) dst(%dma_wait3A_80 : memref<128x64xf32, #tpu.memory_space<vmem>>)
    %dma_wait3A_86 = arith.constant 128 : i32
    %dma_wait3A_87 = tpu.memref_slice %arg13[%dma_wait3A_86] : memref<512xf32, #tpu.memory_space<vmem>> -> memref<128xf32, #tpu.memory_space<vmem>>
    %dma_wait3A_88 = arith.constant 128 : i32
    %dma_wait3A_89 = tpu.memref_slice %arg10[%dma_wait3A_88] : memref<512xi32, #tpu.memory_space<vmem>> -> memref<128xi32, #tpu.memory_space<vmem>>
    %dma_wait3A_90 = arith.constant 0 : i32
    %dma_wait3A_91 = tpu.memref_slice %arg6[%dma_wait3A_90] : memref<63979xf32, #tpu.memory_space<hbm>> -> memref<63979xf32, #tpu.memory_space<hbm>>
    tpu.wait_indirect_dma semaphore(%arg23 : memref<!tpu.dma_semaphore, #tpu.memory_space<semaphore_mem>>) src(%dma_wait3A_91 : memref<63979xf32, #tpu.memory_space<hbm>>) dst(%dma_wait3A_87 : memref<128xf32, #tpu.memory_space<vmem>>)
    %scan3A_92 = arith.constant 0 : i32
    %scan3A_93 = arith.constant 8 : i32
    %scan3A_94 = arith.constant 8 : i32
    %scan3A_95 = arith.addi %scan3A_93, %scan3A_94 : i32
    %scan3A_96 = arith.constant 1 : i32
    scf.for %scan3A_138 = %scan3A_93 to %scan3A_95 step %scan3A_96  : i32 {
      %mul3A_139 = arith.constant 16 : i32
      %mul3A_140 = arith.muli %scan3A_138, %mul3A_139 : i32
      %multiple_of3A = tpu.assume_multiple %mul3A_140, 16 : i32
      %get3A_141 = arith.index_cast %multiple_of3A : i32 to index
      %get3A_142 = tpu.vector_load %arg11[%get3A_141] {strides = array<i32>} : memref<512xi32, #tpu.memory_space<vmem>>, vector<16xi32>,
      %broadcast_in_dim3A_143 = arith.constant 0.000000e+00 : f32
      %broadcast_in_dim3A_144 = vector.broadcast %broadcast_in_dim3A_143 : f32 to vector<16xf32>
      %add3A_145 = arith.constant 0 : i32
      %add3A_146 = arith.addi %multiple_of3A, %add3A_145 : i32
      %slice3A_147 = vector.extract_strided_slice %get3A_142 {offsets = [0], sizes = [1], strides = [1]} : vector<16xi32> to vector<1xi32>
      %squeeze3A_148 = vector.extract %slice3A_147[0] : i32 from vector<1xi32>
      %get3A_149 = arith.index_cast %add3A_146 : i32 to index
      %get3A_150 = arith.constant 0 : index
      %get3A_151 = tpu.vector_load %arg12[%get3A_149, %get3A_150] {strides = array<i32>} : memref<512x64xf32, #tpu.memory_space<vmem>>, vector<16xf32>,
      %get3A_152 = arith.index_cast %squeeze3A_148 : i32 to index
      %get3A_153 = arith.constant 0 : index
      %get3A_154 = tpu.vector_load %arg14[%get3A_152, %get3A_153] {strides = array<i32>} : memref<151x64xf32, #tpu.memory_space<vmem>>, vector<16xf32>,
      %mul3A_155 = arith.mulf %get3A_151, %get3A_154 : vector<16xf32>
      %get3A_156 = arith.index_cast %add3A_146 : i32 to index
      %get3A_157 = arith.constant 16 : index
      %get3A_158 = tpu.vector_load %arg12[%get3A_156, %get3A_157] {strides = array<i32>} : memref<512x64xf32, #tpu.memory_space<vmem>>, vector<16xf32>,
      %get3A_159 = arith.index_cast %squeeze3A_148 : i32 to index
      %get3A_160 = arith.constant 16 : index
      %get3A_161 = tpu.vector_load %arg14[%get3A_159, %get3A_160] {strides = array<i32>} : memref<151x64xf32, #tpu.memory_space<vmem>>, vector<16xf32>,
      %mul3A_162 = arith.mulf %get3A_158, %get3A_161 : vector<16xf32>
      %add3A_163 = arith.addf %mul3A_162, %mul3A_155 : vector<16xf32>
      %get3A_164 = arith.index_cast %add3A_146 : i32 to index
      %get3A_165 = arith.constant 32 : index
      %get3A_166 = tpu.vector_load %arg12[%get3A_164, %get3A_165] {strides = array<i32>} : memref<512x64xf32, #tpu.memory_space<vmem>>, vector<16xf32>,
      %get3A_167 = arith.index_cast %squeeze3A_148 : i32 to index
      %get3A_168 = arith.constant 32 : index
      %get3A_169 = tpu.vector_load %arg14[%get3A_167, %get3A_168] {strides = array<i32>} : memref<151x64xf32, #tpu.memory_space<vmem>>, vector<16xf32>,
      %mul3A_170 = arith.mulf %get3A_166, %get3A_169 : vector<16xf32>
      %add3A_171 = arith.addf %mul3A_170, %add3A_163 : vector<16xf32>
      %get3A_172 = arith.index_cast %add3A_146 : i32 to index
      %get3A_173 = arith.constant 48 : index
      %get3A_174 = tpu.vector_load %arg12[%get3A_172, %get3A_173] {strides = array<i32>} : memref<512x64xf32, #tpu.memory_space<vmem>>, vector<16xf32>,
      %get3A_175 = arith.index_cast %squeeze3A_148 : i32 to index
      %get3A_176 = arith.constant 48 : index
      %get3A_177 = tpu.vector_load %arg14[%get3A_175, %get3A_176] {strides = array<i32>} : memref<151x64xf32, #tpu.memory_space<vmem>>, vector<16xf32>,
      %mul3A_178 = arith.mulf %get3A_174, %get3A_177 : vector<16xf32>
      %add3A_179 = arith.addf %mul3A_178, %add3A_171 : vector<16xf32>
      %reduce_sum3A = arith.constant true
      %reduce_sum3A_180 = vector.broadcast %reduce_sum3A : i1 to vector<16xi1>
      %reduce_sum3A_181 = tpu.scan <sum>, %add3A_179 masked %reduce_sum3A_180 : vector<16xf32>, vector<16xi1> -> vector<16xf32>
      %reduce_sum3A_182 = vector.extract %reduce_sum3A_181[15] : f32 from vector<16xf32>
      %eq3A = arith.constant 0 : i32
      %eq3A_183 = vector.broadcast %eq3A : i32 to vector<16xi32>
      %eq3A_184 = arith.cmpi eq, %iota3A, %eq3A_183 : vector<16xi32>
      %broadcast_in_dim3A_185 = vector.broadcast %reduce_sum3A_182 : f32 to vector<16xf32>
      %select_n3A = arith.select %eq3A_184, %broadcast_in_dim3A_185, %broadcast_in_dim3A_144 : vector<16xi1>, vector<16xf32>
      %add3A_186 = arith.constant 1 : i32
      %add3A_187 = arith.addi %multiple_of3A, %add3A_186 : i32
      %slice3A_188 = vector.extract_strided_slice %get3A_142 {offsets = [1], sizes = [1], strides = [1]} : vector<16xi32> to vector<1xi32>
      %squeeze3A_189 = vector.extract %slice3A_188[0] : i32 from vector<1xi32>
      %get3A_190 = arith.index_cast %add3A_187 : i32 to index
      %get3A_191 = arith.constant 0 : index
      %get3A_192 = tpu.vector_load %arg12[%get3A_190, %get3A_191] {strides = array<i32>} : memref<512x64xf32, #tpu.memory_space<vmem>>, vector<16xf32>,
      %get3A_193 = arith.index_cast %squeeze3A_189 : i32 to index
      %get3A_194 = arith.constant 0 : index
      %get3A_195 = tpu.vector_load %arg14[%get3A_193, %get3A_194] {strides = array<i32>} : memref<151x64xf32, #tpu.memory_space<vmem>>, vector<16xf32>,
      %mul3A_196 = arith.mulf %get3A_192, %get3A_195 : vector<16xf32>
      %get3A_197 = arith.index_cast %add3A_187 : i32 to index
      %get3A_198 = arith.constant 16 : index
      %get3A_199 = tpu.vector_load %arg12[%get3A_197, %get3A_198] {strides = array<i32>} : memref<512x64xf32, #tpu.memory_space<vmem>>, vector<16xf32>,
      %get3A_200 = arith.index_cast %squeeze3A_189 : i32 to index
      %get3A_201 = arith.constant 16 : index
      %get3A_202 = tpu.vector_load %arg14[%get3A_200, %get3A_201] {strides = array<i32>} : memref<151x64xf32, #tpu.memory_space<vmem>>, vector<16xf32>,
      %mul3A_203 = arith.mulf %get3A_199, %get3A_202 : vector<16xf32>
      %add3A_204 = arith.addf %mul3A_203, %mul3A_196 : vector<16xf32>
      %get3A_205 = arith.index_cast %add3A_187 : i32 to index
      %get3A_206 = arith.constant 32 : index
      %get3A_207 = tpu.vector_load %arg12[%get3A_205, %get3A_206] {strides = array<i32>} : memref<512x64xf32, #tpu.memory_space<vmem>>, vector<16xf32>,
      %get3A_208 = arith.index_cast %squeeze3A_189 : i32 to index
      %get3A_209 = arith.constant 32 : index
      %get3A_210 = tpu.vector_load %arg14[%get3A_208, %get3A_209] {strides = array<i32>} : memref<151x64xf32, #tpu.memory_space<vmem>>, vector<16xf32>,
      %mul3A_211 = arith.mulf %get3A_207, %get3A_210 : vector<16xf32>
      %add3A_212 = arith.addf %mul3A_211, %add3A_204 : vector<16xf32>
      %get3A_213 = arith.index_cast %add3A_187 : i32 to index
      %get3A_214 = arith.constant 48 : index
      %get3A_215 = tpu.vector_load %arg12[%get3A_213, %get3A_214] {strides = array<i32>} : memref<512x64xf32, #tpu.memory_space<vmem>>, vector<16xf32>,
      %get3A_216 = arith.index_cast %squeeze3A_189 : i32 to index
      %get3A_217 = arith.constant 48 : index
      %get3A_218 = tpu.vector_load %arg14[%get3A_216, %get3A_217] {strides = array<i32>} : memref<151x64xf32, #tpu.memory_space<vmem>>, vector<16xf32>,
      %mul3A_219 = arith.mulf %get3A_215, %get3A_218 : vector<16xf32>
      %add3A_220 = arith.addf %mul3A_219, %add3A_212 : vector<16xf32>
      %reduce_sum3A_221 = arith.constant true
      %reduce_sum3A_222 = vector.broadcast %reduce_sum3A_221 : i1 to vector<16xi1>
      %reduce_sum3A_223 = tpu.scan <sum>, %add3A_220 masked %reduce_sum3A_222 : vector<16xf32>, vector<16xi1> -> vector<16xf32>
      %reduce_sum3A_224 = vector.extract %reduce_sum3A_223[15] : f32 from vector<16xf32>
      %eq3A_225 = arith.constant 1 : i32
      %eq3A_226 = vector.broadcast %eq3A_225 : i32 to vector<16xi32>
      %eq3A_227 = arith.cmpi eq, %iota3A, %eq3A_226 : vector<16xi32>
      %broadcast_in_dim3A_228 = vector.broadcast %reduce_sum3A_224 : f32 to vector<16xf32>
      %select_n3A_229 = arith.select %eq3A_227, %broadcast_in_dim3A_228, %select_n3A : vector<16xi1>, vector<16xf32>
      %add3A_230 = arith.constant 2 : i32
      %add3A_231 = arith.addi %multiple_of3A, %add3A_230 : i32
      %slice3A_232 = vector.extract_strided_slice %get3A_142 {offsets = [2], sizes = [1], strides = [1]} : vector<16xi32> to vector<1xi32>
      %squeeze3A_233 = vector.extract %slice3A_232[0] : i32 from vector<1xi32>
      %get3A_234 = arith.index_cast %add3A_231 : i32 to index
      %get3A_235 = arith.constant 0 : index
      %get3A_236 = tpu.vector_load %arg12[%get3A_234, %get3A_235] {strides = array<i32>} : memref<512x64xf32, #tpu.memory_space<vmem>>, vector<16xf32>,
      %get3A_237 = arith.index_cast %squeeze3A_233 : i32 to index
      %get3A_238 = arith.constant 0 : index
      %get3A_239 = tpu.vector_load %arg14[%get3A_237, %get3A_238] {strides = array<i32>} : memref<151x64xf32, #tpu.memory_space<vmem>>, vector<16xf32>,
      %mul3A_240 = arith.mulf %get3A_236, %get3A_239 : vector<16xf32>
      %get3A_241 = arith.index_cast %add3A_231 : i32 to index
      %get3A_242 = arith.constant 16 : index
      %get3A_243 = tpu.vector_load %arg12[%get3A_241, %get3A_242] {strides = array<i32>} : memref<512x64xf32, #tpu.memory_space<vmem>>, vector<16xf32>,
      %get3A_244 = arith.index_cast %squeeze3A_233 : i32 to index
      %get3A_245 = arith.constant 16 : index
      %get3A_246 = tpu.vector_load %arg14[%get3A_244, %get3A_245] {strides = array<i32>} : memref<151x64xf32, #tpu.memory_space<vmem>>, vector<16xf32>,
      %mul3A_247 = arith.mulf %get3A_243, %get3A_246 : vector<16xf32>
      %add3A_248 = arith.addf %mul3A_247, %mul3A_240 : vector<16xf32>
      %get3A_249 = arith.index_cast %add3A_231 : i32 to index
      %get3A_250 = arith.constant 32 : index
      %get3A_251 = tpu.vector_load %arg12[%get3A_249, %get3A_250] {strides = array<i32>} : memref<512x64xf32, #tpu.memory_space<vmem>>, vector<16xf32>,
      %get3A_252 = arith.index_cast %squeeze3A_233 : i32 to index
      %get3A_253 = arith.constant 32 : index
      %get3A_254 = tpu.vector_load %arg14[%get3A_252, %get3A_253] {strides = array<i32>} : memref<151x64xf32, #tpu.memory_space<vmem>>, vector<16xf32>,
      %mul3A_255 = arith.mulf %get3A_251, %get3A_254 : vector<16xf32>
      %add3A_256 = arith.addf %mul3A_255, %add3A_248 : vector<16xf32>
      %get3A_257 = arith.index_cast %add3A_231 : i32 to index
      %get3A_258 = arith.constant 48 : index
      %get3A_259 = tpu.vector_load %arg12[%get3A_257, %get3A_258] {strides = array<i32>} : memref<512x64xf32, #tpu.memory_space<vmem>>, vector<16xf32>,
      %get3A_260 = arith.index_cast %squeeze3A_233 : i32 to index
      %get3A_261 = arith.constant 48 : index
      %get3A_262 = tpu.vector_load %arg14[%get3A_260, %get3A_261] {strides = array<i32>} : memref<151x64xf32, #tpu.memory_space<vmem>>, vector<16xf32>,
      %mul3A_263 = arith.mulf %get3A_259, %get3A_262 : vector<16xf32>
      %add3A_264 = arith.addf %mul3A_263, %add3A_256 : vector<16xf32>
      %reduce_sum3A_265 = arith.constant true
      %reduce_sum3A_266 = vector.broadcast %reduce_sum3A_265 : i1 to vector<16xi1>
      %reduce_sum3A_267 = tpu.scan <sum>, %add3A_264 masked %reduce_sum3A_266 : vector<16xf32>, vector<16xi1> -> vector<16xf32>
      %reduce_sum3A_268 = vector.extract %reduce_sum3A_267[15] : f32 from vector<16xf32>
      %eq3A_269 = arith.constant 2 : i32
      %eq3A_270 = vector.broadcast %eq3A_269 : i32 to vector<16xi32>
      %eq3A_271 = arith.cmpi eq, %iota3A, %eq3A_270 : vector<16xi32>
      %broadcast_in_dim3A_272 = vector.broadcast %reduce_sum3A_268 : f32 to vector<16xf32>
      %select_n3A_273 = arith.select %eq3A_271, %broadcast_in_dim3A_272, %select_n3A_229 : vector<16xi1>, vector<16xf32>
      %add3A_274 = arith.constant 3 : i32
      %add3A_275 = arith.addi %multiple_of3A, %add3A_274 : i32
      %slice3A_276 = vector.extract_strided_slice %get3A_142 {offsets = [3], sizes = [1], strides = [1]} : vector<16xi32> to vector<1xi32>
      %squeeze3A_277 = vector.extract %slice3A_276[0] : i32 from vector<1xi32>
      %get3A_278 = arith.index_cast %add3A_275 : i32 to index
      %get3A_279 = arith.constant 0 : index
      %get3A_280 = tpu.vector_load %arg12[%get3A_278, %get3A_279] {strides = array<i32>} : memref<512x64xf32, #tpu.memory_space<vmem>>, vector<16xf32>,
      %get3A_281 = arith.index_cast %squeeze3A_277 : i32 to index
      %get3A_282 = arith.constant 0 : index
      %get3A_283 = tpu.vector_load %arg14[%get3A_281, %get3A_282] {strides = array<i32>} : memref<151x64xf32, #tpu.memory_space<vmem>>, vector<16xf32>,
      %mul3A_284 = arith.mulf %get3A_280, %get3A_283 : vector<16xf32>
      %get3A_285 = arith.index_cast %add3A_275 : i32 to index
      %get3A_286 = arith.constant 16 : index
      %get3A_287 = tpu.vector_load %arg12[%get3A_285, %get3A_286] {strides = array<i32>} : memref<512x64xf32, #tpu.memory_space<vmem>>, vector<16xf32>,
      %get3A_288 = arith.index_cast %squeeze3A_277 : i32 to index
      %get3A_289 = arith.constant 16 : index
      %get3A_290 = tpu.vector_load %arg14[%get3A_288, %get3A_289] {strides = array<i32>} : memref<151x64xf32, #tpu.memory_space<vmem>>, vector<16xf32>,
      %mul3A_291 = arith.mulf %get3A_287, %get3A_290 : vector<16xf32>
      %add3A_292 = arith.addf %mul3A_291, %mul3A_284 : vector<16xf32>
      %get3A_293 = arith.index_cast %add3A_275 : i32 to index
      %get3A_294 = arith.constant 32 : index
      %get3A_295 = tpu.vector_load %arg12[%get3A_293, %get3A_294] {strides = array<i32>} : memref<512x64xf32, #tpu.memory_space<vmem>>, vector<16xf32>,
      %get3A_296 = arith.index_cast %squeeze3A_277 : i32 to index
      %get3A_297 = arith.constant 32 : index
      %get3A_298 = tpu.vector_load %arg14[%get3A_296, %get3A_297] {strides = array<i32>} : memref<151x64xf32, #tpu.memory_space<vmem>>, vector<16xf32>,
      %mul3A_299 = arith.mulf %get3A_295, %get3A_298 : vector<16xf32>
      %add3A_300 = arith.addf %mul3A_299, %add3A_292 : vector<16xf32>
      %get3A_301 = arith.index_cast %add3A_275 : i32 to index
      %get3A_302 = arith.constant 48 : index
      %get3A_303 = tpu.vector_load %arg12[%get3A_301, %get3A_302] {strides = array<i32>} : memref<512x64xf32, #tpu.memory_space<vmem>>, vector<16xf32>,
      %get3A_304 = arith.index_cast %squeeze3A_277 : i32 to index
      %get3A_305 = arith.constant 48 : index
      %get3A_306 = tpu.vector_load %arg14[%get3A_304, %get3A_305] {strides = array<i32>} : memref<151x64xf32, #tpu.memory_space<vmem>>, vector<16xf32>,
      %mul3A_307 = arith.mulf %get3A_303, %get3A_306 : vector<16xf32>
      %add3A_308 = arith.addf %mul3A_307, %add3A_300 : vector<16xf32>
      %reduce_sum3A_309 = arith.constant true
      %reduce_sum3A_310 = vector.broadcast %reduce_sum3A_309 : i1 to vector<16xi1>
      %reduce_sum3A_311 = tpu.scan <sum>, %add3A_308 masked %reduce_sum3A_310 : vector<16xf32>, vector<16xi1> -> vector<16xf32>
      %reduce_sum3A_312 = vector.extract %reduce_sum3A_311[15] : f32 from vector<16xf32>
      %eq3A_313 = arith.constant 3 : i32
      %eq3A_314 = vector.broadcast %eq3A_313 : i32 to vector<16xi32>
      %eq3A_315 = arith.cmpi eq, %iota3A, %eq3A_314 : vector<16xi32>
      %broadcast_in_dim3A_316 = vector.broadcast %reduce_sum3A_312 : f32 to vector<16xf32>
      %select_n3A_317 = arith.select %eq3A_315, %broadcast_in_dim3A_316, %select_n3A_273 : vector<16xi1>, vector<16xf32>
      %add3A_318 = arith.constant 4 : i32
      %add3A_319 = arith.addi %multiple_of3A, %add3A_318 : i32
      %slice3A_320 = vector.extract_strided_slice %get3A_142 {offsets = [4], sizes = [1], strides = [1]} : vector<16xi32> to vector<1xi32>
      %squeeze3A_321 = vector.extract %slice3A_320[0] : i32 from vector<1xi32>
      %get3A_322 = arith.index_cast %add3A_319 : i32 to index
      %get3A_323 = arith.constant 0 : index
      %get3A_324 = tpu.vector_load %arg12[%get3A_322, %get3A_323] {strides = array<i32>} : memref<512x64xf32, #tpu.memory_space<vmem>>, vector<16xf32>,
      %get3A_325 = arith.index_cast %squeeze3A_321 : i32 to index
      %get3A_326 = arith.constant 0 : index
      %get3A_327 = tpu.vector_load %arg14[%get3A_325, %get3A_326] {strides = array<i32>} : memref<151x64xf32, #tpu.memory_space<vmem>>, vector<16xf32>,
      %mul3A_328 = arith.mulf %get3A_324, %get3A_327 : vector<16xf32>
      %get3A_329 = arith.index_cast %add3A_319 : i32 to index
      %get3A_330 = arith.constant 16 : index
      %get3A_331 = tpu.vector_load %arg12[%get3A_329, %get3A_330] {strides = array<i32>} : memref<512x64xf32, #tpu.memory_space<vmem>>, vector<16xf32>,
      %get3A_332 = arith.index_cast %squeeze3A_321 : i32 to index
      %get3A_333 = arith.constant 16 : index
      %get3A_334 = tpu.vector_load %arg14[%get3A_332, %get3A_333] {strides = array<i32>} : memref<151x64xf32, #tpu.memory_space<vmem>>, vector<16xf32>,
      %mul3A_335 = arith.mulf %get3A_331, %get3A_334 : vector<16xf32>
      %add3A_336 = arith.addf %mul3A_335, %mul3A_328 : vector<16xf32>
      %get3A_337 = arith.index_cast %add3A_319 : i32 to index
      %get3A_338 = arith.constant 32 : index
      %get3A_339 = tpu.vector_load %arg12[%get3A_337, %get3A_338] {strides = array<i32>} : memref<512x64xf32, #tpu.memory_space<vmem>>, vector<16xf32>,
      %get3A_340 = arith.index_cast %squeeze3A_321 : i32 to index
      %get3A_341 = arith.constant 32 : index
      %get3A_342 = tpu.vector_load %arg14[%get3A_340, %get3A_341] {strides = array<i32>} : memref<151x64xf32, #tpu.memory_space<vmem>>, vector<16xf32>,
      %mul3A_343 = arith.mulf %get3A_339, %get3A_342 : vector<16xf32>
      %add3A_344 = arith.addf %mul3A_343, %add3A_336 : vector<16xf32>
      %get3A_345 = arith.index_cast %add3A_319 : i32 to index
      %get3A_346 = arith.constant 48 : index
      %get3A_347 = tpu.vector_load %arg12[%get3A_345, %get3A_346] {strides = array<i32>} : memref<512x64xf32, #tpu.memory_space<vmem>>, vector<16xf32>,
      %get3A_348 = arith.index_cast %squeeze3A_321 : i32 to index
      %get3A_349 = arith.constant 48 : index
      %get3A_350 = tpu.vector_load %arg14[%get3A_348, %get3A_349] {strides = array<i32>} : memref<151x64xf32, #tpu.memory_space<vmem>>, vector<16xf32>,
      %mul3A_351 = arith.mulf %get3A_347, %get3A_350 : vector<16xf32>
      %add3A_352 = arith.addf %mul3A_351, %add3A_344 : vector<16xf32>
      %reduce_sum3A_353 = arith.constant true
      %reduce_sum3A_354 = vector.broadcast %reduce_sum3A_353 : i1 to vector<16xi1>
      %reduce_sum3A_355 = tpu.scan <sum>, %add3A_352 masked %reduce_sum3A_354 : vector<16xf32>, vector<16xi1> -> vector<16xf32>
      %reduce_sum3A_356 = vector.extract %reduce_sum3A_355[15] : f32 from vector<16xf32>
      %eq3A_357 = arith.constant 4 : i32
      %eq3A_358 = vector.broadcast %eq3A_357 : i32 to vector<16xi32>
      %eq3A_359 = arith.cmpi eq, %iota3A, %eq3A_358 : vector<16xi32>
      %broadcast_in_dim3A_360 = vector.broadcast %reduce_sum3A_356 : f32 to vector<16xf32>
      %select_n3A_361 = arith.select %eq3A_359, %broadcast_in_dim3A_360, %select_n3A_317 : vector<16xi1>, vector<16xf32>
      %add3A_362 = arith.constant 5 : i32
      %add3A_363 = arith.addi %multiple_of3A, %add3A_362 : i32
      %slice3A_364 = vector.extract_strided_slice %get3A_142 {offsets = [5], sizes = [1], strides = [1]} : vector<16xi32> to vector<1xi32>
      %squeeze3A_365 = vector.extract %slice3A_364[0] : i32 from vector<1xi32>
      %get3A_366 = arith.index_cast %add3A_363 : i32 to index
      %get3A_367 = arith.constant 0 : index
      %get3A_368 = tpu.vector_load %arg12[%get3A_366, %get3A_367] {strides = array<i32>} : memref<512x64xf32, #tpu.memory_space<vmem>>, vector<16xf32>,
      %get3A_369 = arith.index_cast %squeeze3A_365 : i32 to index
      %get3A_370 = arith.constant 0 : index
      %get3A_371 = tpu.vector_load %arg14[%get3A_369, %get3A_370] {strides = array<i32>} : memref<151x64xf32, #tpu.memory_space<vmem>>, vector<16xf32>,
      %mul3A_372 = arith.mulf %get3A_368, %get3A_371 : vector<16xf32>
      %get3A_373 = arith.index_cast %add3A_363 : i32 to index
      %get3A_374 = arith.constant 16 : index
      %get3A_375 = tpu.vector_load %arg12[%get3A_373, %get3A_374] {strides = array<i32>} : memref<512x64xf32, #tpu.memory_space<vmem>>, vector<16xf32>,
      %get3A_376 = arith.index_cast %squeeze3A_365 : i32 to index
      %get3A_377 = arith.constant 16 : index
      %get3A_378 = tpu.vector_load %arg14[%get3A_376, %get3A_377] {strides = array<i32>} : memref<151x64xf32, #tpu.memory_space<vmem>>, vector<16xf32>,
      %mul3A_379 = arith.mulf %get3A_375, %get3A_378 : vector<16xf32>
      %add3A_380 = arith.addf %mul3A_379, %mul3A_372 : vector<16xf32>
      %get3A_381 = arith.index_cast %add3A_363 : i32 to index
      %get3A_382 = arith.constant 32 : index
      %get3A_383 = tpu.vector_load %arg12[%get3A_381, %get3A_382] {strides = array<i32>} : memref<512x64xf32, #tpu.memory_space<vmem>>, vector<16xf32>,
      %get3A_384 = arith.index_cast %squeeze3A_365 : i32 to index
      %get3A_385 = arith.constant 32 : index
      %get3A_386 = tpu.vector_load %arg14[%get3A_384, %get3A_385] {strides = array<i32>} : memref<151x64xf32, #tpu.memory_space<vmem>>, vector<16xf32>,
      %mul3A_387 = arith.mulf %get3A_383, %get3A_386 : vector<16xf32>
      %add3A_388 = arith.addf %mul3A_387, %add3A_380 : vector<16xf32>
      %get3A_389 = arith.index_cast %add3A_363 : i32 to index
      %get3A_390 = arith.constant 48 : index
      %get3A_391 = tpu.vector_load %arg12[%get3A_389, %get3A_390] {strides = array<i32>} : memref<512x64xf32, #tpu.memory_space<vmem>>, vector<16xf32>,
      %get3A_392 = arith.index_cast %squeeze3A_365 : i32 to index
      %get3A_393 = arith.constant 48 : index
      %get3A_394 = tpu.vector_load %arg14[%get3A_392, %get3A_393] {strides = array<i32>} : memref<151x64xf32, #tpu.memory_space<vmem>>, vector<16xf32>,
      %mul3A_395 = arith.mulf %get3A_391, %get3A_394 : vector<16xf32>
      %add3A_396 = arith.addf %mul3A_395, %add3A_388 : vector<16xf32>
      %reduce_sum3A_397 = arith.constant true
      %reduce_sum3A_398 = vector.broadcast %reduce_sum3A_397 : i1 to vector<16xi1>
      %reduce_sum3A_399 = tpu.scan <sum>, %add3A_396 masked %reduce_sum3A_398 : vector<16xf32>, vector<16xi1> -> vector<16xf32>
      %reduce_sum3A_400 = vector.extract %reduce_sum3A_399[15] : f32 from vector<16xf32>
      %eq3A_401 = arith.constant 5 : i32
      %eq3A_402 = vector.broadcast %eq3A_401 : i32 to vector<16xi32>
      %eq3A_403 = arith.cmpi eq, %iota3A, %eq3A_402 : vector<16xi32>
      %broadcast_in_dim3A_404 = vector.broadcast %reduce_sum3A_400 : f32 to vector<16xf32>
      %select_n3A_405 = arith.select %eq3A_403, %broadcast_in_dim3A_404, %select_n3A_361 : vector<16xi1>, vector<16xf32>
      %add3A_406 = arith.constant 6 : i32
      %add3A_407 = arith.addi %multiple_of3A, %add3A_406 : i32
      %slice3A_408 = vector.extract_strided_slice %get3A_142 {offsets = [6], sizes = [1], strides = [1]} : vector<16xi32> to vector<1xi32>
      %squeeze3A_409 = vector.extract %slice3A_408[0] : i32 from vector<1xi32>
      %get3A_410 = arith.index_cast %add3A_407 : i32 to index
      %get3A_411 = arith.constant 0 : index
      %get3A_412 = tpu.vector_load %arg12[%get3A_410, %get3A_411] {strides = array<i32>} : memref<512x64xf32, #tpu.memory_space<vmem>>, vector<16xf32>,
      %get3A_413 = arith.index_cast %squeeze3A_409 : i32 to index
      %get3A_414 = arith.constant 0 : index
      %get3A_415 = tpu.vector_load %arg14[%get3A_413, %get3A_414] {strides = array<i32>} : memref<151x64xf32, #tpu.memory_space<vmem>>, vector<16xf32>,
      %mul3A_416 = arith.mulf %get3A_412, %get3A_415 : vector<16xf32>
      %get3A_417 = arith.index_cast %add3A_407 : i32 to index
      %get3A_418 = arith.constant 16 : index
      %get3A_419 = tpu.vector_load %arg12[%get3A_417, %get3A_418] {strides = array<i32>} : memref<512x64xf32, #tpu.memory_space<vmem>>, vector<16xf32>,
      %get3A_420 = arith.index_cast %squeeze3A_409 : i32 to index
      %get3A_421 = arith.constant 16 : index
      %get3A_422 = tpu.vector_load %arg14[%get3A_420, %get3A_421] {strides = array<i32>} : memref<151x64xf32, #tpu.memory_space<vmem>>, vector<16xf32>,
      %mul3A_423 = arith.mulf %get3A_419, %get3A_422 : vector<16xf32>
      %add3A_424 = arith.addf %mul3A_423, %mul3A_416 : vector<16xf32>
      %get3A_425 = arith.index_cast %add3A_407 : i32 to index
      %get3A_426 = arith.constant 32 : index
      %get3A_427 = tpu.vector_load %arg12[%get3A_425, %get3A_426] {strides = array<i32>} : memref<512x64xf32, #tpu.memory_space<vmem>>, vector<16xf32>,
      %get3A_428 = arith.index_cast %squeeze3A_409 : i32 to index
      %get3A_429 = arith.constant 32 : index
      %get3A_430 = tpu.vector_load %arg14[%get3A_428, %get3A_429] {strides = array<i32>} : memref<151x64xf32, #tpu.memory_space<vmem>>, vector<16xf32>,
      %mul3A_431 = arith.mulf %get3A_427, %get3A_430 : vector<16xf32>
      %add3A_432 = arith.addf %mul3A_431, %add3A_424 : vector<16xf32>
      %get3A_433 = arith.index_cast %add3A_407 : i32 to index
      %get3A_434 = arith.constant 48 : index
      %get3A_435 = tpu.vector_load %arg12[%get3A_433, %get3A_434] {strides = array<i32>} : memref<512x64xf32, #tpu.memory_space<vmem>>, vector<16xf32>,
      %get3A_436 = arith.index_cast %squeeze3A_409 : i32 to index
      %get3A_437 = arith.constant 48 : index
      %get3A_438 = tpu.vector_load %arg14[%get3A_436, %get3A_437] {strides = array<i32>} : memref<151x64xf32, #tpu.memory_space<vmem>>, vector<16xf32>,
      %mul3A_439 = arith.mulf %get3A_435, %get3A_438 : vector<16xf32>
      %add3A_440 = arith.addf %mul3A_439, %add3A_432 : vector<16xf32>
      %reduce_sum3A_441 = arith.constant true
      %reduce_sum3A_442 = vector.broadcast %reduce_sum3A_441 : i1 to vector<16xi1>
      %reduce_sum3A_443 = tpu.scan <sum>, %add3A_440 masked %reduce_sum3A_442 : vector<16xf32>, vector<16xi1> -> vector<16xf32>
      %reduce_sum3A_444 = vector.extract %reduce_sum3A_443[15] : f32 from vector<16xf32>
      %eq3A_445 = arith.constant 6 : i32
      %eq3A_446 = vector.broadcast %eq3A_445 : i32 to vector<16xi32>
      %eq3A_447 = arith.cmpi eq, %iota3A, %eq3A_446 : vector<16xi32>
      %broadcast_in_dim3A_448 = vector.broadcast %reduce_sum3A_444 : f32 to vector<16xf32>
      %select_n3A_449 = arith.select %eq3A_447, %broadcast_in_dim3A_448, %select_n3A_405 : vector<16xi1>, vector<16xf32>
      %add3A_450 = arith.constant 7 : i32
      %add3A_451 = arith.addi %multiple_of3A, %add3A_450 : i32
      %slice3A_452 = vector.extract_strided_slice %get3A_142 {offsets = [7], sizes = [1], strides = [1]} : vector<16xi32> to vector<1xi32>
      %squeeze3A_453 = vector.extract %slice3A_452[0] : i32 from vector<1xi32>
      %get3A_454 = arith.index_cast %add3A_451 : i32 to index
      %get3A_455 = arith.constant 0 : index
      %get3A_456 = tpu.vector_load %arg12[%get3A_454, %get3A_455] {strides = array<i32>} : memref<512x64xf32, #tpu.memory_space<vmem>>, vector<16xf32>,
      %get3A_457 = arith.index_cast %squeeze3A_453 : i32 to index
      %get3A_458 = arith.constant 0 : index
      %get3A_459 = tpu.vector_load %arg14[%get3A_457, %get3A_458] {strides = array<i32>} : memref<151x64xf32, #tpu.memory_space<vmem>>, vector<16xf32>,
      %mul3A_460 = arith.mulf %get3A_456, %get3A_459 : vector<16xf32>
      %get3A_461 = arith.index_cast %add3A_451 : i32 to index
      %get3A_462 = arith.constant 16 : index
      %get3A_463 = tpu.vector_load %arg12[%get3A_461, %get3A_462] {strides = array<i32>} : memref<512x64xf32, #tpu.memory_space<vmem>>, vector<16xf32>,
      %get3A_464 = arith.index_cast %squeeze3A_453 : i32 to index
      %get3A_465 = arith.constant 16 : index
      %get3A_466 = tpu.vector_load %arg14[%get3A_464, %get3A_465] {strides = array<i32>} : memref<151x64xf32, #tpu.memory_space<vmem>>, vector<16xf32>,
      %mul3A_467 = arith.mulf %get3A_463, %get3A_466 : vector<16xf32>
      %add3A_468 = arith.addf %mul3A_467, %mul3A_460 : vector<16xf32>
      %get3A_469 = arith.index_cast %add3A_451 : i32 to index
      %get3A_470 = arith.constant 32 : index
      %get3A_471 = tpu.vector_load %arg12[%get3A_469, %get3A_470] {strides = array<i32>} : memref<512x64xf32, #tpu.memory_space<vmem>>, vector<16xf32>,
      %get3A_472 = arith.index_cast %squeeze3A_453 : i32 to index
      %get3A_473 = arith.constant 32 : index
      %get3A_474 = tpu.vector_load %arg14[%get3A_472, %get3A_473] {strides = array<i32>} : memref<151x64xf32, #tpu.memory_space<vmem>>, vector<16xf32>,
      %mul3A_475 = arith.mulf %get3A_471, %get3A_474 : vector<16xf32>
      %add3A_476 = arith.addf %mul3A_475, %add3A_468 : vector<16xf32>
      %get3A_477 = arith.index_cast %add3A_451 : i32 to index
      %get3A_478 = arith.constant 48 : index
      %get3A_479 = tpu.vector_load %arg12[%get3A_477, %get3A_478] {strides = array<i32>} : memref<512x64xf32, #tpu.memory_space<vmem>>, vector<16xf32>,
      %get3A_480 = arith.index_cast %squeeze3A_453 : i32 to index
      %get3A_481 = arith.constant 48 : index
      %get3A_482 = tpu.vector_load %arg14[%get3A_480, %get3A_481] {strides = array<i32>} : memref<151x64xf32, #tpu.memory_space<vmem>>, vector<16xf32>,
      %mul3A_483 = arith.mulf %get3A_479, %get3A_482 : vector<16xf32>
      %add3A_484 = arith.addf %mul3A_483, %add3A_476 : vector<16xf32>
      %reduce_sum3A_485 = arith.constant true
      %reduce_sum3A_486 = vector.broadcast %reduce_sum3A_485 : i1 to vector<16xi1>
      %reduce_sum3A_487 = tpu.scan <sum>, %add3A_484 masked %reduce_sum3A_486 : vector<16xf32>, vector<16xi1> -> vector<16xf32>
      %reduce_sum3A_488 = vector.extract %reduce_sum3A_487[15] : f32 from vector<16xf32>
      %eq3A_489 = arith.constant 7 : i32
      %eq3A_490 = vector.broadcast %eq3A_489 : i32 to vector<16xi32>
      %eq3A_491 = arith.cmpi eq, %iota3A, %eq3A_490 : vector<16xi32>
      %broadcast_in_dim3A_492 = vector.broadcast %reduce_sum3A_488 : f32 to vector<16xf32>
      %select_n3A_493 = arith.select %eq3A_491, %broadcast_in_dim3A_492, %select_n3A_449 : vector<16xi1>, vector<16xf32>
      %add3A_494 = arith.constant 8 : i32
      %add3A_495 = arith.addi %multiple_of3A, %add3A_494 : i32
      %slice3A_496 = vector.extract_strided_slice %get3A_142 {offsets = [8], sizes = [1], strides = [1]} : vector<16xi32> to vector<1xi32>
      %squeeze3A_497 = vector.extract %slice3A_496[0] : i32 from vector<1xi32>
      %get3A_498 = arith.index_cast %add3A_495 : i32 to index
      %get3A_499 = arith.constant 0 : index
      %get3A_500 = tpu.vector_load %arg12[%get3A_498, %get3A_499] {strides = array<i32>} : memref<512x64xf32, #tpu.memory_space<vmem>>, vector<16xf32>,
      %get3A_501 = arith.index_cast %squeeze3A_497 : i32 to index
      %get3A_502 = arith.constant 0 : index
      %get3A_503 = tpu.vector_load %arg14[%get3A_501, %get3A_502] {strides = array<i32>} : memref<151x64xf32, #tpu.memory_space<vmem>>, vector<16xf32>,
      %mul3A_504 = arith.mulf %get3A_500, %get3A_503 : vector<16xf32>
      %get3A_505 = arith.index_cast %add3A_495 : i32 to index
      %get3A_506 = arith.constant 16 : index
      %get3A_507 = tpu.vector_load %arg12[%get3A_505, %get3A_506] {strides = array<i32>} : memref<512x64xf32, #tpu.memory_space<vmem>>, vector<16xf32>,
      %get3A_508 = arith.index_cast %squeeze3A_497 : i32 to index
      %get3A_509 = arith.constant 16 : index
      %get3A_510 = tpu.vector_load %arg14[%get3A_508, %get3A_509] {strides = array<i32>} : memref<151x64xf32, #tpu.memory_space<vmem>>, vector<16xf32>,
      %mul3A_511 = arith.mulf %get3A_507, %get3A_510 : vector<16xf32>
      %add3A_512 = arith.addf %mul3A_511, %mul3A_504 : vector<16xf32>
      %get3A_513 = arith.index_cast %add3A_495 : i32 to index
      %get3A_514 = arith.constant 32 : index
      %get3A_515 = tpu.vector_load %arg12[%get3A_513, %get3A_514] {strides = array<i32>} : memref<512x64xf32, #tpu.memory_space<vmem>>, vector<16xf32>,
      %get3A_516 = arith.index_cast %squeeze3A_497 : i32 to index
      %get3A_517 = arith.constant 32 : index
      %get3A_518 = tpu.vector_load %arg14[%get3A_516, %get3A_517] {strides = array<i32>} : memref<151x64xf32, #tpu.memory_space<vmem>>, vector<16xf32>,
      %mul3A_519 = arith.mulf %get3A_515, %get3A_518 : vector<16xf32>
      %add3A_520 = arith.addf %mul3A_519, %add3A_512 : vector<16xf32>
      %get3A_521 = arith.index_cast %add3A_495 : i32 to index
      %get3A_522 = arith.constant 48 : index
      %get3A_523 = tpu.vector_load %arg12[%get3A_521, %get3A_522] {strides = array<i32>} : memref<512x64xf32, #tpu.memory_space<vmem>>, vector<16xf32>,
      %get3A_524 = arith.index_cast %squeeze3A_497 : i32 to index
      %get3A_525 = arith.constant 48 : index
      %get3A_526 = tpu.vector_load %arg14[%get3A_524, %get3A_525] {strides = array<i32>} : memref<151x64xf32, #tpu.memory_space<vmem>>, vector<16xf32>,
      %mul3A_527 = arith.mulf %get3A_523, %get3A_526 : vector<16xf32>
      %add3A_528 = arith.addf %mul3A_527, %add3A_520 : vector<16xf32>
      %reduce_sum3A_529 = arith.constant true
      %reduce_sum3A_530 = vector.broadcast %reduce_sum3A_529 : i1 to vector<16xi1>
      %reduce_sum3A_531 = tpu.scan <sum>, %add3A_528 masked %reduce_sum3A_530 : vector<16xf32>, vector<16xi1> -> vector<16xf32>
      %reduce_sum3A_532 = vector.extract %reduce_sum3A_531[15] : f32 from vector<16xf32>
      %eq3A_533 = arith.constant 8 : i32
      %eq3A_534 = vector.broadcast %eq3A_533 : i32 to vector<16xi32>
      %eq3A_535 = arith.cmpi eq, %iota3A, %eq3A_534 : vector<16xi32>
      %broadcast_in_dim3A_536 = vector.broadcast %reduce_sum3A_532 : f32 to vector<16xf32>
      %select_n3A_537 = arith.select %eq3A_535, %broadcast_in_dim3A_536, %select_n3A_493 : vector<16xi1>, vector<16xf32>
      %add3A_538 = arith.constant 9 : i32
      %add3A_539 = arith.addi %multiple_of3A, %add3A_538 : i32
      %slice3A_540 = vector.extract_strided_slice %get3A_142 {offsets = [9], sizes = [1], strides = [1]} : vector<16xi32> to vector<1xi32>
      %squeeze3A_541 = vector.extract %slice3A_540[0] : i32 from vector<1xi32>
      %get3A_542 = arith.index_cast %add3A_539 : i32 to index
      %get3A_543 = arith.constant 0 : index
      %get3A_544 = tpu.vector_load %arg12[%get3A_542, %get3A_543] {strides = array<i32>} : memref<512x64xf32, #tpu.memory_space<vmem>>, vector<16xf32>,
      %get3A_545 = arith.index_cast %squeeze3A_541 : i32 to index
      %get3A_546 = arith.constant 0 : index
      %get3A_547 = tpu.vector_load %arg14[%get3A_545, %get3A_546] {strides = array<i32>} : memref<151x64xf32, #tpu.memory_space<vmem>>, vector<16xf32>,
      %mul3A_548 = arith.mulf %get3A_544, %get3A_547 : vector<16xf32>
      %get3A_549 = arith.index_cast %add3A_539 : i32 to index
      %get3A_550 = arith.constant 16 : index
      %get3A_551 = tpu.vector_load %arg12[%get3A_549, %get3A_550] {strides = array<i32>} : memref<512x64xf32, #tpu.memory_space<vmem>>, vector<16xf32>,
      %get3A_552 = arith.index_cast %squeeze3A_541 : i32 to index
      %get3A_553 = arith.constant 16 : index
      %get3A_554 = tpu.vector_load %arg14[%get3A_552, %get3A_553] {strides = array<i32>} : memref<151x64xf32, #tpu.memory_space<vmem>>, vector<16xf32>,
      %mul3A_555 = arith.mulf %get3A_551, %get3A_554 : vector<16xf32>
      %add3A_556 = arith.addf %mul3A_555, %mul3A_548 : vector<16xf32>
      %get3A_557 = arith.index_cast %add3A_539 : i32 to index
      %get3A_558 = arith.constant 32 : index
      %get3A_559 = tpu.vector_load %arg12[%get3A_557, %get3A_558] {strides = array<i32>} : memref<512x64xf32, #tpu.memory_space<vmem>>, vector<16xf32>,
      %get3A_560 = arith.index_cast %squeeze3A_541 : i32 to index
      %get3A_561 = arith.constant 32 : index
      %get3A_562 = tpu.vector_load %arg14[%get3A_560, %get3A_561] {strides = array<i32>} : memref<151x64xf32, #tpu.memory_space<vmem>>, vector<16xf32>,
      %mul3A_563 = arith.mulf %get3A_559, %get3A_562 : vector<16xf32>
      %add3A_564 = arith.addf %mul3A_563, %add3A_556 : vector<16xf32>
      %get3A_565 = arith.index_cast %add3A_539 : i32 to index
      %get3A_566 = arith.constant 48 : index
      %get3A_567 = tpu.vector_load %arg12[%get3A_565, %get3A_566] {strides = array<i32>} : memref<512x64xf32, #tpu.memory_space<vmem>>, vector<16xf32>,
      %get3A_568 = arith.index_cast %squeeze3A_541 : i32 to index
      %get3A_569 = arith.constant 48 : index
      %get3A_570 = tpu.vector_load %arg14[%get3A_568, %get3A_569] {strides = array<i32>} : memref<151x64xf32, #tpu.memory_space<vmem>>, vector<16xf32>,
      %mul3A_571 = arith.mulf %get3A_567, %get3A_570 : vector<16xf32>
      %add3A_572 = arith.addf %mul3A_571, %add3A_564 : vector<16xf32>
      %reduce_sum3A_573 = arith.constant true
      %reduce_sum3A_574 = vector.broadcast %reduce_sum3A_573 : i1 to vector<16xi1>
      %reduce_sum3A_575 = tpu.scan <sum>, %add3A_572 masked %reduce_sum3A_574 : vector<16xf32>, vector<16xi1> -> vector<16xf32>
      %reduce_sum3A_576 = vector.extract %reduce_sum3A_575[15] : f32 from vector<16xf32>
      %eq3A_577 = arith.constant 9 : i32
      %eq3A_578 = vector.broadcast %eq3A_577 : i32 to vector<16xi32>
      %eq3A_579 = arith.cmpi eq, %iota3A, %eq3A_578 : vector<16xi32>
      %broadcast_in_dim3A_580 = vector.broadcast %reduce_sum3A_576 : f32 to vector<16xf32>
      %select_n3A_581 = arith.select %eq3A_579, %broadcast_in_dim3A_580, %select_n3A_537 : vector<16xi1>, vector<16xf32>
      %add3A_582 = arith.constant 10 : i32
      %add3A_583 = arith.addi %multiple_of3A, %add3A_582 : i32
      %slice3A_584 = vector.extract_strided_slice %get3A_142 {offsets = [10], sizes = [1], strides = [1]} : vector<16xi32> to vector<1xi32>
      %squeeze3A_585 = vector.extract %slice3A_584[0] : i32 from vector<1xi32>
      %get3A_586 = arith.index_cast %add3A_583 : i32 to index
      %get3A_587 = arith.constant 0 : index
      %get3A_588 = tpu.vector_load %arg12[%get3A_586, %get3A_587] {strides = array<i32>} : memref<512x64xf32, #tpu.memory_space<vmem>>, vector<16xf32>,
      %get3A_589 = arith.index_cast %squeeze3A_585 : i32 to index
      %get3A_590 = arith.constant 0 : index
      %get3A_591 = tpu.vector_load %arg14[%get3A_589, %get3A_590] {strides = array<i32>} : memref<151x64xf32, #tpu.memory_space<vmem>>, vector<16xf32>,
      %mul3A_592 = arith.mulf %get3A_588, %get3A_591 : vector<16xf32>
      %get3A_593 = arith.index_cast %add3A_583 : i32 to index
      %get3A_594 = arith.constant 16 : index
      %get3A_595 = tpu.vector_load %arg12[%get3A_593, %get3A_594] {strides = array<i32>} : memref<512x64xf32, #tpu.memory_space<vmem>>, vector<16xf32>,
      %get3A_596 = arith.index_cast %squeeze3A_585 : i32 to index
      %get3A_597 = arith.constant 16 : index
      %get3A_598 = tpu.vector_load %arg14[%get3A_596, %get3A_597] {strides = array<i32>} : memref<151x64xf32, #tpu.memory_space<vmem>>, vector<16xf32>,
      %mul3A_599 = arith.mulf %get3A_595, %get3A_598 : vector<16xf32>
      %add3A_600 = arith.addf %mul3A_599, %mul3A_592 : vector<16xf32>
      %get3A_601 = arith.index_cast %add3A_583 : i32 to index
      %get3A_602 = arith.constant 32 : index
      %get3A_603 = tpu.vector_load %arg12[%get3A_601, %get3A_602] {strides = array<i32>} : memref<512x64xf32, #tpu.memory_space<vmem>>, vector<16xf32>,
      %get3A_604 = arith.index_cast %squeeze3A_585 : i32 to index
      %get3A_605 = arith.constant 32 : index
      %get3A_606 = tpu.vector_load %arg14[%get3A_604, %get3A_605] {strides = array<i32>} : memref<151x64xf32, #tpu.memory_space<vmem>>, vector<16xf32>,
      %mul3A_607 = arith.mulf %get3A_603, %get3A_606 : vector<16xf32>
      %add3A_608 = arith.addf %mul3A_607, %add3A_600 : vector<16xf32>
      %get3A_609 = arith.index_cast %add3A_583 : i32 to index
      %get3A_610 = arith.constant 48 : index
      %get3A_611 = tpu.vector_load %arg12[%get3A_609, %get3A_610] {strides = array<i32>} : memref<512x64xf32, #tpu.memory_space<vmem>>, vector<16xf32>,
      %get3A_612 = arith.index_cast %squeeze3A_585 : i32 to index
      %get3A_613 = arith.constant 48 : index
      %get3A_614 = tpu.vector_load %arg14[%get3A_612, %get3A_613] {strides = array<i32>} : memref<151x64xf32, #tpu.memory_space<vmem>>, vector<16xf32>,
      %mul3A_615 = arith.mulf %get3A_611, %get3A_614 : vector<16xf32>
      %add3A_616 = arith.addf %mul3A_615, %add3A_608 : vector<16xf32>
      %reduce_sum3A_617 = arith.constant true
      %reduce_sum3A_618 = vector.broadcast %reduce_sum3A_617 : i1 to vector<16xi1>
      %reduce_sum3A_619 = tpu.scan <sum>, %add3A_616 masked %reduce_sum3A_618 : vector<16xf32>, vector<16xi1> -> vector<16xf32>
      %reduce_sum3A_620 = vector.extract %reduce_sum3A_619[15] : f32 from vector<16xf32>
      %eq3A_621 = arith.constant 10 : i32
      %eq3A_622 = vector.broadcast %eq3A_621 : i32 to vector<16xi32>
      %eq3A_623 = arith.cmpi eq, %iota3A, %eq3A_622 : vector<16xi32>
      %broadcast_in_dim3A_624 = vector.broadcast %reduce_sum3A_620 : f32 to vector<16xf32>
      %select_n3A_625 = arith.select %eq3A_623, %broadcast_in_dim3A_624, %select_n3A_581 : vector<16xi1>, vector<16xf32>
      %add3A_626 = arith.constant 11 : i32
      %add3A_627 = arith.addi %multiple_of3A, %add3A_626 : i32
      %slice3A_628 = vector.extract_strided_slice %get3A_142 {offsets = [11], sizes = [1], strides = [1]} : vector<16xi32> to vector<1xi32>
      %squeeze3A_629 = vector.extract %slice3A_628[0] : i32 from vector<1xi32>
      %get3A_630 = arith.index_cast %add3A_627 : i32 to index
      %get3A_631 = arith.constant 0 : index
      %get3A_632 = tpu.vector_load %arg12[%get3A_630, %get3A_631] {strides = array<i32>} : memref<512x64xf32, #tpu.memory_space<vmem>>, vector<16xf32>,
      %get3A_633 = arith.index_cast %squeeze3A_629 : i32 to index
      %get3A_634 = arith.constant 0 : index
      %get3A_635 = tpu.vector_load %arg14[%get3A_633, %get3A_634] {strides = array<i32>} : memref<151x64xf32, #tpu.memory_space<vmem>>, vector<16xf32>,
      %mul3A_636 = arith.mulf %get3A_632, %get3A_635 : vector<16xf32>
      %get3A_637 = arith.index_cast %add3A_627 : i32 to index
      %get3A_638 = arith.constant 16 : index
      %get3A_639 = tpu.vector_load %arg12[%get3A_637, %get3A_638] {strides = array<i32>} : memref<512x64xf32, #tpu.memory_space<vmem>>, vector<16xf32>,
      %get3A_640 = arith.index_cast %squeeze3A_629 : i32 to index
      %get3A_641 = arith.constant 16 : index
      %get3A_642 = tpu.vector_load %arg14[%get3A_640, %get3A_641] {strides = array<i32>} : memref<151x64xf32, #tpu.memory_space<vmem>>, vector<16xf32>,
      %mul3A_643 = arith.mulf %get3A_639, %get3A_642 : vector<16xf32>
      %add3A_644 = arith.addf %mul3A_643, %mul3A_636 : vector<16xf32>
      %get3A_645 = arith.index_cast %add3A_627 : i32 to index
      %get3A_646 = arith.constant 32 : index
      %get3A_647 = tpu.vector_load %arg12[%get3A_645, %get3A_646] {strides = array<i32>} : memref<512x64xf32, #tpu.memory_space<vmem>>, vector<16xf32>,
      %get3A_648 = arith.index_cast %squeeze3A_629 : i32 to index
      %get3A_649 = arith.constant 32 : index
      %get3A_650 = tpu.vector_load %arg14[%get3A_648, %get3A_649] {strides = array<i32>} : memref<151x64xf32, #tpu.memory_space<vmem>>, vector<16xf32>,
      %mul3A_651 = arith.mulf %get3A_647, %get3A_650 : vector<16xf32>
      %add3A_652 = arith.addf %mul3A_651, %add3A_644 : vector<16xf32>
      %get3A_653 = arith.index_cast %add3A_627 : i32 to index
      %get3A_654 = arith.constant 48 : index
      %get3A_655 = tpu.vector_load %arg12[%get3A_653, %get3A_654] {strides = array<i32>} : memref<512x64xf32, #tpu.memory_space<vmem>>, vector<16xf32>,
      %get3A_656 = arith.index_cast %squeeze3A_629 : i32 to index
      %get3A_657 = arith.constant 48 : index
      %get3A_658 = tpu.vector_load %arg14[%get3A_656, %get3A_657] {strides = array<i32>} : memref<151x64xf32, #tpu.memory_space<vmem>>, vector<16xf32>,
      %mul3A_659 = arith.mulf %get3A_655, %get3A_658 : vector<16xf32>
      %add3A_660 = arith.addf %mul3A_659, %add3A_652 : vector<16xf32>
      %reduce_sum3A_661 = arith.constant true
      %reduce_sum3A_662 = vector.broadcast %reduce_sum3A_661 : i1 to vector<16xi1>
      %reduce_sum3A_663 = tpu.scan <sum>, %add3A_660 masked %reduce_sum3A_662 : vector<16xf32>, vector<16xi1> -> vector<16xf32>
      %reduce_sum3A_664 = vector.extract %reduce_sum3A_663[15] : f32 from vector<16xf32>
      %eq3A_665 = arith.constant 11 : i32
      %eq3A_666 = vector.broadcast %eq3A_665 : i32 to vector<16xi32>
      %eq3A_667 = arith.cmpi eq, %iota3A, %eq3A_666 : vector<16xi32>
      %broadcast_in_dim3A_668 = vector.broadcast %reduce_sum3A_664 : f32 to vector<16xf32>
      %select_n3A_669 = arith.select %eq3A_667, %broadcast_in_dim3A_668, %select_n3A_625 : vector<16xi1>, vector<16xf32>
      %add3A_670 = arith.constant 12 : i32
      %add3A_671 = arith.addi %multiple_of3A, %add3A_670 : i32
      %slice3A_672 = vector.extract_strided_slice %get3A_142 {offsets = [12], sizes = [1], strides = [1]} : vector<16xi32> to vector<1xi32>
      %squeeze3A_673 = vector.extract %slice3A_672[0] : i32 from vector<1xi32>
      %get3A_674 = arith.index_cast %add3A_671 : i32 to index
      %get3A_675 = arith.constant 0 : index
      %get3A_676 = tpu.vector_load %arg12[%get3A_674, %get3A_675] {strides = array<i32>} : memref<512x64xf32, #tpu.memory_space<vmem>>, vector<16xf32>,
      %get3A_677 = arith.index_cast %squeeze3A_673 : i32 to index
      %get3A_678 = arith.constant 0 : index
      %get3A_679 = tpu.vector_load %arg14[%get3A_677, %get3A_678] {strides = array<i32>} : memref<151x64xf32, #tpu.memory_space<vmem>>, vector<16xf32>,
      %mul3A_680 = arith.mulf %get3A_676, %get3A_679 : vector<16xf32>
      %get3A_681 = arith.index_cast %add3A_671 : i32 to index
      %get3A_682 = arith.constant 16 : index
      %get3A_683 = tpu.vector_load %arg12[%get3A_681, %get3A_682] {strides = array<i32>} : memref<512x64xf32, #tpu.memory_space<vmem>>, vector<16xf32>,
      %get3A_684 = arith.index_cast %squeeze3A_673 : i32 to index
      %get3A_685 = arith.constant 16 : index
      %get3A_686 = tpu.vector_load %arg14[%get3A_684, %get3A_685] {strides = array<i32>} : memref<151x64xf32, #tpu.memory_space<vmem>>, vector<16xf32>,
      %mul3A_687 = arith.mulf %get3A_683, %get3A_686 : vector<16xf32>
      %add3A_688 = arith.addf %mul3A_687, %mul3A_680 : vector<16xf32>
      %get3A_689 = arith.index_cast %add3A_671 : i32 to index
      %get3A_690 = arith.constant 32 : index
      %get3A_691 = tpu.vector_load %arg12[%get3A_689, %get3A_690] {strides = array<i32>} : memref<512x64xf32, #tpu.memory_space<vmem>>, vector<16xf32>,
      %get3A_692 = arith.index_cast %squeeze3A_673 : i32 to index
      %get3A_693 = arith.constant 32 : index
      %get3A_694 = tpu.vector_load %arg14[%get3A_692, %get3A_693] {strides = array<i32>} : memref<151x64xf32, #tpu.memory_space<vmem>>, vector<16xf32>,
      %mul3A_695 = arith.mulf %get3A_691, %get3A_694 : vector<16xf32>
      %add3A_696 = arith.addf %mul3A_695, %add3A_688 : vector<16xf32>
      %get3A_697 = arith.index_cast %add3A_671 : i32 to index
      %get3A_698 = arith.constant 48 : index
      %get3A_699 = tpu.vector_load %arg12[%get3A_697, %get3A_698] {strides = array<i32>} : memref<512x64xf32, #tpu.memory_space<vmem>>, vector<16xf32>,
      %get3A_700 = arith.index_cast %squeeze3A_673 : i32 to index
      %get3A_701 = arith.constant 48 : index
      %get3A_702 = tpu.vector_load %arg14[%get3A_700, %get3A_701] {strides = array<i32>} : memref<151x64xf32, #tpu.memory_space<vmem>>, vector<16xf32>,
      %mul3A_703 = arith.mulf %get3A_699, %get3A_702 : vector<16xf32>
      %add3A_704 = arith.addf %mul3A_703, %add3A_696 : vector<16xf32>
      %reduce_sum3A_705 = arith.constant true
      %reduce_sum3A_706 = vector.broadcast %reduce_sum3A_705 : i1 to vector<16xi1>
      %reduce_sum3A_707 = tpu.scan <sum>, %add3A_704 masked %reduce_sum3A_706 : vector<16xf32>, vector<16xi1> -> vector<16xf32>
      %reduce_sum3A_708 = vector.extract %reduce_sum3A_707[15] : f32 from vector<16xf32>
      %eq3A_709 = arith.constant 12 : i32
      %eq3A_710 = vector.broadcast %eq3A_709 : i32 to vector<16xi32>
      %eq3A_711 = arith.cmpi eq, %iota3A, %eq3A_710 : vector<16xi32>
      %broadcast_in_dim3A_712 = vector.broadcast %reduce_sum3A_708 : f32 to vector<16xf32>
      %select_n3A_713 = arith.select %eq3A_711, %broadcast_in_dim3A_712, %select_n3A_669 : vector<16xi1>, vector<16xf32>
      %add3A_714 = arith.constant 13 : i32
      %add3A_715 = arith.addi %multiple_of3A, %add3A_714 : i32
      %slice3A_716 = vector.extract_strided_slice %get3A_142 {offsets = [13], sizes = [1], strides = [1]} : vector<16xi32> to vector<1xi32>
      %squeeze3A_717 = vector.extract %slice3A_716[0] : i32 from vector<1xi32>
      %get3A_718 = arith.index_cast %add3A_715 : i32 to index
      %get3A_719 = arith.constant 0 : index
      %get3A_720 = tpu.vector_load %arg12[%get3A_718, %get3A_719] {strides = array<i32>} : memref<512x64xf32, #tpu.memory_space<vmem>>, vector<16xf32>,
      %get3A_721 = arith.index_cast %squeeze3A_717 : i32 to index
      %get3A_722 = arith.constant 0 : index
      %get3A_723 = tpu.vector_load %arg14[%get3A_721, %get3A_722] {strides = array<i32>} : memref<151x64xf32, #tpu.memory_space<vmem>>, vector<16xf32>,
      %mul3A_724 = arith.mulf %get3A_720, %get3A_723 : vector<16xf32>
      %get3A_725 = arith.index_cast %add3A_715 : i32 to index
      %get3A_726 = arith.constant 16 : index
      %get3A_727 = tpu.vector_load %arg12[%get3A_725, %get3A_726] {strides = array<i32>} : memref<512x64xf32, #tpu.memory_space<vmem>>, vector<16xf32>,
      %get3A_728 = arith.index_cast %squeeze3A_717 : i32 to index
      %get3A_729 = arith.constant 16 : index
      %get3A_730 = tpu.vector_load %arg14[%get3A_728, %get3A_729] {strides = array<i32>} : memref<151x64xf32, #tpu.memory_space<vmem>>, vector<16xf32>,
      %mul3A_731 = arith.mulf %get3A_727, %get3A_730 : vector<16xf32>
      %add3A_732 = arith.addf %mul3A_731, %mul3A_724 : vector<16xf32>
      %get3A_733 = arith.index_cast %add3A_715 : i32 to index
      %get3A_734 = arith.constant 32 : index
      %get3A_735 = tpu.vector_load %arg12[%get3A_733, %get3A_734] {strides = array<i32>} : memref<512x64xf32, #tpu.memory_space<vmem>>, vector<16xf32>,
      %get3A_736 = arith.index_cast %squeeze3A_717 : i32 to index
      %get3A_737 = arith.constant 32 : index
      %get3A_738 = tpu.vector_load %arg14[%get3A_736, %get3A_737] {strides = array<i32>} : memref<151x64xf32, #tpu.memory_space<vmem>>, vector<16xf32>,
      %mul3A_739 = arith.mulf %get3A_735, %get3A_738 : vector<16xf32>
      %add3A_740 = arith.addf %mul3A_739, %add3A_732 : vector<16xf32>
      %get3A_741 = arith.index_cast %add3A_715 : i32 to index
      %get3A_742 = arith.constant 48 : index
      %get3A_743 = tpu.vector_load %arg12[%get3A_741, %get3A_742] {strides = array<i32>} : memref<512x64xf32, #tpu.memory_space<vmem>>, vector<16xf32>,
      %get3A_744 = arith.index_cast %squeeze3A_717 : i32 to index
      %get3A_745 = arith.constant 48 : index
      %get3A_746 = tpu.vector_load %arg14[%get3A_744, %get3A_745] {strides = array<i32>} : memref<151x64xf32, #tpu.memory_space<vmem>>, vector<16xf32>,
      %mul3A_747 = arith.mulf %get3A_743, %get3A_746 : vector<16xf32>
      %add3A_748 = arith.addf %mul3A_747, %add3A_740 : vector<16xf32>
      %reduce_sum3A_749 = arith.constant true
      %reduce_sum3A_750 = vector.broadcast %reduce_sum3A_749 : i1 to vector<16xi1>
      %reduce_sum3A_751 = tpu.scan <sum>, %add3A_748 masked %reduce_sum3A_750 : vector<16xf32>, vector<16xi1> -> vector<16xf32>
      %reduce_sum3A_752 = vector.extract %reduce_sum3A_751[15] : f32 from vector<16xf32>
      %eq3A_753 = arith.constant 13 : i32
      %eq3A_754 = vector.broadcast %eq3A_753 : i32 to vector<16xi32>
      %eq3A_755 = arith.cmpi eq, %iota3A, %eq3A_754 : vector<16xi32>
      %broadcast_in_dim3A_756 = vector.broadcast %reduce_sum3A_752 : f32 to vector<16xf32>
      %select_n3A_757 = arith.select %eq3A_755, %broadcast_in_dim3A_756, %select_n3A_713 : vector<16xi1>, vector<16xf32>
      %add3A_758 = arith.constant 14 : i32
      %add3A_759 = arith.addi %multiple_of3A, %add3A_758 : i32
      %slice3A_760 = vector.extract_strided_slice %get3A_142 {offsets = [14], sizes = [1], strides = [1]} : vector<16xi32> to vector<1xi32>
      %squeeze3A_761 = vector.extract %slice3A_760[0] : i32 from vector<1xi32>
      %get3A_762 = arith.index_cast %add3A_759 : i32 to index
      %get3A_763 = arith.constant 0 : index
      %get3A_764 = tpu.vector_load %arg12[%get3A_762, %get3A_763] {strides = array<i32>} : memref<512x64xf32, #tpu.memory_space<vmem>>, vector<16xf32>,
      %get3A_765 = arith.index_cast %squeeze3A_761 : i32 to index
      %get3A_766 = arith.constant 0 : index
      %get3A_767 = tpu.vector_load %arg14[%get3A_765, %get3A_766] {strides = array<i32>} : memref<151x64xf32, #tpu.memory_space<vmem>>, vector<16xf32>,
      %mul3A_768 = arith.mulf %get3A_764, %get3A_767 : vector<16xf32>
      %get3A_769 = arith.index_cast %add3A_759 : i32 to index
      %get3A_770 = arith.constant 16 : index
      %get3A_771 = tpu.vector_load %arg12[%get3A_769, %get3A_770] {strides = array<i32>} : memref<512x64xf32, #tpu.memory_space<vmem>>, vector<16xf32>,
      %get3A_772 = arith.index_cast %squeeze3A_761 : i32 to index
      %get3A_773 = arith.constant 16 : index
      %get3A_774 = tpu.vector_load %arg14[%get3A_772, %get3A_773] {strides = array<i32>} : memref<151x64xf32, #tpu.memory_space<vmem>>, vector<16xf32>,
      %mul3A_775 = arith.mulf %get3A_771, %get3A_774 : vector<16xf32>
      %add3A_776 = arith.addf %mul3A_775, %mul3A_768 : vector<16xf32>
      %get3A_777 = arith.index_cast %add3A_759 : i32 to index
      %get3A_778 = arith.constant 32 : index
      %get3A_779 = tpu.vector_load %arg12[%get3A_777, %get3A_778] {strides = array<i32>} : memref<512x64xf32, #tpu.memory_space<vmem>>, vector<16xf32>,
      %get3A_780 = arith.index_cast %squeeze3A_761 : i32 to index
      %get3A_781 = arith.constant 32 : index
      %get3A_782 = tpu.vector_load %arg14[%get3A_780, %get3A_781] {strides = array<i32>} : memref<151x64xf32, #tpu.memory_space<vmem>>, vector<16xf32>,
      %mul3A_783 = arith.mulf %get3A_779, %get3A_782 : vector<16xf32>
      %add3A_784 = arith.addf %mul3A_783, %add3A_776 : vector<16xf32>
      %get3A_785 = arith.index_cast %add3A_759 : i32 to index
      %get3A_786 = arith.constant 48 : index
      %get3A_787 = tpu.vector_load %arg12[%get3A_785, %get3A_786] {strides = array<i32>} : memref<512x64xf32, #tpu.memory_space<vmem>>, vector<16xf32>,
      %get3A_788 = arith.index_cast %squeeze3A_761 : i32 to index
      %get3A_789 = arith.constant 48 : index
      %get3A_790 = tpu.vector_load %arg14[%get3A_788, %get3A_789] {strides = array<i32>} : memref<151x64xf32, #tpu.memory_space<vmem>>, vector<16xf32>,
      %mul3A_791 = arith.mulf %get3A_787, %get3A_790 : vector<16xf32>
      %add3A_792 = arith.addf %mul3A_791, %add3A_784 : vector<16xf32>
      %reduce_sum3A_793 = arith.constant true
      %reduce_sum3A_794 = vector.broadcast %reduce_sum3A_793 : i1 to vector<16xi1>
      %reduce_sum3A_795 = tpu.scan <sum>, %add3A_792 masked %reduce_sum3A_794 : vector<16xf32>, vector<16xi1> -> vector<16xf32>
      %reduce_sum3A_796 = vector.extract %reduce_sum3A_795[15] : f32 from vector<16xf32>
      %eq3A_797 = arith.constant 14 : i32
      %eq3A_798 = vector.broadcast %eq3A_797 : i32 to vector<16xi32>
      %eq3A_799 = arith.cmpi eq, %iota3A, %eq3A_798 : vector<16xi32>
      %broadcast_in_dim3A_800 = vector.broadcast %reduce_sum3A_796 : f32 to vector<16xf32>
      %select_n3A_801 = arith.select %eq3A_799, %broadcast_in_dim3A_800, %select_n3A_757 : vector<16xi1>, vector<16xf32>
      %add3A_802 = arith.constant 15 : i32
      %add3A_803 = arith.addi %multiple_of3A, %add3A_802 : i32
      %slice3A_804 = vector.extract_strided_slice %get3A_142 {offsets = [15], sizes = [1], strides = [1]} : vector<16xi32> to vector<1xi32>
      %squeeze3A_805 = vector.extract %slice3A_804[0] : i32 from vector<1xi32>
      %get3A_806 = arith.index_cast %add3A_803 : i32 to index
      %get3A_807 = arith.constant 0 : index
      %get3A_808 = tpu.vector_load %arg12[%get3A_806, %get3A_807] {strides = array<i32>} : memref<512x64xf32, #tpu.memory_space<vmem>>, vector<16xf32>,
      %get3A_809 = arith.index_cast %squeeze3A_805 : i32 to index
      %get3A_810 = arith.constant 0 : index
      %get3A_811 = tpu.vector_load %arg14[%get3A_809, %get3A_810] {strides = array<i32>} : memref<151x64xf32, #tpu.memory_space<vmem>>, vector<16xf32>,
      %mul3A_812 = arith.mulf %get3A_808, %get3A_811 : vector<16xf32>
      %get3A_813 = arith.index_cast %add3A_803 : i32 to index
      %get3A_814 = arith.constant 16 : index
      %get3A_815 = tpu.vector_load %arg12[%get3A_813, %get3A_814] {strides = array<i32>} : memref<512x64xf32, #tpu.memory_space<vmem>>, vector<16xf32>,
      %get3A_816 = arith.index_cast %squeeze3A_805 : i32 to index
      %get3A_817 = arith.constant 16 : index
      %get3A_818 = tpu.vector_load %arg14[%get3A_816, %get3A_817] {strides = array<i32>} : memref<151x64xf32, #tpu.memory_space<vmem>>, vector<16xf32>,
      %mul3A_819 = arith.mulf %get3A_815, %get3A_818 : vector<16xf32>
      %add3A_820 = arith.addf %mul3A_819, %mul3A_812 : vector<16xf32>
      %get3A_821 = arith.index_cast %add3A_803 : i32 to index
      %get3A_822 = arith.constant 32 : index
      %get3A_823 = tpu.vector_load %arg12[%get3A_821, %get3A_822] {strides = array<i32>} : memref<512x64xf32, #tpu.memory_space<vmem>>, vector<16xf32>,
      %get3A_824 = arith.index_cast %squeeze3A_805 : i32 to index
      %get3A_825 = arith.constant 32 : index
      %get3A_826 = tpu.vector_load %arg14[%get3A_824, %get3A_825] {strides = array<i32>} : memref<151x64xf32, #tpu.memory_space<vmem>>, vector<16xf32>,
      %mul3A_827 = arith.mulf %get3A_823, %get3A_826 : vector<16xf32>
      %add3A_828 = arith.addf %mul3A_827, %add3A_820 : vector<16xf32>
      %get3A_829 = arith.index_cast %add3A_803 : i32 to index
      %get3A_830 = arith.constant 48 : index
      %get3A_831 = tpu.vector_load %arg12[%get3A_829, %get3A_830] {strides = array<i32>} : memref<512x64xf32, #tpu.memory_space<vmem>>, vector<16xf32>,
      %get3A_832 = arith.index_cast %squeeze3A_805 : i32 to index
      %get3A_833 = arith.constant 48 : index
      %get3A_834 = tpu.vector_load %arg14[%get3A_832, %get3A_833] {strides = array<i32>} : memref<151x64xf32, #tpu.memory_space<vmem>>, vector<16xf32>,
      %mul3A_835 = arith.mulf %get3A_831, %get3A_834 : vector<16xf32>
      %add3A_836 = arith.addf %mul3A_835, %add3A_828 : vector<16xf32>
      %reduce_sum3A_837 = arith.constant true
      %reduce_sum3A_838 = vector.broadcast %reduce_sum3A_837 : i1 to vector<16xi1>
      %reduce_sum3A_839 = tpu.scan <sum>, %add3A_836 masked %reduce_sum3A_838 : vector<16xf32>, vector<16xi1> -> vector<16xf32>
      %reduce_sum3A_840 = vector.extract %reduce_sum3A_839[15] : f32 from vector<16xf32>
      %eq3A_841 = arith.constant 15 : i32
      %eq3A_842 = vector.broadcast %eq3A_841 : i32 to vector<16xi32>
      %eq3A_843 = arith.cmpi eq, %iota3A, %eq3A_842 : vector<16xi32>
      %broadcast_in_dim3A_844 = vector.broadcast %reduce_sum3A_840 : f32 to vector<16xf32>
      %select_n3A_845 = arith.select %eq3A_843, %broadcast_in_dim3A_844, %select_n3A_801 : vector<16xi1>, vector<16xf32>
      %gather3A = tpu.vector_load_idx %arg15[%get3A_142, %broadcast_in_dim3A_58] : memref<160x1xf32, #tpu.memory_space<vmem>>[vector<16xi32>, vector<16xi32>], vector<16xf32>,
      %get3A_846 = arith.index_cast %multiple_of3A : i32 to index
      %get3A_847 = tpu.vector_load %arg13[%get3A_846] {strides = array<i32>} : memref<512xf32, #tpu.memory_space<vmem>>, vector<16xf32>,
      %add3A_848 = arith.addf %select_n3A_845, %get3A_847 : vector<16xf32>
      %add3A_849 = arith.addf %add3A_848, %gather3A : vector<16xf32>
      %add3A_850 = vector.broadcast %squeeze3A : f32 to vector<16xf32>
      %add3A_851 = arith.addf %add3A_849, %add3A_850 : vector<16xf32>
      %swap3A = arith.index_cast %multiple_of3A : i32 to index
      %swap3A_852 = tpu.vector_load %arg17[%swap3A] {strides = array<i32>} : memref<512xf32, #tpu.memory_space<vmem>>, vector<16xf32>,
      tpu.vector_store %arg17[%swap3A], %add3A_851 {strides = array<i32>} : memref<512xf32, #tpu.memory_space<vmem>>, vector<16xf32>,
    }
    %scan3A_97 = arith.constant 8 : i32
    %dma_wait3A_98 = arith.constant 256 : i32
    %dma_wait3A_99 = arith.constant 0 : i32
    %dma_wait3A_100 = tpu.memref_slice %arg12[%dma_wait3A_98, %dma_wait3A_99] : memref<512x64xf32, #tpu.memory_space<vmem>> -> memref<128x64xf32, #tpu.memory_space<vmem>>
    %dma_wait3A_101 = arith.constant 256 : i32
    %dma_wait3A_102 = tpu.memref_slice %arg10[%dma_wait3A_101] : memref<512xi32, #tpu.memory_space<vmem>> -> memref<128xi32, #tpu.memory_space<vmem>>
    %dma_wait3A_103 = arith.constant 0 : i32
    %dma_wait3A_104 = arith.constant 0 : i32
    %dma_wait3A_105 = tpu.memref_slice %arg4[%dma_wait3A_103, %dma_wait3A_104] : memref<63979x64xf32, #tpu.memory_space<hbm>> -> memref<63979x64xf32, #tpu.memory_space<hbm>>
    tpu.wait_indirect_dma semaphore(%arg20 : memref<!tpu.dma_semaphore, #tpu.memory_space<semaphore_mem>>) src(%dma_wait3A_105 : memref<63979x64xf32, #tpu.memory_space<hbm>>) dst(%dma_wait3A_100 : memref<128x64xf32, #tpu.memory_space<vmem>>)
    %dma_wait3A_106 = arith.constant 256 : i32
    %dma_wait3A_107 = tpu.memref_slice %arg13[%dma_wait3A_106] : memref<512xf32, #tpu.memory_space<vmem>> -> memref<128xf32, #tpu.memory_space<vmem>>
    %dma_wait3A_108 = arith.constant 256 : i32
    %dma_wait3A_109 = tpu.memref_slice %arg10[%dma_wait3A_108] : memref<512xi32, #tpu.memory_space<vmem>> -> memref<128xi32, #tpu.memory_space<vmem>>
    %dma_wait3A_110 = arith.constant 0 : i32
    %dma_wait3A_111 = tpu.memref_slice %arg6[%dma_wait3A_110] : memref<63979xf32, #tpu.memory_space<hbm>> -> memref<63979xf32, #tpu.memory_space<hbm>>
    tpu.wait_indirect_dma semaphore(%arg24 : memref<!tpu.dma_semaphore, #tpu.memory_space<semaphore_mem>>) src(%dma_wait3A_111 : memref<63979xf32, #tpu.memory_space<hbm>>) dst(%dma_wait3A_107 : memref<128xf32, #tpu.memory_space<vmem>>)
    %scan3A_112 = arith.constant 0 : i32
    %scan3A_113 = arith.constant 16 : i32
    %scan3A_114 = arith.constant 8 : i32
    %scan3A_115 = arith.addi %scan3A_113, %scan3A_114 : i32
    %scan3A_116 = arith.constant 1 : i32
    scf.for %scan3A_138 = %scan3A_113 to %scan3A_115 step %scan3A_116  : i32 {
      %mul3A_139 = arith.constant 16 : i32
      %mul3A_140 = arith.muli %scan3A_138, %mul3A_139 : i32
      %multiple_of3A = tpu.assume_multiple %mul3A_140, 16 : i32
      %get3A_141 = arith.index_cast %multiple_of3A : i32 to index
      %get3A_142 = tpu.vector_load %arg11[%get3A_141] {strides = array<i32>} : memref<512xi32, #tpu.memory_space<vmem>>, vector<16xi32>,
      %broadcast_in_dim3A_143 = arith.constant 0.000000e+00 : f32
      %broadcast_in_dim3A_144 = vector.broadcast %broadcast_in_dim3A_143 : f32 to vector<16xf32>
      %add3A_145 = arith.constant 0 : i32
      %add3A_146 = arith.addi %multiple_of3A, %add3A_145 : i32
      %slice3A_147 = vector.extract_strided_slice %get3A_142 {offsets = [0], sizes = [1], strides = [1]} : vector<16xi32> to vector<1xi32>
      %squeeze3A_148 = vector.extract %slice3A_147[0] : i32 from vector<1xi32>
      %get3A_149 = arith.index_cast %add3A_146 : i32 to index
      %get3A_150 = arith.constant 0 : index
      %get3A_151 = tpu.vector_load %arg12[%get3A_149, %get3A_150] {strides = array<i32>} : memref<512x64xf32, #tpu.memory_space<vmem>>, vector<16xf32>,
      %get3A_152 = arith.index_cast %squeeze3A_148 : i32 to index
      %get3A_153 = arith.constant 0 : index
      %get3A_154 = tpu.vector_load %arg14[%get3A_152, %get3A_153] {strides = array<i32>} : memref<151x64xf32, #tpu.memory_space<vmem>>, vector<16xf32>,
      %mul3A_155 = arith.mulf %get3A_151, %get3A_154 : vector<16xf32>
      %get3A_156 = arith.index_cast %add3A_146 : i32 to index
      %get3A_157 = arith.constant 16 : index
      %get3A_158 = tpu.vector_load %arg12[%get3A_156, %get3A_157] {strides = array<i32>} : memref<512x64xf32, #tpu.memory_space<vmem>>, vector<16xf32>,
      %get3A_159 = arith.index_cast %squeeze3A_148 : i32 to index
      %get3A_160 = arith.constant 16 : index
      %get3A_161 = tpu.vector_load %arg14[%get3A_159, %get3A_160] {strides = array<i32>} : memref<151x64xf32, #tpu.memory_space<vmem>>, vector<16xf32>,
      %mul3A_162 = arith.mulf %get3A_158, %get3A_161 : vector<16xf32>
      %add3A_163 = arith.addf %mul3A_162, %mul3A_155 : vector<16xf32>
      %get3A_164 = arith.index_cast %add3A_146 : i32 to index
      %get3A_165 = arith.constant 32 : index
      %get3A_166 = tpu.vector_load %arg12[%get3A_164, %get3A_165] {strides = array<i32>} : memref<512x64xf32, #tpu.memory_space<vmem>>, vector<16xf32>,
      %get3A_167 = arith.index_cast %squeeze3A_148 : i32 to index
      %get3A_168 = arith.constant 32 : index
      %get3A_169 = tpu.vector_load %arg14[%get3A_167, %get3A_168] {strides = array<i32>} : memref<151x64xf32, #tpu.memory_space<vmem>>, vector<16xf32>,
      %mul3A_170 = arith.mulf %get3A_166, %get3A_169 : vector<16xf32>
      %add3A_171 = arith.addf %mul3A_170, %add3A_163 : vector<16xf32>
      %get3A_172 = arith.index_cast %add3A_146 : i32 to index
      %get3A_173 = arith.constant 48 : index
      %get3A_174 = tpu.vector_load %arg12[%get3A_172, %get3A_173] {strides = array<i32>} : memref<512x64xf32, #tpu.memory_space<vmem>>, vector<16xf32>,
      %get3A_175 = arith.index_cast %squeeze3A_148 : i32 to index
      %get3A_176 = arith.constant 48 : index
      %get3A_177 = tpu.vector_load %arg14[%get3A_175, %get3A_176] {strides = array<i32>} : memref<151x64xf32, #tpu.memory_space<vmem>>, vector<16xf32>,
      %mul3A_178 = arith.mulf %get3A_174, %get3A_177 : vector<16xf32>
      %add3A_179 = arith.addf %mul3A_178, %add3A_171 : vector<16xf32>
      %reduce_sum3A = arith.constant true
      %reduce_sum3A_180 = vector.broadcast %reduce_sum3A : i1 to vector<16xi1>
      %reduce_sum3A_181 = tpu.scan <sum>, %add3A_179 masked %reduce_sum3A_180 : vector<16xf32>, vector<16xi1> -> vector<16xf32>
      %reduce_sum3A_182 = vector.extract %reduce_sum3A_181[15] : f32 from vector<16xf32>
      %eq3A = arith.constant 0 : i32
      %eq3A_183 = vector.broadcast %eq3A : i32 to vector<16xi32>
      %eq3A_184 = arith.cmpi eq, %iota3A, %eq3A_183 : vector<16xi32>
      %broadcast_in_dim3A_185 = vector.broadcast %reduce_sum3A_182 : f32 to vector<16xf32>
      %select_n3A = arith.select %eq3A_184, %broadcast_in_dim3A_185, %broadcast_in_dim3A_144 : vector<16xi1>, vector<16xf32>
      %add3A_186 = arith.constant 1 : i32
      %add3A_187 = arith.addi %multiple_of3A, %add3A_186 : i32
      %slice3A_188 = vector.extract_strided_slice %get3A_142 {offsets = [1], sizes = [1], strides = [1]} : vector<16xi32> to vector<1xi32>
      %squeeze3A_189 = vector.extract %slice3A_188[0] : i32 from vector<1xi32>
      %get3A_190 = arith.index_cast %add3A_187 : i32 to index
      %get3A_191 = arith.constant 0 : index
      %get3A_192 = tpu.vector_load %arg12[%get3A_190, %get3A_191] {strides = array<i32>} : memref<512x64xf32, #tpu.memory_space<vmem>>, vector<16xf32>,
      %get3A_193 = arith.index_cast %squeeze3A_189 : i32 to index
      %get3A_194 = arith.constant 0 : index
      %get3A_195 = tpu.vector_load %arg14[%get3A_193, %get3A_194] {strides = array<i32>} : memref<151x64xf32, #tpu.memory_space<vmem>>, vector<16xf32>,
      %mul3A_196 = arith.mulf %get3A_192, %get3A_195 : vector<16xf32>
      %get3A_197 = arith.index_cast %add3A_187 : i32 to index
      %get3A_198 = arith.constant 16 : index
      %get3A_199 = tpu.vector_load %arg12[%get3A_197, %get3A_198] {strides = array<i32>} : memref<512x64xf32, #tpu.memory_space<vmem>>, vector<16xf32>,
      %get3A_200 = arith.index_cast %squeeze3A_189 : i32 to index
      %get3A_201 = arith.constant 16 : index
      %get3A_202 = tpu.vector_load %arg14[%get3A_200, %get3A_201] {strides = array<i32>} : memref<151x64xf32, #tpu.memory_space<vmem>>, vector<16xf32>,
      %mul3A_203 = arith.mulf %get3A_199, %get3A_202 : vector<16xf32>
      %add3A_204 = arith.addf %mul3A_203, %mul3A_196 : vector<16xf32>
      %get3A_205 = arith.index_cast %add3A_187 : i32 to index
      %get3A_206 = arith.constant 32 : index
      %get3A_207 = tpu.vector_load %arg12[%get3A_205, %get3A_206] {strides = array<i32>} : memref<512x64xf32, #tpu.memory_space<vmem>>, vector<16xf32>,
      %get3A_208 = arith.index_cast %squeeze3A_189 : i32 to index
      %get3A_209 = arith.constant 32 : index
      %get3A_210 = tpu.vector_load %arg14[%get3A_208, %get3A_209] {strides = array<i32>} : memref<151x64xf32, #tpu.memory_space<vmem>>, vector<16xf32>,
      %mul3A_211 = arith.mulf %get3A_207, %get3A_210 : vector<16xf32>
      %add3A_212 = arith.addf %mul3A_211, %add3A_204 : vector<16xf32>
      %get3A_213 = arith.index_cast %add3A_187 : i32 to index
      %get3A_214 = arith.constant 48 : index
      %get3A_215 = tpu.vector_load %arg12[%get3A_213, %get3A_214] {strides = array<i32>} : memref<512x64xf32, #tpu.memory_space<vmem>>, vector<16xf32>,
      %get3A_216 = arith.index_cast %squeeze3A_189 : i32 to index
      %get3A_217 = arith.constant 48 : index
      %get3A_218 = tpu.vector_load %arg14[%get3A_216, %get3A_217] {strides = array<i32>} : memref<151x64xf32, #tpu.memory_space<vmem>>, vector<16xf32>,
      %mul3A_219 = arith.mulf %get3A_215, %get3A_218 : vector<16xf32>
      %add3A_220 = arith.addf %mul3A_219, %add3A_212 : vector<16xf32>
      %reduce_sum3A_221 = arith.constant true
      %reduce_sum3A_222 = vector.broadcast %reduce_sum3A_221 : i1 to vector<16xi1>
      %reduce_sum3A_223 = tpu.scan <sum>, %add3A_220 masked %reduce_sum3A_222 : vector<16xf32>, vector<16xi1> -> vector<16xf32>
      %reduce_sum3A_224 = vector.extract %reduce_sum3A_223[15] : f32 from vector<16xf32>
      %eq3A_225 = arith.constant 1 : i32
      %eq3A_226 = vector.broadcast %eq3A_225 : i32 to vector<16xi32>
      %eq3A_227 = arith.cmpi eq, %iota3A, %eq3A_226 : vector<16xi32>
      %broadcast_in_dim3A_228 = vector.broadcast %reduce_sum3A_224 : f32 to vector<16xf32>
      %select_n3A_229 = arith.select %eq3A_227, %broadcast_in_dim3A_228, %select_n3A : vector<16xi1>, vector<16xf32>
      %add3A_230 = arith.constant 2 : i32
      %add3A_231 = arith.addi %multiple_of3A, %add3A_230 : i32
      %slice3A_232 = vector.extract_strided_slice %get3A_142 {offsets = [2], sizes = [1], strides = [1]} : vector<16xi32> to vector<1xi32>
      %squeeze3A_233 = vector.extract %slice3A_232[0] : i32 from vector<1xi32>
      %get3A_234 = arith.index_cast %add3A_231 : i32 to index
      %get3A_235 = arith.constant 0 : index
      %get3A_236 = tpu.vector_load %arg12[%get3A_234, %get3A_235] {strides = array<i32>} : memref<512x64xf32, #tpu.memory_space<vmem>>, vector<16xf32>,
      %get3A_237 = arith.index_cast %squeeze3A_233 : i32 to index
      %get3A_238 = arith.constant 0 : index
      %get3A_239 = tpu.vector_load %arg14[%get3A_237, %get3A_238] {strides = array<i32>} : memref<151x64xf32, #tpu.memory_space<vmem>>, vector<16xf32>,
      %mul3A_240 = arith.mulf %get3A_236, %get3A_239 : vector<16xf32>
      %get3A_241 = arith.index_cast %add3A_231 : i32 to index
      %get3A_242 = arith.constant 16 : index
      %get3A_243 = tpu.vector_load %arg12[%get3A_241, %get3A_242] {strides = array<i32>} : memref<512x64xf32, #tpu.memory_space<vmem>>, vector<16xf32>,
      %get3A_244 = arith.index_cast %squeeze3A_233 : i32 to index
      %get3A_245 = arith.constant 16 : index
      %get3A_246 = tpu.vector_load %arg14[%get3A_244, %get3A_245] {strides = array<i32>} : memref<151x64xf32, #tpu.memory_space<vmem>>, vector<16xf32>,
      %mul3A_247 = arith.mulf %get3A_243, %get3A_246 : vector<16xf32>
      %add3A_248 = arith.addf %mul3A_247, %mul3A_240 : vector<16xf32>
      %get3A_249 = arith.index_cast %add3A_231 : i32 to index
      %get3A_250 = arith.constant 32 : index
      %get3A_251 = tpu.vector_load %arg12[%get3A_249, %get3A_250] {strides = array<i32>} : memref<512x64xf32, #tpu.memory_space<vmem>>, vector<16xf32>,
      %get3A_252 = arith.index_cast %squeeze3A_233 : i32 to index
      %get3A_253 = arith.constant 32 : index
      %get3A_254 = tpu.vector_load %arg14[%get3A_252, %get3A_253] {strides = array<i32>} : memref<151x64xf32, #tpu.memory_space<vmem>>, vector<16xf32>,
      %mul3A_255 = arith.mulf %get3A_251, %get3A_254 : vector<16xf32>
      %add3A_256 = arith.addf %mul3A_255, %add3A_248 : vector<16xf32>
      %get3A_257 = arith.index_cast %add3A_231 : i32 to index
      %get3A_258 = arith.constant 48 : index
      %get3A_259 = tpu.vector_load %arg12[%get3A_257, %get3A_258] {strides = array<i32>} : memref<512x64xf32, #tpu.memory_space<vmem>>, vector<16xf32>,
      %get3A_260 = arith.index_cast %squeeze3A_233 : i32 to index
      %get3A_261 = arith.constant 48 : index
      %get3A_262 = tpu.vector_load %arg14[%get3A_260, %get3A_261] {strides = array<i32>} : memref<151x64xf32, #tpu.memory_space<vmem>>, vector<16xf32>,
      %mul3A_263 = arith.mulf %get3A_259, %get3A_262 : vector<16xf32>
      %add3A_264 = arith.addf %mul3A_263, %add3A_256 : vector<16xf32>
      %reduce_sum3A_265 = arith.constant true
      %reduce_sum3A_266 = vector.broadcast %reduce_sum3A_265 : i1 to vector<16xi1>
      %reduce_sum3A_267 = tpu.scan <sum>, %add3A_264 masked %reduce_sum3A_266 : vector<16xf32>, vector<16xi1> -> vector<16xf32>
      %reduce_sum3A_268 = vector.extract %reduce_sum3A_267[15] : f32 from vector<16xf32>
      %eq3A_269 = arith.constant 2 : i32
      %eq3A_270 = vector.broadcast %eq3A_269 : i32 to vector<16xi32>
      %eq3A_271 = arith.cmpi eq, %iota3A, %eq3A_270 : vector<16xi32>
      %broadcast_in_dim3A_272 = vector.broadcast %reduce_sum3A_268 : f32 to vector<16xf32>
      %select_n3A_273 = arith.select %eq3A_271, %broadcast_in_dim3A_272, %select_n3A_229 : vector<16xi1>, vector<16xf32>
      %add3A_274 = arith.constant 3 : i32
      %add3A_275 = arith.addi %multiple_of3A, %add3A_274 : i32
      %slice3A_276 = vector.extract_strided_slice %get3A_142 {offsets = [3], sizes = [1], strides = [1]} : vector<16xi32> to vector<1xi32>
      %squeeze3A_277 = vector.extract %slice3A_276[0] : i32 from vector<1xi32>
      %get3A_278 = arith.index_cast %add3A_275 : i32 to index
      %get3A_279 = arith.constant 0 : index
      %get3A_280 = tpu.vector_load %arg12[%get3A_278, %get3A_279] {strides = array<i32>} : memref<512x64xf32, #tpu.memory_space<vmem>>, vector<16xf32>,
      %get3A_281 = arith.index_cast %squeeze3A_277 : i32 to index
      %get3A_282 = arith.constant 0 : index
      %get3A_283 = tpu.vector_load %arg14[%get3A_281, %get3A_282] {strides = array<i32>} : memref<151x64xf32, #tpu.memory_space<vmem>>, vector<16xf32>,
      %mul3A_284 = arith.mulf %get3A_280, %get3A_283 : vector<16xf32>
      %get3A_285 = arith.index_cast %add3A_275 : i32 to index
      %get3A_286 = arith.constant 16 : index
      %get3A_287 = tpu.vector_load %arg12[%get3A_285, %get3A_286] {strides = array<i32>} : memref<512x64xf32, #tpu.memory_space<vmem>>, vector<16xf32>,
      %get3A_288 = arith.index_cast %squeeze3A_277 : i32 to index
      %get3A_289 = arith.constant 16 : index
      %get3A_290 = tpu.vector_load %arg14[%get3A_288, %get3A_289] {strides = array<i32>} : memref<151x64xf32, #tpu.memory_space<vmem>>, vector<16xf32>,
      %mul3A_291 = arith.mulf %get3A_287, %get3A_290 : vector<16xf32>
      %add3A_292 = arith.addf %mul3A_291, %mul3A_284 : vector<16xf32>
      %get3A_293 = arith.index_cast %add3A_275 : i32 to index
      %get3A_294 = arith.constant 32 : index
      %get3A_295 = tpu.vector_load %arg12[%get3A_293, %get3A_294] {strides = array<i32>} : memref<512x64xf32, #tpu.memory_space<vmem>>, vector<16xf32>,
      %get3A_296 = arith.index_cast %squeeze3A_277 : i32 to index
      %get3A_297 = arith.constant 32 : index
      %get3A_298 = tpu.vector_load %arg14[%get3A_296, %get3A_297] {strides = array<i32>} : memref<151x64xf32, #tpu.memory_space<vmem>>, vector<16xf32>,
      %mul3A_299 = arith.mulf %get3A_295, %get3A_298 : vector<16xf32>
      %add3A_300 = arith.addf %mul3A_299, %add3A_292 : vector<16xf32>
      %get3A_301 = arith.index_cast %add3A_275 : i32 to index
      %get3A_302 = arith.constant 48 : index
      %get3A_303 = tpu.vector_load %arg12[%get3A_301, %get3A_302] {strides = array<i32>} : memref<512x64xf32, #tpu.memory_space<vmem>>, vector<16xf32>,
      %get3A_304 = arith.index_cast %squeeze3A_277 : i32 to index
      %get3A_305 = arith.constant 48 : index
      %get3A_306 = tpu.vector_load %arg14[%get3A_304, %get3A_305] {strides = array<i32>} : memref<151x64xf32, #tpu.memory_space<vmem>>, vector<16xf32>,
      %mul3A_307 = arith.mulf %get3A_303, %get3A_306 : vector<16xf32>
      %add3A_308 = arith.addf %mul3A_307, %add3A_300 : vector<16xf32>
      %reduce_sum3A_309 = arith.constant true
      %reduce_sum3A_310 = vector.broadcast %reduce_sum3A_309 : i1 to vector<16xi1>
      %reduce_sum3A_311 = tpu.scan <sum>, %add3A_308 masked %reduce_sum3A_310 : vector<16xf32>, vector<16xi1> -> vector<16xf32>
      %reduce_sum3A_312 = vector.extract %reduce_sum3A_311[15] : f32 from vector<16xf32>
      %eq3A_313 = arith.constant 3 : i32
      %eq3A_314 = vector.broadcast %eq3A_313 : i32 to vector<16xi32>
      %eq3A_315 = arith.cmpi eq, %iota3A, %eq3A_314 : vector<16xi32>
      %broadcast_in_dim3A_316 = vector.broadcast %reduce_sum3A_312 : f32 to vector<16xf32>
      %select_n3A_317 = arith.select %eq3A_315, %broadcast_in_dim3A_316, %select_n3A_273 : vector<16xi1>, vector<16xf32>
      %add3A_318 = arith.constant 4 : i32
      %add3A_319 = arith.addi %multiple_of3A, %add3A_318 : i32
      %slice3A_320 = vector.extract_strided_slice %get3A_142 {offsets = [4], sizes = [1], strides = [1]} : vector<16xi32> to vector<1xi32>
      %squeeze3A_321 = vector.extract %slice3A_320[0] : i32 from vector<1xi32>
      %get3A_322 = arith.index_cast %add3A_319 : i32 to index
      %get3A_323 = arith.constant 0 : index
      %get3A_324 = tpu.vector_load %arg12[%get3A_322, %get3A_323] {strides = array<i32>} : memref<512x64xf32, #tpu.memory_space<vmem>>, vector<16xf32>,
      %get3A_325 = arith.index_cast %squeeze3A_321 : i32 to index
      %get3A_326 = arith.constant 0 : index
      %get3A_327 = tpu.vector_load %arg14[%get3A_325, %get3A_326] {strides = array<i32>} : memref<151x64xf32, #tpu.memory_space<vmem>>, vector<16xf32>,
      %mul3A_328 = arith.mulf %get3A_324, %get3A_327 : vector<16xf32>
      %get3A_329 = arith.index_cast %add3A_319 : i32 to index
      %get3A_330 = arith.constant 16 : index
      %get3A_331 = tpu.vector_load %arg12[%get3A_329, %get3A_330] {strides = array<i32>} : memref<512x64xf32, #tpu.memory_space<vmem>>, vector<16xf32>,
      %get3A_332 = arith.index_cast %squeeze3A_321 : i32 to index
      %get3A_333 = arith.constant 16 : index
      %get3A_334 = tpu.vector_load %arg14[%get3A_332, %get3A_333] {strides = array<i32>} : memref<151x64xf32, #tpu.memory_space<vmem>>, vector<16xf32>,
      %mul3A_335 = arith.mulf %get3A_331, %get3A_334 : vector<16xf32>
      %add3A_336 = arith.addf %mul3A_335, %mul3A_328 : vector<16xf32>
      %get3A_337 = arith.index_cast %add3A_319 : i32 to index
      %get3A_338 = arith.constant 32 : index
      %get3A_339 = tpu.vector_load %arg12[%get3A_337, %get3A_338] {strides = array<i32>} : memref<512x64xf32, #tpu.memory_space<vmem>>, vector<16xf32>,
      %get3A_340 = arith.index_cast %squeeze3A_321 : i32 to index
      %get3A_341 = arith.constant 32 : index
      %get3A_342 = tpu.vector_load %arg14[%get3A_340, %get3A_341] {strides = array<i32>} : memref<151x64xf32, #tpu.memory_space<vmem>>, vector<16xf32>,
      %mul3A_343 = arith.mulf %get3A_339, %get3A_342 : vector<16xf32>
      %add3A_344 = arith.addf %mul3A_343, %add3A_336 : vector<16xf32>
      %get3A_345 = arith.index_cast %add3A_319 : i32 to index
      %get3A_346 = arith.constant 48 : index
      %get3A_347 = tpu.vector_load %arg12[%get3A_345, %get3A_346] {strides = array<i32>} : memref<512x64xf32, #tpu.memory_space<vmem>>, vector<16xf32>,
      %get3A_348 = arith.index_cast %squeeze3A_321 : i32 to index
      %get3A_349 = arith.constant 48 : index
      %get3A_350 = tpu.vector_load %arg14[%get3A_348, %get3A_349] {strides = array<i32>} : memref<151x64xf32, #tpu.memory_space<vmem>>, vector<16xf32>,
      %mul3A_351 = arith.mulf %get3A_347, %get3A_350 : vector<16xf32>
      %add3A_352 = arith.addf %mul3A_351, %add3A_344 : vector<16xf32>
      %reduce_sum3A_353 = arith.constant true
      %reduce_sum3A_354 = vector.broadcast %reduce_sum3A_353 : i1 to vector<16xi1>
      %reduce_sum3A_355 = tpu.scan <sum>, %add3A_352 masked %reduce_sum3A_354 : vector<16xf32>, vector<16xi1> -> vector<16xf32>
      %reduce_sum3A_356 = vector.extract %reduce_sum3A_355[15] : f32 from vector<16xf32>
      %eq3A_357 = arith.constant 4 : i32
      %eq3A_358 = vector.broadcast %eq3A_357 : i32 to vector<16xi32>
      %eq3A_359 = arith.cmpi eq, %iota3A, %eq3A_358 : vector<16xi32>
      %broadcast_in_dim3A_360 = vector.broadcast %reduce_sum3A_356 : f32 to vector<16xf32>
      %select_n3A_361 = arith.select %eq3A_359, %broadcast_in_dim3A_360, %select_n3A_317 : vector<16xi1>, vector<16xf32>
      %add3A_362 = arith.constant 5 : i32
      %add3A_363 = arith.addi %multiple_of3A, %add3A_362 : i32
      %slice3A_364 = vector.extract_strided_slice %get3A_142 {offsets = [5], sizes = [1], strides = [1]} : vector<16xi32> to vector<1xi32>
      %squeeze3A_365 = vector.extract %slice3A_364[0] : i32 from vector<1xi32>
      %get3A_366 = arith.index_cast %add3A_363 : i32 to index
      %get3A_367 = arith.constant 0 : index
      %get3A_368 = tpu.vector_load %arg12[%get3A_366, %get3A_367] {strides = array<i32>} : memref<512x64xf32, #tpu.memory_space<vmem>>, vector<16xf32>,
      %get3A_369 = arith.index_cast %squeeze3A_365 : i32 to index
      %get3A_370 = arith.constant 0 : index
      %get3A_371 = tpu.vector_load %arg14[%get3A_369, %get3A_370] {strides = array<i32>} : memref<151x64xf32, #tpu.memory_space<vmem>>, vector<16xf32>,
      %mul3A_372 = arith.mulf %get3A_368, %get3A_371 : vector<16xf32>
      %get3A_373 = arith.index_cast %add3A_363 : i32 to index
      %get3A_374 = arith.constant 16 : index
      %get3A_375 = tpu.vector_load %arg12[%get3A_373, %get3A_374] {strides = array<i32>} : memref<512x64xf32, #tpu.memory_space<vmem>>, vector<16xf32>,
      %get3A_376 = arith.index_cast %squeeze3A_365 : i32 to index
      %get3A_377 = arith.constant 16 : index
      %get3A_378 = tpu.vector_load %arg14[%get3A_376, %get3A_377] {strides = array<i32>} : memref<151x64xf32, #tpu.memory_space<vmem>>, vector<16xf32>,
      %mul3A_379 = arith.mulf %get3A_375, %get3A_378 : vector<16xf32>
      %add3A_380 = arith.addf %mul3A_379, %mul3A_372 : vector<16xf32>
      %get3A_381 = arith.index_cast %add3A_363 : i32 to index
      %get3A_382 = arith.constant 32 : index
      %get3A_383 = tpu.vector_load %arg12[%get3A_381, %get3A_382] {strides = array<i32>} : memref<512x64xf32, #tpu.memory_space<vmem>>, vector<16xf32>,
      %get3A_384 = arith.index_cast %squeeze3A_365 : i32 to index
      %get3A_385 = arith.constant 32 : index
      %get3A_386 = tpu.vector_load %arg14[%get3A_384, %get3A_385] {strides = array<i32>} : memref<151x64xf32, #tpu.memory_space<vmem>>, vector<16xf32>,
      %mul3A_387 = arith.mulf %get3A_383, %get3A_386 : vector<16xf32>
      %add3A_388 = arith.addf %mul3A_387, %add3A_380 : vector<16xf32>
      %get3A_389 = arith.index_cast %add3A_363 : i32 to index
      %get3A_390 = arith.constant 48 : index
      %get3A_391 = tpu.vector_load %arg12[%get3A_389, %get3A_390] {strides = array<i32>} : memref<512x64xf32, #tpu.memory_space<vmem>>, vector<16xf32>,
      %get3A_392 = arith.index_cast %squeeze3A_365 : i32 to index
      %get3A_393 = arith.constant 48 : index
      %get3A_394 = tpu.vector_load %arg14[%get3A_392, %get3A_393] {strides = array<i32>} : memref<151x64xf32, #tpu.memory_space<vmem>>, vector<16xf32>,
      %mul3A_395 = arith.mulf %get3A_391, %get3A_394 : vector<16xf32>
      %add3A_396 = arith.addf %mul3A_395, %add3A_388 : vector<16xf32>
      %reduce_sum3A_397 = arith.constant true
      %reduce_sum3A_398 = vector.broadcast %reduce_sum3A_397 : i1 to vector<16xi1>
      %reduce_sum3A_399 = tpu.scan <sum>, %add3A_396 masked %reduce_sum3A_398 : vector<16xf32>, vector<16xi1> -> vector<16xf32>
      %reduce_sum3A_400 = vector.extract %reduce_sum3A_399[15] : f32 from vector<16xf32>
      %eq3A_401 = arith.constant 5 : i32
      %eq3A_402 = vector.broadcast %eq3A_401 : i32 to vector<16xi32>
      %eq3A_403 = arith.cmpi eq, %iota3A, %eq3A_402 : vector<16xi32>
      %broadcast_in_dim3A_404 = vector.broadcast %reduce_sum3A_400 : f32 to vector<16xf32>
      %select_n3A_405 = arith.select %eq3A_403, %broadcast_in_dim3A_404, %select_n3A_361 : vector<16xi1>, vector<16xf32>
      %add3A_406 = arith.constant 6 : i32
      %add3A_407 = arith.addi %multiple_of3A, %add3A_406 : i32
      %slice3A_408 = vector.extract_strided_slice %get3A_142 {offsets = [6], sizes = [1], strides = [1]} : vector<16xi32> to vector<1xi32>
      %squeeze3A_409 = vector.extract %slice3A_408[0] : i32 from vector<1xi32>
      %get3A_410 = arith.index_cast %add3A_407 : i32 to index
      %get3A_411 = arith.constant 0 : index
      %get3A_412 = tpu.vector_load %arg12[%get3A_410, %get3A_411] {strides = array<i32>} : memref<512x64xf32, #tpu.memory_space<vmem>>, vector<16xf32>,
      %get3A_413 = arith.index_cast %squeeze3A_409 : i32 to index
      %get3A_414 = arith.constant 0 : index
      %get3A_415 = tpu.vector_load %arg14[%get3A_413, %get3A_414] {strides = array<i32>} : memref<151x64xf32, #tpu.memory_space<vmem>>, vector<16xf32>,
      %mul3A_416 = arith.mulf %get3A_412, %get3A_415 : vector<16xf32>
      %get3A_417 = arith.index_cast %add3A_407 : i32 to index
      %get3A_418 = arith.constant 16 : index
      %get3A_419 = tpu.vector_load %arg12[%get3A_417, %get3A_418] {strides = array<i32>} : memref<512x64xf32, #tpu.memory_space<vmem>>, vector<16xf32>,
      %get3A_420 = arith.index_cast %squeeze3A_409 : i32 to index
      %get3A_421 = arith.constant 16 : index
      %get3A_422 = tpu.vector_load %arg14[%get3A_420, %get3A_421] {strides = array<i32>} : memref<151x64xf32, #tpu.memory_space<vmem>>, vector<16xf32>,
      %mul3A_423 = arith.mulf %get3A_419, %get3A_422 : vector<16xf32>
      %add3A_424 = arith.addf %mul3A_423, %mul3A_416 : vector<16xf32>
      %get3A_425 = arith.index_cast %add3A_407 : i32 to index
      %get3A_426 = arith.constant 32 : index
      %get3A_427 = tpu.vector_load %arg12[%get3A_425, %get3A_426] {strides = array<i32>} : memref<512x64xf32, #tpu.memory_space<vmem>>, vector<16xf32>,
      %get3A_428 = arith.index_cast %squeeze3A_409 : i32 to index
      %get3A_429 = arith.constant 32 : index
      %get3A_430 = tpu.vector_load %arg14[%get3A_428, %get3A_429] {strides = array<i32>} : memref<151x64xf32, #tpu.memory_space<vmem>>, vector<16xf32>,
      %mul3A_431 = arith.mulf %get3A_427, %get3A_430 : vector<16xf32>
      %add3A_432 = arith.addf %mul3A_431, %add3A_424 : vector<16xf32>
      %get3A_433 = arith.index_cast %add3A_407 : i32 to index
      %get3A_434 = arith.constant 48 : index
      %get3A_435 = tpu.vector_load %arg12[%get3A_433, %get3A_434] {strides = array<i32>} : memref<512x64xf32, #tpu.memory_space<vmem>>, vector<16xf32>,
      %get3A_436 = arith.index_cast %squeeze3A_409 : i32 to index
      %get3A_437 = arith.constant 48 : index
      %get3A_438 = tpu.vector_load %arg14[%get3A_436, %get3A_437] {strides = array<i32>} : memref<151x64xf32, #tpu.memory_space<vmem>>, vector<16xf32>,
      %mul3A_439 = arith.mulf %get3A_435, %get3A_438 : vector<16xf32>
      %add3A_440 = arith.addf %mul3A_439, %add3A_432 : vector<16xf32>
      %reduce_sum3A_441 = arith.constant true
      %reduce_sum3A_442 = vector.broadcast %reduce_sum3A_441 : i1 to vector<16xi1>
      %reduce_sum3A_443 = tpu.scan <sum>, %add3A_440 masked %reduce_sum3A_442 : vector<16xf32>, vector<16xi1> -> vector<16xf32>
      %reduce_sum3A_444 = vector.extract %reduce_sum3A_443[15] : f32 from vector<16xf32>
      %eq3A_445 = arith.constant 6 : i32
      %eq3A_446 = vector.broadcast %eq3A_445 : i32 to vector<16xi32>
      %eq3A_447 = arith.cmpi eq, %iota3A, %eq3A_446 : vector<16xi32>
      %broadcast_in_dim3A_448 = vector.broadcast %reduce_sum3A_444 : f32 to vector<16xf32>
      %select_n3A_449 = arith.select %eq3A_447, %broadcast_in_dim3A_448, %select_n3A_405 : vector<16xi1>, vector<16xf32>
      %add3A_450 = arith.constant 7 : i32
      %add3A_451 = arith.addi %multiple_of3A, %add3A_450 : i32
      %slice3A_452 = vector.extract_strided_slice %get3A_142 {offsets = [7], sizes = [1], strides = [1]} : vector<16xi32> to vector<1xi32>
      %squeeze3A_453 = vector.extract %slice3A_452[0] : i32 from vector<1xi32>
      %get3A_454 = arith.index_cast %add3A_451 : i32 to index
      %get3A_455 = arith.constant 0 : index
      %get3A_456 = tpu.vector_load %arg12[%get3A_454, %get3A_455] {strides = array<i32>} : memref<512x64xf32, #tpu.memory_space<vmem>>, vector<16xf32>,
      %get3A_457 = arith.index_cast %squeeze3A_453 : i32 to index
      %get3A_458 = arith.constant 0 : index
      %get3A_459 = tpu.vector_load %arg14[%get3A_457, %get3A_458] {strides = array<i32>} : memref<151x64xf32, #tpu.memory_space<vmem>>, vector<16xf32>,
      %mul3A_460 = arith.mulf %get3A_456, %get3A_459 : vector<16xf32>
      %get3A_461 = arith.index_cast %add3A_451 : i32 to index
      %get3A_462 = arith.constant 16 : index
      %get3A_463 = tpu.vector_load %arg12[%get3A_461, %get3A_462] {strides = array<i32>} : memref<512x64xf32, #tpu.memory_space<vmem>>, vector<16xf32>,
      %get3A_464 = arith.index_cast %squeeze3A_453 : i32 to index
      %get3A_465 = arith.constant 16 : index
      %get3A_466 = tpu.vector_load %arg14[%get3A_464, %get3A_465] {strides = array<i32>} : memref<151x64xf32, #tpu.memory_space<vmem>>, vector<16xf32>,
      %mul3A_467 = arith.mulf %get3A_463, %get3A_466 : vector<16xf32>
      %add3A_468 = arith.addf %mul3A_467, %mul3A_460 : vector<16xf32>
      %get3A_469 = arith.index_cast %add3A_451 : i32 to index
      %get3A_470 = arith.constant 32 : index
      %get3A_471 = tpu.vector_load %arg12[%get3A_469, %get3A_470] {strides = array<i32>} : memref<512x64xf32, #tpu.memory_space<vmem>>, vector<16xf32>,
      %get3A_472 = arith.index_cast %squeeze3A_453 : i32 to index
      %get3A_473 = arith.constant 32 : index
      %get3A_474 = tpu.vector_load %arg14[%get3A_472, %get3A_473] {strides = array<i32>} : memref<151x64xf32, #tpu.memory_space<vmem>>, vector<16xf32>,
      %mul3A_475 = arith.mulf %get3A_471, %get3A_474 : vector<16xf32>
      %add3A_476 = arith.addf %mul3A_475, %add3A_468 : vector<16xf32>
      %get3A_477 = arith.index_cast %add3A_451 : i32 to index
      %get3A_478 = arith.constant 48 : index
      %get3A_479 = tpu.vector_load %arg12[%get3A_477, %get3A_478] {strides = array<i32>} : memref<512x64xf32, #tpu.memory_space<vmem>>, vector<16xf32>,
      %get3A_480 = arith.index_cast %squeeze3A_453 : i32 to index
      %get3A_481 = arith.constant 48 : index
      %get3A_482 = tpu.vector_load %arg14[%get3A_480, %get3A_481] {strides = array<i32>} : memref<151x64xf32, #tpu.memory_space<vmem>>, vector<16xf32>,
      %mul3A_483 = arith.mulf %get3A_479, %get3A_482 : vector<16xf32>
      %add3A_484 = arith.addf %mul3A_483, %add3A_476 : vector<16xf32>
      %reduce_sum3A_485 = arith.constant true
      %reduce_sum3A_486 = vector.broadcast %reduce_sum3A_485 : i1 to vector<16xi1>
      %reduce_sum3A_487 = tpu.scan <sum>, %add3A_484 masked %reduce_sum3A_486 : vector<16xf32>, vector<16xi1> -> vector<16xf32>
      %reduce_sum3A_488 = vector.extract %reduce_sum3A_487[15] : f32 from vector<16xf32>
      %eq3A_489 = arith.constant 7 : i32
      %eq3A_490 = vector.broadcast %eq3A_489 : i32 to vector<16xi32>
      %eq3A_491 = arith.cmpi eq, %iota3A, %eq3A_490 : vector<16xi32>
      %broadcast_in_dim3A_492 = vector.broadcast %reduce_sum3A_488 : f32 to vector<16xf32>
      %select_n3A_493 = arith.select %eq3A_491, %broadcast_in_dim3A_492, %select_n3A_449 : vector<16xi1>, vector<16xf32>
      %add3A_494 = arith.constant 8 : i32
      %add3A_495 = arith.addi %multiple_of3A, %add3A_494 : i32
      %slice3A_496 = vector.extract_strided_slice %get3A_142 {offsets = [8], sizes = [1], strides = [1]} : vector<16xi32> to vector<1xi32>
      %squeeze3A_497 = vector.extract %slice3A_496[0] : i32 from vector<1xi32>
      %get3A_498 = arith.index_cast %add3A_495 : i32 to index
      %get3A_499 = arith.constant 0 : index
      %get3A_500 = tpu.vector_load %arg12[%get3A_498, %get3A_499] {strides = array<i32>} : memref<512x64xf32, #tpu.memory_space<vmem>>, vector<16xf32>,
      %get3A_501 = arith.index_cast %squeeze3A_497 : i32 to index
      %get3A_502 = arith.constant 0 : index
      %get3A_503 = tpu.vector_load %arg14[%get3A_501, %get3A_502] {strides = array<i32>} : memref<151x64xf32, #tpu.memory_space<vmem>>, vector<16xf32>,
      %mul3A_504 = arith.mulf %get3A_500, %get3A_503 : vector<16xf32>
      %get3A_505 = arith.index_cast %add3A_495 : i32 to index
      %get3A_506 = arith.constant 16 : index
      %get3A_507 = tpu.vector_load %arg12[%get3A_505, %get3A_506] {strides = array<i32>} : memref<512x64xf32, #tpu.memory_space<vmem>>, vector<16xf32>,
      %get3A_508 = arith.index_cast %squeeze3A_497 : i32 to index
      %get3A_509 = arith.constant 16 : index
      %get3A_510 = tpu.vector_load %arg14[%get3A_508, %get3A_509] {strides = array<i32>} : memref<151x64xf32, #tpu.memory_space<vmem>>, vector<16xf32>,
      %mul3A_511 = arith.mulf %get3A_507, %get3A_510 : vector<16xf32>
      %add3A_512 = arith.addf %mul3A_511, %mul3A_504 : vector<16xf32>
      %get3A_513 = arith.index_cast %add3A_495 : i32 to index
      %get3A_514 = arith.constant 32 : index
      %get3A_515 = tpu.vector_load %arg12[%get3A_513, %get3A_514] {strides = array<i32>} : memref<512x64xf32, #tpu.memory_space<vmem>>, vector<16xf32>,
      %get3A_516 = arith.index_cast %squeeze3A_497 : i32 to index
      %get3A_517 = arith.constant 32 : index
      %get3A_518 = tpu.vector_load %arg14[%get3A_516, %get3A_517] {strides = array<i32>} : memref<151x64xf32, #tpu.memory_space<vmem>>, vector<16xf32>,
      %mul3A_519 = arith.mulf %get3A_515, %get3A_518 : vector<16xf32>
      %add3A_520 = arith.addf %mul3A_519, %add3A_512 : vector<16xf32>
      %get3A_521 = arith.index_cast %add3A_495 : i32 to index
      %get3A_522 = arith.constant 48 : index
      %get3A_523 = tpu.vector_load %arg12[%get3A_521, %get3A_522] {strides = array<i32>} : memref<512x64xf32, #tpu.memory_space<vmem>>, vector<16xf32>,
      %get3A_524 = arith.index_cast %squeeze3A_497 : i32 to index
      %get3A_525 = arith.constant 48 : index
      %get3A_526 = tpu.vector_load %arg14[%get3A_524, %get3A_525] {strides = array<i32>} : memref<151x64xf32, #tpu.memory_space<vmem>>, vector<16xf32>,
      %mul3A_527 = arith.mulf %get3A_523, %get3A_526 : vector<16xf32>
      %add3A_528 = arith.addf %mul3A_527, %add3A_520 : vector<16xf32>
      %reduce_sum3A_529 = arith.constant true
      %reduce_sum3A_530 = vector.broadcast %reduce_sum3A_529 : i1 to vector<16xi1>
      %reduce_sum3A_531 = tpu.scan <sum>, %add3A_528 masked %reduce_sum3A_530 : vector<16xf32>, vector<16xi1> -> vector<16xf32>
      %reduce_sum3A_532 = vector.extract %reduce_sum3A_531[15] : f32 from vector<16xf32>
      %eq3A_533 = arith.constant 8 : i32
      %eq3A_534 = vector.broadcast %eq3A_533 : i32 to vector<16xi32>
      %eq3A_535 = arith.cmpi eq, %iota3A, %eq3A_534 : vector<16xi32>
      %broadcast_in_dim3A_536 = vector.broadcast %reduce_sum3A_532 : f32 to vector<16xf32>
      %select_n3A_537 = arith.select %eq3A_535, %broadcast_in_dim3A_536, %select_n3A_493 : vector<16xi1>, vector<16xf32>
      %add3A_538 = arith.constant 9 : i32
      %add3A_539 = arith.addi %multiple_of3A, %add3A_538 : i32
      %slice3A_540 = vector.extract_strided_slice %get3A_142 {offsets = [9], sizes = [1], strides = [1]} : vector<16xi32> to vector<1xi32>
      %squeeze3A_541 = vector.extract %slice3A_540[0] : i32 from vector<1xi32>
      %get3A_542 = arith.index_cast %add3A_539 : i32 to index
      %get3A_543 = arith.constant 0 : index
      %get3A_544 = tpu.vector_load %arg12[%get3A_542, %get3A_543] {strides = array<i32>} : memref<512x64xf32, #tpu.memory_space<vmem>>, vector<16xf32>,
      %get3A_545 = arith.index_cast %squeeze3A_541 : i32 to index
      %get3A_546 = arith.constant 0 : index
      %get3A_547 = tpu.vector_load %arg14[%get3A_545, %get3A_546] {strides = array<i32>} : memref<151x64xf32, #tpu.memory_space<vmem>>, vector<16xf32>,
      %mul3A_548 = arith.mulf %get3A_544, %get3A_547 : vector<16xf32>
      %get3A_549 = arith.index_cast %add3A_539 : i32 to index
      %get3A_550 = arith.constant 16 : index
      %get3A_551 = tpu.vector_load %arg12[%get3A_549, %get3A_550] {strides = array<i32>} : memref<512x64xf32, #tpu.memory_space<vmem>>, vector<16xf32>,
      %get3A_552 = arith.index_cast %squeeze3A_541 : i32 to index
      %get3A_553 = arith.constant 16 : index
      %get3A_554 = tpu.vector_load %arg14[%get3A_552, %get3A_553] {strides = array<i32>} : memref<151x64xf32, #tpu.memory_space<vmem>>, vector<16xf32>,
      %mul3A_555 = arith.mulf %get3A_551, %get3A_554 : vector<16xf32>
      %add3A_556 = arith.addf %mul3A_555, %mul3A_548 : vector<16xf32>
      %get3A_557 = arith.index_cast %add3A_539 : i32 to index
      %get3A_558 = arith.constant 32 : index
      %get3A_559 = tpu.vector_load %arg12[%get3A_557, %get3A_558] {strides = array<i32>} : memref<512x64xf32, #tpu.memory_space<vmem>>, vector<16xf32>,
      %get3A_560 = arith.index_cast %squeeze3A_541 : i32 to index
      %get3A_561 = arith.constant 32 : index
      %get3A_562 = tpu.vector_load %arg14[%get3A_560, %get3A_561] {strides = array<i32>} : memref<151x64xf32, #tpu.memory_space<vmem>>, vector<16xf32>,
      %mul3A_563 = arith.mulf %get3A_559, %get3A_562 : vector<16xf32>
      %add3A_564 = arith.addf %mul3A_563, %add3A_556 : vector<16xf32>
      %get3A_565 = arith.index_cast %add3A_539 : i32 to index
      %get3A_566 = arith.constant 48 : index
      %get3A_567 = tpu.vector_load %arg12[%get3A_565, %get3A_566] {strides = array<i32>} : memref<512x64xf32, #tpu.memory_space<vmem>>, vector<16xf32>,
      %get3A_568 = arith.index_cast %squeeze3A_541 : i32 to index
      %get3A_569 = arith.constant 48 : index
      %get3A_570 = tpu.vector_load %arg14[%get3A_568, %get3A_569] {strides = array<i32>} : memref<151x64xf32, #tpu.memory_space<vmem>>, vector<16xf32>,
      %mul3A_571 = arith.mulf %get3A_567, %get3A_570 : vector<16xf32>
      %add3A_572 = arith.addf %mul3A_571, %add3A_564 : vector<16xf32>
      %reduce_sum3A_573 = arith.constant true
      %reduce_sum3A_574 = vector.broadcast %reduce_sum3A_573 : i1 to vector<16xi1>
      %reduce_sum3A_575 = tpu.scan <sum>, %add3A_572 masked %reduce_sum3A_574 : vector<16xf32>, vector<16xi1> -> vector<16xf32>
      %reduce_sum3A_576 = vector.extract %reduce_sum3A_575[15] : f32 from vector<16xf32>
      %eq3A_577 = arith.constant 9 : i32
      %eq3A_578 = vector.broadcast %eq3A_577 : i32 to vector<16xi32>
      %eq3A_579 = arith.cmpi eq, %iota3A, %eq3A_578 : vector<16xi32>
      %broadcast_in_dim3A_580 = vector.broadcast %reduce_sum3A_576 : f32 to vector<16xf32>
      %select_n3A_581 = arith.select %eq3A_579, %broadcast_in_dim3A_580, %select_n3A_537 : vector<16xi1>, vector<16xf32>
      %add3A_582 = arith.constant 10 : i32
      %add3A_583 = arith.addi %multiple_of3A, %add3A_582 : i32
      %slice3A_584 = vector.extract_strided_slice %get3A_142 {offsets = [10], sizes = [1], strides = [1]} : vector<16xi32> to vector<1xi32>
      %squeeze3A_585 = vector.extract %slice3A_584[0] : i32 from vector<1xi32>
      %get3A_586 = arith.index_cast %add3A_583 : i32 to index
      %get3A_587 = arith.constant 0 : index
      %get3A_588 = tpu.vector_load %arg12[%get3A_586, %get3A_587] {strides = array<i32>} : memref<512x64xf32, #tpu.memory_space<vmem>>, vector<16xf32>,
      %get3A_589 = arith.index_cast %squeeze3A_585 : i32 to index
      %get3A_590 = arith.constant 0 : index
      %get3A_591 = tpu.vector_load %arg14[%get3A_589, %get3A_590] {strides = array<i32>} : memref<151x64xf32, #tpu.memory_space<vmem>>, vector<16xf32>,
      %mul3A_592 = arith.mulf %get3A_588, %get3A_591 : vector<16xf32>
      %get3A_593 = arith.index_cast %add3A_583 : i32 to index
      %get3A_594 = arith.constant 16 : index
      %get3A_595 = tpu.vector_load %arg12[%get3A_593, %get3A_594] {strides = array<i32>} : memref<512x64xf32, #tpu.memory_space<vmem>>, vector<16xf32>,
      %get3A_596 = arith.index_cast %squeeze3A_585 : i32 to index
      %get3A_597 = arith.constant 16 : index
      %get3A_598 = tpu.vector_load %arg14[%get3A_596, %get3A_597] {strides = array<i32>} : memref<151x64xf32, #tpu.memory_space<vmem>>, vector<16xf32>,
      %mul3A_599 = arith.mulf %get3A_595, %get3A_598 : vector<16xf32>
      %add3A_600 = arith.addf %mul3A_599, %mul3A_592 : vector<16xf32>
      %get3A_601 = arith.index_cast %add3A_583 : i32 to index
      %get3A_602 = arith.constant 32 : index
      %get3A_603 = tpu.vector_load %arg12[%get3A_601, %get3A_602] {strides = array<i32>} : memref<512x64xf32, #tpu.memory_space<vmem>>, vector<16xf32>,
      %get3A_604 = arith.index_cast %squeeze3A_585 : i32 to index
      %get3A_605 = arith.constant 32 : index
      %get3A_606 = tpu.vector_load %arg14[%get3A_604, %get3A_605] {strides = array<i32>} : memref<151x64xf32, #tpu.memory_space<vmem>>, vector<16xf32>,
      %mul3A_607 = arith.mulf %get3A_603, %get3A_606 : vector<16xf32>
      %add3A_608 = arith.addf %mul3A_607, %add3A_600 : vector<16xf32>
      %get3A_609 = arith.index_cast %add3A_583 : i32 to index
      %get3A_610 = arith.constant 48 : index
      %get3A_611 = tpu.vector_load %arg12[%get3A_609, %get3A_610] {strides = array<i32>} : memref<512x64xf32, #tpu.memory_space<vmem>>, vector<16xf32>,
      %get3A_612 = arith.index_cast %squeeze3A_585 : i32 to index
      %get3A_613 = arith.constant 48 : index
      %get3A_614 = tpu.vector_load %arg14[%get3A_612, %get3A_613] {strides = array<i32>} : memref<151x64xf32, #tpu.memory_space<vmem>>, vector<16xf32>,
      %mul3A_615 = arith.mulf %get3A_611, %get3A_614 : vector<16xf32>
      %add3A_616 = arith.addf %mul3A_615, %add3A_608 : vector<16xf32>
      %reduce_sum3A_617 = arith.constant true
      %reduce_sum3A_618 = vector.broadcast %reduce_sum3A_617 : i1 to vector<16xi1>
      %reduce_sum3A_619 = tpu.scan <sum>, %add3A_616 masked %reduce_sum3A_618 : vector<16xf32>, vector<16xi1> -> vector<16xf32>
      %reduce_sum3A_620 = vector.extract %reduce_sum3A_619[15] : f32 from vector<16xf32>
      %eq3A_621 = arith.constant 10 : i32
      %eq3A_622 = vector.broadcast %eq3A_621 : i32 to vector<16xi32>
      %eq3A_623 = arith.cmpi eq, %iota3A, %eq3A_622 : vector<16xi32>
      %broadcast_in_dim3A_624 = vector.broadcast %reduce_sum3A_620 : f32 to vector<16xf32>
      %select_n3A_625 = arith.select %eq3A_623, %broadcast_in_dim3A_624, %select_n3A_581 : vector<16xi1>, vector<16xf32>
      %add3A_626 = arith.constant 11 : i32
      %add3A_627 = arith.addi %multiple_of3A, %add3A_626 : i32
      %slice3A_628 = vector.extract_strided_slice %get3A_142 {offsets = [11], sizes = [1], strides = [1]} : vector<16xi32> to vector<1xi32>
      %squeeze3A_629 = vector.extract %slice3A_628[0] : i32 from vector<1xi32>
      %get3A_630 = arith.index_cast %add3A_627 : i32 to index
      %get3A_631 = arith.constant 0 : index
      %get3A_632 = tpu.vector_load %arg12[%get3A_630, %get3A_631] {strides = array<i32>} : memref<512x64xf32, #tpu.memory_space<vmem>>, vector<16xf32>,
      %get3A_633 = arith.index_cast %squeeze3A_629 : i32 to index
      %get3A_634 = arith.constant 0 : index
      %get3A_635 = tpu.vector_load %arg14[%get3A_633, %get3A_634] {strides = array<i32>} : memref<151x64xf32, #tpu.memory_space<vmem>>, vector<16xf32>,
      %mul3A_636 = arith.mulf %get3A_632, %get3A_635 : vector<16xf32>
      %get3A_637 = arith.index_cast %add3A_627 : i32 to index
      %get3A_638 = arith.constant 16 : index
      %get3A_639 = tpu.vector_load %arg12[%get3A_637, %get3A_638] {strides = array<i32>} : memref<512x64xf32, #tpu.memory_space<vmem>>, vector<16xf32>,
      %get3A_640 = arith.index_cast %squeeze3A_629 : i32 to index
      %get3A_641 = arith.constant 16 : index
      %get3A_642 = tpu.vector_load %arg14[%get3A_640, %get3A_641] {strides = array<i32>} : memref<151x64xf32, #tpu.memory_space<vmem>>, vector<16xf32>,
      %mul3A_643 = arith.mulf %get3A_639, %get3A_642 : vector<16xf32>
      %add3A_644 = arith.addf %mul3A_643, %mul3A_636 : vector<16xf32>
      %get3A_645 = arith.index_cast %add3A_627 : i32 to index
      %get3A_646 = arith.constant 32 : index
      %get3A_647 = tpu.vector_load %arg12[%get3A_645, %get3A_646] {strides = array<i32>} : memref<512x64xf32, #tpu.memory_space<vmem>>, vector<16xf32>,
      %get3A_648 = arith.index_cast %squeeze3A_629 : i32 to index
      %get3A_649 = arith.constant 32 : index
      %get3A_650 = tpu.vector_load %arg14[%get3A_648, %get3A_649] {strides = array<i32>} : memref<151x64xf32, #tpu.memory_space<vmem>>, vector<16xf32>,
      %mul3A_651 = arith.mulf %get3A_647, %get3A_650 : vector<16xf32>
      %add3A_652 = arith.addf %mul3A_651, %add3A_644 : vector<16xf32>
      %get3A_653 = arith.index_cast %add3A_627 : i32 to index
      %get3A_654 = arith.constant 48 : index
      %get3A_655 = tpu.vector_load %arg12[%get3A_653, %get3A_654] {strides = array<i32>} : memref<512x64xf32, #tpu.memory_space<vmem>>, vector<16xf32>,
      %get3A_656 = arith.index_cast %squeeze3A_629 : i32 to index
      %get3A_657 = arith.constant 48 : index
      %get3A_658 = tpu.vector_load %arg14[%get3A_656, %get3A_657] {strides = array<i32>} : memref<151x64xf32, #tpu.memory_space<vmem>>, vector<16xf32>,
      %mul3A_659 = arith.mulf %get3A_655, %get3A_658 : vector<16xf32>
      %add3A_660 = arith.addf %mul3A_659, %add3A_652 : vector<16xf32>
      %reduce_sum3A_661 = arith.constant true
      %reduce_sum3A_662 = vector.broadcast %reduce_sum3A_661 : i1 to vector<16xi1>
      %reduce_sum3A_663 = tpu.scan <sum>, %add3A_660 masked %reduce_sum3A_662 : vector<16xf32>, vector<16xi1> -> vector<16xf32>
      %reduce_sum3A_664 = vector.extract %reduce_sum3A_663[15] : f32 from vector<16xf32>
      %eq3A_665 = arith.constant 11 : i32
      %eq3A_666 = vector.broadcast %eq3A_665 : i32 to vector<16xi32>
      %eq3A_667 = arith.cmpi eq, %iota3A, %eq3A_666 : vector<16xi32>
      %broadcast_in_dim3A_668 = vector.broadcast %reduce_sum3A_664 : f32 to vector<16xf32>
      %select_n3A_669 = arith.select %eq3A_667, %broadcast_in_dim3A_668, %select_n3A_625 : vector<16xi1>, vector<16xf32>
      %add3A_670 = arith.constant 12 : i32
      %add3A_671 = arith.addi %multiple_of3A, %add3A_670 : i32
      %slice3A_672 = vector.extract_strided_slice %get3A_142 {offsets = [12], sizes = [1], strides = [1]} : vector<16xi32> to vector<1xi32>
      %squeeze3A_673 = vector.extract %slice3A_672[0] : i32 from vector<1xi32>
      %get3A_674 = arith.index_cast %add3A_671 : i32 to index
      %get3A_675 = arith.constant 0 : index
      %get3A_676 = tpu.vector_load %arg12[%get3A_674, %get3A_675] {strides = array<i32>} : memref<512x64xf32, #tpu.memory_space<vmem>>, vector<16xf32>,
      %get3A_677 = arith.index_cast %squeeze3A_673 : i32 to index
      %get3A_678 = arith.constant 0 : index
      %get3A_679 = tpu.vector_load %arg14[%get3A_677, %get3A_678] {strides = array<i32>} : memref<151x64xf32, #tpu.memory_space<vmem>>, vector<16xf32>,
      %mul3A_680 = arith.mulf %get3A_676, %get3A_679 : vector<16xf32>
      %get3A_681 = arith.index_cast %add3A_671 : i32 to index
      %get3A_682 = arith.constant 16 : index
      %get3A_683 = tpu.vector_load %arg12[%get3A_681, %get3A_682] {strides = array<i32>} : memref<512x64xf32, #tpu.memory_space<vmem>>, vector<16xf32>,
      %get3A_684 = arith.index_cast %squeeze3A_673 : i32 to index
      %get3A_685 = arith.constant 16 : index
      %get3A_686 = tpu.vector_load %arg14[%get3A_684, %get3A_685] {strides = array<i32>} : memref<151x64xf32, #tpu.memory_space<vmem>>, vector<16xf32>,
      %mul3A_687 = arith.mulf %get3A_683, %get3A_686 : vector<16xf32>
      %add3A_688 = arith.addf %mul3A_687, %mul3A_680 : vector<16xf32>
      %get3A_689 = arith.index_cast %add3A_671 : i32 to index
      %get3A_690 = arith.constant 32 : index
      %get3A_691 = tpu.vector_load %arg12[%get3A_689, %get3A_690] {strides = array<i32>} : memref<512x64xf32, #tpu.memory_space<vmem>>, vector<16xf32>,
      %get3A_692 = arith.index_cast %squeeze3A_673 : i32 to index
      %get3A_693 = arith.constant 32 : index
      %get3A_694 = tpu.vector_load %arg14[%get3A_692, %get3A_693] {strides = array<i32>} : memref<151x64xf32, #tpu.memory_space<vmem>>, vector<16xf32>,
      %mul3A_695 = arith.mulf %get3A_691, %get3A_694 : vector<16xf32>
      %add3A_696 = arith.addf %mul3A_695, %add3A_688 : vector<16xf32>
      %get3A_697 = arith.index_cast %add3A_671 : i32 to index
      %get3A_698 = arith.constant 48 : index
      %get3A_699 = tpu.vector_load %arg12[%get3A_697, %get3A_698] {strides = array<i32>} : memref<512x64xf32, #tpu.memory_space<vmem>>, vector<16xf32>,
      %get3A_700 = arith.index_cast %squeeze3A_673 : i32 to index
      %get3A_701 = arith.constant 48 : index
      %get3A_702 = tpu.vector_load %arg14[%get3A_700, %get3A_701] {strides = array<i32>} : memref<151x64xf32, #tpu.memory_space<vmem>>, vector<16xf32>,
      %mul3A_703 = arith.mulf %get3A_699, %get3A_702 : vector<16xf32>
      %add3A_704 = arith.addf %mul3A_703, %add3A_696 : vector<16xf32>
      %reduce_sum3A_705 = arith.constant true
      %reduce_sum3A_706 = vector.broadcast %reduce_sum3A_705 : i1 to vector<16xi1>
      %reduce_sum3A_707 = tpu.scan <sum>, %add3A_704 masked %reduce_sum3A_706 : vector<16xf32>, vector<16xi1> -> vector<16xf32>
      %reduce_sum3A_708 = vector.extract %reduce_sum3A_707[15] : f32 from vector<16xf32>
      %eq3A_709 = arith.constant 12 : i32
      %eq3A_710 = vector.broadcast %eq3A_709 : i32 to vector<16xi32>
      %eq3A_711 = arith.cmpi eq, %iota3A, %eq3A_710 : vector<16xi32>
      %broadcast_in_dim3A_712 = vector.broadcast %reduce_sum3A_708 : f32 to vector<16xf32>
      %select_n3A_713 = arith.select %eq3A_711, %broadcast_in_dim3A_712, %select_n3A_669 : vector<16xi1>, vector<16xf32>
      %add3A_714 = arith.constant 13 : i32
      %add3A_715 = arith.addi %multiple_of3A, %add3A_714 : i32
      %slice3A_716 = vector.extract_strided_slice %get3A_142 {offsets = [13], sizes = [1], strides = [1]} : vector<16xi32> to vector<1xi32>
      %squeeze3A_717 = vector.extract %slice3A_716[0] : i32 from vector<1xi32>
      %get3A_718 = arith.index_cast %add3A_715 : i32 to index
      %get3A_719 = arith.constant 0 : index
      %get3A_720 = tpu.vector_load %arg12[%get3A_718, %get3A_719] {strides = array<i32>} : memref<512x64xf32, #tpu.memory_space<vmem>>, vector<16xf32>,
      %get3A_721 = arith.index_cast %squeeze3A_717 : i32 to index
      %get3A_722 = arith.constant 0 : index
      %get3A_723 = tpu.vector_load %arg14[%get3A_721, %get3A_722] {strides = array<i32>} : memref<151x64xf32, #tpu.memory_space<vmem>>, vector<16xf32>,
      %mul3A_724 = arith.mulf %get3A_720, %get3A_723 : vector<16xf32>
      %get3A_725 = arith.index_cast %add3A_715 : i32 to index
      %get3A_726 = arith.constant 16 : index
      %get3A_727 = tpu.vector_load %arg12[%get3A_725, %get3A_726] {strides = array<i32>} : memref<512x64xf32, #tpu.memory_space<vmem>>, vector<16xf32>,
      %get3A_728 = arith.index_cast %squeeze3A_717 : i32 to index
      %get3A_729 = arith.constant 16 : index
      %get3A_730 = tpu.vector_load %arg14[%get3A_728, %get3A_729] {strides = array<i32>} : memref<151x64xf32, #tpu.memory_space<vmem>>, vector<16xf32>,
      %mul3A_731 = arith.mulf %get3A_727, %get3A_730 : vector<16xf32>
      %add3A_732 = arith.addf %mul3A_731, %mul3A_724 : vector<16xf32>
      %get3A_733 = arith.index_cast %add3A_715 : i32 to index
      %get3A_734 = arith.constant 32 : index
      %get3A_735 = tpu.vector_load %arg12[%get3A_733, %get3A_734] {strides = array<i32>} : memref<512x64xf32, #tpu.memory_space<vmem>>, vector<16xf32>,
      %get3A_736 = arith.index_cast %squeeze3A_717 : i32 to index
      %get3A_737 = arith.constant 32 : index
      %get3A_738 = tpu.vector_load %arg14[%get3A_736, %get3A_737] {strides = array<i32>} : memref<151x64xf32, #tpu.memory_space<vmem>>, vector<16xf32>,
      %mul3A_739 = arith.mulf %get3A_735, %get3A_738 : vector<16xf32>
      %add3A_740 = arith.addf %mul3A_739, %add3A_732 : vector<16xf32>
      %get3A_741 = arith.index_cast %add3A_715 : i32 to index
      %get3A_742 = arith.constant 48 : index
      %get3A_743 = tpu.vector_load %arg12[%get3A_741, %get3A_742] {strides = array<i32>} : memref<512x64xf32, #tpu.memory_space<vmem>>, vector<16xf32>,
      %get3A_744 = arith.index_cast %squeeze3A_717 : i32 to index
      %get3A_745 = arith.constant 48 : index
      %get3A_746 = tpu.vector_load %arg14[%get3A_744, %get3A_745] {strides = array<i32>} : memref<151x64xf32, #tpu.memory_space<vmem>>, vector<16xf32>,
      %mul3A_747 = arith.mulf %get3A_743, %get3A_746 : vector<16xf32>
      %add3A_748 = arith.addf %mul3A_747, %add3A_740 : vector<16xf32>
      %reduce_sum3A_749 = arith.constant true
      %reduce_sum3A_750 = vector.broadcast %reduce_sum3A_749 : i1 to vector<16xi1>
      %reduce_sum3A_751 = tpu.scan <sum>, %add3A_748 masked %reduce_sum3A_750 : vector<16xf32>, vector<16xi1> -> vector<16xf32>
      %reduce_sum3A_752 = vector.extract %reduce_sum3A_751[15] : f32 from vector<16xf32>
      %eq3A_753 = arith.constant 13 : i32
      %eq3A_754 = vector.broadcast %eq3A_753 : i32 to vector<16xi32>
      %eq3A_755 = arith.cmpi eq, %iota3A, %eq3A_754 : vector<16xi32>
      %broadcast_in_dim3A_756 = vector.broadcast %reduce_sum3A_752 : f32 to vector<16xf32>
      %select_n3A_757 = arith.select %eq3A_755, %broadcast_in_dim3A_756, %select_n3A_713 : vector<16xi1>, vector<16xf32>
      %add3A_758 = arith.constant 14 : i32
      %add3A_759 = arith.addi %multiple_of3A, %add3A_758 : i32
      %slice3A_760 = vector.extract_strided_slice %get3A_142 {offsets = [14], sizes = [1], strides = [1]} : vector<16xi32> to vector<1xi32>
      %squeeze3A_761 = vector.extract %slice3A_760[0] : i32 from vector<1xi32>
      %get3A_762 = arith.index_cast %add3A_759 : i32 to index
      %get3A_763 = arith.constant 0 : index
      %get3A_764 = tpu.vector_load %arg12[%get3A_762, %get3A_763] {strides = array<i32>} : memref<512x64xf32, #tpu.memory_space<vmem>>, vector<16xf32>,
      %get3A_765 = arith.index_cast %squeeze3A_761 : i32 to index
      %get3A_766 = arith.constant 0 : index
      %get3A_767 = tpu.vector_load %arg14[%get3A_765, %get3A_766] {strides = array<i32>} : memref<151x64xf32, #tpu.memory_space<vmem>>, vector<16xf32>,
      %mul3A_768 = arith.mulf %get3A_764, %get3A_767 : vector<16xf32>
      %get3A_769 = arith.index_cast %add3A_759 : i32 to index
      %get3A_770 = arith.constant 16 : index
      %get3A_771 = tpu.vector_load %arg12[%get3A_769, %get3A_770] {strides = array<i32>} : memref<512x64xf32, #tpu.memory_space<vmem>>, vector<16xf32>,
      %get3A_772 = arith.index_cast %squeeze3A_761 : i32 to index
      %get3A_773 = arith.constant 16 : index
      %get3A_774 = tpu.vector_load %arg14[%get3A_772, %get3A_773] {strides = array<i32>} : memref<151x64xf32, #tpu.memory_space<vmem>>, vector<16xf32>,
      %mul3A_775 = arith.mulf %get3A_771, %get3A_774 : vector<16xf32>
      %add3A_776 = arith.addf %mul3A_775, %mul3A_768 : vector<16xf32>
      %get3A_777 = arith.index_cast %add3A_759 : i32 to index
      %get3A_778 = arith.constant 32 : index
      %get3A_779 = tpu.vector_load %arg12[%get3A_777, %get3A_778] {strides = array<i32>} : memref<512x64xf32, #tpu.memory_space<vmem>>, vector<16xf32>,
      %get3A_780 = arith.index_cast %squeeze3A_761 : i32 to index
      %get3A_781 = arith.constant 32 : index
      %get3A_782 = tpu.vector_load %arg14[%get3A_780, %get3A_781] {strides = array<i32>} : memref<151x64xf32, #tpu.memory_space<vmem>>, vector<16xf32>,
      %mul3A_783 = arith.mulf %get3A_779, %get3A_782 : vector<16xf32>
      %add3A_784 = arith.addf %mul3A_783, %add3A_776 : vector<16xf32>
      %get3A_785 = arith.index_cast %add3A_759 : i32 to index
      %get3A_786 = arith.constant 48 : index
      %get3A_787 = tpu.vector_load %arg12[%get3A_785, %get3A_786] {strides = array<i32>} : memref<512x64xf32, #tpu.memory_space<vmem>>, vector<16xf32>,
      %get3A_788 = arith.index_cast %squeeze3A_761 : i32 to index
      %get3A_789 = arith.constant 48 : index
      %get3A_790 = tpu.vector_load %arg14[%get3A_788, %get3A_789] {strides = array<i32>} : memref<151x64xf32, #tpu.memory_space<vmem>>, vector<16xf32>,
      %mul3A_791 = arith.mulf %get3A_787, %get3A_790 : vector<16xf32>
      %add3A_792 = arith.addf %mul3A_791, %add3A_784 : vector<16xf32>
      %reduce_sum3A_793 = arith.constant true
      %reduce_sum3A_794 = vector.broadcast %reduce_sum3A_793 : i1 to vector<16xi1>
      %reduce_sum3A_795 = tpu.scan <sum>, %add3A_792 masked %reduce_sum3A_794 : vector<16xf32>, vector<16xi1> -> vector<16xf32>
      %reduce_sum3A_796 = vector.extract %reduce_sum3A_795[15] : f32 from vector<16xf32>
      %eq3A_797 = arith.constant 14 : i32
      %eq3A_798 = vector.broadcast %eq3A_797 : i32 to vector<16xi32>
      %eq3A_799 = arith.cmpi eq, %iota3A, %eq3A_798 : vector<16xi32>
      %broadcast_in_dim3A_800 = vector.broadcast %reduce_sum3A_796 : f32 to vector<16xf32>
      %select_n3A_801 = arith.select %eq3A_799, %broadcast_in_dim3A_800, %select_n3A_757 : vector<16xi1>, vector<16xf32>
      %add3A_802 = arith.constant 15 : i32
      %add3A_803 = arith.addi %multiple_of3A, %add3A_802 : i32
      %slice3A_804 = vector.extract_strided_slice %get3A_142 {offsets = [15], sizes = [1], strides = [1]} : vector<16xi32> to vector<1xi32>
      %squeeze3A_805 = vector.extract %slice3A_804[0] : i32 from vector<1xi32>
      %get3A_806 = arith.index_cast %add3A_803 : i32 to index
      %get3A_807 = arith.constant 0 : index
      %get3A_808 = tpu.vector_load %arg12[%get3A_806, %get3A_807] {strides = array<i32>} : memref<512x64xf32, #tpu.memory_space<vmem>>, vector<16xf32>,
      %get3A_809 = arith.index_cast %squeeze3A_805 : i32 to index
      %get3A_810 = arith.constant 0 : index
      %get3A_811 = tpu.vector_load %arg14[%get3A_809, %get3A_810] {strides = array<i32>} : memref<151x64xf32, #tpu.memory_space<vmem>>, vector<16xf32>,
      %mul3A_812 = arith.mulf %get3A_808, %get3A_811 : vector<16xf32>
      %get3A_813 = arith.index_cast %add3A_803 : i32 to index
      %get3A_814 = arith.constant 16 : index
      %get3A_815 = tpu.vector_load %arg12[%get3A_813, %get3A_814] {strides = array<i32>} : memref<512x64xf32, #tpu.memory_space<vmem>>, vector<16xf32>,
      %get3A_816 = arith.index_cast %squeeze3A_805 : i32 to index
      %get3A_817 = arith.constant 16 : index
      %get3A_818 = tpu.vector_load %arg14[%get3A_816, %get3A_817] {strides = array<i32>} : memref<151x64xf32, #tpu.memory_space<vmem>>, vector<16xf32>,
      %mul3A_819 = arith.mulf %get3A_815, %get3A_818 : vector<16xf32>
      %add3A_820 = arith.addf %mul3A_819, %mul3A_812 : vector<16xf32>
      %get3A_821 = arith.index_cast %add3A_803 : i32 to index
      %get3A_822 = arith.constant 32 : index
      %get3A_823 = tpu.vector_load %arg12[%get3A_821, %get3A_822] {strides = array<i32>} : memref<512x64xf32, #tpu.memory_space<vmem>>, vector<16xf32>,
      %get3A_824 = arith.index_cast %squeeze3A_805 : i32 to index
      %get3A_825 = arith.constant 32 : index
      %get3A_826 = tpu.vector_load %arg14[%get3A_824, %get3A_825] {strides = array<i32>} : memref<151x64xf32, #tpu.memory_space<vmem>>, vector<16xf32>,
      %mul3A_827 = arith.mulf %get3A_823, %get3A_826 : vector<16xf32>
      %add3A_828 = arith.addf %mul3A_827, %add3A_820 : vector<16xf32>
      %get3A_829 = arith.index_cast %add3A_803 : i32 to index
      %get3A_830 = arith.constant 48 : index
      %get3A_831 = tpu.vector_load %arg12[%get3A_829, %get3A_830] {strides = array<i32>} : memref<512x64xf32, #tpu.memory_space<vmem>>, vector<16xf32>,
      %get3A_832 = arith.index_cast %squeeze3A_805 : i32 to index
      %get3A_833 = arith.constant 48 : index
      %get3A_834 = tpu.vector_load %arg14[%get3A_832, %get3A_833] {strides = array<i32>} : memref<151x64xf32, #tpu.memory_space<vmem>>, vector<16xf32>,
      %mul3A_835 = arith.mulf %get3A_831, %get3A_834 : vector<16xf32>
      %add3A_836 = arith.addf %mul3A_835, %add3A_828 : vector<16xf32>
      %reduce_sum3A_837 = arith.constant true
      %reduce_sum3A_838 = vector.broadcast %reduce_sum3A_837 : i1 to vector<16xi1>
      %reduce_sum3A_839 = tpu.scan <sum>, %add3A_836 masked %reduce_sum3A_838 : vector<16xf32>, vector<16xi1> -> vector<16xf32>
      %reduce_sum3A_840 = vector.extract %reduce_sum3A_839[15] : f32 from vector<16xf32>
      %eq3A_841 = arith.constant 15 : i32
      %eq3A_842 = vector.broadcast %eq3A_841 : i32 to vector<16xi32>
      %eq3A_843 = arith.cmpi eq, %iota3A, %eq3A_842 : vector<16xi32>
      %broadcast_in_dim3A_844 = vector.broadcast %reduce_sum3A_840 : f32 to vector<16xf32>
      %select_n3A_845 = arith.select %eq3A_843, %broadcast_in_dim3A_844, %select_n3A_801 : vector<16xi1>, vector<16xf32>
      %gather3A = tpu.vector_load_idx %arg15[%get3A_142, %broadcast_in_dim3A_58] : memref<160x1xf32, #tpu.memory_space<vmem>>[vector<16xi32>, vector<16xi32>], vector<16xf32>,
      %get3A_846 = arith.index_cast %multiple_of3A : i32 to index
      %get3A_847 = tpu.vector_load %arg13[%get3A_846] {strides = array<i32>} : memref<512xf32, #tpu.memory_space<vmem>>, vector<16xf32>,
      %add3A_848 = arith.addf %select_n3A_845, %get3A_847 : vector<16xf32>
      %add3A_849 = arith.addf %add3A_848, %gather3A : vector<16xf32>
      %add3A_850 = vector.broadcast %squeeze3A : f32 to vector<16xf32>
      %add3A_851 = arith.addf %add3A_849, %add3A_850 : vector<16xf32>
      %swap3A = arith.index_cast %multiple_of3A : i32 to index
      %swap3A_852 = tpu.vector_load %arg17[%swap3A] {strides = array<i32>} : memref<512xf32, #tpu.memory_space<vmem>>, vector<16xf32>,
      tpu.vector_store %arg17[%swap3A], %add3A_851 {strides = array<i32>} : memref<512xf32, #tpu.memory_space<vmem>>, vector<16xf32>,
    }
    %scan3A_117 = arith.constant 8 : i32
    %dma_wait3A_118 = arith.constant 384 : i32
    %dma_wait3A_119 = arith.constant 0 : i32
    %dma_wait3A_120 = tpu.memref_slice %arg12[%dma_wait3A_118, %dma_wait3A_119] : memref<512x64xf32, #tpu.memory_space<vmem>> -> memref<128x64xf32, #tpu.memory_space<vmem>>
    %dma_wait3A_121 = arith.constant 384 : i32
    %dma_wait3A_122 = tpu.memref_slice %arg10[%dma_wait3A_121] : memref<512xi32, #tpu.memory_space<vmem>> -> memref<128xi32, #tpu.memory_space<vmem>>
    %dma_wait3A_123 = arith.constant 0 : i32
    %dma_wait3A_124 = arith.constant 0 : i32
    %dma_wait3A_125 = tpu.memref_slice %arg4[%dma_wait3A_123, %dma_wait3A_124] : memref<63979x64xf32, #tpu.memory_space<hbm>> -> memref<63979x64xf32, #tpu.memory_space<hbm>>
    tpu.wait_indirect_dma semaphore(%arg21 : memref<!tpu.dma_semaphore, #tpu.memory_space<semaphore_mem>>) src(%dma_wait3A_125 : memref<63979x64xf32, #tpu.memory_space<hbm>>) dst(%dma_wait3A_120 : memref<128x64xf32, #tpu.memory_space<vmem>>)
    %dma_wait3A_126 = arith.constant 384 : i32
    %dma_wait3A_127 = tpu.memref_slice %arg13[%dma_wait3A_126] : memref<512xf32, #tpu.memory_space<vmem>> -> memref<128xf32, #tpu.memory_space<vmem>>
    %dma_wait3A_128 = arith.constant 384 : i32
    %dma_wait3A_129 = tpu.memref_slice %arg10[%dma_wait3A_128] : memref<512xi32, #tpu.memory_space<vmem>> -> memref<128xi32, #tpu.memory_space<vmem>>
    %dma_wait3A_130 = arith.constant 0 : i32
    %dma_wait3A_131 = tpu.memref_slice %arg6[%dma_wait3A_130] : memref<63979xf32, #tpu.memory_space<hbm>> -> memref<63979xf32, #tpu.memory_space<hbm>>
    tpu.wait_indirect_dma semaphore(%arg25 : memref<!tpu.dma_semaphore, #tpu.memory_space<semaphore_mem>>) src(%dma_wait3A_131 : memref<63979xf32, #tpu.memory_space<hbm>>) dst(%dma_wait3A_127 : memref<128xf32, #tpu.memory_space<vmem>>)
    %scan3A_132 = arith.constant 0 : i32
    %scan3A_133 = arith.constant 24 : i32
    %scan3A_134 = arith.constant 8 : i32
    %scan3A_135 = arith.addi %scan3A_133, %scan3A_134 : i32
    %scan3A_136 = arith.constant 1 : i32
    scf.for %scan3A_138 = %scan3A_133 to %scan3A_135 step %scan3A_136  : i32 {
      %mul3A_139 = arith.constant 16 : i32
      %mul3A_140 = arith.muli %scan3A_138, %mul3A_139 : i32
      %multiple_of3A = tpu.assume_multiple %mul3A_140, 16 : i32
      %get3A_141 = arith.index_cast %multiple_of3A : i32 to index
      %get3A_142 = tpu.vector_load %arg11[%get3A_141] {strides = array<i32>} : memref<512xi32, #tpu.memory_space<vmem>>, vector<16xi32>,
      %broadcast_in_dim3A_143 = arith.constant 0.000000e+00 : f32
      %broadcast_in_dim3A_144 = vector.broadcast %broadcast_in_dim3A_143 : f32 to vector<16xf32>
      %add3A_145 = arith.constant 0 : i32
      %add3A_146 = arith.addi %multiple_of3A, %add3A_145 : i32
      %slice3A_147 = vector.extract_strided_slice %get3A_142 {offsets = [0], sizes = [1], strides = [1]} : vector<16xi32> to vector<1xi32>
      %squeeze3A_148 = vector.extract %slice3A_147[0] : i32 from vector<1xi32>
      %get3A_149 = arith.index_cast %add3A_146 : i32 to index
      %get3A_150 = arith.constant 0 : index
      %get3A_151 = tpu.vector_load %arg12[%get3A_149, %get3A_150] {strides = array<i32>} : memref<512x64xf32, #tpu.memory_space<vmem>>, vector<16xf32>,
      %get3A_152 = arith.index_cast %squeeze3A_148 : i32 to index
      %get3A_153 = arith.constant 0 : index
      %get3A_154 = tpu.vector_load %arg14[%get3A_152, %get3A_153] {strides = array<i32>} : memref<151x64xf32, #tpu.memory_space<vmem>>, vector<16xf32>,
      %mul3A_155 = arith.mulf %get3A_151, %get3A_154 : vector<16xf32>
      %get3A_156 = arith.index_cast %add3A_146 : i32 to index
      %get3A_157 = arith.constant 16 : index
      %get3A_158 = tpu.vector_load %arg12[%get3A_156, %get3A_157] {strides = array<i32>} : memref<512x64xf32, #tpu.memory_space<vmem>>, vector<16xf32>,
      %get3A_159 = arith.index_cast %squeeze3A_148 : i32 to index
      %get3A_160 = arith.constant 16 : index
      %get3A_161 = tpu.vector_load %arg14[%get3A_159, %get3A_160] {strides = array<i32>} : memref<151x64xf32, #tpu.memory_space<vmem>>, vector<16xf32>,
      %mul3A_162 = arith.mulf %get3A_158, %get3A_161 : vector<16xf32>
      %add3A_163 = arith.addf %mul3A_162, %mul3A_155 : vector<16xf32>
      %get3A_164 = arith.index_cast %add3A_146 : i32 to index
      %get3A_165 = arith.constant 32 : index
      %get3A_166 = tpu.vector_load %arg12[%get3A_164, %get3A_165] {strides = array<i32>} : memref<512x64xf32, #tpu.memory_space<vmem>>, vector<16xf32>,
      %get3A_167 = arith.index_cast %squeeze3A_148 : i32 to index
      %get3A_168 = arith.constant 32 : index
      %get3A_169 = tpu.vector_load %arg14[%get3A_167, %get3A_168] {strides = array<i32>} : memref<151x64xf32, #tpu.memory_space<vmem>>, vector<16xf32>,
      %mul3A_170 = arith.mulf %get3A_166, %get3A_169 : vector<16xf32>
      %add3A_171 = arith.addf %mul3A_170, %add3A_163 : vector<16xf32>
      %get3A_172 = arith.index_cast %add3A_146 : i32 to index
      %get3A_173 = arith.constant 48 : index
      %get3A_174 = tpu.vector_load %arg12[%get3A_172, %get3A_173] {strides = array<i32>} : memref<512x64xf32, #tpu.memory_space<vmem>>, vector<16xf32>,
      %get3A_175 = arith.index_cast %squeeze3A_148 : i32 to index
      %get3A_176 = arith.constant 48 : index
      %get3A_177 = tpu.vector_load %arg14[%get3A_175, %get3A_176] {strides = array<i32>} : memref<151x64xf32, #tpu.memory_space<vmem>>, vector<16xf32>,
      %mul3A_178 = arith.mulf %get3A_174, %get3A_177 : vector<16xf32>
      %add3A_179 = arith.addf %mul3A_178, %add3A_171 : vector<16xf32>
      %reduce_sum3A = arith.constant true
      %reduce_sum3A_180 = vector.broadcast %reduce_sum3A : i1 to vector<16xi1>
      %reduce_sum3A_181 = tpu.scan <sum>, %add3A_179 masked %reduce_sum3A_180 : vector<16xf32>, vector<16xi1> -> vector<16xf32>
      %reduce_sum3A_182 = vector.extract %reduce_sum3A_181[15] : f32 from vector<16xf32>
      %eq3A = arith.constant 0 : i32
      %eq3A_183 = vector.broadcast %eq3A : i32 to vector<16xi32>
      %eq3A_184 = arith.cmpi eq, %iota3A, %eq3A_183 : vector<16xi32>
      %broadcast_in_dim3A_185 = vector.broadcast %reduce_sum3A_182 : f32 to vector<16xf32>
      %select_n3A = arith.select %eq3A_184, %broadcast_in_dim3A_185, %broadcast_in_dim3A_144 : vector<16xi1>, vector<16xf32>
      %add3A_186 = arith.constant 1 : i32
      %add3A_187 = arith.addi %multiple_of3A, %add3A_186 : i32
      %slice3A_188 = vector.extract_strided_slice %get3A_142 {offsets = [1], sizes = [1], strides = [1]} : vector<16xi32> to vector<1xi32>
      %squeeze3A_189 = vector.extract %slice3A_188[0] : i32 from vector<1xi32>
      %get3A_190 = arith.index_cast %add3A_187 : i32 to index
      %get3A_191 = arith.constant 0 : index
      %get3A_192 = tpu.vector_load %arg12[%get3A_190, %get3A_191] {strides = array<i32>} : memref<512x64xf32, #tpu.memory_space<vmem>>, vector<16xf32>,
      %get3A_193 = arith.index_cast %squeeze3A_189 : i32 to index
      %get3A_194 = arith.constant 0 : index
      %get3A_195 = tpu.vector_load %arg14[%get3A_193, %get3A_194] {strides = array<i32>} : memref<151x64xf32, #tpu.memory_space<vmem>>, vector<16xf32>,
      %mul3A_196 = arith.mulf %get3A_192, %get3A_195 : vector<16xf32>
      %get3A_197 = arith.index_cast %add3A_187 : i32 to index
      %get3A_198 = arith.constant 16 : index
      %get3A_199 = tpu.vector_load %arg12[%get3A_197, %get3A_198] {strides = array<i32>} : memref<512x64xf32, #tpu.memory_space<vmem>>, vector<16xf32>,
      %get3A_200 = arith.index_cast %squeeze3A_189 : i32 to index
      %get3A_201 = arith.constant 16 : index
      %get3A_202 = tpu.vector_load %arg14[%get3A_200, %get3A_201] {strides = array<i32>} : memref<151x64xf32, #tpu.memory_space<vmem>>, vector<16xf32>,
      %mul3A_203 = arith.mulf %get3A_199, %get3A_202 : vector<16xf32>
      %add3A_204 = arith.addf %mul3A_203, %mul3A_196 : vector<16xf32>
      %get3A_205 = arith.index_cast %add3A_187 : i32 to index
      %get3A_206 = arith.constant 32 : index
      %get3A_207 = tpu.vector_load %arg12[%get3A_205, %get3A_206] {strides = array<i32>} : memref<512x64xf32, #tpu.memory_space<vmem>>, vector<16xf32>,
      %get3A_208 = arith.index_cast %squeeze3A_189 : i32 to index
      %get3A_209 = arith.constant 32 : index
      %get3A_210 = tpu.vector_load %arg14[%get3A_208, %get3A_209] {strides = array<i32>} : memref<151x64xf32, #tpu.memory_space<vmem>>, vector<16xf32>,
      %mul3A_211 = arith.mulf %get3A_207, %get3A_210 : vector<16xf32>
      %add3A_212 = arith.addf %mul3A_211, %add3A_204 : vector<16xf32>
      %get3A_213 = arith.index_cast %add3A_187 : i32 to index
      %get3A_214 = arith.constant 48 : index
      %get3A_215 = tpu.vector_load %arg12[%get3A_213, %get3A_214] {strides = array<i32>} : memref<512x64xf32, #tpu.memory_space<vmem>>, vector<16xf32>,
      %get3A_216 = arith.index_cast %squeeze3A_189 : i32 to index
      %get3A_217 = arith.constant 48 : index
      %get3A_218 = tpu.vector_load %arg14[%get3A_216, %get3A_217] {strides = array<i32>} : memref<151x64xf32, #tpu.memory_space<vmem>>, vector<16xf32>,
      %mul3A_219 = arith.mulf %get3A_215, %get3A_218 : vector<16xf32>
      %add3A_220 = arith.addf %mul3A_219, %add3A_212 : vector<16xf32>
      %reduce_sum3A_221 = arith.constant true
      %reduce_sum3A_222 = vector.broadcast %reduce_sum3A_221 : i1 to vector<16xi1>
      %reduce_sum3A_223 = tpu.scan <sum>, %add3A_220 masked %reduce_sum3A_222 : vector<16xf32>, vector<16xi1> -> vector<16xf32>
      %reduce_sum3A_224 = vector.extract %reduce_sum3A_223[15] : f32 from vector<16xf32>
      %eq3A_225 = arith.constant 1 : i32
      %eq3A_226 = vector.broadcast %eq3A_225 : i32 to vector<16xi32>
      %eq3A_227 = arith.cmpi eq, %iota3A, %eq3A_226 : vector<16xi32>
      %broadcast_in_dim3A_228 = vector.broadcast %reduce_sum3A_224 : f32 to vector<16xf32>
      %select_n3A_229 = arith.select %eq3A_227, %broadcast_in_dim3A_228, %select_n3A : vector<16xi1>, vector<16xf32>
      %add3A_230 = arith.constant 2 : i32
      %add3A_231 = arith.addi %multiple_of3A, %add3A_230 : i32
      %slice3A_232 = vector.extract_strided_slice %get3A_142 {offsets = [2], sizes = [1], strides = [1]} : vector<16xi32> to vector<1xi32>
      %squeeze3A_233 = vector.extract %slice3A_232[0] : i32 from vector<1xi32>
      %get3A_234 = arith.index_cast %add3A_231 : i32 to index
      %get3A_235 = arith.constant 0 : index
      %get3A_236 = tpu.vector_load %arg12[%get3A_234, %get3A_235] {strides = array<i32>} : memref<512x64xf32, #tpu.memory_space<vmem>>, vector<16xf32>,
      %get3A_237 = arith.index_cast %squeeze3A_233 : i32 to index
      %get3A_238 = arith.constant 0 : index
      %get3A_239 = tpu.vector_load %arg14[%get3A_237, %get3A_238] {strides = array<i32>} : memref<151x64xf32, #tpu.memory_space<vmem>>, vector<16xf32>,
      %mul3A_240 = arith.mulf %get3A_236, %get3A_239 : vector<16xf32>
      %get3A_241 = arith.index_cast %add3A_231 : i32 to index
      %get3A_242 = arith.constant 16 : index
      %get3A_243 = tpu.vector_load %arg12[%get3A_241, %get3A_242] {strides = array<i32>} : memref<512x64xf32, #tpu.memory_space<vmem>>, vector<16xf32>,
      %get3A_244 = arith.index_cast %squeeze3A_233 : i32 to index
      %get3A_245 = arith.constant 16 : index
      %get3A_246 = tpu.vector_load %arg14[%get3A_244, %get3A_245] {strides = array<i32>} : memref<151x64xf32, #tpu.memory_space<vmem>>, vector<16xf32>,
      %mul3A_247 = arith.mulf %get3A_243, %get3A_246 : vector<16xf32>
      %add3A_248 = arith.addf %mul3A_247, %mul3A_240 : vector<16xf32>
      %get3A_249 = arith.index_cast %add3A_231 : i32 to index
      %get3A_250 = arith.constant 32 : index
      %get3A_251 = tpu.vector_load %arg12[%get3A_249, %get3A_250] {strides = array<i32>} : memref<512x64xf32, #tpu.memory_space<vmem>>, vector<16xf32>,
      %get3A_252 = arith.index_cast %squeeze3A_233 : i32 to index
      %get3A_253 = arith.constant 32 : index
      %get3A_254 = tpu.vector_load %arg14[%get3A_252, %get3A_253] {strides = array<i32>} : memref<151x64xf32, #tpu.memory_space<vmem>>, vector<16xf32>,
      %mul3A_255 = arith.mulf %get3A_251, %get3A_254 : vector<16xf32>
      %add3A_256 = arith.addf %mul3A_255, %add3A_248 : vector<16xf32>
      %get3A_257 = arith.index_cast %add3A_231 : i32 to index
      %get3A_258 = arith.constant 48 : index
      %get3A_259 = tpu.vector_load %arg12[%get3A_257, %get3A_258] {strides = array<i32>} : memref<512x64xf32, #tpu.memory_space<vmem>>, vector<16xf32>,
      %get3A_260 = arith.index_cast %squeeze3A_233 : i32 to index
      %get3A_261 = arith.constant 48 : index
      %get3A_262 = tpu.vector_load %arg14[%get3A_260, %get3A_261] {strides = array<i32>} : memref<151x64xf32, #tpu.memory_space<vmem>>, vector<16xf32>,
      %mul3A_263 = arith.mulf %get3A_259, %get3A_262 : vector<16xf32>
      %add3A_264 = arith.addf %mul3A_263, %add3A_256 : vector<16xf32>
      %reduce_sum3A_265 = arith.constant true
      %reduce_sum3A_266 = vector.broadcast %reduce_sum3A_265 : i1 to vector<16xi1>
      %reduce_sum3A_267 = tpu.scan <sum>, %add3A_264 masked %reduce_sum3A_266 : vector<16xf32>, vector<16xi1> -> vector<16xf32>
      %reduce_sum3A_268 = vector.extract %reduce_sum3A_267[15] : f32 from vector<16xf32>
      %eq3A_269 = arith.constant 2 : i32
      %eq3A_270 = vector.broadcast %eq3A_269 : i32 to vector<16xi32>
      %eq3A_271 = arith.cmpi eq, %iota3A, %eq3A_270 : vector<16xi32>
      %broadcast_in_dim3A_272 = vector.broadcast %reduce_sum3A_268 : f32 to vector<16xf32>
      %select_n3A_273 = arith.select %eq3A_271, %broadcast_in_dim3A_272, %select_n3A_229 : vector<16xi1>, vector<16xf32>
      %add3A_274 = arith.constant 3 : i32
      %add3A_275 = arith.addi %multiple_of3A, %add3A_274 : i32
      %slice3A_276 = vector.extract_strided_slice %get3A_142 {offsets = [3], sizes = [1], strides = [1]} : vector<16xi32> to vector<1xi32>
      %squeeze3A_277 = vector.extract %slice3A_276[0] : i32 from vector<1xi32>
      %get3A_278 = arith.index_cast %add3A_275 : i32 to index
      %get3A_279 = arith.constant 0 : index
      %get3A_280 = tpu.vector_load %arg12[%get3A_278, %get3A_279] {strides = array<i32>} : memref<512x64xf32, #tpu.memory_space<vmem>>, vector<16xf32>,
      %get3A_281 = arith.index_cast %squeeze3A_277 : i32 to index
      %get3A_282 = arith.constant 0 : index
      %get3A_283 = tpu.vector_load %arg14[%get3A_281, %get3A_282] {strides = array<i32>} : memref<151x64xf32, #tpu.memory_space<vmem>>, vector<16xf32>,
      %mul3A_284 = arith.mulf %get3A_280, %get3A_283 : vector<16xf32>
      %get3A_285 = arith.index_cast %add3A_275 : i32 to index
      %get3A_286 = arith.constant 16 : index
      %get3A_287 = tpu.vector_load %arg12[%get3A_285, %get3A_286] {strides = array<i32>} : memref<512x64xf32, #tpu.memory_space<vmem>>, vector<16xf32>,
      %get3A_288 = arith.index_cast %squeeze3A_277 : i32 to index
      %get3A_289 = arith.constant 16 : index
      %get3A_290 = tpu.vector_load %arg14[%get3A_288, %get3A_289] {strides = array<i32>} : memref<151x64xf32, #tpu.memory_space<vmem>>, vector<16xf32>,
      %mul3A_291 = arith.mulf %get3A_287, %get3A_290 : vector<16xf32>
      %add3A_292 = arith.addf %mul3A_291, %mul3A_284 : vector<16xf32>
      %get3A_293 = arith.index_cast %add3A_275 : i32 to index
      %get3A_294 = arith.constant 32 : index
      %get3A_295 = tpu.vector_load %arg12[%get3A_293, %get3A_294] {strides = array<i32>} : memref<512x64xf32, #tpu.memory_space<vmem>>, vector<16xf32>,
      %get3A_296 = arith.index_cast %squeeze3A_277 : i32 to index
      %get3A_297 = arith.constant 32 : index
      %get3A_298 = tpu.vector_load %arg14[%get3A_296, %get3A_297] {strides = array<i32>} : memref<151x64xf32, #tpu.memory_space<vmem>>, vector<16xf32>,
      %mul3A_299 = arith.mulf %get3A_295, %get3A_298 : vector<16xf32>
      %add3A_300 = arith.addf %mul3A_299, %add3A_292 : vector<16xf32>
      %get3A_301 = arith.index_cast %add3A_275 : i32 to index
      %get3A_302 = arith.constant 48 : index
      %get3A_303 = tpu.vector_load %arg12[%get3A_301, %get3A_302] {strides = array<i32>} : memref<512x64xf32, #tpu.memory_space<vmem>>, vector<16xf32>,
      %get3A_304 = arith.index_cast %squeeze3A_277 : i32 to index
      %get3A_305 = arith.constant 48 : index
      %get3A_306 = tpu.vector_load %arg14[%get3A_304, %get3A_305] {strides = array<i32>} : memref<151x64xf32, #tpu.memory_space<vmem>>, vector<16xf32>,
      %mul3A_307 = arith.mulf %get3A_303, %get3A_306 : vector<16xf32>
      %add3A_308 = arith.addf %mul3A_307, %add3A_300 : vector<16xf32>
      %reduce_sum3A_309 = arith.constant true
      %reduce_sum3A_310 = vector.broadcast %reduce_sum3A_309 : i1 to vector<16xi1>
      %reduce_sum3A_311 = tpu.scan <sum>, %add3A_308 masked %reduce_sum3A_310 : vector<16xf32>, vector<16xi1> -> vector<16xf32>
      %reduce_sum3A_312 = vector.extract %reduce_sum3A_311[15] : f32 from vector<16xf32>
      %eq3A_313 = arith.constant 3 : i32
      %eq3A_314 = vector.broadcast %eq3A_313 : i32 to vector<16xi32>
      %eq3A_315 = arith.cmpi eq, %iota3A, %eq3A_314 : vector<16xi32>
      %broadcast_in_dim3A_316 = vector.broadcast %reduce_sum3A_312 : f32 to vector<16xf32>
      %select_n3A_317 = arith.select %eq3A_315, %broadcast_in_dim3A_316, %select_n3A_273 : vector<16xi1>, vector<16xf32>
      %add3A_318 = arith.constant 4 : i32
      %add3A_319 = arith.addi %multiple_of3A, %add3A_318 : i32
      %slice3A_320 = vector.extract_strided_slice %get3A_142 {offsets = [4], sizes = [1], strides = [1]} : vector<16xi32> to vector<1xi32>
      %squeeze3A_321 = vector.extract %slice3A_320[0] : i32 from vector<1xi32>
      %get3A_322 = arith.index_cast %add3A_319 : i32 to index
      %get3A_323 = arith.constant 0 : index
      %get3A_324 = tpu.vector_load %arg12[%get3A_322, %get3A_323] {strides = array<i32>} : memref<512x64xf32, #tpu.memory_space<vmem>>, vector<16xf32>,
      %get3A_325 = arith.index_cast %squeeze3A_321 : i32 to index
      %get3A_326 = arith.constant 0 : index
      %get3A_327 = tpu.vector_load %arg14[%get3A_325, %get3A_326] {strides = array<i32>} : memref<151x64xf32, #tpu.memory_space<vmem>>, vector<16xf32>,
      %mul3A_328 = arith.mulf %get3A_324, %get3A_327 : vector<16xf32>
      %get3A_329 = arith.index_cast %add3A_319 : i32 to index
      %get3A_330 = arith.constant 16 : index
      %get3A_331 = tpu.vector_load %arg12[%get3A_329, %get3A_330] {strides = array<i32>} : memref<512x64xf32, #tpu.memory_space<vmem>>, vector<16xf32>,
      %get3A_332 = arith.index_cast %squeeze3A_321 : i32 to index
      %get3A_333 = arith.constant 16 : index
      %get3A_334 = tpu.vector_load %arg14[%get3A_332, %get3A_333] {strides = array<i32>} : memref<151x64xf32, #tpu.memory_space<vmem>>, vector<16xf32>,
      %mul3A_335 = arith.mulf %get3A_331, %get3A_334 : vector<16xf32>
      %add3A_336 = arith.addf %mul3A_335, %mul3A_328 : vector<16xf32>
      %get3A_337 = arith.index_cast %add3A_319 : i32 to index
      %get3A_338 = arith.constant 32 : index
      %get3A_339 = tpu.vector_load %arg12[%get3A_337, %get3A_338] {strides = array<i32>} : memref<512x64xf32, #tpu.memory_space<vmem>>, vector<16xf32>,
      %get3A_340 = arith.index_cast %squeeze3A_321 : i32 to index
      %get3A_341 = arith.constant 32 : index
      %get3A_342 = tpu.vector_load %arg14[%get3A_340, %get3A_341] {strides = array<i32>} : memref<151x64xf32, #tpu.memory_space<vmem>>, vector<16xf32>,
      %mul3A_343 = arith.mulf %get3A_339, %get3A_342 : vector<16xf32>
      %add3A_344 = arith.addf %mul3A_343, %add3A_336 : vector<16xf32>
      %get3A_345 = arith.index_cast %add3A_319 : i32 to index
      %get3A_346 = arith.constant 48 : index
      %get3A_347 = tpu.vector_load %arg12[%get3A_345, %get3A_346] {strides = array<i32>} : memref<512x64xf32, #tpu.memory_space<vmem>>, vector<16xf32>,
      %get3A_348 = arith.index_cast %squeeze3A_321 : i32 to index
      %get3A_349 = arith.constant 48 : index
      %get3A_350 = tpu.vector_load %arg14[%get3A_348, %get3A_349] {strides = array<i32>} : memref<151x64xf32, #tpu.memory_space<vmem>>, vector<16xf32>,
      %mul3A_351 = arith.mulf %get3A_347, %get3A_350 : vector<16xf32>
      %add3A_352 = arith.addf %mul3A_351, %add3A_344 : vector<16xf32>
      %reduce_sum3A_353 = arith.constant true
      %reduce_sum3A_354 = vector.broadcast %reduce_sum3A_353 : i1 to vector<16xi1>
      %reduce_sum3A_355 = tpu.scan <sum>, %add3A_352 masked %reduce_sum3A_354 : vector<16xf32>, vector<16xi1> -> vector<16xf32>
      %reduce_sum3A_356 = vector.extract %reduce_sum3A_355[15] : f32 from vector<16xf32>
      %eq3A_357 = arith.constant 4 : i32
      %eq3A_358 = vector.broadcast %eq3A_357 : i32 to vector<16xi32>
      %eq3A_359 = arith.cmpi eq, %iota3A, %eq3A_358 : vector<16xi32>
      %broadcast_in_dim3A_360 = vector.broadcast %reduce_sum3A_356 : f32 to vector<16xf32>
      %select_n3A_361 = arith.select %eq3A_359, %broadcast_in_dim3A_360, %select_n3A_317 : vector<16xi1>, vector<16xf32>
      %add3A_362 = arith.constant 5 : i32
      %add3A_363 = arith.addi %multiple_of3A, %add3A_362 : i32
      %slice3A_364 = vector.extract_strided_slice %get3A_142 {offsets = [5], sizes = [1], strides = [1]} : vector<16xi32> to vector<1xi32>
      %squeeze3A_365 = vector.extract %slice3A_364[0] : i32 from vector<1xi32>
      %get3A_366 = arith.index_cast %add3A_363 : i32 to index
      %get3A_367 = arith.constant 0 : index
      %get3A_368 = tpu.vector_load %arg12[%get3A_366, %get3A_367] {strides = array<i32>} : memref<512x64xf32, #tpu.memory_space<vmem>>, vector<16xf32>,
      %get3A_369 = arith.index_cast %squeeze3A_365 : i32 to index
      %get3A_370 = arith.constant 0 : index
      %get3A_371 = tpu.vector_load %arg14[%get3A_369, %get3A_370] {strides = array<i32>} : memref<151x64xf32, #tpu.memory_space<vmem>>, vector<16xf32>,
      %mul3A_372 = arith.mulf %get3A_368, %get3A_371 : vector<16xf32>
      %get3A_373 = arith.index_cast %add3A_363 : i32 to index
      %get3A_374 = arith.constant 16 : index
      %get3A_375 = tpu.vector_load %arg12[%get3A_373, %get3A_374] {strides = array<i32>} : memref<512x64xf32, #tpu.memory_space<vmem>>, vector<16xf32>,
      %get3A_376 = arith.index_cast %squeeze3A_365 : i32 to index
      %get3A_377 = arith.constant 16 : index
      %get3A_378 = tpu.vector_load %arg14[%get3A_376, %get3A_377] {strides = array<i32>} : memref<151x64xf32, #tpu.memory_space<vmem>>, vector<16xf32>,
      %mul3A_379 = arith.mulf %get3A_375, %get3A_378 : vector<16xf32>
      %add3A_380 = arith.addf %mul3A_379, %mul3A_372 : vector<16xf32>
      %get3A_381 = arith.index_cast %add3A_363 : i32 to index
      %get3A_382 = arith.constant 32 : index
      %get3A_383 = tpu.vector_load %arg12[%get3A_381, %get3A_382] {strides = array<i32>} : memref<512x64xf32, #tpu.memory_space<vmem>>, vector<16xf32>,
      %get3A_384 = arith.index_cast %squeeze3A_365 : i32 to index
      %get3A_385 = arith.constant 32 : index
      %get3A_386 = tpu.vector_load %arg14[%get3A_384, %get3A_385] {strides = array<i32>} : memref<151x64xf32, #tpu.memory_space<vmem>>, vector<16xf32>,
      %mul3A_387 = arith.mulf %get3A_383, %get3A_386 : vector<16xf32>
      %add3A_388 = arith.addf %mul3A_387, %add3A_380 : vector<16xf32>
      %get3A_389 = arith.index_cast %add3A_363 : i32 to index
      %get3A_390 = arith.constant 48 : index
      %get3A_391 = tpu.vector_load %arg12[%get3A_389, %get3A_390] {strides = array<i32>} : memref<512x64xf32, #tpu.memory_space<vmem>>, vector<16xf32>,
      %get3A_392 = arith.index_cast %squeeze3A_365 : i32 to index
      %get3A_393 = arith.constant 48 : index
      %get3A_394 = tpu.vector_load %arg14[%get3A_392, %get3A_393] {strides = array<i32>} : memref<151x64xf32, #tpu.memory_space<vmem>>, vector<16xf32>,
      %mul3A_395 = arith.mulf %get3A_391, %get3A_394 : vector<16xf32>
      %add3A_396 = arith.addf %mul3A_395, %add3A_388 : vector<16xf32>
      %reduce_sum3A_397 = arith.constant true
      %reduce_sum3A_398 = vector.broadcast %reduce_sum3A_397 : i1 to vector<16xi1>
      %reduce_sum3A_399 = tpu.scan <sum>, %add3A_396 masked %reduce_sum3A_398 : vector<16xf32>, vector<16xi1> -> vector<16xf32>
      %reduce_sum3A_400 = vector.extract %reduce_sum3A_399[15] : f32 from vector<16xf32>
      %eq3A_401 = arith.constant 5 : i32
      %eq3A_402 = vector.broadcast %eq3A_401 : i32 to vector<16xi32>
      %eq3A_403 = arith.cmpi eq, %iota3A, %eq3A_402 : vector<16xi32>
      %broadcast_in_dim3A_404 = vector.broadcast %reduce_sum3A_400 : f32 to vector<16xf32>
      %select_n3A_405 = arith.select %eq3A_403, %broadcast_in_dim3A_404, %select_n3A_361 : vector<16xi1>, vector<16xf32>
      %add3A_406 = arith.constant 6 : i32
      %add3A_407 = arith.addi %multiple_of3A, %add3A_406 : i32
      %slice3A_408 = vector.extract_strided_slice %get3A_142 {offsets = [6], sizes = [1], strides = [1]} : vector<16xi32> to vector<1xi32>
      %squeeze3A_409 = vector.extract %slice3A_408[0] : i32 from vector<1xi32>
      %get3A_410 = arith.index_cast %add3A_407 : i32 to index
      %get3A_411 = arith.constant 0 : index
      %get3A_412 = tpu.vector_load %arg12[%get3A_410, %get3A_411] {strides = array<i32>} : memref<512x64xf32, #tpu.memory_space<vmem>>, vector<16xf32>,
      %get3A_413 = arith.index_cast %squeeze3A_409 : i32 to index
      %get3A_414 = arith.constant 0 : index
      %get3A_415 = tpu.vector_load %arg14[%get3A_413, %get3A_414] {strides = array<i32>} : memref<151x64xf32, #tpu.memory_space<vmem>>, vector<16xf32>,
      %mul3A_416 = arith.mulf %get3A_412, %get3A_415 : vector<16xf32>
      %get3A_417 = arith.index_cast %add3A_407 : i32 to index
      %get3A_418 = arith.constant 16 : index
      %get3A_419 = tpu.vector_load %arg12[%get3A_417, %get3A_418] {strides = array<i32>} : memref<512x64xf32, #tpu.memory_space<vmem>>, vector<16xf32>,
      %get3A_420 = arith.index_cast %squeeze3A_409 : i32 to index
      %get3A_421 = arith.constant 16 : index
      %get3A_422 = tpu.vector_load %arg14[%get3A_420, %get3A_421] {strides = array<i32>} : memref<151x64xf32, #tpu.memory_space<vmem>>, vector<16xf32>,
      %mul3A_423 = arith.mulf %get3A_419, %get3A_422 : vector<16xf32>
      %add3A_424 = arith.addf %mul3A_423, %mul3A_416 : vector<16xf32>
      %get3A_425 = arith.index_cast %add3A_407 : i32 to index
      %get3A_426 = arith.constant 32 : index
      %get3A_427 = tpu.vector_load %arg12[%get3A_425, %get3A_426] {strides = array<i32>} : memref<512x64xf32, #tpu.memory_space<vmem>>, vector<16xf32>,
      %get3A_428 = arith.index_cast %squeeze3A_409 : i32 to index
      %get3A_429 = arith.constant 32 : index
      %get3A_430 = tpu.vector_load %arg14[%get3A_428, %get3A_429] {strides = array<i32>} : memref<151x64xf32, #tpu.memory_space<vmem>>, vector<16xf32>,
      %mul3A_431 = arith.mulf %get3A_427, %get3A_430 : vector<16xf32>
      %add3A_432 = arith.addf %mul3A_431, %add3A_424 : vector<16xf32>
      %get3A_433 = arith.index_cast %add3A_407 : i32 to index
      %get3A_434 = arith.constant 48 : index
      %get3A_435 = tpu.vector_load %arg12[%get3A_433, %get3A_434] {strides = array<i32>} : memref<512x64xf32, #tpu.memory_space<vmem>>, vector<16xf32>,
      %get3A_436 = arith.index_cast %squeeze3A_409 : i32 to index
      %get3A_437 = arith.constant 48 : index
      %get3A_438 = tpu.vector_load %arg14[%get3A_436, %get3A_437] {strides = array<i32>} : memref<151x64xf32, #tpu.memory_space<vmem>>, vector<16xf32>,
      %mul3A_439 = arith.mulf %get3A_435, %get3A_438 : vector<16xf32>
      %add3A_440 = arith.addf %mul3A_439, %add3A_432 : vector<16xf32>
      %reduce_sum3A_441 = arith.constant true
      %reduce_sum3A_442 = vector.broadcast %reduce_sum3A_441 : i1 to vector<16xi1>
      %reduce_sum3A_443 = tpu.scan <sum>, %add3A_440 masked %reduce_sum3A_442 : vector<16xf32>, vector<16xi1> -> vector<16xf32>
      %reduce_sum3A_444 = vector.extract %reduce_sum3A_443[15] : f32 from vector<16xf32>
      %eq3A_445 = arith.constant 6 : i32
      %eq3A_446 = vector.broadcast %eq3A_445 : i32 to vector<16xi32>
      %eq3A_447 = arith.cmpi eq, %iota3A, %eq3A_446 : vector<16xi32>
      %broadcast_in_dim3A_448 = vector.broadcast %reduce_sum3A_444 : f32 to vector<16xf32>
      %select_n3A_449 = arith.select %eq3A_447, %broadcast_in_dim3A_448, %select_n3A_405 : vector<16xi1>, vector<16xf32>
      %add3A_450 = arith.constant 7 : i32
      %add3A_451 = arith.addi %multiple_of3A, %add3A_450 : i32
      %slice3A_452 = vector.extract_strided_slice %get3A_142 {offsets = [7], sizes = [1], strides = [1]} : vector<16xi32> to vector<1xi32>
      %squeeze3A_453 = vector.extract %slice3A_452[0] : i32 from vector<1xi32>
      %get3A_454 = arith.index_cast %add3A_451 : i32 to index
      %get3A_455 = arith.constant 0 : index
      %get3A_456 = tpu.vector_load %arg12[%get3A_454, %get3A_455] {strides = array<i32>} : memref<512x64xf32, #tpu.memory_space<vmem>>, vector<16xf32>,
      %get3A_457 = arith.index_cast %squeeze3A_453 : i32 to index
      %get3A_458 = arith.constant 0 : index
      %get3A_459 = tpu.vector_load %arg14[%get3A_457, %get3A_458] {strides = array<i32>} : memref<151x64xf32, #tpu.memory_space<vmem>>, vector<16xf32>,
      %mul3A_460 = arith.mulf %get3A_456, %get3A_459 : vector<16xf32>
      %get3A_461 = arith.index_cast %add3A_451 : i32 to index
      %get3A_462 = arith.constant 16 : index
      %get3A_463 = tpu.vector_load %arg12[%get3A_461, %get3A_462] {strides = array<i32>} : memref<512x64xf32, #tpu.memory_space<vmem>>, vector<16xf32>,
      %get3A_464 = arith.index_cast %squeeze3A_453 : i32 to index
      %get3A_465 = arith.constant 16 : index
      %get3A_466 = tpu.vector_load %arg14[%get3A_464, %get3A_465] {strides = array<i32>} : memref<151x64xf32, #tpu.memory_space<vmem>>, vector<16xf32>,
      %mul3A_467 = arith.mulf %get3A_463, %get3A_466 : vector<16xf32>
      %add3A_468 = arith.addf %mul3A_467, %mul3A_460 : vector<16xf32>
      %get3A_469 = arith.index_cast %add3A_451 : i32 to index
      %get3A_470 = arith.constant 32 : index
      %get3A_471 = tpu.vector_load %arg12[%get3A_469, %get3A_470] {strides = array<i32>} : memref<512x64xf32, #tpu.memory_space<vmem>>, vector<16xf32>,
      %get3A_472 = arith.index_cast %squeeze3A_453 : i32 to index
      %get3A_473 = arith.constant 32 : index
      %get3A_474 = tpu.vector_load %arg14[%get3A_472, %get3A_473] {strides = array<i32>} : memref<151x64xf32, #tpu.memory_space<vmem>>, vector<16xf32>,
      %mul3A_475 = arith.mulf %get3A_471, %get3A_474 : vector<16xf32>
      %add3A_476 = arith.addf %mul3A_475, %add3A_468 : vector<16xf32>
      %get3A_477 = arith.index_cast %add3A_451 : i32 to index
      %get3A_478 = arith.constant 48 : index
      %get3A_479 = tpu.vector_load %arg12[%get3A_477, %get3A_478] {strides = array<i32>} : memref<512x64xf32, #tpu.memory_space<vmem>>, vector<16xf32>,
      %get3A_480 = arith.index_cast %squeeze3A_453 : i32 to index
      %get3A_481 = arith.constant 48 : index
      %get3A_482 = tpu.vector_load %arg14[%get3A_480, %get3A_481] {strides = array<i32>} : memref<151x64xf32, #tpu.memory_space<vmem>>, vector<16xf32>,
      %mul3A_483 = arith.mulf %get3A_479, %get3A_482 : vector<16xf32>
      %add3A_484 = arith.addf %mul3A_483, %add3A_476 : vector<16xf32>
      %reduce_sum3A_485 = arith.constant true
      %reduce_sum3A_486 = vector.broadcast %reduce_sum3A_485 : i1 to vector<16xi1>
      %reduce_sum3A_487 = tpu.scan <sum>, %add3A_484 masked %reduce_sum3A_486 : vector<16xf32>, vector<16xi1> -> vector<16xf32>
      %reduce_sum3A_488 = vector.extract %reduce_sum3A_487[15] : f32 from vector<16xf32>
      %eq3A_489 = arith.constant 7 : i32
      %eq3A_490 = vector.broadcast %eq3A_489 : i32 to vector<16xi32>
      %eq3A_491 = arith.cmpi eq, %iota3A, %eq3A_490 : vector<16xi32>
      %broadcast_in_dim3A_492 = vector.broadcast %reduce_sum3A_488 : f32 to vector<16xf32>
      %select_n3A_493 = arith.select %eq3A_491, %broadcast_in_dim3A_492, %select_n3A_449 : vector<16xi1>, vector<16xf32>
      %add3A_494 = arith.constant 8 : i32
      %add3A_495 = arith.addi %multiple_of3A, %add3A_494 : i32
      %slice3A_496 = vector.extract_strided_slice %get3A_142 {offsets = [8], sizes = [1], strides = [1]} : vector<16xi32> to vector<1xi32>
      %squeeze3A_497 = vector.extract %slice3A_496[0] : i32 from vector<1xi32>
      %get3A_498 = arith.index_cast %add3A_495 : i32 to index
      %get3A_499 = arith.constant 0 : index
      %get3A_500 = tpu.vector_load %arg12[%get3A_498, %get3A_499] {strides = array<i32>} : memref<512x64xf32, #tpu.memory_space<vmem>>, vector<16xf32>,
      %get3A_501 = arith.index_cast %squeeze3A_497 : i32 to index
      %get3A_502 = arith.constant 0 : index
      %get3A_503 = tpu.vector_load %arg14[%get3A_501, %get3A_502] {strides = array<i32>} : memref<151x64xf32, #tpu.memory_space<vmem>>, vector<16xf32>,
      %mul3A_504 = arith.mulf %get3A_500, %get3A_503 : vector<16xf32>
      %get3A_505 = arith.index_cast %add3A_495 : i32 to index
      %get3A_506 = arith.constant 16 : index
      %get3A_507 = tpu.vector_load %arg12[%get3A_505, %get3A_506] {strides = array<i32>} : memref<512x64xf32, #tpu.memory_space<vmem>>, vector<16xf32>,
      %get3A_508 = arith.index_cast %squeeze3A_497 : i32 to index
      %get3A_509 = arith.constant 16 : index
      %get3A_510 = tpu.vector_load %arg14[%get3A_508, %get3A_509] {strides = array<i32>} : memref<151x64xf32, #tpu.memory_space<vmem>>, vector<16xf32>,
      %mul3A_511 = arith.mulf %get3A_507, %get3A_510 : vector<16xf32>
      %add3A_512 = arith.addf %mul3A_511, %mul3A_504 : vector<16xf32>
      %get3A_513 = arith.index_cast %add3A_495 : i32 to index
      %get3A_514 = arith.constant 32 : index
      %get3A_515 = tpu.vector_load %arg12[%get3A_513, %get3A_514] {strides = array<i32>} : memref<512x64xf32, #tpu.memory_space<vmem>>, vector<16xf32>,
      %get3A_516 = arith.index_cast %squeeze3A_497 : i32 to index
      %get3A_517 = arith.constant 32 : index
      %get3A_518 = tpu.vector_load %arg14[%get3A_516, %get3A_517] {strides = array<i32>} : memref<151x64xf32, #tpu.memory_space<vmem>>, vector<16xf32>,
      %mul3A_519 = arith.mulf %get3A_515, %get3A_518 : vector<16xf32>
      %add3A_520 = arith.addf %mul3A_519, %add3A_512 : vector<16xf32>
      %get3A_521 = arith.index_cast %add3A_495 : i32 to index
      %get3A_522 = arith.constant 48 : index
      %get3A_523 = tpu.vector_load %arg12[%get3A_521, %get3A_522] {strides = array<i32>} : memref<512x64xf32, #tpu.memory_space<vmem>>, vector<16xf32>,
      %get3A_524 = arith.index_cast %squeeze3A_497 : i32 to index
      %get3A_525 = arith.constant 48 : index
      %get3A_526 = tpu.vector_load %arg14[%get3A_524, %get3A_525] {strides = array<i32>} : memref<151x64xf32, #tpu.memory_space<vmem>>, vector<16xf32>,
      %mul3A_527 = arith.mulf %get3A_523, %get3A_526 : vector<16xf32>
      %add3A_528 = arith.addf %mul3A_527, %add3A_520 : vector<16xf32>
      %reduce_sum3A_529 = arith.constant true
      %reduce_sum3A_530 = vector.broadcast %reduce_sum3A_529 : i1 to vector<16xi1>
      %reduce_sum3A_531 = tpu.scan <sum>, %add3A_528 masked %reduce_sum3A_530 : vector<16xf32>, vector<16xi1> -> vector<16xf32>
      %reduce_sum3A_532 = vector.extract %reduce_sum3A_531[15] : f32 from vector<16xf32>
      %eq3A_533 = arith.constant 8 : i32
      %eq3A_534 = vector.broadcast %eq3A_533 : i32 to vector<16xi32>
      %eq3A_535 = arith.cmpi eq, %iota3A, %eq3A_534 : vector<16xi32>
      %broadcast_in_dim3A_536 = vector.broadcast %reduce_sum3A_532 : f32 to vector<16xf32>
      %select_n3A_537 = arith.select %eq3A_535, %broadcast_in_dim3A_536, %select_n3A_493 : vector<16xi1>, vector<16xf32>
      %add3A_538 = arith.constant 9 : i32
      %add3A_539 = arith.addi %multiple_of3A, %add3A_538 : i32
      %slice3A_540 = vector.extract_strided_slice %get3A_142 {offsets = [9], sizes = [1], strides = [1]} : vector<16xi32> to vector<1xi32>
      %squeeze3A_541 = vector.extract %slice3A_540[0] : i32 from vector<1xi32>
      %get3A_542 = arith.index_cast %add3A_539 : i32 to index
      %get3A_543 = arith.constant 0 : index
      %get3A_544 = tpu.vector_load %arg12[%get3A_542, %get3A_543] {strides = array<i32>} : memref<512x64xf32, #tpu.memory_space<vmem>>, vector<16xf32>,
      %get3A_545 = arith.index_cast %squeeze3A_541 : i32 to index
      %get3A_546 = arith.constant 0 : index
      %get3A_547 = tpu.vector_load %arg14[%get3A_545, %get3A_546] {strides = array<i32>} : memref<151x64xf32, #tpu.memory_space<vmem>>, vector<16xf32>,
      %mul3A_548 = arith.mulf %get3A_544, %get3A_547 : vector<16xf32>
      %get3A_549 = arith.index_cast %add3A_539 : i32 to index
      %get3A_550 = arith.constant 16 : index
      %get3A_551 = tpu.vector_load %arg12[%get3A_549, %get3A_550] {strides = array<i32>} : memref<512x64xf32, #tpu.memory_space<vmem>>, vector<16xf32>,
      %get3A_552 = arith.index_cast %squeeze3A_541 : i32 to index
      %get3A_553 = arith.constant 16 : index
      %get3A_554 = tpu.vector_load %arg14[%get3A_552, %get3A_553] {strides = array<i32>} : memref<151x64xf32, #tpu.memory_space<vmem>>, vector<16xf32>,
      %mul3A_555 = arith.mulf %get3A_551, %get3A_554 : vector<16xf32>
      %add3A_556 = arith.addf %mul3A_555, %mul3A_548 : vector<16xf32>
      %get3A_557 = arith.index_cast %add3A_539 : i32 to index
      %get3A_558 = arith.constant 32 : index
      %get3A_559 = tpu.vector_load %arg12[%get3A_557, %get3A_558] {strides = array<i32>} : memref<512x64xf32, #tpu.memory_space<vmem>>, vector<16xf32>,
      %get3A_560 = arith.index_cast %squeeze3A_541 : i32 to index
      %get3A_561 = arith.constant 32 : index
      %get3A_562 = tpu.vector_load %arg14[%get3A_560, %get3A_561] {strides = array<i32>} : memref<151x64xf32, #tpu.memory_space<vmem>>, vector<16xf32>,
      %mul3A_563 = arith.mulf %get3A_559, %get3A_562 : vector<16xf32>
      %add3A_564 = arith.addf %mul3A_563, %add3A_556 : vector<16xf32>
      %get3A_565 = arith.index_cast %add3A_539 : i32 to index
      %get3A_566 = arith.constant 48 : index
      %get3A_567 = tpu.vector_load %arg12[%get3A_565, %get3A_566] {strides = array<i32>} : memref<512x64xf32, #tpu.memory_space<vmem>>, vector<16xf32>,
      %get3A_568 = arith.index_cast %squeeze3A_541 : i32 to index
      %get3A_569 = arith.constant 48 : index
      %get3A_570 = tpu.vector_load %arg14[%get3A_568, %get3A_569] {strides = array<i32>} : memref<151x64xf32, #tpu.memory_space<vmem>>, vector<16xf32>,
      %mul3A_571 = arith.mulf %get3A_567, %get3A_570 : vector<16xf32>
      %add3A_572 = arith.addf %mul3A_571, %add3A_564 : vector<16xf32>
      %reduce_sum3A_573 = arith.constant true
      %reduce_sum3A_574 = vector.broadcast %reduce_sum3A_573 : i1 to vector<16xi1>
      %reduce_sum3A_575 = tpu.scan <sum>, %add3A_572 masked %reduce_sum3A_574 : vector<16xf32>, vector<16xi1> -> vector<16xf32>
      %reduce_sum3A_576 = vector.extract %reduce_sum3A_575[15] : f32 from vector<16xf32>
      %eq3A_577 = arith.constant 9 : i32
      %eq3A_578 = vector.broadcast %eq3A_577 : i32 to vector<16xi32>
      %eq3A_579 = arith.cmpi eq, %iota3A, %eq3A_578 : vector<16xi32>
      %broadcast_in_dim3A_580 = vector.broadcast %reduce_sum3A_576 : f32 to vector<16xf32>
      %select_n3A_581 = arith.select %eq3A_579, %broadcast_in_dim3A_580, %select_n3A_537 : vector<16xi1>, vector<16xf32>
      %add3A_582 = arith.constant 10 : i32
      %add3A_583 = arith.addi %multiple_of3A, %add3A_582 : i32
      %slice3A_584 = vector.extract_strided_slice %get3A_142 {offsets = [10], sizes = [1], strides = [1]} : vector<16xi32> to vector<1xi32>
      %squeeze3A_585 = vector.extract %slice3A_584[0] : i32 from vector<1xi32>
      %get3A_586 = arith.index_cast %add3A_583 : i32 to index
      %get3A_587 = arith.constant 0 : index
      %get3A_588 = tpu.vector_load %arg12[%get3A_586, %get3A_587] {strides = array<i32>} : memref<512x64xf32, #tpu.memory_space<vmem>>, vector<16xf32>,
      %get3A_589 = arith.index_cast %squeeze3A_585 : i32 to index
      %get3A_590 = arith.constant 0 : index
      %get3A_591 = tpu.vector_load %arg14[%get3A_589, %get3A_590] {strides = array<i32>} : memref<151x64xf32, #tpu.memory_space<vmem>>, vector<16xf32>,
      %mul3A_592 = arith.mulf %get3A_588, %get3A_591 : vector<16xf32>
      %get3A_593 = arith.index_cast %add3A_583 : i32 to index
      %get3A_594 = arith.constant 16 : index
      %get3A_595 = tpu.vector_load %arg12[%get3A_593, %get3A_594] {strides = array<i32>} : memref<512x64xf32, #tpu.memory_space<vmem>>, vector<16xf32>,
      %get3A_596 = arith.index_cast %squeeze3A_585 : i32 to index
      %get3A_597 = arith.constant 16 : index
      %get3A_598 = tpu.vector_load %arg14[%get3A_596, %get3A_597] {strides = array<i32>} : memref<151x64xf32, #tpu.memory_space<vmem>>, vector<16xf32>,
      %mul3A_599 = arith.mulf %get3A_595, %get3A_598 : vector<16xf32>
      %add3A_600 = arith.addf %mul3A_599, %mul3A_592 : vector<16xf32>
      %get3A_601 = arith.index_cast %add3A_583 : i32 to index
      %get3A_602 = arith.constant 32 : index
      %get3A_603 = tpu.vector_load %arg12[%get3A_601, %get3A_602] {strides = array<i32>} : memref<512x64xf32, #tpu.memory_space<vmem>>, vector<16xf32>,
      %get3A_604 = arith.index_cast %squeeze3A_585 : i32 to index
      %get3A_605 = arith.constant 32 : index
      %get3A_606 = tpu.vector_load %arg14[%get3A_604, %get3A_605] {strides = array<i32>} : memref<151x64xf32, #tpu.memory_space<vmem>>, vector<16xf32>,
      %mul3A_607 = arith.mulf %get3A_603, %get3A_606 : vector<16xf32>
      %add3A_608 = arith.addf %mul3A_607, %add3A_600 : vector<16xf32>
      %get3A_609 = arith.index_cast %add3A_583 : i32 to index
      %get3A_610 = arith.constant 48 : index
      %get3A_611 = tpu.vector_load %arg12[%get3A_609, %get3A_610] {strides = array<i32>} : memref<512x64xf32, #tpu.memory_space<vmem>>, vector<16xf32>,
      %get3A_612 = arith.index_cast %squeeze3A_585 : i32 to index
      %get3A_613 = arith.constant 48 : index
      %get3A_614 = tpu.vector_load %arg14[%get3A_612, %get3A_613] {strides = array<i32>} : memref<151x64xf32, #tpu.memory_space<vmem>>, vector<16xf32>,
      %mul3A_615 = arith.mulf %get3A_611, %get3A_614 : vector<16xf32>
      %add3A_616 = arith.addf %mul3A_615, %add3A_608 : vector<16xf32>
      %reduce_sum3A_617 = arith.constant true
      %reduce_sum3A_618 = vector.broadcast %reduce_sum3A_617 : i1 to vector<16xi1>
      %reduce_sum3A_619 = tpu.scan <sum>, %add3A_616 masked %reduce_sum3A_618 : vector<16xf32>, vector<16xi1> -> vector<16xf32>
      %reduce_sum3A_620 = vector.extract %reduce_sum3A_619[15] : f32 from vector<16xf32>
      %eq3A_621 = arith.constant 10 : i32
      %eq3A_622 = vector.broadcast %eq3A_621 : i32 to vector<16xi32>
      %eq3A_623 = arith.cmpi eq, %iota3A, %eq3A_622 : vector<16xi32>
      %broadcast_in_dim3A_624 = vector.broadcast %reduce_sum3A_620 : f32 to vector<16xf32>
      %select_n3A_625 = arith.select %eq3A_623, %broadcast_in_dim3A_624, %select_n3A_581 : vector<16xi1>, vector<16xf32>
      %add3A_626 = arith.constant 11 : i32
      %add3A_627 = arith.addi %multiple_of3A, %add3A_626 : i32
      %slice3A_628 = vector.extract_strided_slice %get3A_142 {offsets = [11], sizes = [1], strides = [1]} : vector<16xi32> to vector<1xi32>
      %squeeze3A_629 = vector.extract %slice3A_628[0] : i32 from vector<1xi32>
      %get3A_630 = arith.index_cast %add3A_627 : i32 to index
      %get3A_631 = arith.constant 0 : index
      %get3A_632 = tpu.vector_load %arg12[%get3A_630, %get3A_631] {strides = array<i32>} : memref<512x64xf32, #tpu.memory_space<vmem>>, vector<16xf32>,
      %get3A_633 = arith.index_cast %squeeze3A_629 : i32 to index
      %get3A_634 = arith.constant 0 : index
      %get3A_635 = tpu.vector_load %arg14[%get3A_633, %get3A_634] {strides = array<i32>} : memref<151x64xf32, #tpu.memory_space<vmem>>, vector<16xf32>,
      %mul3A_636 = arith.mulf %get3A_632, %get3A_635 : vector<16xf32>
      %get3A_637 = arith.index_cast %add3A_627 : i32 to index
      %get3A_638 = arith.constant 16 : index
      %get3A_639 = tpu.vector_load %arg12[%get3A_637, %get3A_638] {strides = array<i32>} : memref<512x64xf32, #tpu.memory_space<vmem>>, vector<16xf32>,
      %get3A_640 = arith.index_cast %squeeze3A_629 : i32 to index
      %get3A_641 = arith.constant 16 : index
      %get3A_642 = tpu.vector_load %arg14[%get3A_640, %get3A_641] {strides = array<i32>} : memref<151x64xf32, #tpu.memory_space<vmem>>, vector<16xf32>,
      %mul3A_643 = arith.mulf %get3A_639, %get3A_642 : vector<16xf32>
      %add3A_644 = arith.addf %mul3A_643, %mul3A_636 : vector<16xf32>
      %get3A_645 = arith.index_cast %add3A_627 : i32 to index
      %get3A_646 = arith.constant 32 : index
      %get3A_647 = tpu.vector_load %arg12[%get3A_645, %get3A_646] {strides = array<i32>} : memref<512x64xf32, #tpu.memory_space<vmem>>, vector<16xf32>,
      %get3A_648 = arith.index_cast %squeeze3A_629 : i32 to index
      %get3A_649 = arith.constant 32 : index
      %get3A_650 = tpu.vector_load %arg14[%get3A_648, %get3A_649] {strides = array<i32>} : memref<151x64xf32, #tpu.memory_space<vmem>>, vector<16xf32>,
      %mul3A_651 = arith.mulf %get3A_647, %get3A_650 : vector<16xf32>
      %add3A_652 = arith.addf %mul3A_651, %add3A_644 : vector<16xf32>
      %get3A_653 = arith.index_cast %add3A_627 : i32 to index
      %get3A_654 = arith.constant 48 : index
      %get3A_655 = tpu.vector_load %arg12[%get3A_653, %get3A_654] {strides = array<i32>} : memref<512x64xf32, #tpu.memory_space<vmem>>, vector<16xf32>,
      %get3A_656 = arith.index_cast %squeeze3A_629 : i32 to index
      %get3A_657 = arith.constant 48 : index
      %get3A_658 = tpu.vector_load %arg14[%get3A_656, %get3A_657] {strides = array<i32>} : memref<151x64xf32, #tpu.memory_space<vmem>>, vector<16xf32>,
      %mul3A_659 = arith.mulf %get3A_655, %get3A_658 : vector<16xf32>
      %add3A_660 = arith.addf %mul3A_659, %add3A_652 : vector<16xf32>
      %reduce_sum3A_661 = arith.constant true
      %reduce_sum3A_662 = vector.broadcast %reduce_sum3A_661 : i1 to vector<16xi1>
      %reduce_sum3A_663 = tpu.scan <sum>, %add3A_660 masked %reduce_sum3A_662 : vector<16xf32>, vector<16xi1> -> vector<16xf32>
      %reduce_sum3A_664 = vector.extract %reduce_sum3A_663[15] : f32 from vector<16xf32>
      %eq3A_665 = arith.constant 11 : i32
      %eq3A_666 = vector.broadcast %eq3A_665 : i32 to vector<16xi32>
      %eq3A_667 = arith.cmpi eq, %iota3A, %eq3A_666 : vector<16xi32>
      %broadcast_in_dim3A_668 = vector.broadcast %reduce_sum3A_664 : f32 to vector<16xf32>
      %select_n3A_669 = arith.select %eq3A_667, %broadcast_in_dim3A_668, %select_n3A_625 : vector<16xi1>, vector<16xf32>
      %add3A_670 = arith.constant 12 : i32
      %add3A_671 = arith.addi %multiple_of3A, %add3A_670 : i32
      %slice3A_672 = vector.extract_strided_slice %get3A_142 {offsets = [12], sizes = [1], strides = [1]} : vector<16xi32> to vector<1xi32>
      %squeeze3A_673 = vector.extract %slice3A_672[0] : i32 from vector<1xi32>
      %get3A_674 = arith.index_cast %add3A_671 : i32 to index
      %get3A_675 = arith.constant 0 : index
      %get3A_676 = tpu.vector_load %arg12[%get3A_674, %get3A_675] {strides = array<i32>} : memref<512x64xf32, #tpu.memory_space<vmem>>, vector<16xf32>,
      %get3A_677 = arith.index_cast %squeeze3A_673 : i32 to index
      %get3A_678 = arith.constant 0 : index
      %get3A_679 = tpu.vector_load %arg14[%get3A_677, %get3A_678] {strides = array<i32>} : memref<151x64xf32, #tpu.memory_space<vmem>>, vector<16xf32>,
      %mul3A_680 = arith.mulf %get3A_676, %get3A_679 : vector<16xf32>
      %get3A_681 = arith.index_cast %add3A_671 : i32 to index
      %get3A_682 = arith.constant 16 : index
      %get3A_683 = tpu.vector_load %arg12[%get3A_681, %get3A_682] {strides = array<i32>} : memref<512x64xf32, #tpu.memory_space<vmem>>, vector<16xf32>,
      %get3A_684 = arith.index_cast %squeeze3A_673 : i32 to index
      %get3A_685 = arith.constant 16 : index
      %get3A_686 = tpu.vector_load %arg14[%get3A_684, %get3A_685] {strides = array<i32>} : memref<151x64xf32, #tpu.memory_space<vmem>>, vector<16xf32>,
      %mul3A_687 = arith.mulf %get3A_683, %get3A_686 : vector<16xf32>
      %add3A_688 = arith.addf %mul3A_687, %mul3A_680 : vector<16xf32>
      %get3A_689 = arith.index_cast %add3A_671 : i32 to index
      %get3A_690 = arith.constant 32 : index
      %get3A_691 = tpu.vector_load %arg12[%get3A_689, %get3A_690] {strides = array<i32>} : memref<512x64xf32, #tpu.memory_space<vmem>>, vector<16xf32>,
      %get3A_692 = arith.index_cast %squeeze3A_673 : i32 to index
      %get3A_693 = arith.constant 32 : index
      %get3A_694 = tpu.vector_load %arg14[%get3A_692, %get3A_693] {strides = array<i32>} : memref<151x64xf32, #tpu.memory_space<vmem>>, vector<16xf32>,
      %mul3A_695 = arith.mulf %get3A_691, %get3A_694 : vector<16xf32>
      %add3A_696 = arith.addf %mul3A_695, %add3A_688 : vector<16xf32>
      %get3A_697 = arith.index_cast %add3A_671 : i32 to index
      %get3A_698 = arith.constant 48 : index
      %get3A_699 = tpu.vector_load %arg12[%get3A_697, %get3A_698] {strides = array<i32>} : memref<512x64xf32, #tpu.memory_space<vmem>>, vector<16xf32>,
      %get3A_700 = arith.index_cast %squeeze3A_673 : i32 to index
      %get3A_701 = arith.constant 48 : index
      %get3A_702 = tpu.vector_load %arg14[%get3A_700, %get3A_701] {strides = array<i32>} : memref<151x64xf32, #tpu.memory_space<vmem>>, vector<16xf32>,
      %mul3A_703 = arith.mulf %get3A_699, %get3A_702 : vector<16xf32>
      %add3A_704 = arith.addf %mul3A_703, %add3A_696 : vector<16xf32>
      %reduce_sum3A_705 = arith.constant true
      %reduce_sum3A_706 = vector.broadcast %reduce_sum3A_705 : i1 to vector<16xi1>
      %reduce_sum3A_707 = tpu.scan <sum>, %add3A_704 masked %reduce_sum3A_706 : vector<16xf32>, vector<16xi1> -> vector<16xf32>
      %reduce_sum3A_708 = vector.extract %reduce_sum3A_707[15] : f32 from vector<16xf32>
      %eq3A_709 = arith.constant 12 : i32
      %eq3A_710 = vector.broadcast %eq3A_709 : i32 to vector<16xi32>
      %eq3A_711 = arith.cmpi eq, %iota3A, %eq3A_710 : vector<16xi32>
      %broadcast_in_dim3A_712 = vector.broadcast %reduce_sum3A_708 : f32 to vector<16xf32>
      %select_n3A_713 = arith.select %eq3A_711, %broadcast_in_dim3A_712, %select_n3A_669 : vector<16xi1>, vector<16xf32>
      %add3A_714 = arith.constant 13 : i32
      %add3A_715 = arith.addi %multiple_of3A, %add3A_714 : i32
      %slice3A_716 = vector.extract_strided_slice %get3A_142 {offsets = [13], sizes = [1], strides = [1]} : vector<16xi32> to vector<1xi32>
      %squeeze3A_717 = vector.extract %slice3A_716[0] : i32 from vector<1xi32>
      %get3A_718 = arith.index_cast %add3A_715 : i32 to index
      %get3A_719 = arith.constant 0 : index
      %get3A_720 = tpu.vector_load %arg12[%get3A_718, %get3A_719] {strides = array<i32>} : memref<512x64xf32, #tpu.memory_space<vmem>>, vector<16xf32>,
      %get3A_721 = arith.index_cast %squeeze3A_717 : i32 to index
      %get3A_722 = arith.constant 0 : index
      %get3A_723 = tpu.vector_load %arg14[%get3A_721, %get3A_722] {strides = array<i32>} : memref<151x64xf32, #tpu.memory_space<vmem>>, vector<16xf32>,
      %mul3A_724 = arith.mulf %get3A_720, %get3A_723 : vector<16xf32>
      %get3A_725 = arith.index_cast %add3A_715 : i32 to index
      %get3A_726 = arith.constant 16 : index
      %get3A_727 = tpu.vector_load %arg12[%get3A_725, %get3A_726] {strides = array<i32>} : memref<512x64xf32, #tpu.memory_space<vmem>>, vector<16xf32>,
      %get3A_728 = arith.index_cast %squeeze3A_717 : i32 to index
      %get3A_729 = arith.constant 16 : index
      %get3A_730 = tpu.vector_load %arg14[%get3A_728, %get3A_729] {strides = array<i32>} : memref<151x64xf32, #tpu.memory_space<vmem>>, vector<16xf32>,
      %mul3A_731 = arith.mulf %get3A_727, %get3A_730 : vector<16xf32>
      %add3A_732 = arith.addf %mul3A_731, %mul3A_724 : vector<16xf32>
      %get3A_733 = arith.index_cast %add3A_715 : i32 to index
      %get3A_734 = arith.constant 32 : index
      %get3A_735 = tpu.vector_load %arg12[%get3A_733, %get3A_734] {strides = array<i32>} : memref<512x64xf32, #tpu.memory_space<vmem>>, vector<16xf32>,
      %get3A_736 = arith.index_cast %squeeze3A_717 : i32 to index
      %get3A_737 = arith.constant 32 : index
      %get3A_738 = tpu.vector_load %arg14[%get3A_736, %get3A_737] {strides = array<i32>} : memref<151x64xf32, #tpu.memory_space<vmem>>, vector<16xf32>,
      %mul3A_739 = arith.mulf %get3A_735, %get3A_738 : vector<16xf32>
      %add3A_740 = arith.addf %mul3A_739, %add3A_732 : vector<16xf32>
      %get3A_741 = arith.index_cast %add3A_715 : i32 to index
      %get3A_742 = arith.constant 48 : index
      %get3A_743 = tpu.vector_load %arg12[%get3A_741, %get3A_742] {strides = array<i32>} : memref<512x64xf32, #tpu.memory_space<vmem>>, vector<16xf32>,
      %get3A_744 = arith.index_cast %squeeze3A_717 : i32 to index
      %get3A_745 = arith.constant 48 : index
      %get3A_746 = tpu.vector_load %arg14[%get3A_744, %get3A_745] {strides = array<i32>} : memref<151x64xf32, #tpu.memory_space<vmem>>, vector<16xf32>,
      %mul3A_747 = arith.mulf %get3A_743, %get3A_746 : vector<16xf32>
      %add3A_748 = arith.addf %mul3A_747, %add3A_740 : vector<16xf32>
      %reduce_sum3A_749 = arith.constant true
      %reduce_sum3A_750 = vector.broadcast %reduce_sum3A_749 : i1 to vector<16xi1>
      %reduce_sum3A_751 = tpu.scan <sum>, %add3A_748 masked %reduce_sum3A_750 : vector<16xf32>, vector<16xi1> -> vector<16xf32>
      %reduce_sum3A_752 = vector.extract %reduce_sum3A_751[15] : f32 from vector<16xf32>
      %eq3A_753 = arith.constant 13 : i32
      %eq3A_754 = vector.broadcast %eq3A_753 : i32 to vector<16xi32>
      %eq3A_755 = arith.cmpi eq, %iota3A, %eq3A_754 : vector<16xi32>
      %broadcast_in_dim3A_756 = vector.broadcast %reduce_sum3A_752 : f32 to vector<16xf32>
      %select_n3A_757 = arith.select %eq3A_755, %broadcast_in_dim3A_756, %select_n3A_713 : vector<16xi1>, vector<16xf32>
      %add3A_758 = arith.constant 14 : i32
      %add3A_759 = arith.addi %multiple_of3A, %add3A_758 : i32
      %slice3A_760 = vector.extract_strided_slice %get3A_142 {offsets = [14], sizes = [1], strides = [1]} : vector<16xi32> to vector<1xi32>
      %squeeze3A_761 = vector.extract %slice3A_760[0] : i32 from vector<1xi32>
      %get3A_762 = arith.index_cast %add3A_759 : i32 to index
      %get3A_763 = arith.constant 0 : index
      %get3A_764 = tpu.vector_load %arg12[%get3A_762, %get3A_763] {strides = array<i32>} : memref<512x64xf32, #tpu.memory_space<vmem>>, vector<16xf32>,
      %get3A_765 = arith.index_cast %squeeze3A_761 : i32 to index
      %get3A_766 = arith.constant 0 : index
      %get3A_767 = tpu.vector_load %arg14[%get3A_765, %get3A_766] {strides = array<i32>} : memref<151x64xf32, #tpu.memory_space<vmem>>, vector<16xf32>,
      %mul3A_768 = arith.mulf %get3A_764, %get3A_767 : vector<16xf32>
      %get3A_769 = arith.index_cast %add3A_759 : i32 to index
      %get3A_770 = arith.constant 16 : index
      %get3A_771 = tpu.vector_load %arg12[%get3A_769, %get3A_770] {strides = array<i32>} : memref<512x64xf32, #tpu.memory_space<vmem>>, vector<16xf32>,
      %get3A_772 = arith.index_cast %squeeze3A_761 : i32 to index
      %get3A_773 = arith.constant 16 : index
      %get3A_774 = tpu.vector_load %arg14[%get3A_772, %get3A_773] {strides = array<i32>} : memref<151x64xf32, #tpu.memory_space<vmem>>, vector<16xf32>,
      %mul3A_775 = arith.mulf %get3A_771, %get3A_774 : vector<16xf32>
      %add3A_776 = arith.addf %mul3A_775, %mul3A_768 : vector<16xf32>
      %get3A_777 = arith.index_cast %add3A_759 : i32 to index
      %get3A_778 = arith.constant 32 : index
      %get3A_779 = tpu.vector_load %arg12[%get3A_777, %get3A_778] {strides = array<i32>} : memref<512x64xf32, #tpu.memory_space<vmem>>, vector<16xf32>,
      %get3A_780 = arith.index_cast %squeeze3A_761 : i32 to index
      %get3A_781 = arith.constant 32 : index
      %get3A_782 = tpu.vector_load %arg14[%get3A_780, %get3A_781] {strides = array<i32>} : memref<151x64xf32, #tpu.memory_space<vmem>>, vector<16xf32>,
      %mul3A_783 = arith.mulf %get3A_779, %get3A_782 : vector<16xf32>
      %add3A_784 = arith.addf %mul3A_783, %add3A_776 : vector<16xf32>
      %get3A_785 = arith.index_cast %add3A_759 : i32 to index
      %get3A_786 = arith.constant 48 : index
      %get3A_787 = tpu.vector_load %arg12[%get3A_785, %get3A_786] {strides = array<i32>} : memref<512x64xf32, #tpu.memory_space<vmem>>, vector<16xf32>,
      %get3A_788 = arith.index_cast %squeeze3A_761 : i32 to index
      %get3A_789 = arith.constant 48 : index
      %get3A_790 = tpu.vector_load %arg14[%get3A_788, %get3A_789] {strides = array<i32>} : memref<151x64xf32, #tpu.memory_space<vmem>>, vector<16xf32>,
      %mul3A_791 = arith.mulf %get3A_787, %get3A_790 : vector<16xf32>
      %add3A_792 = arith.addf %mul3A_791, %add3A_784 : vector<16xf32>
      %reduce_sum3A_793 = arith.constant true
      %reduce_sum3A_794 = vector.broadcast %reduce_sum3A_793 : i1 to vector<16xi1>
      %reduce_sum3A_795 = tpu.scan <sum>, %add3A_792 masked %reduce_sum3A_794 : vector<16xf32>, vector<16xi1> -> vector<16xf32>
      %reduce_sum3A_796 = vector.extract %reduce_sum3A_795[15] : f32 from vector<16xf32>
      %eq3A_797 = arith.constant 14 : i32
      %eq3A_798 = vector.broadcast %eq3A_797 : i32 to vector<16xi32>
      %eq3A_799 = arith.cmpi eq, %iota3A, %eq3A_798 : vector<16xi32>
      %broadcast_in_dim3A_800 = vector.broadcast %reduce_sum3A_796 : f32 to vector<16xf32>
      %select_n3A_801 = arith.select %eq3A_799, %broadcast_in_dim3A_800, %select_n3A_757 : vector<16xi1>, vector<16xf32>
      %add3A_802 = arith.constant 15 : i32
      %add3A_803 = arith.addi %multiple_of3A, %add3A_802 : i32
      %slice3A_804 = vector.extract_strided_slice %get3A_142 {offsets = [15], sizes = [1], strides = [1]} : vector<16xi32> to vector<1xi32>
      %squeeze3A_805 = vector.extract %slice3A_804[0] : i32 from vector<1xi32>
      %get3A_806 = arith.index_cast %add3A_803 : i32 to index
      %get3A_807 = arith.constant 0 : index
      %get3A_808 = tpu.vector_load %arg12[%get3A_806, %get3A_807] {strides = array<i32>} : memref<512x64xf32, #tpu.memory_space<vmem>>, vector<16xf32>,
      %get3A_809 = arith.index_cast %squeeze3A_805 : i32 to index
      %get3A_810 = arith.constant 0 : index
      %get3A_811 = tpu.vector_load %arg14[%get3A_809, %get3A_810] {strides = array<i32>} : memref<151x64xf32, #tpu.memory_space<vmem>>, vector<16xf32>,
      %mul3A_812 = arith.mulf %get3A_808, %get3A_811 : vector<16xf32>
      %get3A_813 = arith.index_cast %add3A_803 : i32 to index
      %get3A_814 = arith.constant 16 : index
      %get3A_815 = tpu.vector_load %arg12[%get3A_813, %get3A_814] {strides = array<i32>} : memref<512x64xf32, #tpu.memory_space<vmem>>, vector<16xf32>,
      %get3A_816 = arith.index_cast %squeeze3A_805 : i32 to index
      %get3A_817 = arith.constant 16 : index
      %get3A_818 = tpu.vector_load %arg14[%get3A_816, %get3A_817] {strides = array<i32>} : memref<151x64xf32, #tpu.memory_space<vmem>>, vector<16xf32>,
      %mul3A_819 = arith.mulf %get3A_815, %get3A_818 : vector<16xf32>
      %add3A_820 = arith.addf %mul3A_819, %mul3A_812 : vector<16xf32>
      %get3A_821 = arith.index_cast %add3A_803 : i32 to index
      %get3A_822 = arith.constant 32 : index
      %get3A_823 = tpu.vector_load %arg12[%get3A_821, %get3A_822] {strides = array<i32>} : memref<512x64xf32, #tpu.memory_space<vmem>>, vector<16xf32>,
      %get3A_824 = arith.index_cast %squeeze3A_805 : i32 to index
      %get3A_825 = arith.constant 32 : index
      %get3A_826 = tpu.vector_load %arg14[%get3A_824, %get3A_825] {strides = array<i32>} : memref<151x64xf32, #tpu.memory_space<vmem>>, vector<16xf32>,
      %mul3A_827 = arith.mulf %get3A_823, %get3A_826 : vector<16xf32>
      %add3A_828 = arith.addf %mul3A_827, %add3A_820 : vector<16xf32>
      %get3A_829 = arith.index_cast %add3A_803 : i32 to index
      %get3A_830 = arith.constant 48 : index
      %get3A_831 = tpu.vector_load %arg12[%get3A_829, %get3A_830] {strides = array<i32>} : memref<512x64xf32, #tpu.memory_space<vmem>>, vector<16xf32>,
      %get3A_832 = arith.index_cast %squeeze3A_805 : i32 to index
      %get3A_833 = arith.constant 48 : index
      %get3A_834 = tpu.vector_load %arg14[%get3A_832, %get3A_833] {strides = array<i32>} : memref<151x64xf32, #tpu.memory_space<vmem>>, vector<16xf32>,
      %mul3A_835 = arith.mulf %get3A_831, %get3A_834 : vector<16xf32>
      %add3A_836 = arith.addf %mul3A_835, %add3A_828 : vector<16xf32>
      %reduce_sum3A_837 = arith.constant true
      %reduce_sum3A_838 = vector.broadcast %reduce_sum3A_837 : i1 to vector<16xi1>
      %reduce_sum3A_839 = tpu.scan <sum>, %add3A_836 masked %reduce_sum3A_838 : vector<16xf32>, vector<16xi1> -> vector<16xf32>
      %reduce_sum3A_840 = vector.extract %reduce_sum3A_839[15] : f32 from vector<16xf32>
      %eq3A_841 = arith.constant 15 : i32
      %eq3A_842 = vector.broadcast %eq3A_841 : i32 to vector<16xi32>
      %eq3A_843 = arith.cmpi eq, %iota3A, %eq3A_842 : vector<16xi32>
      %broadcast_in_dim3A_844 = vector.broadcast %reduce_sum3A_840 : f32 to vector<16xf32>
      %select_n3A_845 = arith.select %eq3A_843, %broadcast_in_dim3A_844, %select_n3A_801 : vector<16xi1>, vector<16xf32>
      %gather3A = tpu.vector_load_idx %arg15[%get3A_142, %broadcast_in_dim3A_58] : memref<160x1xf32, #tpu.memory_space<vmem>>[vector<16xi32>, vector<16xi32>], vector<16xf32>,
      %get3A_846 = arith.index_cast %multiple_of3A : i32 to index
      %get3A_847 = tpu.vector_load %arg13[%get3A_846] {strides = array<i32>} : memref<512xf32, #tpu.memory_space<vmem>>, vector<16xf32>,
      %add3A_848 = arith.addf %select_n3A_845, %get3A_847 : vector<16xf32>
      %add3A_849 = arith.addf %add3A_848, %gather3A : vector<16xf32>
      %add3A_850 = vector.broadcast %squeeze3A : f32 to vector<16xf32>
      %add3A_851 = arith.addf %add3A_849, %add3A_850 : vector<16xf32>
      %swap3A = arith.index_cast %multiple_of3A : i32 to index
      %swap3A_852 = tpu.vector_load %arg17[%swap3A] {strides = array<i32>} : memref<512xf32, #tpu.memory_space<vmem>>, vector<16xf32>,
      tpu.vector_store %arg17[%swap3A], %add3A_851 {strides = array<i32>} : memref<512xf32, #tpu.memory_space<vmem>>, vector<16xf32>,
    }
    %scan3A_137 = arith.constant 8 : i32
    "tpu.region"() ({
      %run_scoped3A = tpu.sem_alloc : memref<!tpu.dma_semaphore, #tpu.memory_space<semaphore_mem>>
      %dma_start3A_138 = tpu.memref_slice %arg9[%mul3A_2] : memref<16384xf32, #tpu.memory_space<hbm>> -> memref<512xf32, #tpu.memory_space<hbm>>
      %dma_start3A_139 = tpu.memref_slice %arg9[%mul3A_2] : memref<16384xf32, #tpu.memory_space<hbm>> -> memref<512xf32, #tpu.memory_space<hbm>>
      tpu.enqueue_dma source(%arg17 : memref<512xf32, #tpu.memory_space<vmem>>) target(%dma_start3A_139 : memref<512xf32, #tpu.memory_space<hbm>>) target_semaphore(%run_scoped3A : memref<!tpu.dma_semaphore, #tpu.memory_space<semaphore_mem>>)
      %dma_wait3A_140 = tpu.memref_slice %arg9[%mul3A_2] : memref<16384xf32, #tpu.memory_space<hbm>> -> memref<512xf32, #tpu.memory_space<hbm>>
      %dma_wait3A_141 = tpu.memref_slice %arg9[%mul3A_2] : memref<16384xf32, #tpu.memory_space<hbm>> -> memref<512xf32, #tpu.memory_space<hbm>>
      tpu.wait_dma2 semaphore(%run_scoped3A : memref<!tpu.dma_semaphore, #tpu.memory_space<semaphore_mem>>) src(%arg17 : memref<512xf32, #tpu.memory_space<vmem>>) dst(%dma_wait3A_141 : memref<512xf32, #tpu.memory_space<hbm>>)
      tpu.yield
    }) : () -> ()
    return
  }
}

</mosaic_0001>

<sc_bundles>
// kernel: kernel.3.cloned.1.call-start
scs
__scs_entry_jumppad:
0x0: {  	(pc) =	sbr.rel $0x88, $3  }
0x1: {  	(tag) =	ssettag $0x0;
	lr =	simm.s32 $0x1  }
0x2: {  	[smem:$0x3F9A] =	sst lr;
	_ =	strace $0xD0000000  }
0x3: {  	_ = 	snop  }
0x4: {  	_ = 	snop  }
0x5: {  	_ = 	snop  }
0x6: {  	_ = 	snop  }
0x7: {  	_ = 	snop  }
__scs_overlays_trampoline_lowered:
0x8: {  	[smem:$0x3FA9] =	sst s0  }
0x9: {  	[smem:$0x3FAA] =	sst s1  }
0xa: {  	[smem:$0x3FAB] =	sst s2  }
0xb: {  	[smem:$0x3FAC] =	sst s3  }
0xc: {  	[smem:$0x3FAD] =	sst s4  }
0xd: {  	[smem:$0x3FAE] =	sst s5  }
0xe: {  	[smem:$0x3FAF] =	sst s6  }
0xf: {  	[smem:$0x3FB0] =	sst s7  }
0x10: {  	[smem:$0x3FB1] =	sst s8  }
0x11: {  	[smem:$0x3FB2] =	sst s9;
	s0 =	simm.s32 @!p0 $0x0  }
0x12: {  	s1 =	sld [smem:$0x3F98];
	s0 =	simm.s32 @p0 $0x1  }
0x13: {  	[smem:$0x3FB3] =	sst s0;
	s0 =	simm.s32 @!p1 $0x0  }
0x14: {  	s2 =	sld [smem:$0x3F97];
	s0 =	simm.s32 @p1 $0x1  }
0x15: {  	[smem:$0x3FB4] =	sst s0;
	s0 =	simm.s32 @!p2 $0x0  }
0x16: {  	s3 =	sld [smem:$0x3FDB];
	s0 =	simm.s32 @p2 $0x1  }
0x17: {  	s4 =	simm.s32 $0x1BF5;
	[smem:$0x3FB6] =	sst s0  }
0x18: {  	s0 =	sld [smem:$0x3F99];
	_ =	swait.ge [sflag:s4], $0x0  }
0x19: {  	s7 =	sld [smem:$0x3F9A]  }
0x1a: {  	s8 =	sadd.s32 $0xFFFFE003, lr  }
0x1b: {  	s9 =	sadd.s32 $0xFFFFFEF7, lr;
	s5 =	simm.s32 $0xFFFFFFFF;
	p2 =	slt.u32 s8, $0xFFFFF086  }
0x1c: {  	p1 =	slt.u32 s9, $0xF7A;
	s5 =	simm.s32 @!p2 $0x0  }
0x1d: {  	s5 =	simm.s32 @p1 $0x1;
	p0 =	seq.s32 s7, s2  }
0x1e: {  	s7 =	smul.u32 @!p0 $0xF7A, s2;
	p2 =	seq.s32 @!p0 s5, $0x0  }
0x1f: {  	s9 =	smul.u32 $0xF7A, s1;
	s8 =	simm.s32 @!p0 $0x1BF5;
	p2 =	por !p2, p0  }
0x20: {  	[sflag:s8] =	ssyncset.s32 @!p0 $0xFFFFF086;
	s6 =	sadd.s32 @!p0 s3, s7;
	s7 =	simm.s32 @!p0 $0x108  }
0x21: {  	s3 =	sadd.s32 s3, s9;
	s6 =	sadd.s32 @!p0 $0x88, s6;
	s7 =	simm.s32 @p2 $0x1082  }
0x22: {  	[simem:s7], [sflag:s8] =	dma.local @!p0 [hbm:s6], $0xF7A  }
0x23: {  	s9 =	sor.u32 $0xD0000000, s2;
	s6 =	simm.s32 $0x108;
	_ =	swait.ge @!p0 [sflag:s8], $0x0  }
0x24: {  	s3 =	sadd.s32 $0x88, s3;
	s6 =	simm.s32 @!p1 $0x1082;
	[sflag:s4] =	ssyncset.s32 $0xFFFFF086  }
0x25: {  	[simem:s6], [sflag:s4] =	dma.local [hbm:s3], $0xF7A  }
0x26: {  	[smem:$0x3F9A] =	sst s1;
	(tag) =	ssettag s2;
	_ =	strace s9  }
0x27: {  	s1 =	sld [smem:$0x3FAA]  }
0x28: {  	s2 =	sld [smem:$0x3FAB]  }
0x29: {  	s4 =	sld [smem:$0x3FAD]  }
0x2a: {  	p0 =	seq.s32 s5, $0x0;
	s5 =	sld [smem:$0x3FAE]  }
0x2b: {  	s6 =	sld [smem:$0x3FAF]  }
0x2c: {  	s7 =	sld [smem:$0x3FB0]  }
0x2d: {  	s3 =	simm.s32 $0x108;
	s8 =	sld [smem:$0x3FB1]  }
0x2e: {  	s3 =	simm.s32 @!p0 $0x1082;
	s9 =	sld [smem:$0x3FB2]  }
0x2f: {  	lr =	sadd.s32 s0, s3;
	s0 =	sld [smem:$0x3FA9]  }
0x30: {  	s3 =	sld [smem:$0x3FAC]  }
0x31: {  	[smem:$0x3FB5] =	sst s10  }
0x32: {  	s10 =	sld [smem:$0x3FB3];
	_ =	sdelay $0x3  }
0x33: {  	p0 =	seq.s32 s10, $0x1;
	s10 =	sld [smem:$0x3FB5];
	_ =	sdelay $0x3  }
0x34: {  	[smem:$0x3FB5] =	sst s10  }
0x35: {  	s10 =	sld [smem:$0x3FB4];
	_ =	sdelay $0x3  }
0x36: {  	p1 =	seq.s32 s10, $0x1;
	s10 =	sld [smem:$0x3FB5];
	_ =	sdelay $0x3  }
0x37: {  	[smem:$0x3FB5] =	sst s10  }
0x38: {  	s10 =	sld [smem:$0x3FB6]  }
0x39: {  	_ = 	snop;
	(pc) =	sbr.ind lr, $3  }
0x3a: {  	_ = 	snop  }
0x3b: {  	_ = 	snop  }
0x3c: {  	p2 =	seq.s32 s10, $0x1;
	s10 =	sld [smem:$0x3FB5]  }
0x3d: {  	_ =	shalt  }
0x3e: {  	_ =	shalt  }
0x3f: {  	_ =	shalt  }
0x40: {  	_ =	shalt  }
0x41: {  	_ =	shalt  }
0x42: {  	_ =	shalt  }
0x43: {  	_ =	shalt  }
0x44: {  	_ =	shalt  }
0x45: {  	_ =	shalt  }
0x46: {  	_ =	shalt  }
0x47: {  	_ =	shalt  }
0x48: {  	_ =	shalt  }
0x49: {  	_ =	shalt  }
0x4a: {  	_ =	shalt  }
0x4b: {  	_ =	shalt  }
0x4c: {  	_ =	shalt  }
0x4d: {  	_ =	shalt  }
0x4e: {  	_ =	shalt  }
0x4f: {  	_ =	shalt  }
0x50: {  	_ =	shalt  }
0x51: {  	_ =	shalt  }
0x52: {  	_ =	shalt  }
0x53: {  	_ =	shalt  }
0x54: {  	_ =	shalt  }
0x55: {  	_ =	shalt  }
0x56: {  	_ =	shalt  }
0x57: {  	_ =	shalt  }
0x58: {  	_ =	shalt  }
0x59: {  	_ =	shalt  }
0x5a: {  	_ =	shalt  }
0x5b: {  	_ =	shalt  }
0x5c: {  	_ =	shalt  }
0x5d: {  	_ =	shalt  }
0x5e: {  	_ =	shalt  }
0x5f: {  	_ =	shalt  }
0x60: {  	_ =	shalt  }
0x61: {  	_ =	shalt  }
0x62: {  	_ =	shalt  }
0x63: {  	_ =	shalt  }
0x64: {  	_ =	shalt  }
0x65: {  	_ =	shalt  }
0x66: {  	_ =	shalt  }
0x67: {  	_ =	shalt  }
0x68: {  	_ =	shalt  }
0x69: {  	_ =	shalt  }
0x6a: {  	_ =	shalt  }
0x6b: {  	_ =	shalt  }
0x6c: {  	_ =	shalt  }
0x6d: {  	_ =	shalt  }
0x6e: {  	_ =	shalt  }
0x6f: {  	_ =	shalt  }
0x70: {  	_ =	shalt  }
0x71: {  	_ =	shalt  }
0x72: {  	_ =	shalt  }
0x73: {  	_ =	shalt  }
0x74: {  	_ =	shalt  }
0x75: {  	_ =	shalt  }
0x76: {  	_ =	shalt  }
0x77: {  	_ =	shalt  }
0x78: {  	_ =	shalt  }
0x79: {  	_ =	shalt  }
0x7a: {  	_ =	shalt  }
0x7b: {  	_ =	shalt  }
0x7c: {  	_ =	shalt  }
0x7d: {  	_ =	shalt  }
0x7e: {  	_ =	shalt  }
0x7f: {  	_ =	shalt  }
0x80: {  	_ =	shalt  }
0x81: {  	_ =	shalt  }
0x82: {  	_ =	shalt  }
0x83: {  	_ =	shalt  }
0x84: {  	_ =	shalt  }
0x85: {  	_ =	shalt  }
0x86: {  	_ =	shalt  }
0x87: {  	_ =	shalt  }
.Lfunc_end0:
.L_simem_size_0:
called_computation_lowered:
.L_overlay_start_0:
0x88: {  	s2 =	sld [smem:$0x3FD9]  }
0x89: {  	s3 =	sld [smem:$0x3FFE];
	_ =	sdelay $0x1  }
0x8a: {  	s1 =	srdreg.scid  }
0x8b: {  	s0 =	sand.u32 $0x1, s1  }
0x8c: {  	s17 =	sshll.u32 s0, $0xA;
	s2 =	sadd.s32 s3, s2  }
0x8d: {  	s2 =	sadd.s32 s2, s17  }
0x8e: {  	[smem:$0x3FC1] =	sst s2  }
0x8f: {  	_ = 	snop  }
0x90: {  	s2 =	sld [smem:$0x3FC9]  }
0x91: {  	s18 =	sld [smem:$0x3FC8]  }
0x92: {  	s4 =	sld [smem:$0x3FC3]  }
0x93: {  	s5 =	sld [smem:$0x3FD0];
	(tm) =	ssettm $0x1  }
0x94: {  	s6 =	sld [smem:$0x3FFB];
	_ =	sdelay $0x3  }
0x95: {  	_ =	strace s6  }
0x96: {  	s6 =	sld [smem:$0x3FFC];
	_ =	sdelay $0x3  }
0x97: {  	_ =	strace s6  }
0x98: {  	s6 =	sld [smem:$0x3FFD];
	_ =	sdelay $0x3  }
0x99: {  	_ =	strace s6  }
0x9a: {  	_ =	strace $0x8FFFFFFF  }
0x9b: {  	s19 =	sld [smem:$0x3FDB];
	_ =	sdelay $0x1  }
0x9c: {  	s7 =	simm.s32 $_scs_section_size  }
0x9d: {  	s8 =	simm.s32 $_size__tile_overlayer_lowered;
	s9 =	simm.s32 $_tile_overlayer_lowered  }
0x9e: {  	s22 =	simm.s32 $0x1BFF;
	s21 =	sshll.u32 s9, $0x1;
	s6 =	sadd.s32 s7, s19  }
0x9f: {  	s10 =	simm.s32 $0x0;
	s20 =	sshll.u32 s8, $0x1;
	s8 =	sadd.s32 s21, s6  }
0xa0: {  	[timem:s10], [sflag:s22] =	dma.local [hbm:s8], s20  }
0xa1: {  	_ =	swait.ge [sflag:s22], s20  }
0xa2: {  	s7 =	ssub.s32 $0x0, s20;
	[sflag:s22] =	ssyncset.done $0x0  }
0xa3: {  	[sflag:s22] =	ssyncadd.s32 s7;
	_ =	sdelay $0x1  }
0xa4: {  	s23 =	simm.s32 $0x1B8B  }
0xa5: {  	_ =	swait.ge [sflag:s23], $0x1  }
0xa6: {  	[sflag:s23] =	ssyncset.done $0x0  }
0xa7: {  	s25 =	simm.s32 $0x1B8E;
	s24 =	sld [smem:$0x3FFE];
	[sflag:s23] =	ssyncadd.s32 $0xFFFFFFFF  }
0xa8: {  	s26 =	simm.s32 $execute0_lowered;
	[smem:$0x3FD2] =	sst s25  }
0xa9: {  	s8 =	sshll.u32 s26, $0x1;
	_ =	strace $0x80000046;
	[dreg:$0x1] =	wrdreg $0xFFFFFFFF  }
0xaa: {  	s28 =	simm.s32 $_size_execute0_lowered;
	s6 =	sadd.s32 s6, s8;
	[dreg:$0x0] =	wrdreg $0x0  }
0xab: {  	s8 =	sshll.u32 s28, $0x1;
	[dreg:$0x2] =	wrdreg s6  }
0xac: {  	[dreg:$0x3] =	wrdreg s8  }
0xad: {  	[dreg:$0x4] =	wrdreg $0xC0  }
0xae: {  	_ =	task [dreg:s10], $0x5FFFF  }
0xaf: {  	[dreg:$0x1] =	wrdreg $0xFFFFFFFF  }
0xb0: {  	[dreg:$0x0] =	wrdreg $0x60  }
0xb1: {  	[dreg:$0x2] =	wrdreg s2  }
0xb2: {  	[dreg:$0x3] =	wrdreg s18  }
0xb3: {  	[dreg:$0x4] =	wrdreg s24  }
0xb4: {  	[dreg:$0x5] =	wrdreg s4  }
0xb5: {  	[dreg:$0x6] =	wrdreg s5  }
0xb6: {  	[dreg:$0x7] =	wrdreg $0x9  }
0xb7: {  	_ =	task.clear_ibuf [dreg:s10], $0x8FFFF;
	_ =	strace $0x90000046  }
0xb8: {  	s29 =	simm.s32 $0x9;
	_ =	strace $0x80000048  }
0xb9: {  	_ =	swait.ge [sflag:s29], $0x1  }
0xba: {  	[sflag:s29] =	ssyncadd.s32 $0xFFFFFFFF  }
0xbb: {  	_ =	strace $0x90000048  }
0xbc: {  	_ =	sfence  }
0xbd: {  	s30 =	sld [smem:$0x0];
	_ =	sdelay $0x2  }
0xbe: {  	s31 =	sshll.u32 s1, $0xD;
	s1 =	sshrl.u32 s1, $0x2  }
0xbf: {  	s3 =	sand.u32 $0x4000, s31;
	s1 =	sadd.s32 s1, s30  }
0xc0: {  	s0 =	sor.u32 s3, s0;
	s1 =	sshll.u32 s1, $0x11  }
0xc1: {  	s0 =	sor.u32 s1, s0  }
0xc2: {  	s0 =	sadd.s32 $0x8F2B, s0  }
0xc3: {  	[sflag:s0] =	ssyncadd.remote.s32 $0x1  }
0xc4: {  	_ =	sfence.sel $0xFFFF  }
0xc5: {  	[dreg:$0x0] =	wrdreg $0xFFFFFFFF;
	(pc) =	sbr.abs _section_cstart, $3  }
0xc6: {  	[dreg:$0x1] =	wrdreg $0xFFFFFFFF  }
0xc7: {  	_ =	task.clear_ibuf [dreg:s10], $0x2FFFF;
	_ =	strace $0x9FFFFFFF  }
0xc8: {  	(tm) =	ssettm $0x7FFFFFFF  }
0xc9: {  	_ =	shalt  }
tec
execute0_lowered:
.L_overlay_start_1:
0x0: {  	(tag) =	ssettag $0x1  }
0x1: {  	s0 =	rddreg [dreg:$0x0]  }
0x2: {  	s1 =	rddreg [dreg:$0x1]  }
0x3: {  	s3 =	rddreg [dreg:$0x2]  }
0x4: {  	s5 =	rddreg [dreg:$0x4];
	s2 =	simm.s32 $0x0  }
0x5: {  	s6 =	srdreg.scid;
	s10 =	stileid.u32;
	s12 =	simm.s32 $0x9  }
0x6: {  	s13 =	simm.s32 $0x80;
	s29 =	simm.s32 $0x1;
	s30 =	simm.s32 $0x5  }
0x7: {  	s31 =	simm.s32 $0x2;
	s14 =	simm.s32 $0x4;
	s15 =	simm.s32 $0x8  }
0x8: {  	s17 =	simm.s32 $0x0;
	[smem:$0x7FF] =	sst s2;
	s4 =	sadd.s32 $0x600, s3  }
0x9: {  	s7 =	sadd.s32 $0x7D800, s3;
	s26 =	sand.u32 $0x1, s6;
	s6 =	sadd.s32 $0x7DE00, s3  }
0xa: {  	s10 =	sshll.u32 s10, $0x7;
	s3 =	sadd.s32 $0x7D600, s3;
	_ =	strace $0x80000047  }
0xb: {  	vm0 =	vmmov $0x1;
	vm1 =	vmmov $0x3;
	vm2 =	vmmov $0x7;
	[dreg:$0x6] =	wrdreg s7;
	s8 =	ssub.s32 $0x2, s26;
	s11 =	sshll.u32 s26, $0x6  }
0xc: {  	vm3 =	vmmov $0xf;
	vm4 =	vmmov $0x1f;
	vm5 =	vmmov $0x3f;
	[dreg:$0x7] =	wrdreg s3;
	s26 =	simm.s32 $0xABC0;
	s9 =	sshrl.u32 s8, $0x1  }
0xd: {  	vm6 =	vmmov $0x7f;
	vm7 =	vmmov $0xff;
	vm8 =	vmmov $0x1ff;
	s3 =	simm.s32 $0x3;
	s10 =	sor.u32 s11, s10;
	s28 =	ssub.s32 s8, s9  }
0xe: {  	vm9 =	vmmov $0x3ff;
	vm10 =	vmmov $0x7ff;
	vm11 =	vmmov $0xfff;
	s8 =	sadd.s32 s0, s10;
	s9 =	sadd.s32 s1, s10;
	s10 =	sadd.s32 s5, s10  }
0xf: {  	vm12 =	vmmov $0x1fff;
	vm13 =	vmmov $0x3fff;
	vm14 =	vmmov $0x7fff;
	s0 =	simm.s32 $0x6;
	s1 =	simm.s32 $0x7;
	s11 =	smax.u32 s28, $0x1  }
.LBB2_1:
0x10: {  	[tilespmem:s2], [sflag:$0x9] =	stream.linear.gather [hbm4b:s8+s2], $0x200, $0x38;
	[tilespmem:$0xB2D0] =	vst v63  }
0x11: {  	_ =	swait.ge [sflag:s12], $0x200  }
0x12: {  	[sflag:s12] =	ssyncset.done $0x0  }
0x13: {  	s5 =	simm.s32 $0x400;
	[sflag:s12] =	ssyncadd.s32 $0xFFFFFE00  }
0x14: {  	[tilespmem:s5], [sflag:$0x1] =	stream.indirect.gather [hbm4b:s4+s13], $0x40, s2, s13, $0xb8;
	[tilespmem:$0xB2D0] =	vst v63  }
0x15: {  	s19 =	simm.s32 $0x8400  }
0x16: {  	[tilespmem:s19], [sflag:$0x5] =	stream.indirect.gather [hbm4b:s6+s13], $0x1, s2, s13, $0xb8;
	[tilespmem:$0xB2D0] =	vst v63  }
0x17: {  	s20 =	simm.s32 $0x2400  }
0x18: {  	[tilespmem:s20], [sflag:$0x2] =	stream.indirect.gather [hbm4b:s4+s13], $0x40, s13, s13, $0xb8;
	[tilespmem:$0xB2D0] =	vst v63  }
0x19: {  	s21 =	simm.s32 $0x8480  }
0x1a: {  	[tilespmem:s21], [sflag:$0x6] =	stream.indirect.gather [hbm4b:s6+s13], $0x1, s13, s13, $0xb8;
	[tilespmem:$0xB2D0] =	vst v63  }
0x1b: {  	s22 =	simm.s32 $0x100;
	s7 =	simm.s32 $0x4400  }
0x1c: {  	[tilespmem:s7], [sflag:$0x3] =	stream.indirect.gather [hbm4b:s4+s13], $0x40, s22, s13, $0xb8;
	[tilespmem:$0xB2D0] =	vst v63  }
0x1d: {  	s23 =	simm.s32 $0x8500  }
0x1e: {  	[tilespmem:s23], [sflag:$0x7] =	stream.indirect.gather [hbm4b:s6+s13], $0x1, s22, s13, $0xb8;
	[tilespmem:$0xB2D0] =	vst v63  }
0x1f: {  	s24 =	simm.s32 $0x180;
	s25 =	simm.s32 $0x6400  }
0x20: {  	[tilespmem:s25], [sflag:$0x4] =	stream.indirect.gather [hbm4b:s4+s13], $0x40, s24, s13, $0xb8;
	[tilespmem:$0xB2D0] =	vst v63  }
0x21: {  	s16 =	simm.s32 $0x8580  }
0x22: {  	[tilespmem:s16], [sflag:$0x8] =	stream.indirect.gather [hbm4b:s6+s13], $0x1, s24, s13, $0xb8;
	[tilespmem:$0xB2D0] =	vst v63  }
0x23: {  	s18 =	simm.s32 $0x200  }
0x24: {  	[tilespmem:s18], [sflag:$0x9] =	stream.linear.gather [hbm4b:s9+s2], $0x200, $0x38;
	[tilespmem:$0xB2D0] =	vst v63  }
0x25: {  	_ =	swait.ge [sflag:s12], $0x200  }
0x26: {  	[sflag:s12] =	ssyncset.done $0x0  }
0x27: {  	s20 =	simm.s32 $0x8600;
	s19 =	rddreg [dreg:$0x6];
	[sflag:s12] =	ssyncadd.s32 $0xFFFFFE00  }
0x28: {  	[tilespmem:s20], [sflag:$0x9] =	stream.linear.gather [hbm4b:s19+s2], $0x25C0, $0x38;
	[tilespmem:$0xB2D0] =	vst v63  }
0x29: {  	_ =	swait.ge [sflag:s12], $0x25C0  }
0x2a: {  	[sflag:s12] =	ssyncset.done $0x0  }
0x2b: {  	s21 =	rddreg [dreg:$0x7];
	[sflag:s12] =	ssyncadd.s32 $0xFFFFDA40  }
0x2c: {  	[tilespmem:s26], [sflag:$0x9] =	stream.linear.gather [hbm4b:s21+s2], $0x4B8, $0x38;
	[tilespmem:$0xB2D0] =	vst v63  }
0x2d: {  	_ =	swait.ge [sflag:s12], $0x4B8  }
0x2e: {  	[sflag:s12] =	ssyncset.done $0x0  }
0x2f: {  	[sflag:s12] =	ssyncadd.s32 $0xFFFFFB48  }
0x30: {  	s23 =	simm.s32 $0xB0C0;
	s22 =	rddreg [dreg:$0x3]  }
0x31: {  	[tilespmem:s23], [sflag:$0x9] =	stream.linear.gather [hbm4b:s22+s2], $0x1, $0x38;
	[tilespmem:$0xB2D0] =	vst v63  }
0x32: {  	_ =	swait.ge [sflag:s12], $0x1  }
0x33: {  	[sflag:s12] =	ssyncset.done $0x0  }
0x34: {  	[sflag:s12] =	ssyncadd.s32 $0xFFFFFFFF  }
0x35: {  	v0 =	vld.msk [tilespmem:$0xB0C0 ss:$0x0], $0xffff;
	_ =	sdelay $0x4  }
0x36: {  	[tilespmem:$0x1FEA0] =	vst v0  }
0x37: {  	_ =	swait.ge [sflag:s29], $0x2000  }
0x38: {  	[sflag:s29] =	ssyncset.done $0x0  }
0x39: {  	[sflag:s29] =	ssyncadd.s32 $0xFFFFE000  }
0x3a: {  	_ =	swait.ge [sflag:s30], $0x80  }
0x3b: {  	[sflag:s30] =	ssyncset.done $0x0  }
0x3c: {  	s19 =	simm.s32 $0x0;
	[sflag:s30] =	ssyncadd.s32 $0xFFFFFF80  }
0x3d: {  	v0 =	vld [tilespmem:s19+$0x200]  }
0x3e: {  	s20 =	simm.s32 $0x600  }
0x3f: {  	v29 =	vld [tilespmem:s20+$0x1A0]  }
0x40: {  	v25 =	vld [tilespmem:s20+$0x130]  }
0x41: {  	v20 =	vld [tilespmem:s20+$0x180]  }
0x42: {  	v22 =	vld [tilespmem:s20+$0x190];
	[tilespmem:$0x1FEB0] =	vst v0;
	v0 =	vshll.u32 v0, $0x8  }
0x43: {  	v23 =	vld [tilespmem:s20+$0xF0];
	v17 =	vshra.s32 v0, $0x2  }
0x44: {  	v35 =	vld [tilespmem:s20+$0x120];
	(v2sf) =	vpush v17, $0xE  }
0x45: {  	v52 =	vld [tilespmem:s20+$0x100]  }
0x46: {  	v58 =	vld [tilespmem:s20+$0x110]  }
0x47: {  	v30 =	vld [tilespmem:s20+$0x70]  }
0x48: {  	v1 =	vld [tilespmem:s20+$0xA0]  }
0x49: {  	v53 =	vld [tilespmem:s20+$0xC0]  }
0x4a: {  	v57 =	vld [tilespmem:s20+$0xD0]  }
0x4b: {  	v31 =	vld [tilespmem:s20+$0x30]  }
0x4c: {  	v45 =	vld [tilespmem:s20+$0x60]  }
0x4d: {  	v48 =	vld [tilespmem:s20+$0x20];
	(v2sf) =	vpush v17, $0xF  }
0x4e: {  	v3 =	vld [tilespmem:s20+$0x50]  }
0x4f: {  	v37 =	vld [tilespmem:s20+$0xFFFFFFB0]  }
0x50: {  	v4 =	vld [tilespmem:s20+$0xFFFFFFE0]  }
0x51: {  	v8 =	vld [tilespmem:s20+$0x10];
	(v2sf) =	vpush v17, $0xC  }
0x52: {  	v41 =	vld [tilespmem:s20+$0xFFFFFF70];
	(v2sf) =	vpush v17, $0xB  }
0x53: {  	v0 =	vld [tilespmem:s20+$0x1B0];
	s24 =	spop (v2sf);
	(v2sf) =	vpush v17, $0xD  }
0x54: {  	v62 =	vld [tilespmem:s20+$0xFFFFFFA0]  }
0x55: {  	v7 =	vld [tilespmem:s20+$0xFFFFFFC0]  }
0x56: {  	v54 =	vld [tilespmem:s20+$0xFFFFFF60]  }
0x57: {  	v11 =	vld [tilespmem:s20+$0xFFFFFF80]  }
0x58: {  	[tilespmem:$0x1FEC0] =	vst v0;
	v0 =	vld [tilespmem:s20+$0x1C0]  }
0x59: {  	v16 =	vld [tilespmem:s20+$0xFFFFFF90]  }
0x5a: {  	v50 =	vld [tilespmem:s20+$0xFFFFFEF0]  }
0x5b: {  	v26 =	vld [tilespmem:s20+$0xFFFFFF20]  }
0x5c: {  	v12 =	vld [tilespmem:s20+$0xFFFFFF40];
	s22 =	spop (v2sf)  }
0x5d: {  	[tilespmem:$0x1FED0] =	vst v0;
	v0 =	vld [tilespmem:s22+$0x8600]  }
0x5e: {  	v15 =	vld [tilespmem:s20+$0xFFFFFF50]  }
0x5f: {  	v44 =	vld [tilespmem:s20+$0xFFFFFEB0];
	(v2sf) =	vpush v17, $0x9  }
0x60: {  	v38 =	vld [tilespmem:s20+$0xFFFFFF00];
	s16 =	spop (v2sf)  }
0x61: {  	[tilespmem:$0x1FF60] =	vst v1;
	v1 =	vld [tilespmem:s20+$0x80];
	s25 =	spop (v2sf)  }
0x62: {  	[tilespmem:$0x1FEE0] =	vst v0;
	v0 =	vld [tilespmem:s20+$0x1D0];
	s23 =	spop (v2sf);
	(v2sf) =	vpush v17, $0x8  }
0x63: {  	[tilespmem:$0x1FFB0] =	vst v4;
	v4 =	vld [tilespmem:s20+$0x0];
	(v2sf) =	vpush v17, $0xA  }
0x64: {  	v24 =	vld [tilespmem:s24+$0x8630]  }
0x65: {  	v32 =	vld [tilespmem:s24+$0x8620]  }
0x66: {  	v21 =	vld [tilespmem:s24+$0x8600]  }
0x67: {  	[tilespmem:$0x1FEF0] =	vst v0;
	v0 =	vld [tilespmem:s22+$0x8610]  }
0x68: {  	v43 =	vld [tilespmem:s24+$0x8610]  }
0x69: {  	v28 =	vld [tilespmem:s16+$0x8630]  }
0x6a: {  	v39 =	vld [tilespmem:s16+$0x8620]  }
0x6b: {  	v56 =	vld [tilespmem:s16+$0x8600]  }
0x6c: {  	[tilespmem:$0x1FF00] =	vst v0;
	v0 =	vld [tilespmem:s20+$0x160]  }
0x6d: {  	v61 =	vld [tilespmem:s16+$0x8610]  }
0x6e: {  	v27 =	vld [tilespmem:s25+$0x8630];
	s7 =	spop (v2sf);
	(v2sf) =	vpush v17, $0x6  }
0x6f: {  	v36 =	vld [tilespmem:s25+$0x8620]  }
0x70: {  	v55 =	vld [tilespmem:s25+$0x8600]  }
0x71: {  	[tilespmem:$0x1FF10] =	vst v0;
	v0 =	vld [tilespmem:s20+$0x140];
	s18 =	spop (v2sf);
	(v2sf) =	vpush v17, $0x5  }
0x72: {  	v60 =	vld [tilespmem:s25+$0x8610];
	s25 =	spop (v2sf);
	(v2sf) =	vpush v17, $0x7  }
0x73: {  	v33 =	vld [tilespmem:s7+$0x8630]  }
0x74: {  	v47 =	vld [tilespmem:s7+$0x8620]  }
0x75: {  	v2 =	vld [tilespmem:s7+$0x8600]  }
0x76: {  	[tilespmem:$0x1FF20] =	vst v0;
	v0 =	vld [tilespmem:s23+$0x8600]  }
0x77: {  	v5 =	vld [tilespmem:s7+$0x8610]  }
0x78: {  	v34 =	vld [tilespmem:s18+$0x8630]  }
0x79: {  	v49 =	vld [tilespmem:s18+$0x8620]  }
0x7a: {  	v6 =	vld [tilespmem:s18+$0x8600]  }
0x7b: {  	[tilespmem:$0x1FF30] =	vst v0;
	v0 =	vld [tilespmem:s20+$0x150]  }
0x7c: {  	[tilespmem:$0x1FF70] =	vst v1;
	v1 =	vld [tilespmem:s25+$0x8600]  }
0x7d: {  	v10 =	vld [tilespmem:s18+$0x8610];
	s21 =	spop (v2sf)  }
0x7e: {  	(v2sf) =	vpush v17, $0x3;
	v40 =	vld [tilespmem:s21+$0x8630]  }
0x7f: {  	v63 =	vld [tilespmem:s21+$0x8620]  }
0x80: {  	[tilespmem:$0x1FF40] =	vst v0;
	v0 =	vld [tilespmem:s23+$0x8610];
	s24 =	spop (v2sf);
	(v2sf) =	vpush v17, $0x2  }
0x81: {  	[tilespmem:$0x1FF80] =	vst v1;
	v1 =	vld [tilespmem:s20+$0x90];
	s28 =	spop (v2sf)  }
0x82: {  	[tilespmem:$0x1FFC0] =	vst v7;
	(v2sf) =	vpush v17, $0x4;
	v7 =	vld [tilespmem:s28+$0x8600]  }
0x83: {  	v14 =	vld [tilespmem:s21+$0x8600]  }
0x84: {  	v19 =	vld [tilespmem:s21+$0x8610]  }
0x85: {  	[tilespmem:$0x1FF50] =	vst v0;
	v0 =	vld [tilespmem:s20+$0xE0]  }
0x86: {  	[tilespmem:$0x1FF90] =	vst v1;
	v1 =	vld [tilespmem:s25+$0x8610]  }
0x87: {  	[tilespmem:$0x1FFD0] =	vst v7;
	v7 =	vld [tilespmem:s20+$0xFFFFFFD0]  }
0x88: {  	v42 =	vld [tilespmem:s24+$0x8630]  }
0x89: {  	v59 =	vld [tilespmem:s24+$0x8620]  }
0x8a: {  	v13 =	vld [tilespmem:s24+$0x8600]  }
0x8b: {  	v18 =	vld [tilespmem:s24+$0x8610]  }
0x8c: {  	[tilespmem:$0x1FFE0] =	vst v7;
	v7 =	vld [tilespmem:s28+$0x8610]  }
0x8d: {  	[tilespmem:$0x1FFA0] =	vst v1;
	v1 =	vld [tilespmem:s20+$0x40];
	s21 =	spop (v2sf)  }
0x8e: {  	v51 =	vld [tilespmem:s21+$0x8630]  }
0x8f: {  	v9 =	vld [tilespmem:s21+$0x8620];
	s18 =	spop (v2sf)  }
0x90: {  	v46 =	vld [tilespmem:s18+$0x8630]  }
0x91: {  	s16 =	spop (v2sf);
	[tilespmem:$0x1FFF0] =	vst v7;
	v7 =	vld [tilespmem:s20+$0xFFFFFEE0]  }
0x92: {  	v21 =	vmul.f32 v21, v20;
	v22 =	vmul.f32 v43, v22;
	s24 =	simm.s32 $0x40;
	(v2sf) =	vpush v17, $0x0;
	v43 =	vld [tilespmem:s16+$0x8600]  }
.LBB2_2:
0x93: {  	_ =	sdelay $0x6  }
0x94: {  	v22 =	vadd.f32 v22, v21;
	v32 =	vmul.f32 v32, v29;
	v52 =	vmul.f32 v56, v52  }
0x95: {  	v61 =	vmul.f32 v61, v58;
	v35 =	vmul.f32 v39, v35  }
0x96: {  	v53 =	vmul.f32 v55, v53;
	v60 =	vmul.f32 v60, v57;
	v32 =	vadd.f32 v32, v22;
	v22 =	vld [tilespmem:$0x1FEC0]  }
0x97: {  	v29 =	vld [tilespmem:s20+$0xFFFFFE30];
	v25 =	vmul.f32 v28, v25;
	v0 =	vmul.f32 v36, v0  }
0x98: {  	v58 =	vld [tilespmem:s20+$0xFFFFFEA0];
	v1 =	vmul.f32 v2, v1;
	v2 =	vmul.f32 v5, v3;
	v52 =	vadd.f32 v61, v52  }
0x99: {  	v5 =	vld [tilespmem:s20+$0xFFFFFED0];
	v23 =	vmul.f32 v27, v23;
	v7 =	vmul.f32 v9, v7;
	v28 =	vadd.f32 v60, v53  }
0x9a: {  	v27 =	vld [tilespmem:s20+$0xFFFFFE20];
	v1 =	vadd.f32 v2, v1;
	v2 =	vmul.f32 v47, v45;
	v35 =	vadd.f32 v35, v52  }
0x9b: {  	v9 =	vld [tilespmem:s20+$0xFFFFFE50];
	v0 =	vadd.f32 v0, v28;
	v24 =	vmul.f32 v24, v22;
	s5 =	spop (v2sf);
	(v2sf) =	vpush v17, $0x1  }
0x9c: {  	v61 =	vld [tilespmem:s18+$0x8620];
	v1 =	vadd.f32 v2, v1;
	v2 =	vmul.f32 v33, v30;
	v3 =	vadd.f32 v25, v35  }
0x9d: {  	v25 =	vld [tilespmem:s21+$0x8610];
	v0 =	vadd.f32 v23, v0;
	v24 =	vadd.f32 v24, v32  }
0x9e: {  	v23 =	vmul.f32 v14, v11;
	v11 =	vmul.f32 v19, v16;
	v1 =	vadd.f32 v2, v1;
	v2 =	vld [tilespmem:s20+$0xFFFFFE90]  }
0x9f: {  	v14 =	vld [tilespmem:s18+$0x8610];
	(xrf2) =	vadd.scan.msk.f32 $0xffff, v24  }
0xa0: {  	v11 =	vadd.f32 v11, v23;
	v23 =	vmul.f32 v13, v12;
	v12 =	vmul.f32 v18, v15;
	v15 =	vld [tilespmem:s20+$0xFFFFFE10]  }
0xa1: {  	v17 =	vld [tilespmem:s20+$0xFFFFFEC0];
	(xrf2) =	vadd.scan.msk.f32 $0xffff, v3;
	v3 =	vmul.f32 v6, v4;
	v4 =	vmul.f32 v10, v8  }
0xa2: {  	v22 =	vld [tilespmem:s5+$0x8630]  }
0xa3: {  	v24 =	vld [tilespmem:s21+$0x8600];
	v3 =	vadd.f32 v4, v3;
	v4 =	vmul.f32 v49, v48  }
0xa4: {  	v19 =	vld [tilespmem:s5+$0x8600];
	(xrf2) =	vadd.scan.msk.f32 $0xffff, v0  }
0xa5: {  	v6 =	vld [tilespmem:s5+$0x8620];
	v3 =	vadd.f32 v4, v3;
	v4 =	vmul.f32 v34, v31  }
0xa6: {  	v16 =	vmul.f32 v63, v62;
	v8 =	vld [tilespmem:s20+$0xFFFFFE80]  }
0xa7: {  	v13 =	vmul.f32 v40, v37;
	v10 =	vld [tilespmem:s18+$0x8600];
	(xrf2) =	vadd.scan.msk.f32 $0xffff, v1;
	v3 =	vadd.f32 v4, v3  }
0xa8: {  	v11 =	vadd.f32 v16, v11;
	v12 =	vadd.f32 v12, v23;
	v16 =	vmul.f32 v59, v54;
	v4 =	vld [tilespmem:s20+$0xFFFFFE00]  }
0xa9: {  	v5 =	vmul.f32 v25, v5;
	v17 =	vmul.f32 v24, v17;
	v0, _, _ =	vpop (xrf2);
	(xrf2) =	vadd.scan.msk.f32 $0xffff, v3;
	v3 =	vld [tilespmem:s5+$0x8610]  }
0xaa: {  	v11 =	vadd.f32 v13, v11;
	v13 =	vld [tilespmem:s20+$0xFFFFFE40];
	v12 =	vadd.f32 v16, v12;
	v16 =	vmul.f32 v42, v41;
	s21 =	spop (v2sf)  }
0xab: {  	v5 =	vadd.f32 v5, v17;
	v18 =	vld [tilespmem:s21+$0x8600]  }
0xac: {  	v8 =	vmul.f32 v10, v8;
	v1, _, _ =	vpop (xrf2);
	(xrf2) =	vadd.scan.msk.f32 $0xffff, v11;
	v11 =	vadd.f32 v16, v12;
	v12 =	vld [tilespmem:s21+$0x8610]  }
0xad: {  	v10 =	vmul.f32 v14, v2;
	v14 =	vld [tilespmem:s20+$0xFFFFFE60];
	v5 =	vadd.f32 v7, v5;
	v7 =	vmul.f32 v51, v50  }
0xae: {  	v2, _, _ =	vpop (xrf2);
	v4 =	vmul.f32 v19, v4;
	(xrf2) =	vadd.scan.msk.f32 $0xffff, v11;
	v11 =	vmul.f32 v3, v15;
	v15 =	vld [tilespmem:s21+$0x8620]  }
0xaf: {  	v6 =	vmul.f32 v6, v27;
	v5 =	vadd.f32 v7, v5;
	v7 =	vld [tilespmem:s20+$0xFFFFFE70]  }
0xb0: {  	v8 =	vadd.f32 v10, v8;
	v10 =	vmul.f32 v61, v58;
	v4 =	vadd.f32 v11, v4;
	v11 =	vld [tilespmem:s21+$0x8630]  }
0xb1: {  	v3, _, _ =	vpop (xrf2);
	(xrf2) =	vadd.scan.msk.f32 $0xffff, v5;
	v5 =	vmul.f32 v18, v13;
	v9 =	vmul.f32 v12, v9  }
0xb2: {  	v8 =	vadd.f32 v10, v8;
	v10 =	vmul.f32 v46, v44;
	v4 =	vadd.f32 v6, v4  }
0xb3: {  	v6 =	vmul.f32 v22, v29;
	v5 =	vadd.f32 v9, v5;
	v9 =	vmul.f32 v15, v14  }
0xb4: {  	v8 =	vadd.f32 v10, v8  }
0xb5: {  	v20 =	vld [tilespmem:s20+$0xFFFFFF10];
	v4 =	vadd.f32 v6, v4;
	v7 =	vmul.f32 v11, v7;
	v5 =	vadd.f32 v9, v5  }
0xb6: {  	v21 =	vld [tilespmem:s16+$0x8610];
	v12, _, _ =	vpop (xrf2);
	(xrf2) =	vadd.scan.msk.f32 $0xffff, v8  }
0xb7: {  	v16, _, _ =	vpop (xrf2);
	(xrf2) =	vadd.scan.msk.f32 $0xffff, v4;
	v4 =	vadd.f32 v7, v5;
	v5 =	vld [tilespmem:$0x1FFC0]  }
0xb8: {  	v7 =	vld [tilespmem:$0x1FFD0]  }
0xb9: {  	v10 =	vld [tilespmem:s16+$0x8620]  }
0xba: {  	v13 =	vld [tilespmem:s20+$0xFFFFFF30]  }
0xbb: {  	v14 =	vld [tilespmem:s16+$0x8630]  }
0xbc: {  	v8 =	vmul.f32 v21, v20;
	v6 =	vmul.f32 v43, v38;
	v11 =	vld [tilespmem:$0x1FFF0]  }
0xbd: {  	v5 =	vmul.f32 v7, v5;
	v7 =	vld [tilespmem:$0x1FFE0]  }
0xbe: {  	v6 =	vadd.f32 v8, v6;
	v8 =	vmul.f32 v10, v26;
	_ =	sdelay $0x1  }
0xbf: {  	v6 =	vadd.f32 v8, v6;
	v8 =	vmul.f32 v14, v13  }
0xc0: {  	v15 =	vld [tilespmem:s28+$0x8620]  }
0xc1: {  	v17, _, _ =	vpop (xrf2);
	(xrf2) =	vadd.scan.msk.f32 $0xffff, v4;
	v4 =	vadd.f32 v8, v6;
	v6 =	vld [tilespmem:$0x1FF70];
	v7 =	vmul.f32 v11, v7  }
0xc2: {  	v8 =	vld [tilespmem:$0x1FF80]  }
0xc3: {  	v5 =	vadd.f32 v7, v5;
	v7 =	vld [tilespmem:$0x1FFB0];
	_ =	sdelay $0x1  }
0xc4: {  	v10 =	vld [tilespmem:s28+$0x8630]  }
0xc5: {  	v9 =	vld [tilespmem:s20+$0xFFFFFFF0]  }
0xc6: {  	v6 =	vmul.f32 v8, v6;
	v8 =	vld [tilespmem:$0x1FF90]  }
0xc7: {  	v7 =	vmul.f32 v15, v7;
	v15 =	vld [tilespmem:$0x1FFA0];
	_ =	sdelay $0x2  }
0xc8: {  	v5 =	vadd.f32 v7, v5;
	v7 =	vmul.f32 v10, v9  }
0xc9: {  	v11 =	vld [tilespmem:s25+$0x8620]  }
0xca: {  	v18, _, _ =	vpop (xrf2);
	(xrf2) =	vadd.scan.msk.f32 $0xffff, v4;
	v4 =	vadd.f32 v7, v5;
	v5 =	vld [tilespmem:$0x1FF20];
	v8 =	vmul.f32 v15, v8  }
0xcb: {  	v7 =	vld [tilespmem:$0x1FF30]  }
0xcc: {  	v6 =	vadd.f32 v8, v6;
	v8 =	vld [tilespmem:$0x1FF60]  }
0xcd: {  	v13 =	vld [tilespmem:s20+$0xB0]  }
0xce: {  	v9 =	vld [tilespmem:s20+$0x170]  }
0xcf: {  	v10 =	vld [tilespmem:s23+$0x8630]  }
0xd0: {  	v5 =	vmul.f32 v7, v5;
	v7 =	vld [tilespmem:$0x1FF40]  }
0xd1: {  	v8 =	vmul.f32 v11, v8;
	v11 =	vld [tilespmem:$0x1FF50]  }
0xd2: {  	v14 =	vld [tilespmem:s25+$0x8630];
	_ =	sdelay $0x2  }
0xd3: {  	v15 =	vld [tilespmem:s23+$0x8620]  }
0xd4: {  	v20 =	vmul.f32 v10, v9;
	v9 =	vld [tilespmem:$0x1FEF0];
	v7 =	vmul.f32 v11, v7  }
0xd5: {  	v10 =	vld [tilespmem:$0x1FF00];
	v6 =	vadd.f32 v8, v6;
	v8 =	vmul.f32 v14, v13  }
0xd6: {  	v5 =	vadd.f32 v7, v5;
	v7 =	vld [tilespmem:$0x1FF10]  }
0xd7: {  	v19, _, _ =	vpop (xrf2);
	(xrf2) =	vadd.scan.msk.f32 $0xffff, v4;
	v4 =	vadd.f32 v8, v6;
	v6 =	vld [tilespmem:$0x1FED0]  }
0xd8: {  	v8 =	vld [tilespmem:$0x1FEE0]  }
0xd9: {  	v13 =	vld [tilespmem:s22+$0x8620]  }
0xda: {  	v11 =	vld [tilespmem:s20+$0x1E0]  }
0xdb: {  	v7 =	vmul.f32 v15, v7  }
0xdc: {  	v14 =	vld [tilespmem:s20+$0x1F0]  }
0xdd: {  	v9 =	vmul.f32 v10, v9;
	v6 =	vmul.f32 v8, v6;
	v8 =	vld [tilespmem:s22+$0x8630];
	v5 =	vadd.f32 v7, v5  }
0xde: {  	v15, _, _ =	vpop (xrf2)  }
0xdf: {  	(xrf2) =	vadd.scan.msk.f32 $0xffff, v4;
	v4 =	vadd.f32 v20, v5;
	v5 =	vadd.f32 v9, v6;
	v6 =	vmul.f32 v13, v11;
	v7, _, _ =	vpop (xrf2)  }
0xe0: {  	v11 =	vbroadcast v15, $0xF;
	v7 =	vbroadcast v7, $0xF  }
0xe1: {  	v10 =	vbroadcast v19, $0xF;
	v5 =	vadd.f32 v6, v5  }
0xe2: {  	s22 =	sshra.s32 s24, $0x2;
	v9, _, _ =	vpop (xrf2);
	v6 =	vmul.f32 v8, v14;
	v8 =	vbroadcast v18, $0xF;
	v7 =	vsel vm0, v11, v7  }
0xe3: {  	(xrf2) =	vadd.scan.msk.f32 $0xffff, v4;
	v4 =	vld [tilespmem:s22+$0x200];
	v7 =	vsel vm1, v7, v10;
	v10 =	vbroadcast v9, $0xF  }
0xe4: {  	v5 =	vadd.f32 v6, v5;
	v6 =	vsel vm2, v7, v8;
	v7 =	vbroadcast v17, $0xF  }
0xe5: {  	v6 =	vsel vm3, v6, v10  }
0xe6: {  	v13 =	vsel vm4, v6, v7;
	v7 =	vld [tilespmem:$0x1FEB0]  }
0xe7: {  	v9, _, _ =	vpop (xrf2);
	v8 =	vbroadcast v16, $0xF;
	(xrf2) =	vadd.scan.msk.f32 $0xffff, v5  }
0xe8: {  	v3 =	vbroadcast v3, $0xF;
	v6 =	vbroadcast v9, $0xF;
	v9 =	vshll.u32 v4, $0x8  }
0xe9: {  	v11 =	vsel vm5, v13, v8;
	v8 =	vbroadcast v12, $0xF;
	v17 =	vshra.s32 v9, $0x2  }
0xea: {  	v10 =	vmov v4;
	v5, _, _ =	vpop (xrf2);
	v4 =	vsel vm6, v11, v6;
	(v2sf) =	vpush v17, $0xE  }
0xeb: {  	v5 =	vbroadcast v5, $0xF;
	v6 =	vsel vm7, v4, v8;
	v7 =	vshll.u32 v7, $0x3  }
0xec: {  	v2 =	vbroadcast v2, $0xF;
	v3 =	vsel vm8, v6, v3  }
0xed: {  	v1 =	vbroadcast v1, $0xF;
	v3 =	vsel vm9, v3, v5;
	v4, _, _ =	vpop (xrf2)  }
0xee: {  	v2 =	vsel vm10, v3, v2;
	v3 =	vbroadcast v4, $0xF;
	v4 =	vld [tilespmem:s19+$0x8400]  }
0xef: {  	v0 =	vbroadcast v0, $0xF;
	v5 =	vsel vm11, v2, v1  }
0xf0: {  	v3 =	vsel vm12, v5, v3;
	v2 =	vld.idx.msk [tilespmem:v7+s26+$0x0], $0xffff  }
0xf1: {  	v0 =	vsel vm13, v3, v0;
	v1, _, _ =	vpop (xrf2)  }
0xf2: {  	v0 =	vsel vm14, v0, v1;
	v1 =	vld [tilespmem:$0x1FEA0]  }
0xf3: {  	v0 =	vadd.f32 v0, v4;
	_ =	sdelay $0x1  }
0xf4: {  	v0 =	vadd.f32 v0, v2;
	_ =	sdelay $0x1  }
0xf5: {  	v0 =	vadd.f32 v0, v1;
	_ =	sdelay $0x1  }
0xf6: {  	s20 =	sadd.s32 $0x400, s20;
	[tilespmem:s19+$0xB0D0] =	vst v0  }
0xf7: {  	s23 =	spop (v2sf);
	v0 =	vld [tilespmem:s20+$0x1B0]  }
0xf8: {  	v24 =	vld [tilespmem:s23+$0x8630]  }
0xf9: {  	v29 =	vld [tilespmem:s20+$0x1A0]  }
0xfa: {  	(v2sf) =	vpush v17, $0xF;
	v32 =	vld [tilespmem:s23+$0x8620]  }
0xfb: {  	v25 =	vld [tilespmem:s20+$0x130]  }
0xfc: {  	v22 =	vld [tilespmem:s20+$0x180]  }
0xfd: {  	v21 =	vld [tilespmem:s23+$0x8600]  }
0xfe: {  	v43 =	vld [tilespmem:s20+$0x190]  }
0xff: {  	v20 =	vld [tilespmem:s23+$0x8610]  }
0x100: {  	v23 =	vld [tilespmem:s20+$0xF0]  }
0x101: {  	v35 =	vld [tilespmem:s20+$0x120]  }
0x102: {  	v52 =	vld [tilespmem:s20+$0x100]  }
0x103: {  	v58 =	vld [tilespmem:s20+$0x110]  }
0x104: {  	v30 =	vld [tilespmem:s20+$0x70]  }
0x105: {  	v1 =	vld [tilespmem:s20+$0xA0]  }
0x106: {  	v53 =	vld [tilespmem:s20+$0xC0]  }
0x107: {  	(v2sf) =	vpush v17, $0xC;
	v57 =	vld [tilespmem:s20+$0xD0]  }
0x108: {  	(v2sf) =	vpush v17, $0xB;
	v31 =	vld [tilespmem:s20+$0x30]  }
0x109: {  	s19 =	smov.u32 s22;
	s22 =	spop (v2sf);
	(v2sf) =	vpush v17, $0xD;
	v45 =	vld [tilespmem:s20+$0x60]  }
0x10a: {  	v48 =	vld [tilespmem:s20+$0x20]  }
0x10b: {  	v3 =	vld [tilespmem:s20+$0x50]  }
0x10c: {  	v37 =	vld [tilespmem:s20+$0xFFFFFFB0]  }
0x10d: {  	v4 =	vld [tilespmem:s20+$0xFFFFFFE0]  }
0x10e: {  	v8 =	vld [tilespmem:s20+$0x10]  }
0x10f: {  	v41 =	vld [tilespmem:s20+$0xFFFFFF70]  }
0x110: {  	v62 =	vld [tilespmem:s20+$0xFFFFFFA0]  }
0x111: {  	v7 =	vld [tilespmem:s20+$0xFFFFFFC0]  }
0x112: {  	v54 =	vld [tilespmem:s20+$0xFFFFFF60]  }
0x113: {  	v11 =	vld [tilespmem:s20+$0xFFFFFF80]  }
0x114: {  	v16 =	vld [tilespmem:s20+$0xFFFFFF90]  }
0x115: {  	[tilespmem:$0x1FEC0] =	vst v0;
	v0 =	vld [tilespmem:s20+$0x1C0]  }
0x116: {  	s25 =	spop (v2sf);
	v50 =	vld [tilespmem:s20+$0xFFFFFEF0]  }
0x117: {  	(v2sf) =	vpush v17, $0x9;
	v26 =	vld [tilespmem:s20+$0xFFFFFF20];
	s7 =	spop (v2sf)  }
0x118: {  	v12 =	vld [tilespmem:s20+$0xFFFFFF40];
	s23 =	spop (v2sf);
	(v2sf) =	vpush v17, $0x8  }
0x119: {  	v15 =	vld [tilespmem:s20+$0xFFFFFF50];
	(v2sf) =	vpush v17, $0xA  }
0x11a: {  	[tilespmem:$0x1FED0] =	vst v0;
	v0 =	vld [tilespmem:s22+$0x8600]  }
0x11b: {  	v44 =	vld [tilespmem:s20+$0xFFFFFEB0]  }
0x11c: {  	v38 =	vld [tilespmem:s20+$0xFFFFFF00]  }
0x11d: {  	v28 =	vld [tilespmem:s25+$0x8630]  }
0x11e: {  	v39 =	vld [tilespmem:s25+$0x8620]  }
0x11f: {  	[tilespmem:$0x1FEE0] =	vst v0;
	v0 =	vld [tilespmem:s20+$0x1D0]  }
0x120: {  	v56 =	vld [tilespmem:s25+$0x8600]  }
0x121: {  	v61 =	vld [tilespmem:s25+$0x8610]  }
0x122: {  	v27 =	vld [tilespmem:s7+$0x8630]  }
0x123: {  	v36 =	vld [tilespmem:s7+$0x8620]  }
0x124: {  	[tilespmem:$0x1FEF0] =	vst v0;
	v0 =	vld [tilespmem:s22+$0x8610]  }
0x125: {  	v55 =	vld [tilespmem:s7+$0x8600]  }
0x126: {  	v60 =	vld [tilespmem:s7+$0x8610];
	s18 =	spop (v2sf);
	(v2sf) =	vpush v17, $0x6  }
0x127: {  	[tilespmem:$0x1FF60] =	vst v1;
	v1 =	vld [tilespmem:s20+$0x80];
	s21 =	spop (v2sf)  }
0x128: {  	[tilespmem:$0x1FFB0] =	vst v4;
	v4 =	vld [tilespmem:s20+$0x0];
	s25 =	spop (v2sf);
	(v2sf) =	vpush v17, $0x5  }
0x129: {  	[tilespmem:$0x1FF00] =	vst v0;
	v0 =	vld [tilespmem:s20+$0x160];
	(v2sf) =	vpush v17, $0x7  }
0x12a: {  	v33 =	vld [tilespmem:s18+$0x8630]  }
0x12b: {  	v47 =	vld [tilespmem:s18+$0x8620]  }
0x12c: {  	v2 =	vld [tilespmem:s18+$0x8600]  }
0x12d: {  	v5 =	vld [tilespmem:s18+$0x8610]  }
0x12e: {  	[tilespmem:$0x1FF10] =	vst v0;
	v0 =	vld [tilespmem:s20+$0x140]  }
0x12f: {  	[tilespmem:$0x1FF70] =	vst v1;
	v1 =	vld [tilespmem:s25+$0x8600]  }
0x130: {  	v34 =	vld [tilespmem:s21+$0x8630]  }
0x131: {  	v49 =	vld [tilespmem:s21+$0x8620]  }
0x132: {  	v6 =	vld [tilespmem:s21+$0x8600]  }
0x133: {  	[tilespmem:$0x1FF20] =	vst v0;
	v0 =	vld [tilespmem:s23+$0x8600]  }
0x134: {  	[tilespmem:$0x1FF80] =	vst v1;
	v1 =	vld [tilespmem:s20+$0x90]  }
0x135: {  	[tilespmem:$0x1FEB0] =	vst v10;
	v10 =	vld [tilespmem:s21+$0x8610];
	s7 =	spop (v2sf);
	(v2sf) =	vpush v17, $0x3  }
0x136: {  	v40 =	vld [tilespmem:s7+$0x8630]  }
0x137: {  	v63 =	vld [tilespmem:s7+$0x8620];
	s18 =	spop (v2sf)  }
0x138: {  	[tilespmem:$0x1FF30] =	vst v0;
	v0 =	vld [tilespmem:s20+$0x150];
	s28 =	spop (v2sf);
	(v2sf) =	vpush v17, $0x2  }
0x139: {  	[tilespmem:$0x1FF90] =	vst v1;
	v1 =	vld [tilespmem:s25+$0x8610]  }
0x13a: {  	[tilespmem:$0x1FFC0] =	vst v7;
	v7 =	vld [tilespmem:s28+$0x8600];
	(v2sf) =	vpush v17, $0x4  }
0x13b: {  	v14 =	vld [tilespmem:s7+$0x8600]  }
0x13c: {  	v19 =	vld [tilespmem:s7+$0x8610]  }
0x13d: {  	[tilespmem:$0x1FF40] =	vst v0;
	v0 =	vld [tilespmem:s23+$0x8610]  }
0x13e: {  	[tilespmem:$0x1FFA0] =	vst v1;
	v1 =	vld [tilespmem:s20+$0x40]  }
0x13f: {  	[tilespmem:$0x1FFD0] =	vst v7;
	v7 =	vld [tilespmem:s20+$0xFFFFFFD0]  }
0x140: {  	v42 =	vld [tilespmem:s18+$0x8630]  }
0x141: {  	v59 =	vld [tilespmem:s18+$0x8620]  }
0x142: {  	v13 =	vld [tilespmem:s18+$0x8600]  }
0x143: {  	v18 =	vld [tilespmem:s18+$0x8610]  }
0x144: {  	s21 =	spop (v2sf);
	[tilespmem:$0x1FFE0] =	vst v7;
	v7 =	vld [tilespmem:s28+$0x8610]  }
0x145: {  	p0 =	sne.s32 s24, $0x1C0;
	v51 =	vld [tilespmem:s21+$0x8630]  }
.Ltmp0:
0x146: {  	v9 =	vld [tilespmem:s21+$0x8620];
	(pc) =	sbr.rel @p0 .LBB2_2-.Ltmp0, $4  }
0x147: {  	[tilespmem:$0x1FF50] =	vst v0;
	v0 =	vld [tilespmem:s20+$0xE0];
	s18 =	spop (v2sf)  }
0x148: {  	v46 =	vld [tilespmem:s18+$0x8630]  }
0x149: {  	[tilespmem:$0x1FFF0] =	vst v7;
	v7 =	vld [tilespmem:s20+$0xFFFFFEE0];
	s16 =	spop (v2sf)  }
0x14a: {  	s24 =	sadd.s32 $0x40, s24;
	v21 =	vmul.f32 v21, v22;
	v22 =	vmul.f32 v20, v43;
	(v2sf) =	vpush v17, $0x0;
	v43 =	vld [tilespmem:s16+$0x8600]  }
0x14b: {  	v20 =	vld [tilespmem:s20+$0xFFFFFF10];
	_ =	sdelay $0x4  }
0x14c: {  	[tilespmem:$0x1FD30] =	vst v20;
	v20 =	vld [tilespmem:s16+$0x8610];
	_ =	sdelay $0x2  }
0x14d: {  	(v2sf) =	vpush v17, $0x1;
	v17 =	vld [tilespmem:s20+$0xFFFFFEC0]  }
0x14e: {  	v52 =	vmul.f32 v56, v52;
	v56 =	vmul.f32 v61, v58;
	v58 =	vld [tilespmem:s21+$0x8600]  }
0x14f: {  	[tilespmem:$0x1FD40] =	vst v20;
	v20 =	vld [tilespmem:s20+$0xFFFFFE30]  }
0x150: {  	v61 =	vld [tilespmem:$0x1FEC0];
	v1 =	vmul.f32 v2, v1  }
0x151: {  	v2 =	vmul.f32 v5, v3;
	v5 =	vld [tilespmem:s18+$0x8600];
	v4 =	vmul.f32 v6, v4  }
0x152: {  	v6 =	vmul.f32 v10, v8;
	v8 =	vld [tilespmem:s20+$0xFFFFFE90];
	v21 =	vadd.f32 v22, v21;
	v22 =	vmul.f32 v32, v29  }
0x153: {  	v60 =	vmul.f32 v60, v57;
	v29 =	vld [tilespmem:s20+$0xFFFFFED0];
	v1 =	vadd.f32 v2, v1;
	s5 =	spop (v2sf)  }
0x154: {  	v2 =	vmul.f32 v47, v45;
	v21 =	vadd.f32 v22, v21;
	v22 =	vmul.f32 v55, v53;
	[tilespmem:$0x1FD10] =	vst v20;
	v20 =	vld [tilespmem:s5+$0x8630]  }
0x155: {  	v0 =	vmul.f32 v36, v0;
	v32 =	vadd.f32 v56, v52;
	v56 =	vld [tilespmem:s21+$0x8610];
	v24 =	vmul.f32 v24, v61  }
0x156: {  	v1 =	vadd.f32 v2, v1;
	v2 =	vmul.f32 v14, v11;
	v14 =	vld [tilespmem:s20+$0xFFFFFE00];
	v22 =	vadd.f32 v60, v22  }
0x157: {  	v12 =	vmul.f32 v13, v12;
	v13 =	vmul.f32 v18, v15;
	v21 =	vadd.f32 v24, v21;
	v24 =	vld [tilespmem:s20+$0xFFFFFE80]  }
0x158: {  	v4 =	vadd.f32 v6, v4;
	v6 =	vmul.f32 v49, v48;
	v0 =	vadd.f32 v0, v22;
	v22 =	vld [tilespmem:s18+$0x8610]  }
0x159: {  	v12 =	vadd.f32 v13, v12;
	v13 =	vmul.f32 v59, v54;
	[tilespmem:$0x1FD20] =	vst v20;
	v20 =	vld [tilespmem:s20+$0xFFFFFEA0]  }
0x15a: {  	v11 =	vmul.f32 v19, v16;
	v4 =	vadd.f32 v6, v4;
	v6 =	vmul.f32 v34, v31;
	v19 =	vld [tilespmem:s20+$0xFFFFFE50]  }
0x15b: {  	v10 =	vmul.f32 v27, v23;
	v12 =	vadd.f32 v13, v12;
	v13 =	vld [tilespmem:s20+$0xFFFFFE60]  }
0x15c: {  	v2 =	vadd.f32 v11, v2;
	v11 =	vmul.f32 v63, v62;
	v4 =	vadd.f32 v6, v4;
	v6 =	vld [tilespmem:s20+$0xFFFFFE40]  }
0x15d: {  	v0 =	vadd.f32 v10, v0;
	v10 =	vld [tilespmem:s20+$0xFFFFFE10];
	v5 =	vmul.f32 v5, v24;
	v8 =	vmul.f32 v22, v8  }
0x15e: {  	v35 =	vmul.f32 v39, v35;
	v15 =	vmul.f32 v56, v29;
	[tilespmem:$0x1FD00] =	vst v20;
	v20 =	vld [tilespmem:s18+$0x8620]  }
0x15f: {  	v2 =	vadd.f32 v11, v2;
	v11 =	vmul.f32 v58, v17;
	v5 =	vadd.f32 v8, v5;
	s21 =	spop (v2sf);
	v8 =	vld [tilespmem:$0x1FD00]  }
0x160: {  	v25 =	vmul.f32 v28, v25;
	v18 =	vmul.f32 v40, v37;
	v17 =	vld [tilespmem:s21+$0x8600]  }
0x161: {  	v7 =	vmul.f32 v9, v7;
	v32 =	vadd.f32 v35, v32;
	v11 =	vadd.f32 v15, v11;
	v9 =	vld [tilespmem:s21+$0x8610]  }
0x162: {  	v23 =	vmul.f32 v33, v30;
	v2 =	vadd.f32 v18, v2;
	v18 =	vld [tilespmem:s20+$0xFFFFFE70]  }
0x163: {  	v3 =	vadd.f32 v25, v32;
	v7 =	vadd.f32 v7, v11;
	v11 =	vmul.f32 v51, v50;
	v15 =	vld [tilespmem:s21+$0x8620]  }
0x164: {  	(xrf2) =	vadd.scan.msk.f32 $0xffff, v21;
	v25 =	vld [tilespmem:s5+$0x8600];
	v8 =	vmul.f32 v20, v8  }
0x165: {  	v1 =	vadd.f32 v23, v1;
	v23 =	vmul.f32 v42, v41;
	(xrf2) =	vadd.scan.msk.f32 $0xffff, v3;
	v7 =	vadd.f32 v11, v7;
	v11 =	vld [tilespmem:s21+$0x8630]  }
0x166: {  	(xrf2) =	vadd.scan.msk.f32 $0xffff, v0;
	v16 =	vld [tilespmem:s5+$0x8610];
	v0 =	vadd.f32 v8, v5;
	v5 =	vmul.f32 v17, v6;
	v6 =	vmul.f32 v9, v19  }
0x167: {  	v61 =	vld [tilespmem:s20+$0xFFFFFE20];
	v12 =	vadd.f32 v23, v12;
	(xrf2) =	vadd.scan.msk.f32 $0xffff, v1  }
0x168: {  	v1 =	vmul.f32 v46, v44;
	(xrf2) =	vadd.scan.msk.f32 $0xffff, v4;
	v28 =	vld [tilespmem:s5+$0x8620];
	v5 =	vadd.f32 v6, v5;
	v6 =	vmul.f32 v15, v13  }
0x169: {  	(xrf2) =	vadd.scan.msk.f32 $0xffff, v2;
	v4 =	vld [tilespmem:$0x1FD10];
	v3 =	vmul.f32 v25, v14  }
0x16a: {  	(xrf2) =	vadd.scan.msk.f32 $0xffff, v12;
	v14 =	vld [tilespmem:$0x1FD20];
	v0 =	vadd.f32 v1, v0;
	v1 =	vadd.f32 v6, v5;
	v5 =	vmul.f32 v11, v18  }
0x16b: {  	(xrf2) =	vadd.scan.msk.f32 $0xffff, v7;
	v10 =	vmul.f32 v16, v10;
	v8 =	vld [tilespmem:s16+$0x8620]  }
0x16c: {  	(xrf2) =	vadd.scan.msk.f32 $0xffff, v0;
	v0 =	vadd.f32 v5, v1;
	v1 =	vld [tilespmem:$0x1FFC0]  }
0x16d: {  	v3 =	vadd.f32 v10, v3;
	v9 =	vmul.f32 v28, v61;
	v5 =	vld [tilespmem:$0x1FFD0];
	_ =	sdelay $0x1  }
0x16e: {  	v4 =	vmul.f32 v14, v4;
	v2 =	vadd.f32 v9, v3  }
0x16f: {  	v14 =	vld [tilespmem:$0x1FD40]  }
0x170: {  	v2 =	vadd.f32 v4, v2;
	v4 =	vmul.f32 v8, v26;
	v8 =	vld [tilespmem:$0x1FFF0]  }
0x171: {  	v1 =	vmul.f32 v5, v1;
	v5 =	vld [tilespmem:$0x1FFE0]  }
0x172: {  	v9 =	vld [tilespmem:$0x1FD30];
	_ =	sdelay $0x2  }
0x173: {  	v10 =	vld [tilespmem:s20+$0xFFFFFF30]  }
0x174: {  	v13 =	vld [tilespmem:s16+$0x8630];
	v5 =	vmul.f32 v8, v5  }
0x175: {  	v3 =	vmul.f32 v43, v38;
	v9 =	vmul.f32 v14, v9;
	v14 =	vld [tilespmem:s28+$0x8620]  }
0x176: {  	v1 =	vadd.f32 v5, v1;
	v5 =	vld [tilespmem:$0x1FFB0]  }
0x177: {  	v7 =	vld [tilespmem:s28+$0x8630];
	v3 =	vadd.f32 v9, v3  }
0x178: {  	v6 =	vld [tilespmem:s20+$0xFFFFFFF0]  }
0x179: {  	(xrf2) =	vadd.scan.msk.f32 $0xffff, v2;
	v2 =	vadd.f32 v4, v3;
	v3 =	vmul.f32 v13, v10  }
0x17a: {  	v11 =	vld [tilespmem:$0x1FF80]  }
0x17b: {  	v2 =	vadd.f32 v3, v2;
	v3 =	vld [tilespmem:$0x1FF70];
	v5 =	vmul.f32 v14, v5;
	_ =	sdelay $0x1  }
0x17c: {  	v12 =	vld [tilespmem:$0x1FFA0];
	v1 =	vadd.f32 v5, v1;
	v5 =	vmul.f32 v7, v6  }
0x17d: {  	v14 =	vld [tilespmem:$0x1FF30]  }
0x17e: {  	v1 =	vadd.f32 v5, v1;
	v5 =	vld [tilespmem:$0x1FF20]  }
0x17f: {  	v3 =	vmul.f32 v11, v3;
	v11 =	vld [tilespmem:$0x1FF90];
	_ =	sdelay $0x2  }
0x180: {  	v15 =	vld [tilespmem:$0x1FF50]  }
0x181: {  	v5 =	vmul.f32 v14, v5;
	v14 =	vld [tilespmem:$0x1FF40]  }
0x182: {  	v11 =	vmul.f32 v12, v11  }
0x183: {  	v8 =	vld [tilespmem:s25+$0x8620]  }
0x184: {  	v3 =	vadd.f32 v11, v3;
	v11 =	vld [tilespmem:$0x1FF60]  }
0x185: {  	v4 =	vld [tilespmem:s20+$0xB0]  }
0x186: {  	v12 =	vld [tilespmem:s23+$0x8620];
	v14 =	vmul.f32 v15, v14  }
0x187: {  	v6 =	vld [tilespmem:s20+$0x170]  }
0x188: {  	v5 =	vadd.f32 v14, v5;
	v14 =	vld [tilespmem:$0x1FF10]  }
0x189: {  	v8 =	vmul.f32 v8, v11;
	v11 =	vld [tilespmem:s23+$0x8630]  }
0x18a: {  	v10 =	vld [tilespmem:s25+$0x8630]  }
0x18b: {  	v9, _, _ =	vpop (xrf2);
	(xrf2) =	vadd.scan.msk.f32 $0xffff, v0  }
0x18c: {  	v0, _, _ =	vpop (xrf2)  }
0x18d: {  	v13, _, _ =	vpop (xrf2);
	v12 =	vmul.f32 v12, v14  }
0x18e: {  	v7, _, _ =	vpop (xrf2);
	v6 =	vmul.f32 v11, v6;
	v11 =	vld [tilespmem:$0x1FEF0]  }
0x18f: {  	(xrf2) =	vadd.scan.msk.f32 $0xffff, v2;
	v4 =	vmul.f32 v10, v4;
	v2, _, _ =	vpop (xrf2);
	v3 =	vadd.f32 v8, v3;
	v5 =	vadd.f32 v12, v5;
	v12 =	vld [tilespmem:$0x1FF00]  }
0x190: {  	v17 =	vld [tilespmem:$0x1FEE0];
	v16, _, _ =	vpop (xrf2)  }
0x191: {  	v10, _, _ =	vpop (xrf2);
	v3 =	vadd.f32 v4, v3;
	v4 =	vld [tilespmem:$0x1FED0]  }
0x192: {  	(xrf2) =	vadd.scan.msk.f32 $0xffff, v1;
	v1, _, _ =	vpop (xrf2);
	v8 =	vld [tilespmem:s22+$0x8620]  }
0x193: {  	v18, _, _ =	vpop (xrf2);
	v15 =	vld [tilespmem:s20+$0x1E0]  }
0x194: {  	v11 =	vmul.f32 v12, v11;
	v12, _, _ =	vpop (xrf2)  }
0x195: {  	(xrf2) =	vadd.scan.msk.f32 $0xffff, v3;
	v3 =	vadd.f32 v6, v5;
	v6, _, _ =	vpop (xrf2)  }
0x196: {  	v4 =	vmul.f32 v17, v4;
	v17 =	vld [tilespmem:s22+$0x8630];
	v6 =	vbroadcast v6, $0xF  }
0x197: {  	v14 =	vld [tilespmem:s20+$0x1F0]  }
0x198: {  	v5 =	vmul.f32 v8, v15;
	v8 =	vbroadcast v12, $0xF;
	_ =	sdelay $0x1  }
0x199: {  	(xrf2) =	vadd.scan.msk.f32 $0xffff, v3;
	v4 =	vadd.f32 v11, v4;
	v11 =	vbroadcast v18, $0xF;
	v3 =	vsel vm0, v8, v6;
	v6, _, _ =	vpop (xrf2)  }
0x19a: {  	v1 =	vbroadcast v1, $0xF;
	v6 =	vbroadcast v6, $0xF  }
0x19b: {  	v4 =	vadd.f32 v5, v4;
	v5 =	vmul.f32 v17, v14;
	v3 =	vsel vm1, v3, v11  }
0x19c: {  	v1 =	vsel vm2, v3, v1;
	v3 =	vbroadcast v10, $0xF  }
0x19d: {  	v4 =	vadd.f32 v5, v4;
	v5 =	vbroadcast v16, $0xF;
	v1 =	vsel vm3, v1, v6  }
0x19e: {  	v1 =	vsel vm4, v1, v3;
	v6, _, _ =	vpop (xrf2)  }
0x19f: {  	v1 =	vsel vm5, v1, v5;
	v5 =	vld [tilespmem:$0x1FEB0];
	v3 =	vbroadcast v6, $0xF  }
0x1a0: {  	v2 =	vbroadcast v2, $0xF;
	(xrf2) =	vadd.scan.msk.f32 $0xffff, v4  }
0x1a1: {  	v4, _, _ =	vpop (xrf2);
	v1 =	vsel vm6, v1, v3;
	v3 =	vbroadcast v7, $0xF  }
0x1a2: {  	v1 =	vsel vm7, v1, v2;
	v2 =	vbroadcast v4, $0xF  }
0x1a3: {  	v1 =	vsel vm8, v1, v3;
	v3 =	vbroadcast v13, $0xF  }
0x1a4: {  	v0 =	vbroadcast v0, $0xF;
	v5 =	vshll.u32 v5, $0x3;
	v1 =	vsel vm9, v1, v2  }
0x1a5: {  	v1 =	vsel vm10, v1, v3  }
0x1a6: {  	v2, _, _ =	vpop (xrf2);
	v0 =	vsel vm11, v1, v0;
	v1 =	vbroadcast v9, $0xF  }
0x1a7: {  	v3 =	vld [tilespmem:s19+$0x8400];
	v2 =	vbroadcast v2, $0xF;
	_ =	sdelay $0x1  }
0x1a8: {  	v4 =	vld.idx.msk [tilespmem:v5+s26+$0x0], $0xffff;
	v0 =	vsel vm12, v0, v2  }
0x1a9: {  	v0 =	vsel vm13, v0, v1;
	v1, _, _ =	vpop (xrf2)  }
0x1aa: {  	v0 =	vsel vm14, v0, v1;
	v1 =	vld [tilespmem:$0x1FEA0]  }
0x1ab: {  	v0 =	vadd.f32 v0, v3;
	_ =	sdelay $0x1  }
0x1ac: {  	v0 =	vadd.f32 v0, v4;
	_ =	sdelay $0x1  }
0x1ad: {  	v0 =	vadd.f32 v0, v1;
	_ =	sdelay $0x1  }
0x1ae: {  	[tilespmem:s19+$0xB0D0] =	vst v0  }
0x1af: {  	_ =	swait.ge [sflag:s31], $0x2000  }
0x1b0: {  	[sflag:s31] =	ssyncset.done $0x0  }
0x1b1: {  	[sflag:s31] =	ssyncadd.s32 $0xFFFFE000  }
0x1b2: {  	_ =	swait.ge [sflag:s0], $0x80  }
0x1b3: {  	[sflag:s0] =	ssyncset.done $0x0  }
0x1b4: {  	s19 =	simm.s32 $0x0;
	[sflag:s0] =	ssyncadd.s32 $0xFFFFFF80  }
0x1b5: {  	v0 =	vld [tilespmem:s19+$0x280]  }
0x1b6: {  	s20 =	simm.s32 $0x27F0  }
0x1b7: {  	v29 =	vld [tilespmem:s20+$0xFFFFFFB0]  }
0x1b8: {  	v25 =	vld [tilespmem:s20+$0xFFFFFF40]  }
0x1b9: {  	v20 =	vld [tilespmem:s20+$0xFFFFFF90]  }
0x1ba: {  	v22 =	vld [tilespmem:s20+$0xFFFFFFA0];
	[tilespmem:$0x1FD50] =	vst v0;
	v0 =	vshll.u32 v0, $0x8  }
0x1bb: {  	v23 =	vld [tilespmem:s20+$0xFFFFFF00];
	v17 =	vshra.s32 v0, $0x2  }
0x1bc: {  	v35 =	vld [tilespmem:s20+$0xFFFFFF30];
	(v2sf) =	vpush v17, $0xE  }
0x1bd: {  	v52 =	vld [tilespmem:s20+$0xFFFFFF10]  }
0x1be: {  	v58 =	vld [tilespmem:s20+$0xFFFFFF20]  }
0x1bf: {  	v30 =	vld [tilespmem:s20+$0xFFFFFE80]  }
0x1c0: {  	v1 =	vld [tilespmem:s20+$0xFFFFFEB0]  }
0x1c1: {  	v53 =	vld [tilespmem:s20+$0xFFFFFED0]  }
0x1c2: {  	v57 =	vld [tilespmem:s20+$0xFFFFFEE0]  }
0x1c3: {  	v31 =	vld [tilespmem:s20+$0xFFFFFE40]  }
0x1c4: {  	v45 =	vld [tilespmem:s20+$0xFFFFFE70]  }
0x1c5: {  	v48 =	vld [tilespmem:s20+$0xFFFFFE30];
	(v2sf) =	vpush v17, $0xF  }
0x1c6: {  	v3 =	vld [tilespmem:s20+$0xFFFFFE60]  }
0x1c7: {  	v37 =	vld [tilespmem:s20+$0xFFFFFDC0]  }
0x1c8: {  	v4 =	vld [tilespmem:s20+$0xFFFFFDF0]  }
0x1c9: {  	v8 =	vld [tilespmem:s20+$0xFFFFFE20];
	(v2sf) =	vpush v17, $0xC  }
0x1ca: {  	v41 =	vld [tilespmem:s20+$0xFFFFFD80];
	(v2sf) =	vpush v17, $0xB  }
0x1cb: {  	v0 =	vld [tilespmem:s20+$0xFFFFFFC0];
	s23 =	spop (v2sf);
	(v2sf) =	vpush v17, $0xD  }
0x1cc: {  	v62 =	vld [tilespmem:s20+$0xFFFFFDB0]  }
0x1cd: {  	v7 =	vld [tilespmem:s20+$0xFFFFFDD0]  }
0x1ce: {  	v54 =	vld [tilespmem:s20+$0xFFFFFD70]  }
0x1cf: {  	v11 =	vld [tilespmem:s20+$0xFFFFFD90]  }
0x1d0: {  	[tilespmem:$0x1FD60] =	vst v0;
	v0 =	vld [tilespmem:s20+$0xFFFFFFD0]  }
0x1d1: {  	v16 =	vld [tilespmem:s20+$0xFFFFFDA0]  }
0x1d2: {  	v50 =	vld [tilespmem:s20+$0xFFFFFD00]  }
0x1d3: {  	v26 =	vld [tilespmem:s20+$0xFFFFFD30]  }
0x1d4: {  	v12 =	vld [tilespmem:s20+$0xFFFFFD50];
	s22 =	spop (v2sf)  }
0x1d5: {  	[tilespmem:$0x1FD70] =	vst v0;
	v0 =	vld [tilespmem:s22+$0x8600]  }
0x1d6: {  	v24 =	vld [tilespmem:s23+$0x8630]  }
0x1d7: {  	v32 =	vld [tilespmem:s23+$0x8620];
	(v2sf) =	vpush v17, $0x9  }
0x1d8: {  	v21 =	vld [tilespmem:s23+$0x8600];
	s24 =	spop (v2sf)  }
0x1d9: {  	v43 =	vld [tilespmem:s23+$0x8610];
	s25 =	spop (v2sf)  }
0x1da: {  	[tilespmem:$0x1FD80] =	vst v0;
	v0 =	vld [tilespmem:s20+$0xFFFFFFE0];
	s23 =	spop (v2sf);
	(v2sf) =	vpush v17, $0x8  }
0x1db: {  	v15 =	vld [tilespmem:s20+$0xFFFFFD60];
	(v2sf) =	vpush v17, $0xA  }
0x1dc: {  	v44 =	vld [tilespmem:s20+$0xFFFFFCC0]  }
0x1dd: {  	v38 =	vld [tilespmem:s20+$0xFFFFFD10]  }
0x1de: {  	[tilespmem:$0x1FE00] =	vst v1;
	v1 =	vld [tilespmem:s20+$0xFFFFFE90]  }
0x1df: {  	[tilespmem:$0x1FD90] =	vst v0;
	v0 =	vld [tilespmem:s22+$0x8610]  }
0x1e0: {  	[tilespmem:$0x1FE50] =	vst v4;
	v4 =	vld [tilespmem:s20+$0xFFFFFE10]  }
0x1e1: {  	v28 =	vld [tilespmem:s24+$0x8630]  }
0x1e2: {  	v39 =	vld [tilespmem:s24+$0x8620]  }
0x1e3: {  	v56 =	vld [tilespmem:s24+$0x8600]  }
0x1e4: {  	[tilespmem:$0x1FDA0] =	vst v0;
	v0 =	vld [tilespmem:s20+$0xFFFFFF70]  }
0x1e5: {  	v61 =	vld [tilespmem:s24+$0x8610]  }
0x1e6: {  	v27 =	vld [tilespmem:s25+$0x8630];
	s7 =	spop (v2sf);
	(v2sf) =	vpush v17, $0x6  }
0x1e7: {  	v36 =	vld [tilespmem:s25+$0x8620]  }
0x1e8: {  	v55 =	vld [tilespmem:s25+$0x8600]  }
0x1e9: {  	[tilespmem:$0x1FDB0] =	vst v0;
	v0 =	vld [tilespmem:s20+$0xFFFFFF50];
	s18 =	spop (v2sf);
	(v2sf) =	vpush v17, $0x5  }
0x1ea: {  	v60 =	vld [tilespmem:s25+$0x8610];
	s25 =	spop (v2sf);
	(v2sf) =	vpush v17, $0x7  }
0x1eb: {  	v33 =	vld [tilespmem:s7+$0x8630]  }
0x1ec: {  	v47 =	vld [tilespmem:s7+$0x8620]  }
0x1ed: {  	v2 =	vld [tilespmem:s7+$0x8600]  }
0x1ee: {  	[tilespmem:$0x1FDC0] =	vst v0;
	v0 =	vld [tilespmem:s23+$0x8600]  }
0x1ef: {  	v5 =	vld [tilespmem:s7+$0x8610]  }
0x1f0: {  	v34 =	vld [tilespmem:s18+$0x8630]  }
0x1f1: {  	v49 =	vld [tilespmem:s18+$0x8620]  }
0x1f2: {  	v6 =	vld [tilespmem:s18+$0x8600]  }
0x1f3: {  	[tilespmem:$0x1FDD0] =	vst v0;
	v0 =	vld [tilespmem:s20+$0xFFFFFF60]  }
0x1f4: {  	[tilespmem:$0x1FE10] =	vst v1;
	v1 =	vld [tilespmem:s25+$0x8600]  }
0x1f5: {  	v10 =	vld [tilespmem:s18+$0x8610];
	s21 =	spop (v2sf)  }
0x1f6: {  	(v2sf) =	vpush v17, $0x3;
	v40 =	vld [tilespmem:s21+$0x8630]  }
0x1f7: {  	v63 =	vld [tilespmem:s21+$0x8620]  }
0x1f8: {  	[tilespmem:$0x1FDE0] =	vst v0;
	v0 =	vld [tilespmem:s23+$0x8610];
	s24 =	spop (v2sf);
	(v2sf) =	vpush v17, $0x2  }
0x1f9: {  	[tilespmem:$0x1FE20] =	vst v1;
	v1 =	vld [tilespmem:s20+$0xFFFFFEA0];
	s28 =	spop (v2sf)  }
0x1fa: {  	[tilespmem:$0x1FE60] =	vst v7;
	(v2sf) =	vpush v17, $0x4;
	v7 =	vld [tilespmem:s28+$0x8600]  }
0x1fb: {  	v14 =	vld [tilespmem:s21+$0x8600]  }
0x1fc: {  	v19 =	vld [tilespmem:s21+$0x8610]  }
0x1fd: {  	[tilespmem:$0x1FDF0] =	vst v0;
	v0 =	vld [tilespmem:s20+$0xFFFFFEF0]  }
0x1fe: {  	[tilespmem:$0x1FE30] =	vst v1;
	v1 =	vld [tilespmem:s25+$0x8610]  }
0x1ff: {  	[tilespmem:$0x1FE70] =	vst v7;
	v7 =	vld [tilespmem:s20+$0xFFFFFDE0]  }
0x200: {  	v42 =	vld [tilespmem:s24+$0x8630]  }
0x201: {  	v59 =	vld [tilespmem:s24+$0x8620]  }
0x202: {  	v13 =	vld [tilespmem:s24+$0x8600]  }
0x203: {  	v18 =	vld [tilespmem:s24+$0x8610]  }
0x204: {  	[tilespmem:$0x1FE80] =	vst v7;
	v7 =	vld [tilespmem:s28+$0x8610]  }
0x205: {  	[tilespmem:$0x1FE40] =	vst v1;
	v1 =	vld [tilespmem:s20+$0xFFFFFE50];
	s21 =	spop (v2sf)  }
0x206: {  	v51 =	vld [tilespmem:s21+$0x8630]  }
0x207: {  	v9 =	vld [tilespmem:s21+$0x8620];
	s18 =	spop (v2sf)  }
0x208: {  	v46 =	vld [tilespmem:s18+$0x8630]  }
0x209: {  	s16 =	spop (v2sf);
	[tilespmem:$0x1FE90] =	vst v7;
	v7 =	vld [tilespmem:s20+$0xFFFFFCF0]  }
0x20a: {  	v21 =	vmul.f32 v21, v20;
	v22 =	vmul.f32 v43, v22;
	s24 =	simm.s32 $0x40;
	(v2sf) =	vpush v17, $0x0;
	v43 =	vld [tilespmem:s16+$0x8600]  }
.LBB2_4:
0x20b: {  	_ =	sdelay $0x6  }
0x20c: {  	v22 =	vadd.f32 v22, v21;
	v32 =	vmul.f32 v32, v29;
	v52 =	vmul.f32 v56, v52  }
0x20d: {  	v61 =	vmul.f32 v61, v58;
	v35 =	vmul.f32 v39, v35  }
0x20e: {  	v53 =	vmul.f32 v55, v53;
	v60 =	vmul.f32 v60, v57;
	v32 =	vadd.f32 v32, v22;
	v22 =	vld [tilespmem:$0x1FD60]  }
0x20f: {  	v29 =	vld [tilespmem:s20+$0xFFFFFC40];
	v25 =	vmul.f32 v28, v25;
	v0 =	vmul.f32 v36, v0  }
0x210: {  	v58 =	vld [tilespmem:s20+$0xFFFFFCB0];
	v1 =	vmul.f32 v2, v1;
	v2 =	vmul.f32 v5, v3;
	v52 =	vadd.f32 v61, v52  }
0x211: {  	v5 =	vld [tilespmem:s20+$0xFFFFFCE0];
	v23 =	vmul.f32 v27, v23;
	v7 =	vmul.f32 v9, v7;
	v28 =	vadd.f32 v60, v53  }
0x212: {  	v27 =	vld [tilespmem:s20+$0xFFFFFC30];
	v1 =	vadd.f32 v2, v1;
	v2 =	vmul.f32 v47, v45;
	v35 =	vadd.f32 v35, v52  }
0x213: {  	v9 =	vld [tilespmem:s20+$0xFFFFFC60];
	v0 =	vadd.f32 v0, v28;
	v24 =	vmul.f32 v24, v22;
	s5 =	spop (v2sf);
	(v2sf) =	vpush v17, $0x1  }
0x214: {  	v61 =	vld [tilespmem:s18+$0x8620];
	v1 =	vadd.f32 v2, v1;
	v2 =	vmul.f32 v33, v30;
	v3 =	vadd.f32 v25, v35  }
0x215: {  	v25 =	vld [tilespmem:s21+$0x8610];
	v0 =	vadd.f32 v23, v0;
	v24 =	vadd.f32 v24, v32  }
0x216: {  	v23 =	vmul.f32 v14, v11;
	v11 =	vmul.f32 v19, v16;
	v1 =	vadd.f32 v2, v1;
	v2 =	vld [tilespmem:s20+$0xFFFFFCA0]  }
0x217: {  	v14 =	vld [tilespmem:s18+$0x8610];
	(xrf2) =	vadd.scan.msk.f32 $0xffff, v24  }
0x218: {  	v11 =	vadd.f32 v11, v23;
	v23 =	vmul.f32 v13, v12;
	v12 =	vmul.f32 v18, v15;
	v15 =	vld [tilespmem:s20+$0xFFFFFC20]  }
0x219: {  	v17 =	vld [tilespmem:s20+$0xFFFFFCD0];
	(xrf2) =	vadd.scan.msk.f32 $0xffff, v3;
	v3 =	vmul.f32 v6, v4;
	v4 =	vmul.f32 v10, v8  }
0x21a: {  	v22 =	vld [tilespmem:s5+$0x8630]  }
0x21b: {  	v24 =	vld [tilespmem:s21+$0x8600];
	v3 =	vadd.f32 v4, v3;
	v4 =	vmul.f32 v49, v48  }
0x21c: {  	v19 =	vld [tilespmem:s5+$0x8600];
	(xrf2) =	vadd.scan.msk.f32 $0xffff, v0  }
0x21d: {  	v6 =	vld [tilespmem:s5+$0x8620];
	v3 =	vadd.f32 v4, v3;
	v4 =	vmul.f32 v34, v31  }
0x21e: {  	v16 =	vmul.f32 v63, v62;
	v8 =	vld [tilespmem:s20+$0xFFFFFC90]  }
0x21f: {  	v13 =	vmul.f32 v40, v37;
	v10 =	vld [tilespmem:s18+$0x8600];
	(xrf2) =	vadd.scan.msk.f32 $0xffff, v1;
	v3 =	vadd.f32 v4, v3  }
0x220: {  	v11 =	vadd.f32 v16, v11;
	v12 =	vadd.f32 v12, v23;
	v16 =	vmul.f32 v59, v54;
	v4 =	vld [tilespmem:s20+$0xFFFFFC10]  }
0x221: {  	v5 =	vmul.f32 v25, v5;
	v17 =	vmul.f32 v24, v17;
	v0, _, _ =	vpop (xrf2);
	(xrf2) =	vadd.scan.msk.f32 $0xffff, v3;
	v3 =	vld [tilespmem:s5+$0x8610]  }
0x222: {  	v11 =	vadd.f32 v13, v11;
	v13 =	vld [tilespmem:s20+$0xFFFFFC50];
	v12 =	vadd.f32 v16, v12;
	v16 =	vmul.f32 v42, v41;
	s21 =	spop (v2sf)  }
0x223: {  	v5 =	vadd.f32 v5, v17;
	v18 =	vld [tilespmem:s21+$0x8600]  }
0x224: {  	v8 =	vmul.f32 v10, v8;
	v1, _, _ =	vpop (xrf2);
	(xrf2) =	vadd.scan.msk.f32 $0xffff, v11;
	v11 =	vadd.f32 v16, v12;
	v12 =	vld [tilespmem:s21+$0x8610]  }
0x225: {  	v10 =	vmul.f32 v14, v2;
	v14 =	vld [tilespmem:s20+$0xFFFFFC70];
	v5 =	vadd.f32 v7, v5;
	v7 =	vmul.f32 v51, v50  }
0x226: {  	v2, _, _ =	vpop (xrf2);
	v4 =	vmul.f32 v19, v4;
	(xrf2) =	vadd.scan.msk.f32 $0xffff, v11;
	v11 =	vmul.f32 v3, v15;
	v15 =	vld [tilespmem:s21+$0x8620]  }
0x227: {  	v6 =	vmul.f32 v6, v27;
	v5 =	vadd.f32 v7, v5;
	v7 =	vld [tilespmem:s20+$0xFFFFFC80]  }
0x228: {  	v8 =	vadd.f32 v10, v8;
	v10 =	vmul.f32 v61, v58;
	v4 =	vadd.f32 v11, v4;
	v11 =	vld [tilespmem:s21+$0x8630]  }
0x229: {  	v3, _, _ =	vpop (xrf2);
	(xrf2) =	vadd.scan.msk.f32 $0xffff, v5;
	v5 =	vmul.f32 v18, v13;
	v9 =	vmul.f32 v12, v9  }
0x22a: {  	v8 =	vadd.f32 v10, v8;
	v10 =	vmul.f32 v46, v44;
	v4 =	vadd.f32 v6, v4  }
0x22b: {  	v6 =	vmul.f32 v22, v29;
	v5 =	vadd.f32 v9, v5;
	v9 =	vmul.f32 v15, v14  }
0x22c: {  	v8 =	vadd.f32 v10, v8  }
0x22d: {  	v20 =	vld [tilespmem:s20+$0xFFFFFD20];
	v4 =	vadd.f32 v6, v4;
	v7 =	vmul.f32 v11, v7;
	v5 =	vadd.f32 v9, v5  }
0x22e: {  	v21 =	vld [tilespmem:s16+$0x8610];
	v12, _, _ =	vpop (xrf2);
	(xrf2) =	vadd.scan.msk.f32 $0xffff, v8  }
0x22f: {  	v16, _, _ =	vpop (xrf2);
	(xrf2) =	vadd.scan.msk.f32 $0xffff, v4;
	v4 =	vadd.f32 v7, v5;
	v5 =	vld [tilespmem:$0x1FE60]  }
0x230: {  	v7 =	vld [tilespmem:$0x1FE70]  }
0x231: {  	v10 =	vld [tilespmem:s16+$0x8620]  }
0x232: {  	v13 =	vld [tilespmem:s20+$0xFFFFFD40]  }
0x233: {  	v14 =	vld [tilespmem:s16+$0x8630]  }
0x234: {  	v8 =	vmul.f32 v21, v20;
	v6 =	vmul.f32 v43, v38;
	v11 =	vld [tilespmem:$0x1FE90]  }
0x235: {  	v5 =	vmul.f32 v7, v5;
	v7 =	vld [tilespmem:$0x1FE80]  }
0x236: {  	v6 =	vadd.f32 v8, v6;
	v8 =	vmul.f32 v10, v26;
	_ =	sdelay $0x1  }
0x237: {  	v6 =	vadd.f32 v8, v6;
	v8 =	vmul.f32 v14, v13  }
0x238: {  	v15 =	vld [tilespmem:s28+$0x8620]  }
0x239: {  	v17, _, _ =	vpop (xrf2);
	(xrf2) =	vadd.scan.msk.f32 $0xffff, v4;
	v4 =	vadd.f32 v8, v6;
	v6 =	vld [tilespmem:$0x1FE10];
	v7 =	vmul.f32 v11, v7  }
0x23a: {  	v8 =	vld [tilespmem:$0x1FE20]  }
0x23b: {  	v5 =	vadd.f32 v7, v5;
	v7 =	vld [tilespmem:$0x1FE50];
	_ =	sdelay $0x1  }
0x23c: {  	v10 =	vld [tilespmem:s28+$0x8630]  }
0x23d: {  	v9 =	vld [tilespmem:s20+$0xFFFFFE00]  }
0x23e: {  	v6 =	vmul.f32 v8, v6;
	v8 =	vld [tilespmem:$0x1FE30]  }
0x23f: {  	v7 =	vmul.f32 v15, v7;
	v15 =	vld [tilespmem:$0x1FE40];
	_ =	sdelay $0x2  }
0x240: {  	v5 =	vadd.f32 v7, v5;
	v7 =	vmul.f32 v10, v9  }
0x241: {  	v11 =	vld [tilespmem:s25+$0x8620]  }
0x242: {  	v18, _, _ =	vpop (xrf2);
	(xrf2) =	vadd.scan.msk.f32 $0xffff, v4;
	v4 =	vadd.f32 v7, v5;
	v5 =	vld [tilespmem:$0x1FDC0];
	v8 =	vmul.f32 v15, v8  }
0x243: {  	v7 =	vld [tilespmem:$0x1FDD0]  }
0x244: {  	v6 =	vadd.f32 v8, v6;
	v8 =	vld [tilespmem:$0x1FE00]  }
0x245: {  	v13 =	vld [tilespmem:s20+$0xFFFFFEC0]  }
0x246: {  	v9 =	vld [tilespmem:s20+$0xFFFFFF80]  }
0x247: {  	v10 =	vld [tilespmem:s23+$0x8630]  }
0x248: {  	v5 =	vmul.f32 v7, v5;
	v7 =	vld [tilespmem:$0x1FDE0]  }
0x249: {  	v8 =	vmul.f32 v11, v8;
	v11 =	vld [tilespmem:$0x1FDF0]  }
0x24a: {  	v14 =	vld [tilespmem:s25+$0x8630];
	_ =	sdelay $0x2  }
0x24b: {  	v15 =	vld [tilespmem:s23+$0x8620]  }
0x24c: {  	v20 =	vmul.f32 v10, v9;
	v9 =	vld [tilespmem:$0x1FD90];
	v7 =	vmul.f32 v11, v7  }
0x24d: {  	v10 =	vld [tilespmem:$0x1FDA0];
	v6 =	vadd.f32 v8, v6;
	v8 =	vmul.f32 v14, v13  }
0x24e: {  	v5 =	vadd.f32 v7, v5;
	v7 =	vld [tilespmem:$0x1FDB0]  }
0x24f: {  	v19, _, _ =	vpop (xrf2);
	(xrf2) =	vadd.scan.msk.f32 $0xffff, v4;
	v4 =	vadd.f32 v8, v6;
	v6 =	vld [tilespmem:$0x1FD70]  }
0x250: {  	v8 =	vld [tilespmem:$0x1FD80]  }
0x251: {  	v13 =	vld [tilespmem:s22+$0x8620]  }
0x252: {  	v11 =	vld [tilespmem:s20+$0xFFFFFFF0]  }
0x253: {  	v7 =	vmul.f32 v15, v7  }
0x254: {  	v14 =	vld [tilespmem:s20+$0x0]  }
0x255: {  	v9 =	vmul.f32 v10, v9;
	v6 =	vmul.f32 v8, v6;
	v8 =	vld [tilespmem:s22+$0x8630];
	v5 =	vadd.f32 v7, v5  }
0x256: {  	v15, _, _ =	vpop (xrf2)  }
0x257: {  	(xrf2) =	vadd.scan.msk.f32 $0xffff, v4;
	v4 =	vadd.f32 v20, v5;
	v5 =	vadd.f32 v9, v6;
	v6 =	vmul.f32 v13, v11;
	v7, _, _ =	vpop (xrf2)  }
0x258: {  	v11 =	vbroadcast v15, $0xF;
	v7 =	vbroadcast v7, $0xF  }
0x259: {  	v10 =	vbroadcast v19, $0xF;
	v5 =	vadd.f32 v6, v5  }
0x25a: {  	s22 =	sshra.s32 s24, $0x2;
	v9, _, _ =	vpop (xrf2);
	v6 =	vmul.f32 v8, v14;
	v8 =	vbroadcast v18, $0xF;
	v7 =	vsel vm0, v11, v7  }
0x25b: {  	(xrf2) =	vadd.scan.msk.f32 $0xffff, v4;
	v4 =	vld [tilespmem:s22+$0x280];
	v7 =	vsel vm1, v7, v10;
	v10 =	vbroadcast v9, $0xF  }
0x25c: {  	v5 =	vadd.f32 v6, v5;
	v6 =	vsel vm2, v7, v8;
	v7 =	vbroadcast v17, $0xF  }
0x25d: {  	v6 =	vsel vm3, v6, v10  }
0x25e: {  	v13 =	vsel vm4, v6, v7;
	v7 =	vld [tilespmem:$0x1FD50]  }
0x25f: {  	v9, _, _ =	vpop (xrf2);
	v8 =	vbroadcast v16, $0xF;
	(xrf2) =	vadd.scan.msk.f32 $0xffff, v5  }
0x260: {  	v3 =	vbroadcast v3, $0xF;
	v6 =	vbroadcast v9, $0xF;
	v9 =	vshll.u32 v4, $0x8  }
0x261: {  	v11 =	vsel vm5, v13, v8;
	v8 =	vbroadcast v12, $0xF;
	v17 =	vshra.s32 v9, $0x2  }
0x262: {  	v10 =	vmov v4;
	v5, _, _ =	vpop (xrf2);
	v4 =	vsel vm6, v11, v6;
	(v2sf) =	vpush v17, $0xE  }
0x263: {  	v5 =	vbroadcast v5, $0xF;
	v6 =	vsel vm7, v4, v8;
	v7 =	vshll.u32 v7, $0x3  }
0x264: {  	v2 =	vbroadcast v2, $0xF;
	v3 =	vsel vm8, v6, v3  }
0x265: {  	v1 =	vbroadcast v1, $0xF;
	v3 =	vsel vm9, v3, v5;
	v4, _, _ =	vpop (xrf2)  }
0x266: {  	v2 =	vsel vm10, v3, v2;
	v3 =	vbroadcast v4, $0xF;
	v4 =	vld [tilespmem:s19+$0x8480]  }
0x267: {  	v0 =	vbroadcast v0, $0xF;
	v5 =	vsel vm11, v2, v1  }
0x268: {  	v3 =	vsel vm12, v5, v3;
	v2 =	vld.idx.msk [tilespmem:v7+s26+$0x0], $0xffff  }
0x269: {  	v0 =	vsel vm13, v3, v0;
	v1, _, _ =	vpop (xrf2)  }
0x26a: {  	v0 =	vsel vm14, v0, v1;
	v1 =	vld [tilespmem:$0x1FEA0]  }
0x26b: {  	v0 =	vadd.f32 v0, v4;
	_ =	sdelay $0x1  }
0x26c: {  	v0 =	vadd.f32 v0, v2;
	_ =	sdelay $0x1  }
0x26d: {  	v0 =	vadd.f32 v0, v1;
	_ =	sdelay $0x1  }
0x26e: {  	s20 =	sadd.s32 $0x400, s20;
	[tilespmem:s19+$0xB150] =	vst v0  }
0x26f: {  	s23 =	spop (v2sf);
	v0 =	vld [tilespmem:s20+$0xFFFFFFC0]  }
0x270: {  	v24 =	vld [tilespmem:s23+$0x8630]  }
0x271: {  	v29 =	vld [tilespmem:s20+$0xFFFFFFB0]  }
0x272: {  	(v2sf) =	vpush v17, $0xF;
	v32 =	vld [tilespmem:s23+$0x8620]  }
0x273: {  	v25 =	vld [tilespmem:s20+$0xFFFFFF40]  }
0x274: {  	v22 =	vld [tilespmem:s20+$0xFFFFFF90]  }
0x275: {  	v21 =	vld [tilespmem:s23+$0x8600]  }
0x276: {  	v43 =	vld [tilespmem:s20+$0xFFFFFFA0]  }
0x277: {  	v20 =	vld [tilespmem:s23+$0x8610]  }
0x278: {  	v23 =	vld [tilespmem:s20+$0xFFFFFF00]  }
0x279: {  	v35 =	vld [tilespmem:s20+$0xFFFFFF30]  }
0x27a: {  	v52 =	vld [tilespmem:s20+$0xFFFFFF10]  }
0x27b: {  	v58 =	vld [tilespmem:s20+$0xFFFFFF20]  }
0x27c: {  	v30 =	vld [tilespmem:s20+$0xFFFFFE80]  }
0x27d: {  	v1 =	vld [tilespmem:s20+$0xFFFFFEB0]  }
0x27e: {  	v53 =	vld [tilespmem:s20+$0xFFFFFED0]  }
0x27f: {  	(v2sf) =	vpush v17, $0xC;
	v57 =	vld [tilespmem:s20+$0xFFFFFEE0]  }
0x280: {  	(v2sf) =	vpush v17, $0xB;
	v31 =	vld [tilespmem:s20+$0xFFFFFE40]  }
0x281: {  	s19 =	smov.u32 s22;
	s22 =	spop (v2sf);
	(v2sf) =	vpush v17, $0xD;
	v45 =	vld [tilespmem:s20+$0xFFFFFE70]  }
0x282: {  	v48 =	vld [tilespmem:s20+$0xFFFFFE30]  }
0x283: {  	v3 =	vld [tilespmem:s20+$0xFFFFFE60]  }
0x284: {  	v37 =	vld [tilespmem:s20+$0xFFFFFDC0]  }
0x285: {  	v4 =	vld [tilespmem:s20+$0xFFFFFDF0]  }
0x286: {  	v8 =	vld [tilespmem:s20+$0xFFFFFE20]  }
0x287: {  	v41 =	vld [tilespmem:s20+$0xFFFFFD80]  }
0x288: {  	v62 =	vld [tilespmem:s20+$0xFFFFFDB0]  }
0x289: {  	v7 =	vld [tilespmem:s20+$0xFFFFFDD0]  }
0x28a: {  	v54 =	vld [tilespmem:s20+$0xFFFFFD70]  }
0x28b: {  	v11 =	vld [tilespmem:s20+$0xFFFFFD90]  }
0x28c: {  	v16 =	vld [tilespmem:s20+$0xFFFFFDA0]  }
0x28d: {  	[tilespmem:$0x1FD60] =	vst v0;
	v0 =	vld [tilespmem:s20+$0xFFFFFFD0]  }
0x28e: {  	s25 =	spop (v2sf);
	v50 =	vld [tilespmem:s20+$0xFFFFFD00]  }
0x28f: {  	(v2sf) =	vpush v17, $0x9;
	v26 =	vld [tilespmem:s20+$0xFFFFFD30];
	s7 =	spop (v2sf)  }
0x290: {  	v12 =	vld [tilespmem:s20+$0xFFFFFD50];
	s23 =	spop (v2sf);
	(v2sf) =	vpush v17, $0x8  }
0x291: {  	v15 =	vld [tilespmem:s20+$0xFFFFFD60];
	(v2sf) =	vpush v17, $0xA  }
0x292: {  	[tilespmem:$0x1FD70] =	vst v0;
	v0 =	vld [tilespmem:s22+$0x8600]  }
0x293: {  	v44 =	vld [tilespmem:s20+$0xFFFFFCC0]  }
0x294: {  	v38 =	vld [tilespmem:s20+$0xFFFFFD10]  }
0x295: {  	v28 =	vld [tilespmem:s25+$0x8630]  }
0x296: {  	v39 =	vld [tilespmem:s25+$0x8620]  }
0x297: {  	[tilespmem:$0x1FD80] =	vst v0;
	v0 =	vld [tilespmem:s20+$0xFFFFFFE0]  }
0x298: {  	v56 =	vld [tilespmem:s25+$0x8600]  }
0x299: {  	v61 =	vld [tilespmem:s25+$0x8610]  }
0x29a: {  	v27 =	vld [tilespmem:s7+$0x8630]  }
0x29b: {  	v36 =	vld [tilespmem:s7+$0x8620]  }
0x29c: {  	[tilespmem:$0x1FD90] =	vst v0;
	v0 =	vld [tilespmem:s22+$0x8610]  }
0x29d: {  	v55 =	vld [tilespmem:s7+$0x8600]  }
0x29e: {  	v60 =	vld [tilespmem:s7+$0x8610];
	s18 =	spop (v2sf);
	(v2sf) =	vpush v17, $0x6  }
0x29f: {  	[tilespmem:$0x1FE00] =	vst v1;
	v1 =	vld [tilespmem:s20+$0xFFFFFE90];
	s21 =	spop (v2sf)  }
0x2a0: {  	[tilespmem:$0x1FE50] =	vst v4;
	v4 =	vld [tilespmem:s20+$0xFFFFFE10];
	s25 =	spop (v2sf);
	(v2sf) =	vpush v17, $0x5  }
0x2a1: {  	[tilespmem:$0x1FDA0] =	vst v0;
	v0 =	vld [tilespmem:s20+$0xFFFFFF70];
	(v2sf) =	vpush v17, $0x7  }
0x2a2: {  	v33 =	vld [tilespmem:s18+$0x8630]  }
0x2a3: {  	v47 =	vld [tilespmem:s18+$0x8620]  }
0x2a4: {  	v2 =	vld [tilespmem:s18+$0x8600]  }
0x2a5: {  	v5 =	vld [tilespmem:s18+$0x8610]  }
0x2a6: {  	[tilespmem:$0x1FDB0] =	vst v0;
	v0 =	vld [tilespmem:s20+$0xFFFFFF50]  }
0x2a7: {  	[tilespmem:$0x1FE10] =	vst v1;
	v1 =	vld [tilespmem:s25+$0x8600]  }
0x2a8: {  	v34 =	vld [tilespmem:s21+$0x8630]  }
0x2a9: {  	v49 =	vld [tilespmem:s21+$0x8620]  }
0x2aa: {  	v6 =	vld [tilespmem:s21+$0x8600]  }
0x2ab: {  	[tilespmem:$0x1FDC0] =	vst v0;
	v0 =	vld [tilespmem:s23+$0x8600]  }
0x2ac: {  	[tilespmem:$0x1FE20] =	vst v1;
	v1 =	vld [tilespmem:s20+$0xFFFFFEA0]  }
0x2ad: {  	[tilespmem:$0x1FD50] =	vst v10;
	v10 =	vld [tilespmem:s21+$0x8610];
	s7 =	spop (v2sf);
	(v2sf) =	vpush v17, $0x3  }
0x2ae: {  	v40 =	vld [tilespmem:s7+$0x8630]  }
0x2af: {  	v63 =	vld [tilespmem:s7+$0x8620];
	s18 =	spop (v2sf)  }
0x2b0: {  	[tilespmem:$0x1FDD0] =	vst v0;
	v0 =	vld [tilespmem:s20+$0xFFFFFF60];
	s28 =	spop (v2sf);
	(v2sf) =	vpush v17, $0x2  }
0x2b1: {  	[tilespmem:$0x1FE30] =	vst v1;
	v1 =	vld [tilespmem:s25+$0x8610]  }
0x2b2: {  	[tilespmem:$0x1FE60] =	vst v7;
	v7 =	vld [tilespmem:s28+$0x8600];
	(v2sf) =	vpush v17, $0x4  }
0x2b3: {  	v14 =	vld [tilespmem:s7+$0x8600]  }
0x2b4: {  	v19 =	vld [tilespmem:s7+$0x8610]  }
0x2b5: {  	[tilespmem:$0x1FDE0] =	vst v0;
	v0 =	vld [tilespmem:s23+$0x8610]  }
0x2b6: {  	[tilespmem:$0x1FE40] =	vst v1;
	v1 =	vld [tilespmem:s20+$0xFFFFFE50]  }
0x2b7: {  	[tilespmem:$0x1FE70] =	vst v7;
	v7 =	vld [tilespmem:s20+$0xFFFFFDE0]  }
0x2b8: {  	v42 =	vld [tilespmem:s18+$0x8630]  }
0x2b9: {  	v59 =	vld [tilespmem:s18+$0x8620]  }
0x2ba: {  	v13 =	vld [tilespmem:s18+$0x8600]  }
0x2bb: {  	v18 =	vld [tilespmem:s18+$0x8610]  }
0x2bc: {  	s21 =	spop (v2sf);
	[tilespmem:$0x1FE80] =	vst v7;
	v7 =	vld [tilespmem:s28+$0x8610]  }
0x2bd: {  	p0 =	sne.s32 s24, $0x1C0;
	v51 =	vld [tilespmem:s21+$0x8630]  }
.Ltmp1:
0x2be: {  	v9 =	vld [tilespmem:s21+$0x8620];
	(pc) =	sbr.rel @p0 .LBB2_4-.Ltmp1, $4  }
0x2bf: {  	[tilespmem:$0x1FDF0] =	vst v0;
	v0 =	vld [tilespmem:s20+$0xFFFFFEF0];
	s18 =	spop (v2sf)  }
0x2c0: {  	v46 =	vld [tilespmem:s18+$0x8630]  }
0x2c1: {  	[tilespmem:$0x1FE90] =	vst v7;
	v7 =	vld [tilespmem:s20+$0xFFFFFCF0];
	s16 =	spop (v2sf)  }
0x2c2: {  	s24 =	sadd.s32 $0x40, s24;
	v21 =	vmul.f32 v21, v22;
	v22 =	vmul.f32 v20, v43;
	(v2sf) =	vpush v17, $0x0;
	v43 =	vld [tilespmem:s16+$0x8600]  }
0x2c3: {  	v20 =	vld [tilespmem:s20+$0xFFFFFD20];
	_ =	sdelay $0x4  }
0x2c4: {  	[tilespmem:$0x1F9E0] =	vst v20;
	v20 =	vld [tilespmem:s16+$0x8610];
	_ =	sdelay $0x2  }
0x2c5: {  	(v2sf) =	vpush v17, $0x1;
	v17 =	vld [tilespmem:s20+$0xFFFFFCD0]  }
0x2c6: {  	v52 =	vmul.f32 v56, v52;
	v56 =	vmul.f32 v61, v58;
	v58 =	vld [tilespmem:s21+$0x8600]  }
0x2c7: {  	[tilespmem:$0x1F9F0] =	vst v20;
	v20 =	vld [tilespmem:s20+$0xFFFFFC40]  }
0x2c8: {  	v61 =	vld [tilespmem:$0x1FD60];
	v1 =	vmul.f32 v2, v1  }
0x2c9: {  	v2 =	vmul.f32 v5, v3;
	v5 =	vld [tilespmem:s18+$0x8600];
	v4 =	vmul.f32 v6, v4  }
0x2ca: {  	v6 =	vmul.f32 v10, v8;
	v8 =	vld [tilespmem:s20+$0xFFFFFCA0];
	v21 =	vadd.f32 v22, v21;
	v22 =	vmul.f32 v32, v29  }
0x2cb: {  	v60 =	vmul.f32 v60, v57;
	v29 =	vld [tilespmem:s20+$0xFFFFFCE0];
	v1 =	vadd.f32 v2, v1;
	s5 =	spop (v2sf)  }
0x2cc: {  	v2 =	vmul.f32 v47, v45;
	v21 =	vadd.f32 v22, v21;
	v22 =	vmul.f32 v55, v53;
	[tilespmem:$0x1F9C0] =	vst v20;
	v20 =	vld [tilespmem:s5+$0x8630]  }
0x2cd: {  	v0 =	vmul.f32 v36, v0;
	v32 =	vadd.f32 v56, v52;
	v56 =	vld [tilespmem:s21+$0x8610];
	v24 =	vmul.f32 v24, v61  }
0x2ce: {  	v1 =	vadd.f32 v2, v1;
	v2 =	vmul.f32 v14, v11;
	v14 =	vld [tilespmem:s20+$0xFFFFFC10];
	v22 =	vadd.f32 v60, v22  }
0x2cf: {  	v12 =	vmul.f32 v13, v12;
	v13 =	vmul.f32 v18, v15;
	v21 =	vadd.f32 v24, v21;
	v24 =	vld [tilespmem:s20+$0xFFFFFC90]  }
0x2d0: {  	v4 =	vadd.f32 v6, v4;
	v6 =	vmul.f32 v49, v48;
	v0 =	vadd.f32 v0, v22;
	v22 =	vld [tilespmem:s18+$0x8610]  }
0x2d1: {  	v12 =	vadd.f32 v13, v12;
	v13 =	vmul.f32 v59, v54;
	[tilespmem:$0x1F9D0] =	vst v20;
	v20 =	vld [tilespmem:s20+$0xFFFFFCB0]  }
0x2d2: {  	v11 =	vmul.f32 v19, v16;
	v4 =	vadd.f32 v6, v4;
	v6 =	vmul.f32 v34, v31;
	v19 =	vld [tilespmem:s20+$0xFFFFFC60]  }
0x2d3: {  	v10 =	vmul.f32 v27, v23;
	v12 =	vadd.f32 v13, v12;
	v13 =	vld [tilespmem:s20+$0xFFFFFC70]  }
0x2d4: {  	v2 =	vadd.f32 v11, v2;
	v11 =	vmul.f32 v63, v62;
	v4 =	vadd.f32 v6, v4;
	v6 =	vld [tilespmem:s20+$0xFFFFFC50]  }
0x2d5: {  	v0 =	vadd.f32 v10, v0;
	v10 =	vld [tilespmem:s20+$0xFFFFFC20];
	v5 =	vmul.f32 v5, v24;
	v8 =	vmul.f32 v22, v8  }
0x2d6: {  	v35 =	vmul.f32 v39, v35;
	v15 =	vmul.f32 v56, v29;
	[tilespmem:$0x1F9B0] =	vst v20;
	v20 =	vld [tilespmem:s18+$0x8620]  }
0x2d7: {  	v2 =	vadd.f32 v11, v2;
	v11 =	vmul.f32 v58, v17;
	v5 =	vadd.f32 v8, v5;
	s18 =	spop (v2sf);
	v8 =	vld [tilespmem:$0x1F9B0]  }
0x2d8: {  	v25 =	vmul.f32 v28, v25;
	v18 =	vmul.f32 v40, v37;
	v17 =	vld [tilespmem:s18+$0x8600]  }
0x2d9: {  	v7 =	vmul.f32 v9, v7;
	v32 =	vadd.f32 v35, v32;
	v11 =	vadd.f32 v15, v11;
	v9 =	vld [tilespmem:s18+$0x8610]  }
0x2da: {  	v23 =	vmul.f32 v33, v30;
	v2 =	vadd.f32 v18, v2;
	v18 =	vld [tilespmem:s20+$0xFFFFFC80]  }
0x2db: {  	v3 =	vadd.f32 v25, v32;
	v7 =	vadd.f32 v7, v11;
	v11 =	vmul.f32 v51, v50;
	v15 =	vld [tilespmem:s18+$0x8620]  }
0x2dc: {  	(xrf2) =	vadd.scan.msk.f32 $0xffff, v21;
	v25 =	vld [tilespmem:s5+$0x8600];
	v8 =	vmul.f32 v20, v8  }
0x2dd: {  	v1 =	vadd.f32 v23, v1;
	v23 =	vmul.f32 v42, v41;
	(xrf2) =	vadd.scan.msk.f32 $0xffff, v3;
	v7 =	vadd.f32 v11, v7;
	v11 =	vld [tilespmem:s18+$0x8630]  }
0x2de: {  	(xrf2) =	vadd.scan.msk.f32 $0xffff, v0;
	v16 =	vld [tilespmem:s5+$0x8610];
	v0 =	vadd.f32 v8, v5;
	v5 =	vmul.f32 v17, v6;
	v6 =	vmul.f32 v9, v19  }
0x2df: {  	v61 =	vld [tilespmem:s20+$0xFFFFFC30];
	v12 =	vadd.f32 v23, v12;
	(xrf2) =	vadd.scan.msk.f32 $0xffff, v1  }
0x2e0: {  	v1 =	vmul.f32 v46, v44;
	(xrf2) =	vadd.scan.msk.f32 $0xffff, v4;
	v28 =	vld [tilespmem:s5+$0x8620];
	v5 =	vadd.f32 v6, v5;
	v6 =	vmul.f32 v15, v13  }
0x2e1: {  	(xrf2) =	vadd.scan.msk.f32 $0xffff, v2;
	v4 =	vld [tilespmem:$0x1F9C0];
	v3 =	vmul.f32 v25, v14  }
0x2e2: {  	(xrf2) =	vadd.scan.msk.f32 $0xffff, v12;
	v14 =	vld [tilespmem:$0x1F9D0];
	v0 =	vadd.f32 v1, v0;
	v1 =	vadd.f32 v6, v5;
	v5 =	vmul.f32 v11, v18  }
0x2e3: {  	(xrf2) =	vadd.scan.msk.f32 $0xffff, v7;
	v10 =	vmul.f32 v16, v10;
	v8 =	vld [tilespmem:s16+$0x8620]  }
0x2e4: {  	(xrf2) =	vadd.scan.msk.f32 $0xffff, v0;
	v0 =	vadd.f32 v5, v1;
	v1 =	vld [tilespmem:$0x1FE60]  }
0x2e5: {  	v3 =	vadd.f32 v10, v3;
	v9 =	vmul.f32 v28, v61;
	v5 =	vld [tilespmem:$0x1FE70];
	_ =	sdelay $0x1  }
0x2e6: {  	v4 =	vmul.f32 v14, v4;
	v2 =	vadd.f32 v9, v3  }
0x2e7: {  	v14 =	vld [tilespmem:$0x1F9F0]  }
0x2e8: {  	v2 =	vadd.f32 v4, v2;
	v4 =	vmul.f32 v8, v26;
	v8 =	vld [tilespmem:$0x1FE90]  }
0x2e9: {  	v1 =	vmul.f32 v5, v1;
	v5 =	vld [tilespmem:$0x1FE80]  }
0x2ea: {  	v9 =	vld [tilespmem:$0x1F9E0];
	_ =	sdelay $0x2  }
0x2eb: {  	v10 =	vld [tilespmem:s20+$0xFFFFFD40]  }
0x2ec: {  	v13 =	vld [tilespmem:s16+$0x8630];
	v5 =	vmul.f32 v8, v5  }
0x2ed: {  	v3 =	vmul.f32 v43, v38;
	v9 =	vmul.f32 v14, v9;
	v14 =	vld [tilespmem:s28+$0x8620]  }
0x2ee: {  	v1 =	vadd.f32 v5, v1;
	v5 =	vld [tilespmem:$0x1FE50]  }
0x2ef: {  	v7 =	vld [tilespmem:s28+$0x8630];
	v3 =	vadd.f32 v9, v3  }
0x2f0: {  	v6 =	vld [tilespmem:s20+$0xFFFFFE00]  }
0x2f1: {  	(xrf2) =	vadd.scan.msk.f32 $0xffff, v2;
	v2 =	vadd.f32 v4, v3;
	v3 =	vmul.f32 v13, v10  }
0x2f2: {  	v11 =	vld [tilespmem:$0x1FE20]  }
0x2f3: {  	v2 =	vadd.f32 v3, v2;
	v3 =	vld [tilespmem:$0x1FE10];
	v5 =	vmul.f32 v14, v5;
	_ =	sdelay $0x1  }
0x2f4: {  	v12 =	vld [tilespmem:$0x1FE40];
	v1 =	vadd.f32 v5, v1;
	v5 =	vmul.f32 v7, v6  }
0x2f5: {  	v14 =	vld [tilespmem:$0x1FDD0]  }
0x2f6: {  	v1 =	vadd.f32 v5, v1;
	v5 =	vld [tilespmem:$0x1FDC0]  }
0x2f7: {  	v3 =	vmul.f32 v11, v3;
	v11 =	vld [tilespmem:$0x1FE30];
	_ =	sdelay $0x2  }
0x2f8: {  	v15 =	vld [tilespmem:$0x1FDF0]  }
0x2f9: {  	v5 =	vmul.f32 v14, v5;
	v14 =	vld [tilespmem:$0x1FDE0]  }
0x2fa: {  	v11 =	vmul.f32 v12, v11  }
0x2fb: {  	v8 =	vld [tilespmem:s25+$0x8620]  }
0x2fc: {  	v3 =	vadd.f32 v11, v3;
	v11 =	vld [tilespmem:$0x1FE00]  }
0x2fd: {  	v4 =	vld [tilespmem:s20+$0xFFFFFEC0]  }
0x2fe: {  	v12 =	vld [tilespmem:s23+$0x8620];
	v14 =	vmul.f32 v15, v14  }
0x2ff: {  	v6 =	vld [tilespmem:s20+$0xFFFFFF80]  }
0x300: {  	v5 =	vadd.f32 v14, v5;
	v14 =	vld [tilespmem:$0x1FDB0]  }
0x301: {  	v8 =	vmul.f32 v8, v11;
	v11 =	vld [tilespmem:s23+$0x8630]  }
0x302: {  	v10 =	vld [tilespmem:s25+$0x8630]  }
0x303: {  	v9, _, _ =	vpop (xrf2);
	(xrf2) =	vadd.scan.msk.f32 $0xffff, v0  }
0x304: {  	v0, _, _ =	vpop (xrf2)  }
0x305: {  	v13, _, _ =	vpop (xrf2);
	v12 =	vmul.f32 v12, v14  }
0x306: {  	v7, _, _ =	vpop (xrf2);
	v6 =	vmul.f32 v11, v6;
	v11 =	vld [tilespmem:$0x1FD90]  }
0x307: {  	v4 =	vmul.f32 v10, v4;
	(xrf2) =	vadd.scan.msk.f32 $0xffff, v2;
	v2, _, _ =	vpop (xrf2);
	v3 =	vadd.f32 v8, v3;
	v5 =	vadd.f32 v12, v5;
	v12 =	vld [tilespmem:$0x1FDA0]  }
0x308: {  	v17 =	vld [tilespmem:$0x1FD80];
	v16, _, _ =	vpop (xrf2)  }
0x309: {  	v10, _, _ =	vpop (xrf2);
	v3 =	vadd.f32 v4, v3;
	v4 =	vld [tilespmem:$0x1FD70]  }
0x30a: {  	(xrf2) =	vadd.scan.msk.f32 $0xffff, v1;
	v1, _, _ =	vpop (xrf2);
	v8 =	vld [tilespmem:s22+$0x8620]  }
0x30b: {  	v18, _, _ =	vpop (xrf2);
	v15 =	vld [tilespmem:s20+$0xFFFFFFF0]  }
0x30c: {  	v11 =	vmul.f32 v12, v11;
	v12, _, _ =	vpop (xrf2)  }
0x30d: {  	(xrf2) =	vadd.scan.msk.f32 $0xffff, v3;
	v3 =	vadd.f32 v6, v5;
	v6, _, _ =	vpop (xrf2)  }
0x30e: {  	v4 =	vmul.f32 v17, v4;
	v17 =	vld [tilespmem:s22+$0x8630];
	v6 =	vbroadcast v6, $0xF  }
0x30f: {  	v14 =	vld [tilespmem:s20+$0x0]  }
0x310: {  	v5 =	vmul.f32 v8, v15;
	v8 =	vbroadcast v12, $0xF;
	_ =	sdelay $0x1  }
0x311: {  	(xrf2) =	vadd.scan.msk.f32 $0xffff, v3;
	v4 =	vadd.f32 v11, v4;
	v11 =	vbroadcast v18, $0xF;
	v3 =	vsel vm0, v8, v6;
	v6, _, _ =	vpop (xrf2)  }
0x312: {  	v1 =	vbroadcast v1, $0xF;
	v6 =	vbroadcast v6, $0xF  }
0x313: {  	v4 =	vadd.f32 v5, v4;
	v5 =	vmul.f32 v17, v14;
	v3 =	vsel vm1, v3, v11  }
0x314: {  	v1 =	vsel vm2, v3, v1;
	v3 =	vbroadcast v10, $0xF  }
0x315: {  	v4 =	vadd.f32 v5, v4;
	v5 =	vbroadcast v16, $0xF;
	v1 =	vsel vm3, v1, v6  }
0x316: {  	v1 =	vsel vm4, v1, v3;
	v6, _, _ =	vpop (xrf2)  }
0x317: {  	v1 =	vsel vm5, v1, v5;
	v5 =	vld [tilespmem:$0x1FD50];
	v3 =	vbroadcast v6, $0xF  }
0x318: {  	v2 =	vbroadcast v2, $0xF;
	(xrf2) =	vadd.scan.msk.f32 $0xffff, v4  }
0x319: {  	v4, _, _ =	vpop (xrf2);
	v1 =	vsel vm6, v1, v3;
	v3 =	vbroadcast v7, $0xF  }
0x31a: {  	v1 =	vsel vm7, v1, v2;
	v2 =	vbroadcast v4, $0xF  }
0x31b: {  	v1 =	vsel vm8, v1, v3;
	v3 =	vbroadcast v13, $0xF  }
0x31c: {  	v0 =	vbroadcast v0, $0xF;
	v5 =	vshll.u32 v5, $0x3;
	v1 =	vsel vm9, v1, v2  }
0x31d: {  	v1 =	vsel vm10, v1, v3  }
0x31e: {  	v2, _, _ =	vpop (xrf2);
	v0 =	vsel vm11, v1, v0;
	v1 =	vbroadcast v9, $0xF  }
0x31f: {  	v3 =	vld [tilespmem:s19+$0x8480];
	v2 =	vbroadcast v2, $0xF;
	_ =	sdelay $0x1  }
0x320: {  	v4 =	vld.idx.msk [tilespmem:v5+s26+$0x0], $0xffff;
	v0 =	vsel vm12, v0, v2  }
0x321: {  	v0 =	vsel vm13, v0, v1;
	v1, _, _ =	vpop (xrf2)  }
0x322: {  	v0 =	vsel vm14, v0, v1;
	v1 =	vld [tilespmem:$0x1FEA0]  }
0x323: {  	v0 =	vadd.f32 v0, v3;
	_ =	sdelay $0x1  }
0x324: {  	v0 =	vadd.f32 v0, v4;
	_ =	sdelay $0x1  }
0x325: {  	v0 =	vadd.f32 v0, v1;
	_ =	sdelay $0x1  }
0x326: {  	[tilespmem:s19+$0xB150] =	vst v0  }
0x327: {  	_ =	swait.ge [sflag:s3], $0x2000  }
0x328: {  	[sflag:s3] =	ssyncset.done $0x0  }
0x329: {  	[sflag:s3] =	ssyncadd.s32 $0xFFFFE000  }
0x32a: {  	_ =	swait.ge [sflag:s1], $0x80  }
0x32b: {  	[sflag:s1] =	ssyncset.done $0x0  }
0x32c: {  	s19 =	simm.s32 $0x0;
	[sflag:s1] =	ssyncadd.s32 $0xFFFFFF80  }
0x32d: {  	v0 =	vld [tilespmem:s19+$0x47C0];
	_ =	sdelay $0x4  }
0x32e: {  	[tilespmem:$0x1FB80] =	vst v0;
	v0 =	vld [tilespmem:s19+$0x47D0];
	_ =	sdelay $0x4  }
0x32f: {  	[tilespmem:$0x1FB90] =	vst v0;
	v0 =	vld [tilespmem:s19+$0x4770];
	_ =	sdelay $0x4  }
0x330: {  	[tilespmem:$0x1FB60] =	vst v0;
	v0 =	vld [tilespmem:s19+$0x4760];
	_ =	sdelay $0x4  }
0x331: {  	[tilespmem:$0x1FB50] =	vst v0;
	v0 =	vld [tilespmem:s19+$0x4740];
	_ =	sdelay $0x4  }
0x332: {  	[tilespmem:$0x1FB10] =	vst v0;
	v0 =	vld [tilespmem:s19+$0x4750];
	_ =	sdelay $0x4  }
0x333: {  	[tilespmem:$0x1FB30] =	vst v0;
	v0 =	vld [tilespmem:s19+$0x46B0];
	_ =	sdelay $0x4  }
0x334: {  	[tilespmem:$0x1FB40] =	vst v0;
	v0 =	vld [tilespmem:s19+$0x46A0];
	_ =	sdelay $0x4  }
0x335: {  	[tilespmem:$0x1FB00] =	vst v0;
	v0 =	vld [tilespmem:s19+$0x4680];
	_ =	sdelay $0x4  }
0x336: {  	[tilespmem:$0x1FAD0] =	vst v0;
	v0 =	vld [tilespmem:s19+$0x4690];
	_ =	sdelay $0x4  }
0x337: {  	[tilespmem:$0x1FAE0] =	vst v0;
	v0 =	vld [tilespmem:s19+$0x45F0]  }
0x338: {  	v45 =	vld [tilespmem:s19+$0x47B0]  }
0x339: {  	v48 =	vld [tilespmem:s19+$0x47A0]  }
0x33a: {  	v38 =	vld [tilespmem:s19+$0x4730]  }
0x33b: {  	v49 =	vld [tilespmem:s19+$0x4780]  }
0x33c: {  	[tilespmem:$0x1FAF0] =	vst v0;
	v0 =	vld [tilespmem:s19+$0x45E0]  }
0x33d: {  	v50 =	vld [tilespmem:s19+$0x4790]  }
0x33e: {  	v31 =	vld [tilespmem:s19+$0x46F0]  }
0x33f: {  	v51 =	vld [tilespmem:s19+$0x4720]  }
0x340: {  	v44 =	vld [tilespmem:s19+$0x46E0]  }
0x341: {  	[tilespmem:$0x1FAC0] =	vst v0;
	v0 =	vld [tilespmem:s19+$0x45C0]  }
0x342: {  	v52 =	vld [tilespmem:s19+$0x4700]  }
0x343: {  	v53 =	vld [tilespmem:s19+$0x4710]  }
0x344: {  	v36 =	vld [tilespmem:s19+$0x4670]  }
0x345: {  	v54 =	vld [tilespmem:s19+$0x46C0]  }
0x346: {  	[tilespmem:$0x1FA90] =	vst v0;
	v0 =	vld [tilespmem:s19+$0x45D0]  }
0x347: {  	v55 =	vld [tilespmem:s19+$0x46D0]  }
0x348: {  	v29 =	vld [tilespmem:s19+$0x4630]  }
0x349: {  	v56 =	vld [tilespmem:s19+$0x4660]  }
0x34a: {  	v43 =	vld [tilespmem:s19+$0x4620]  }
0x34b: {  	[tilespmem:$0x1FAA0] =	vst v0;
	v0 =	vld [tilespmem:s19+$0x4530]  }
0x34c: {  	v57 =	vld [tilespmem:s19+$0x4640]  }
0x34d: {  	v58 =	vld [tilespmem:s19+$0x4650]  }
0x34e: {  	v30 =	vld [tilespmem:s19+$0x45B0]  }
0x34f: {  	s20 =	simm.s32 $0x300;
	v59 =	vld [tilespmem:s19+$0x4600]  }
0x350: {  	[tilespmem:$0x1FAB0] =	vst v0;
	v0 =	vld [tilespmem:s20+$0x0]  }
0x351: {  	v60 =	vld [tilespmem:s19+$0x4610]  }
0x352: {  	v27 =	vld [tilespmem:s19+$0x4570]  }
0x353: {  	v41 =	vld [tilespmem:s19+$0x45A0]  }
0x354: {  	v32 =	vld [tilespmem:s19+$0x4560]  }
0x355: {  	v61 =	vld [tilespmem:s19+$0x4580];
	v14 =	vshll.u32 v0, $0x8  }
0x356: {  	[tilespmem:$0x1FBA0] =	vst v0;
	v0 =	vld [tilespmem:s19+$0x44B0];
	v42 =	vshra.s32 v14, $0x2  }
0x357: {  	v62 =	vld [tilespmem:s19+$0x4590];
	(v2sf) =	vpush v42, $0xE  }
0x358: {  	v1 =	vld [tilespmem:s19+$0x44F0]  }
0x359: {  	v63 =	vld [tilespmem:s19+$0x4540]  }
0x35a: {  	v26 =	vld [tilespmem:s19+$0x4550]  }
0x35b: {  	(v2sf) =	vpush v42, $0xD;
	[tilespmem:$0x1FA10] =	vst v0;
	v0 =	vld [tilespmem:s19+$0x4500]  }
0x35c: {  	v37 =	vld [tilespmem:s19+$0x44E0];
	(v2sf) =	vpush v42, $0xC  }
0x35d: {  	v33 =	vld [tilespmem:s19+$0x44A0]  }
0x35e: {  	v24 =	vld [tilespmem:s19+$0x44C0]  }
0x35f: {  	v25 =	vld [tilespmem:s19+$0x44D0]  }
0x360: {  	(v2sf) =	vpush v42, $0xB;
	[tilespmem:$0x1FA50] =	vst v0;
	v0 =	vld [tilespmem:s19+$0x4510]  }
0x361: {  	v46 =	vld [tilespmem:s19+$0x4480]  }
0x362: {  	v47 =	vld [tilespmem:s19+$0x4490];
	(v2sf) =	vpush v42, $0x9  }
0x363: {  	v34 =	vld [tilespmem:s19+$0x4440]  }
0x364: {  	v35 =	vld [tilespmem:s19+$0x4450]  }
0x365: {  	[tilespmem:$0x1FA60] =	vst v0;
	v0 =	vld [tilespmem:s19+$0x4430]  }
0x366: {  	[tilespmem:$0x1FA00] =	vst v1;
	v1 =	vld [tilespmem:s19+$0x4520];
	s21 =	spop (v2sf)  }
0x367: {  	v14 =	vld [tilespmem:s21+$0x8630]  }
0x368: {  	v10 =	vld [tilespmem:s21+$0x8620]  }
0x369: {  	v5 =	vld [tilespmem:s21+$0x8600]  }
0x36a: {  	(v2sf) =	vpush v42, $0x8;
	s16 =	spop (v2sf);
	[tilespmem:$0x1FA30] =	vst v0;
	v0 =	vld [tilespmem:s19+$0x4470]  }
0x36b: {  	[tilespmem:$0x1FA80] =	vst v1;
	s22 =	spop (v2sf);
	v1 =	vld [tilespmem:s16+$0x8600]  }
0x36c: {  	v17 =	vld [tilespmem:s22+$0x8630]  }
0x36d: {  	(v2sf) =	vpush v42, $0x6;
	v11 =	vld [tilespmem:s22+$0x8620]  }
0x36e: {  	(v2sf) =	vpush v42, $0xA;
	v2 =	vld [tilespmem:s22+$0x8610]  }
0x36f: {  	(v2sf) =	vpush v42, $0x5;
	s23 =	spop (v2sf);
	[tilespmem:$0x1FA70] =	vst v0;
	v0 =	vld [tilespmem:s19+$0x4420]  }
0x370: {  	(v2sf) =	vpush v42, $0x3;
	v19 =	vld [tilespmem:s23+$0x8630]  }
0x371: {  	s24 =	spop (v2sf);
	v15 =	vld [tilespmem:s23+$0x8620];
	(v2sf) =	vpush v42, $0x7  }
0x372: {  	v7 =	vld [tilespmem:s23+$0x8600]  }
0x373: {  	v6 =	vld [tilespmem:s23+$0x8610]  }
0x374: {  	[tilespmem:$0x1FA20] =	vst v0;
	v0 =	vld [tilespmem:s19+$0x4460]  }
0x375: {  	v18 =	vld [tilespmem:s24+$0x8630]  }
0x376: {  	v12 =	vld [tilespmem:s24+$0x8620]  }
0x377: {  	v3 =	vld [tilespmem:s24+$0x8600]  }
0x378: {  	v4 =	vld [tilespmem:s24+$0x8610]  }
0x379: {  	s25 =	spop (v2sf);
	[tilespmem:$0x1FA40] =	vst v0;
	v0 =	vld [tilespmem:s16+$0x8630]  }
0x37a: {  	v21 =	vld [tilespmem:s25+$0x8630]  }
0x37b: {  	v9 =	vld [tilespmem:s25+$0x8600]  }
0x37c: {  	(v2sf) =	vpush v42, $0x2;
	v8 =	vld [tilespmem:s25+$0x8610];
	s7 =	spop (v2sf)  }
0x37d: {  	[tilespmem:$0x1FB20] =	vst v1;
	v1 =	vld [tilespmem:s22+$0x8600];
	s20 =	spop (v2sf)  }
0x37e: {  	v5 =	vmul.f32 v5, v49;
	s23 =	spop (v2sf);
	[tilespmem:$0x1FB70] =	vst v0;
	v0 =	vld [tilespmem:s21+$0x8610]  }
0x37f: {  	v13 =	vld [tilespmem:s25+$0x8620];
	v2 =	vmul.f32 v2, v53;
	v11 =	vmul.f32 v11, v51;
	(v2sf) =	vpush v42, $0x0;
	s24 =	spop (v2sf)  }
0x380: {  	v6 =	vmul.f32 v6, v55;
	v15 =	vmul.f32 v15, v44;
	v20 =	vld [tilespmem:s7+$0x8630];
	s18 =	spop (v2sf);
	(v2sf) =	vpush v42, $0x1  }
0x381: {  	v3 =	vmul.f32 v3, v57;
	v4 =	vmul.f32 v4, v58;
	v16 =	vld [tilespmem:s7+$0x8620]  }
0x382: {  	v9 =	vmul.f32 v9, v59;
	v1 =	vmul.f32 v1, v52;
	v53 =	vld [tilespmem:s7+$0x8610]  }
0x383: {  	v8 =	vmul.f32 v8, v60;
	v22 =	vld [tilespmem:s23+$0x8630];
	v0 =	vmul.f32 v0, v50  }
0x384: {  	v3 =	vadd.f32 v4, v3;
	v4 =	vmul.f32 v12, v56;
	v1 =	vadd.f32 v2, v1;
	v49 =	vld [tilespmem:s23+$0x8620]  }
0x385: {  	v2 =	vmul.f32 v7, v54;
	v7 =	vld [tilespmem:s23+$0x8600];
	v0 =	vadd.f32 v0, v5;
	v5 =	vmul.f32 v10, v48  }
0x386: {  	v8 =	vadd.f32 v8, v9;
	v9 =	vmul.f32 v13, v43;
	v3 =	vadd.f32 v4, v3;
	v10 =	vld [tilespmem:s7+$0x8600]  }
0x387: {  	v2 =	vadd.f32 v6, v2;
	v23 =	vld [tilespmem:s24+$0x8630];
	v0 =	vadd.f32 v5, v0;
	v5 =	vmul.f32 v14, v45  }
0x388: {  	v8 =	vadd.f32 v9, v8;
	v1 =	vadd.f32 v11, v1;
	v11 =	vmul.f32 v17, v38;
	v12 =	vld [tilespmem:s24+$0x8600]  }
0x389: {  	v2 =	vadd.f32 v15, v2;
	v15 =	vmul.f32 v19, v31;
	v0 =	vadd.f32 v5, v0;
	v5 =	vld [tilespmem:s23+$0x8610]  }
0x38a: {  	v9 =	vmul.f32 v21, v29;
	v17 =	vmul.f32 v18, v36;
	v1 =	vadd.f32 v11, v1;
	v11 =	vld [tilespmem:s24+$0x8610]  }
0x38b: {  	v4 =	vld [tilespmem:s24+$0x8620];
	s25 =	spop (v2sf);
	v2 =	vadd.f32 v15, v2;
	v15 =	vmul.f32 v53, v62;
	v10 =	vmul.f32 v10, v61  }
0x38c: {  	v8 =	vadd.f32 v9, v8;
	v3 =	vadd.f32 v17, v3;
	v13 =	vld [tilespmem:s25+$0x8600]  }
0x38d: {  	v18 =	vld [tilespmem:s25+$0x8610];
	v9 =	vmul.f32 v20, v30;
	v10 =	vadd.f32 v15, v10;
	v15 =	vmul.f32 v16, v41  }
0x38e: {  	(v2sf) =	vpush v42, $0x4;
	v17 =	vld [tilespmem:s25+$0x8620];
	v7 =	vmul.f32 v7, v63;
	s7 =	spop (v2sf);
	v5 =	vmul.f32 v5, v26  }
0x38f: {  	v12 =	vmul.f32 v12, v24;
	v11 =	vmul.f32 v11, v25;
	v14 =	vld [tilespmem:s25+$0x8630];
	s24 =	spop (v2sf);
	v10 =	vadd.f32 v15, v10  }
0x390: {  	v20 =	vld [tilespmem:s24+$0x8600];
	(xrf2) =	vadd.scan.msk.f32 $0xffff, v0;
	v5 =	vadd.f32 v5, v7;
	v7 =	vmul.f32 v49, v32  }
0x391: {  	v21 =	vmul.f32 v22, v27;
	v11 =	vadd.f32 v11, v12;
	v12 =	vld [tilespmem:s24+$0x8610];
	(xrf2) =	vadd.scan.msk.f32 $0xffff, v1;
	v9 =	vadd.f32 v9, v10  }
0x392: {  	(xrf2) =	vadd.scan.msk.f32 $0xffff, v2;
	v10 =	vld [tilespmem:$0x1FA00];
	v5 =	vadd.f32 v7, v5;
	v7 =	vmul.f32 v13, v46;
	v13 =	vmul.f32 v18, v47  }
0x393: {  	v4 =	vmul.f32 v4, v37;
	(xrf2) =	vadd.scan.msk.f32 $0xffff, v3;
	v3 =	vld [tilespmem:$0x1FA10]  }
0x394: {  	v39 =	vld [tilespmem:s19+$0x4400];
	v0 =	vadd.f32 v21, v5;
	v5 =	vadd.f32 v13, v7;
	v7 =	vmul.f32 v17, v33  }
0x395: {  	v40 =	vld [tilespmem:s19+$0x4410];
	v4 =	vadd.f32 v4, v11  }
0x396: {  	v11 =	vld [tilespmem:s24+$0x8620];
	v2 =	vadd.f32 v7, v5;
	v5 =	vmul.f32 v20, v34;
	v7 =	vmul.f32 v12, v35  }
0x397: {  	v15 =	vld [tilespmem:s7+$0x8620];
	v10 =	vmul.f32 v23, v10  }
0x398: {  	(xrf2) =	vadd.scan.msk.f32 $0xffff, v8;
	v3 =	vmul.f32 v14, v3;
	v5 =	vadd.f32 v7, v5;
	v7 =	vld [tilespmem:$0x1FA40]  }
0x399: {  	(xrf2) =	vadd.scan.msk.f32 $0xffff, v9;
	v4 =	vadd.f32 v10, v4;
	v10 =	vld [tilespmem:s24+$0x8630]  }
0x39a: {  	(xrf2) =	vadd.scan.msk.f32 $0xffff, v0;
	v0 =	vadd.f32 v3, v2;
	v3 =	vld [tilespmem:$0x1FA70]  }
0x39b: {  	v14 =	vld [tilespmem:$0x1FA20]  }
0x39c: {  	v50 =	vld [tilespmem:s18+$0x8600]  }
0x39d: {  	v19 =	vld [tilespmem:s7+$0x8610];
	v7 =	vmul.f32 v11, v7  }
0x39e: {  	s25 =	spop (v2sf);
	v16 =	vld [tilespmem:s7+$0x8600]  }
0x39f: {  	v13 =	vld [tilespmem:s25+$0x8610];
	v3 =	vmul.f32 v10, v3;
	v2 =	vadd.f32 v7, v5  }
0x3a0: {  	v14 =	vmul.f32 v15, v14;
	v15 =	vld [tilespmem:s18+$0x8610];
	(xrf2) =	vadd.scan.msk.f32 $0xffff, v4  }
0x3a1: {  	(xrf2) =	vadd.scan.msk.f32 $0xffff, v0;
	v0 =	vadd.f32 v3, v2;
	v2 =	vld [tilespmem:$0x1FA90]  }
0x3a2: {  	v3 =	vld [tilespmem:$0x1FAA0]  }
0x3a3: {  	v11 =	vld [tilespmem:$0x1FA60];
	_ =	sdelay $0x2  }
0x3a4: {  	v6 =	vld [tilespmem:s7+$0x8630];
	v1 =	vmul.f32 v16, v39  }
0x3a5: {  	v8 =	vld [tilespmem:$0x1FA30];
	v2 =	vmul.f32 v50, v2;
	v3 =	vmul.f32 v15, v3  }
0x3a6: {  	v16 =	vmul.f32 v19, v40;
	v11 =	vmul.f32 v13, v11;
	v13 =	vld [tilespmem:s18+$0x8620]  }
0x3a7: {  	v2 =	vadd.f32 v3, v2;
	v3 =	vld [tilespmem:$0x1FAC0]  }
0x3a8: {  	v1 =	vadd.f32 v16, v1  }
0x3a9: {  	v18 =	vld [tilespmem:s25+$0x8600]  }
0x3aa: {  	v9 =	vld [tilespmem:$0x1FA50];
	v6 =	vmul.f32 v6, v8;
	v1 =	vadd.f32 v14, v1  }
0x3ab: {  	v12 =	vld [tilespmem:s25+$0x8620]  }
0x3ac: {  	v1 =	vadd.f32 v6, v1;
	v6 =	vld [tilespmem:$0x1FA80];
	v3 =	vmul.f32 v13, v3  }
0x3ad: {  	v7 =	vld [tilespmem:s18+$0x8630]  }
0x3ae: {  	v2 =	vadd.f32 v3, v2;
	v3 =	vld [tilespmem:$0x1FAF0];
	_ =	sdelay $0x1  }
0x3af: {  	v9 =	vmul.f32 v18, v9;
	_ =	sdelay $0x1  }
0x3b0: {  	v8 =	vld [tilespmem:s25+$0x8630];
	v6 =	vmul.f32 v12, v6;
	v4 =	vadd.f32 v11, v9  }
0x3b1: {  	v14 =	vld [tilespmem:$0x1FB20];
	v3 =	vmul.f32 v7, v3  }
0x3b2: {  	(xrf2) =	vadd.scan.msk.f32 $0xffff, v1;
	v1 =	vadd.f32 v6, v4;
	v4 =	vld [tilespmem:$0x1FAB0]  }
0x3b3: {  	v2 =	vadd.f32 v3, v2;
	v3 =	vld [tilespmem:$0x1FB10]  }
0x3b4: {  	v28 =	vld [tilespmem:s20+$0x8600]  }
0x3b5: {  	(v2sf) =	vpush v42, $0xF;
	v5 =	vld [tilespmem:s20+$0x8610]  }
0x3b6: {  	v11 =	vld [tilespmem:$0x1FAE0]  }
0x3b7: {  	v6 =	vld [tilespmem:s16+$0x8610];
	v4 =	vmul.f32 v8, v4  }
0x3b8: {  	v3 =	vmul.f32 v14, v3;
	v14 =	vld [tilespmem:$0x1FB30]  }
0x3b9: {  	v1 =	vadd.f32 v4, v1;
	v4 =	vld [tilespmem:$0x1FAD0];
	_ =	sdelay $0x3  }
0x3ba: {  	v9 =	vld [tilespmem:s20+$0x8620];
	v6 =	vmul.f32 v6, v14  }
0x3bb: {  	v5 =	vmul.f32 v5, v11;
	v11 =	vld [tilespmem:s16+$0x8620];
	v4 =	vmul.f32 v28, v4  }
0x3bc: {  	v3 =	vadd.f32 v6, v3;
	v6 =	vld [tilespmem:$0x1FB50]  }
0x3bd: {  	v4 =	vadd.f32 v5, v4;
	v5 =	vld [tilespmem:$0x1FB00];
	_ =	sdelay $0x3  }
0x3be: {  	s7 =	spop (v2sf);
	v10 =	vld [tilespmem:s20+$0x8630];
	v6 =	vmul.f32 v11, v6  }
0x3bf: {  	v7 =	vld [tilespmem:s7+$0x8600];
	v5 =	vmul.f32 v9, v5  }
0x3c0: {  	v3 =	vadd.f32 v6, v3;
	v6 =	vld [tilespmem:$0x1FB80]  }
0x3c1: {  	v4 =	vadd.f32 v5, v4;
	v5 =	vld [tilespmem:$0x1FB40]  }
0x3c2: {  	v8, _, _ =	vpop (xrf2);
	(xrf2) =	vadd.scan.msk.f32 $0xffff, v0  }
0x3c3: {  	v0, _, _ =	vpop (xrf2)  }
0x3c4: {  	v12, _, _ =	vpop (xrf2);
	v9 =	vld [tilespmem:s7+$0x8610]  }
0x3c5: {  	v13, _, _ =	vpop (xrf2);
	v6 =	vmul.f32 v7, v6;
	v7 =	vld [tilespmem:$0x1FB90]  }
0x3c6: {  	(xrf2) =	vadd.scan.msk.f32 $0xffff, v1;
	v1, _, _ =	vpop (xrf2);
	v5 =	vmul.f32 v10, v5  }
0x3c7: {  	v17 =	vld [tilespmem:$0x1FB70];
	v15, _, _ =	vpop (xrf2)  }
0x3c8: {  	v16, _, _ =	vpop (xrf2);
	v4 =	vadd.f32 v5, v4;
	v5 =	vld [tilespmem:$0x1FB60]  }
0x3c9: {  	(xrf2) =	vadd.scan.msk.f32 $0xffff, v2;
	v2, _, _ =	vpop (xrf2)  }
0x3ca: {  	v18, _, _ =	vpop (xrf2);
	v7 =	vmul.f32 v9, v7  }
0x3cb: {  	v14 =	vld [tilespmem:s19+$0x47E0];
	v9, _, _ =	vpop (xrf2)  }
0x3cc: {  	v10 =	vld [tilespmem:s7+$0x8620];
	(xrf2) =	vadd.scan.msk.f32 $0xffff, v4;
	v4 =	vadd.f32 v7, v6;
	v6, _, _ =	vpop (xrf2)  }
0x3cd: {  	v11 =	vld [tilespmem:s19+$0x47F0];
	v5 =	vmul.f32 v17, v5;
	v6 =	vbroadcast v6, $0xF  }
0x3ce: {  	v17 =	vld [tilespmem:s7+$0x8630]  }
0x3cf: {  	v3 =	vadd.f32 v5, v3;
	v7 =	vbroadcast v9, $0xF;
	_ =	sdelay $0x1  }
0x3d0: {  	v5 =	vmul.f32 v10, v14;
	v9 =	vbroadcast v18, $0xF;
	(xrf2) =	vadd.scan.msk.f32 $0xffff, v3;
	v3 =	vsel vm0, v7, v6;
	v6, _, _ =	vpop (xrf2)  }
0x3d1: {  	v2 =	vbroadcast v2, $0xF;
	v6 =	vbroadcast v6, $0xF  }
0x3d2: {  	v4 =	vadd.f32 v5, v4;
	v5 =	vmul.f32 v17, v11;
	v3 =	vsel vm1, v3, v9  }
0x3d3: {  	v2 =	vsel vm2, v3, v2;
	v3 =	vbroadcast v16, $0xF  }
0x3d4: {  	v4 =	vadd.f32 v5, v4;
	v5 =	vbroadcast v15, $0xF;
	v2 =	vsel vm3, v2, v6  }
0x3d5: {  	v2 =	vsel vm4, v2, v3;
	v6, _, _ =	vpop (xrf2)  }
0x3d6: {  	v2 =	vsel vm5, v2, v5;
	v5 =	vld [tilespmem:$0x1FBA0];
	v3 =	vbroadcast v6, $0xF  }
0x3d7: {  	v1 =	vbroadcast v1, $0xF;
	(xrf2) =	vadd.scan.msk.f32 $0xffff, v4  }
0x3d8: {  	v4, _, _ =	vpop (xrf2);
	v2 =	vsel vm6, v2, v3;
	v3 =	vbroadcast v13, $0xF  }
0x3d9: {  	v1 =	vsel vm7, v2, v1;
	v2 =	vbroadcast v4, $0xF  }
0x3da: {  	v1 =	vsel vm8, v1, v3;
	v3 =	vbroadcast v12, $0xF  }
0x3db: {  	v0 =	vbroadcast v0, $0xF;
	v5 =	vshll.u32 v5, $0x3;
	v1 =	vsel vm9, v1, v2  }
0x3dc: {  	v1 =	vsel vm10, v1, v3  }
0x3dd: {  	s19 =	simm.s32 $0x8500;
	v2, _, _ =	vpop (xrf2);
	v0 =	vsel vm11, v1, v0;
	v1 =	vbroadcast v8, $0xF  }
0x3de: {  	v3 =	vld [tilespmem:s19+$0x0];
	v2 =	vbroadcast v2, $0xF;
	_ =	sdelay $0x1  }
0x3df: {  	v4 =	vld.idx.msk [tilespmem:v5+s26+$0x0], $0xffff;
	v0 =	vsel vm12, v0, v2  }
0x3e0: {  	v0 =	vsel vm13, v0, v1;
	v1, _, _ =	vpop (xrf2)  }
0x3e1: {  	v0 =	vsel vm14, v0, v1;
	v1 =	vld [tilespmem:$0x1FEA0]  }
0x3e2: {  	v0 =	vadd.f32 v0, v3;
	_ =	sdelay $0x1  }
0x3e3: {  	v0 =	vadd.f32 v0, v4;
	_ =	sdelay $0x1  }
0x3e4: {  	v0 =	vadd.f32 v0, v1  }
0x3e5: {  	s20 =	simm.s32 $0xB1D0  }
0x3e6: {  	s22 =	simm.s32 $0x400;
	[tilespmem:s20+$0x0] =	vst v0  }
0x3e7: {  	v1 =	vld [tilespmem:s22+$0x46A0]  }
0x3e8: {  	v43 =	vld [tilespmem:s22+$0x47B0]  }
0x3e9: {  	v0 =	vld [tilespmem:s22+$0x47C0]  }
0x3ea: {  	v20 =	vld [tilespmem:s22+$0x47A0]  }
0x3eb: {  	v36 =	vld [tilespmem:s22+$0x4730]  }
0x3ec: {  	[tilespmem:$0x1FC20] =	vst v1;
	v1 =	vld [tilespmem:s22+$0x4680]  }
0x3ed: {  	v2 =	vld [tilespmem:s22+$0x4780]  }
0x3ee: {  	v6 =	vld [tilespmem:s22+$0x4790]  }
0x3ef: {  	v31 =	vld [tilespmem:s22+$0x46F0]  }
0x3f0: {  	v51 =	vld [tilespmem:s22+$0x4720]  }
0x3f1: {  	[tilespmem:$0x1FC30] =	vst v1;
	v1 =	vld [tilespmem:s22+$0x4690]  }
0x3f2: {  	v46 =	vld [tilespmem:s22+$0x46E0]  }
0x3f3: {  	v63 =	vld [tilespmem:s22+$0x4700]  }
0x3f4: {  	v32 =	vld [tilespmem:s22+$0x4670]  }
0x3f5: {  	v59 =	vld [tilespmem:s22+$0x46C0]  }
0x3f6: {  	[tilespmem:$0x1FC40] =	vst v1;
	v1 =	vld [tilespmem:s22+$0x45F0]  }
0x3f7: {  	v60 =	vld [tilespmem:s22+$0x46D0]  }
0x3f8: {  	v28 =	vld [tilespmem:s22+$0x4630]  }
0x3f9: {  	v47 =	vld [tilespmem:s22+$0x4660]  }
0x3fa: {  	v42 =	vld [tilespmem:s22+$0x4620]  }
0x3fb: {  	[tilespmem:$0x1FC50] =	vst v1;
	v1 =	vld [tilespmem:s22+$0x45E0]  }
0x3fc: {  	v61 =	vld [tilespmem:s22+$0x4640]  }
0x3fd: {  	v62 =	vld [tilespmem:s22+$0x4650]  }
0x3fe: {  	v30 =	vld [tilespmem:s22+$0x45B0]  }
0x3ff: {  	v54 =	vld [tilespmem:s22+$0x4600]  }
0x400: {  	[tilespmem:$0x1FC60] =	vst v1;
	v1 =	vld [tilespmem:s22+$0x45C0]  }
0x401: {  	v55 =	vld [tilespmem:s22+$0x4610]  }
0x402: {  	v26 =	vld [tilespmem:s22+$0x4570]  }
0x403: {  	v41 =	vld [tilespmem:s22+$0x45A0]  }
0x404: {  	v33 =	vld [tilespmem:s22+$0x4560]  }
0x405: {  	[tilespmem:$0x1FC70] =	vst v1;
	v1 =	vld [tilespmem:s22+$0x45D0]  }
0x406: {  	v53 =	vld [tilespmem:s22+$0x4580]  }
0x407: {  	[tilespmem:$0x1FBB0] =	vst v0;
	v0 =	vld [tilespmem:s22+$0x47D0]  }
0x408: {  	v56 =	vld [tilespmem:s22+$0x4590]  }
0x409: {  	v27 =	vld [tilespmem:s22+$0x44F0]  }
0x40a: {  	[tilespmem:$0x1FC80] =	vst v1;
	v1 =	vld [tilespmem:s22+$0x4530]  }
0x40b: {  	v3 =	vld [tilespmem:s22+$0x4520]  }
0x40c: {  	[tilespmem:$0x1FBC0] =	vst v0;
	v0 =	vld [tilespmem:s22+$0x4770]  }
0x40d: {  	v48 =	vld [tilespmem:s22+$0x4540]  }
0x40e: {  	s23 =	simm.s32 $0x310;
	v52 =	vld [tilespmem:s22+$0x4550]  }
0x40f: {  	[tilespmem:$0x1FC90] =	vst v1;
	v1 =	vld [tilespmem:s23+$0x0]  }
0x410: {  	v24 =	vld [tilespmem:s22+$0x44B0]  }
0x411: {  	[tilespmem:$0x1FBD0] =	vst v0;
	v0 =	vld [tilespmem:s22+$0x4760]  }
0x412: {  	v40 =	vld [tilespmem:s22+$0x44E0]  }
0x413: {  	v23 =	vld [tilespmem:s22+$0x4430]  }
0x414: {  	v34 =	vld [tilespmem:s22+$0x44A0];
	[tilespmem:$0x1FCA0] =	vst v3;
	v3 =	vshll.u32 v1, $0x8  }
0x415: {  	v57 =	vld [tilespmem:s22+$0x44C0];
	v38 =	vshra.s32 v3, $0x2  }
0x416: {  	[tilespmem:$0x1FBE0] =	vst v0;
	v0 =	vld [tilespmem:s22+$0x4740];
	(v2sf) =	vpush v38, $0xE  }
0x417: {  	v58 =	vld [tilespmem:s22+$0x44D0]  }
0x418: {  	v29 =	vld [tilespmem:s22+$0x4420]  }
0x419: {  	v25 =	vld [tilespmem:s22+$0x4460];
	(v2sf) =	vpush v38, $0xD  }
0x41a: {  	[tilespmem:$0x1FCB0] =	vst v1;
	v1 =	vld [tilespmem:s22+$0x4500]  }
0x41b: {  	[tilespmem:$0x1FBF0] =	vst v0;
	v0 =	vld [tilespmem:s22+$0x4750];
	(v2sf) =	vpush v38, $0xC  }
0x41c: {  	v49 =	vld [tilespmem:s22+$0x4480]  }
0x41d: {  	v50 =	vld [tilespmem:s22+$0x4490];
	(v2sf) =	vpush v38, $0xB  }
0x41e: {  	v44 =	vld [tilespmem:s22+$0x4400]  }
0x41f: {  	[tilespmem:$0x1FCC0] =	vst v1;
	v1 =	vld [tilespmem:s22+$0x4510]  }
0x420: {  	[tilespmem:$0x1FC00] =	vst v0;
	v0 =	vld [tilespmem:s22+$0x46B0]  }
0x421: {  	v45 =	vld [tilespmem:s22+$0x4410]  }
0x422: {  	v37 =	vld [tilespmem:s22+$0x4440]  }
0x423: {  	v39 =	vld [tilespmem:s22+$0x4450];
	(v2sf) =	vpush v38, $0x9  }
0x424: {  	[tilespmem:$0x1FCD0] =	vst v1;
	v1 =	vld [tilespmem:s22+$0x4470]  }
0x425: {  	[tilespmem:$0x1FC10] =	vst v0;
	v0 =	vld [tilespmem:s22+$0x4710];
	(v2sf) =	vpush v38, $0x8;
	s18 =	spop (v2sf)  }
0x426: {  	v12 =	vld [tilespmem:s18+$0x8630]  }
0x427: {  	v7 =	vld [tilespmem:s18+$0x8600]  }
0x428: {  	s25 =	spop (v2sf);
	v18 =	vld [tilespmem:s18+$0x8610]  }
0x429: {  	[tilespmem:$0x1FCE0] =	vst v1;
	v1 =	vld [tilespmem:s25+$0x8630]  }
0x42a: {  	(v2sf) =	vpush v38, $0x6;
	s21 =	spop (v2sf);
	v22 =	vld [tilespmem:s25+$0x8600]  }
0x42b: {  	(v2sf) =	vpush v38, $0xA;
	v10 =	vld [tilespmem:s21+$0x8630]  }
0x42c: {  	s24 =	spop (v2sf);
	v14 =	vld [tilespmem:s21+$0x8620];
	(v2sf) =	vpush v38, $0x5  }
0x42d: {  	v17 =	vld [tilespmem:s21+$0x8600]  }
0x42e: {  	v19 =	vld [tilespmem:s21+$0x8610]  }
0x42f: {  	v9 =	vld [tilespmem:s24+$0x8630]  }
0x430: {  	v13 =	vld [tilespmem:s24+$0x8620]  }
0x431: {  	v15 =	vld [tilespmem:s24+$0x8600]  }
0x432: {  	s7 =	spop (v2sf);
	v16 =	vld [tilespmem:s24+$0x8610]  }
0x433: {  	v8 =	vld [tilespmem:s7+$0x8630]  }
0x434: {  	s16 =	spop (v2sf);
	v5 =	vld [tilespmem:s7+$0x8620]  }
0x435: {  	v4 =	vld [tilespmem:s16+$0x8630]  }
0x436: {  	v11 =	vld [tilespmem:s16+$0x8620]  }
0x437: {  	[tilespmem:$0x1FCF0] =	vst v1;
	v1 =	vld [tilespmem:s18+$0x8620]  }
0x438: {  	v2 =	vmul.f32 v7, v2;
	v7 =	vld [tilespmem:s7+$0x8600]  }
0x439: {  	(v2sf) =	vpush v38, $0x3;
	v6 =	vmul.f32 v18, v6;
	v18 =	vld [tilespmem:s7+$0x8610];
	s21 =	spop (v2sf)  }
0x43a: {  	v3 =	vld [tilespmem:s21+$0x8630];
	s28 =	spop (v2sf);
	(v2sf) =	vpush v38, $0x7  }
0x43b: {  	v35 =	vld [tilespmem:s28+$0x8600];
	(v2sf) =	vpush v38, $0x2;
	s18 =	spop (v2sf)  }
0x43c: {  	s24 =	simm.s32 $0x2000;
	v6 =	vadd.f32 v6, v2;
	v1 =	vmul.f32 v1, v20;
	(v2sf) =	vpush v38, $0x0;
	v2 =	vld [tilespmem:s18+$0x8630]  }
.LBB2_6:
0x43d: {  	_ =	sdelay $0x8  }
0x43e: {  	v17 =	vmul.f32 v17, v63;
	v0 =	vmul.f32 v19, v0  }
0x43f: {  	v1 =	vadd.f32 v1, v6;
	v6 =	vmul.f32 v12, v43  }
0x440: {  	v19 =	vld [tilespmem:s16+$0x8600];
	v14 =	vmul.f32 v14, v51;
	v15 =	vmul.f32 v15, v59;
	v0 =	vadd.f32 v0, v17;
	s5 =	spop (v2sf)  }
0x441: {  	v12 =	vld [tilespmem:s16+$0x8610];
	v16 =	vmul.f32 v16, v60;
	v1 =	vadd.f32 v6, v1;
	s16 =	spop (v2sf);
	(v2sf) =	vpush v38, $0x1  }
0x442: {  	v20 =	vld [tilespmem:s21+$0x8620];
	v10 =	vmul.f32 v10, v36;
	v0 =	vadd.f32 v14, v0  }
0x443: {  	v13 =	vmul.f32 v13, v46;
	v14 =	vadd.f32 v16, v15;
	(xrf2) =	vadd.scan.msk.f32 $0xffff, v1;
	v1 =	vld [tilespmem:s21+$0x8600]  }
0x444: {  	v7 =	vmul.f32 v7, v61;
	v15 =	vmul.f32 v18, v62;
	v0 =	vadd.f32 v10, v0;
	v10 =	vld [tilespmem:s21+$0x8610]  }
0x445: {  	v63 =	vld [tilespmem:s18+$0x8620];
	v9 =	vmul.f32 v9, v31;
	v5 =	vmul.f32 v5, v47;
	v13 =	vadd.f32 v13, v14  }
0x446: {  	v12 =	vmul.f32 v12, v55;
	v7 =	vadd.f32 v15, v7;
	v15 =	vmul.f32 v19, v54;
	(xrf2) =	vadd.scan.msk.f32 $0xffff, v0;
	v0 =	vld [tilespmem:s18+$0x8600]  }
0x447: {  	v11 =	vmul.f32 v11, v42;
	v9 =	vadd.f32 v9, v13;
	v13 =	vld [tilespmem:s18+$0x8610]  }
0x448: {  	v17 =	vld [tilespmem:s5+$0x8630];
	v5 =	vadd.f32 v5, v7;
	v7 =	vmul.f32 v8, v32;
	v12 =	vadd.f32 v12, v15  }
0x449: {  	s7 =	spop (v2sf);
	(v2sf) =	vpush v38, $0x4;
	v1 =	vmul.f32 v1, v53;
	(xrf2) =	vadd.scan.msk.f32 $0xffff, v9;
	v9 =	vld [tilespmem:s5+$0x8600];
	v10 =	vmul.f32 v10, v56  }
0x44a: {  	v4 =	vmul.f32 v4, v28;
	v5 =	vadd.f32 v7, v5;
	v7 =	vld [tilespmem:s5+$0x8610]  }
0x44b: {  	v11 =	vadd.f32 v11, v12;
	v12 =	vld [tilespmem:s5+$0x8620];
	v1 =	vadd.f32 v10, v1;
	v10 =	vmul.f32 v20, v41  }
0x44c: {  	(xrf2) =	vadd.scan.msk.f32 $0xffff, v5;
	v5 =	vld [tilespmem:s7+$0x8600];
	v15 =	vmul.f32 v0, v48;
	v13 =	vmul.f32 v13, v52  }
0x44d: {  	v3 =	vmul.f32 v3, v30;
	v4 =	vadd.f32 v4, v11;
	v11 =	vld [tilespmem:s7+$0x8610];
	v16 =	vadd.f32 v10, v1  }
0x44e: {  	s21 =	spop (v2sf);
	v10 =	vld [tilespmem:s7+$0x8620];
	v13 =	vadd.f32 v13, v15;
	v15 =	vmul.f32 v63, v33  }
0x44f: {  	v9 =	vmul.f32 v9, v57;
	v7 =	vmul.f32 v7, v58;
	v3 =	vadd.f32 v3, v16;
	v16 =	vld [tilespmem:s21+$0x8610]  }
0x450: {  	v18 =	vmul.f32 v2, v26;
	v14 =	vld [tilespmem:s7+$0x8630];
	v0, _, _ =	vpop (xrf2);
	(xrf2) =	vadd.scan.msk.f32 $0xffff, v4;
	v13 =	vadd.f32 v15, v13;
	s18 =	spop (v2sf)  }
0x451: {  	v7 =	vadd.f32 v7, v9;
	v9 =	vmul.f32 v12, v40;
	v12 =	vld [tilespmem:s18+$0x8600]  }
0x452: {  	v19 =	vmul.f32 v5, v49;
	v5 =	vmul.f32 v11, v50;
	v11 =	vadd.f32 v18, v13;
	v13 =	vld [tilespmem:s18+$0x8610]  }
0x453: {  	v1, _, _ =	vpop (xrf2);
	(xrf2) =	vadd.scan.msk.f32 $0xffff, v3;
	v7 =	vadd.f32 v9, v7;
	v9 =	vmul.f32 v17, v27  }
0x454: {  	v5 =	vadd.f32 v5, v19;
	v2, _, _ =	vpop (xrf2);
	v10 =	vmul.f32 v10, v34;
	(xrf2) =	vadd.scan.msk.f32 $0xffff, v11;
	v11 =	vmul.f32 v16, v45;
	v16 =	vld [tilespmem:s18+$0x8620]  }
0x455: {  	v4 =	vld [tilespmem:s21+$0x8600];
	v7 =	vadd.f32 v9, v7  }
0x456: {  	v8 =	vld [tilespmem:s21+$0x8630];
	v9 =	vmul.f32 v14, v24;
	v5 =	vadd.f32 v10, v5  }
0x457: {  	v15 =	vld [tilespmem:s21+$0x8620];
	v3, _, _ =	vpop (xrf2);
	(xrf2) =	vadd.scan.msk.f32 $0xffff, v7;
	v7 =	vmul.f32 v12, v37;
	v12 =	vmul.f32 v13, v39  }
0x458: {  	s21 =	spop (v2sf);
	v14 =	vld [tilespmem:s18+$0x8630];
	v5 =	vadd.f32 v9, v5  }
0x459: {  	v17 =	vld [tilespmem:s21+$0x8600];
	v7 =	vadd.f32 v12, v7;
	v12 =	vmul.f32 v16, v25  }
0x45a: {  	v4 =	vmul.f32 v4, v44;
	v13, _, _ =	vpop (xrf2);
	(xrf2) =	vadd.scan.msk.f32 $0xffff, v5;
	v5 =	vld [tilespmem:$0x1FCC0]  }
0x45b: {  	v7 =	vadd.f32 v12, v7;
	v12 =	vld [tilespmem:$0x1FCE0]  }
0x45c: {  	v4 =	vadd.f32 v11, v4;
	v11 =	vmul.f32 v15, v29;
	_ =	sdelay $0x1  }
0x45d: {  	v8 =	vmul.f32 v8, v23;
	v4 =	vadd.f32 v11, v4;
	_ =	sdelay $0x1  }
0x45e: {  	v6 =	vld [tilespmem:s16+$0x8600];
	v4 =	vadd.f32 v8, v4;
	v5 =	vmul.f32 v17, v5;
	v17 =	vmul.f32 v14, v12  }
0x45f: {  	v10 =	vld [tilespmem:s21+$0x8610]  }
0x460: {  	v16, _, _ =	vpop (xrf2);
	(xrf2) =	vadd.scan.msk.f32 $0xffff, v4;
	v4 =	vadd.f32 v17, v7;
	v7 =	vld [tilespmem:$0x1FC70]  }
0x461: {  	v8 =	vld [tilespmem:$0x1FCD0];
	_ =	sdelay $0x2  }
0x462: {  	v11 =	vld [tilespmem:s16+$0x8610]  }
0x463: {  	v6 =	vmul.f32 v6, v7;
	v7 =	vld [tilespmem:$0x1FC80]  }
0x464: {  	v8 =	vmul.f32 v10, v8  }
0x465: {  	v9 =	vld [tilespmem:s21+$0x8620]  }
0x466: {  	v5 =	vadd.f32 v8, v5;
	v8 =	vld [tilespmem:$0x1FCA0];
	_ =	sdelay $0x1  }
0x467: {  	v7 =	vmul.f32 v11, v7  }
0x468: {  	v10 =	vld [tilespmem:s16+$0x8620]  }
0x469: {  	v6 =	vadd.f32 v7, v6;
	v7 =	vld [tilespmem:$0x1FC60]  }
0x46a: {  	v8 =	vmul.f32 v9, v8  }
0x46b: {  	v15 =	vld [tilespmem:s21+$0x8630]  }
0x46c: {  	v5 =	vadd.f32 v8, v5;
	v8 =	vld [tilespmem:$0x1FC90];
	_ =	sdelay $0x1  }
0x46d: {  	v7 =	vmul.f32 v10, v7  }
0x46e: {  	v9 =	vld [tilespmem:s16+$0x8630]  }
0x46f: {  	v6 =	vadd.f32 v7, v6;
	v7 =	vld [tilespmem:$0x1FC50]  }
0x470: {  	v8 =	vmul.f32 v15, v8  }
0x471: {  	v14 =	vld [tilespmem:s28+$0x8610]  }
0x472: {  	v12, _, _ =	vpop (xrf2);
	(xrf2) =	vadd.scan.msk.f32 $0xffff, v4;
	v4 =	vadd.f32 v8, v5;
	v5 =	vld [tilespmem:$0x1FC30]  }
0x473: {  	v8 =	vld [tilespmem:$0x1FC40]  }
0x474: {  	(v2sf) =	vpush v38, $0xF;
	v7 =	vmul.f32 v9, v7  }
0x475: {  	v15 =	vld [tilespmem:s25+$0x8610]  }
0x476: {  	v17, _, _ =	vpop (xrf2);
	(xrf2) =	vadd.scan.msk.f32 $0xffff, v4;
	v4 =	vadd.f32 v7, v6;
	v6 =	vld [tilespmem:$0x1FBF0]  }
0x477: {  	v7 =	vld [tilespmem:$0x1FC00]  }
0x478: {  	v5 =	vmul.f32 v35, v5;
	v8 =	vmul.f32 v14, v8  }
0x479: {  	v11 =	vld [tilespmem:s28+$0x8620]  }
0x47a: {  	v5 =	vadd.f32 v8, v5;
	v8 =	vld [tilespmem:$0x1FC20];
	_ =	sdelay $0x1  }
0x47b: {  	v6 =	vmul.f32 v22, v6;
	v7 =	vmul.f32 v15, v7  }
0x47c: {  	v14 =	vld [tilespmem:s25+$0x8620]  }
0x47d: {  	v6 =	vadd.f32 v7, v6;
	v7 =	vld [tilespmem:$0x1FBE0]  }
0x47e: {  	v8 =	vmul.f32 v11, v8  }
0x47f: {  	v10 =	vld [tilespmem:s28+$0x8630]  }
0x480: {  	v5 =	vadd.f32 v8, v5;
	v8 =	vld [tilespmem:$0x1FC10];
	_ =	sdelay $0x1  }
0x481: {  	s7 =	spop (v2sf);
	v7 =	vmul.f32 v14, v7  }
0x482: {  	v9 =	vld [tilespmem:s7+$0x8600]  }
0x483: {  	v6 =	vadd.f32 v7, v6;
	v7 =	vld [tilespmem:$0x1FBB0]  }
0x484: {  	v8 =	vmul.f32 v10, v8  }
0x485: {  	v11 =	vld [tilespmem:s7+$0x8610]  }
0x486: {  	v18, _, _ =	vpop (xrf2);
	(xrf2) =	vadd.scan.msk.f32 $0xffff, v4;
	v4 =	vadd.f32 v8, v5;
	v5 =	vld [tilespmem:$0x1FBD0]  }
0x487: {  	v8 =	vld [tilespmem:$0x1FCF0]  }
0x488: {  	v20 =	vmul.f32 v9, v7;
	v9 =	vld [tilespmem:$0x1FBC0]  }
0x489: {  	v10 =	vld [tilespmem:s7+$0x8620]  }
0x48a: {  	v15 =	vld [tilespmem:s22+$0x47E0];
	_ =	sdelay $0x1  }
0x48b: {  	v5 =	vmul.f32 v8, v5;
	v8 =	vld [tilespmem:s7+$0x8630]  }
0x48c: {  	v14 =	vld [tilespmem:s22+$0x47F0];
	v9 =	vmul.f32 v11, v9  }
0x48d: {  	v19, _, _ =	vpop (xrf2)  }
0x48e: {  	(xrf2) =	vadd.scan.msk.f32 $0xffff, v4;
	v4 =	vadd.f32 v5, v6;
	v6 =	vmul.f32 v10, v15;
	v7, _, _ =	vpop (xrf2);
	v5 =	vadd.f32 v9, v20  }
0x48f: {  	v7 =	vbroadcast v7, $0xF;
	v9 =	vbroadcast v19, $0xF  }
0x490: {  	v10 =	vbroadcast v18, $0xF;
	v5 =	vadd.f32 v6, v5  }
0x491: {  	(xrf2) =	vadd.scan.msk.f32 $0xffff, v4;
	v6 =	vmul.f32 v8, v14;
	v4 =	vsel vm0, v9, v7;
	v7 =	vbroadcast v17, $0xF;
	v8, _, _ =	vpop (xrf2)  }
0x492: {  	v4 =	vsel vm1, v4, v10;
	v9 =	vbroadcast v8, $0xF  }
0x493: {  	v5 =	vadd.f32 v6, v5;
	v4 =	vsel vm2, v4, v7;
	v6 =	vbroadcast v12, $0xF  }
0x494: {  	v8, _, _ =	vpop (xrf2);
	v4 =	vsel vm3, v4, v9;
	v9 =	vbroadcast v16, $0xF  }
0x495: {  	(xrf2) =	vadd.scan.msk.f32 $0xffff, v5;
	v4 =	vsel vm4, v4, v6;
	v5 =	vbroadcast v8, $0xF  }
0x496: {  	v4 =	vsel vm5, v4, v9  }
0x497: {  	v4 =	vsel vm6, v4, v5;
	v5 =	vld [tilespmem:$0x1FCB0];
	_ =	sdelay $0x2  }
0x498: {  	v6 =	vbroadcast v13, $0xF  }
0x499: {  	v3 =	vbroadcast v3, $0xF;
	v7, _, _ =	vpop (xrf2)  }
0x49a: {  	v8 =	vsel vm7, v4, v6;
	v6 =	vbroadcast v7, $0xF;
	v5 =	vshll.u32 v5, $0x3  }
0x49b: {  	v2 =	vbroadcast v2, $0xF;
	v3 =	vsel vm8, v8, v3  }
0x49c: {  	s19 =	sadd.s32 $0x10, s19;
	v1 =	vbroadcast v1, $0xF;
	v3 =	vsel vm9, v3, v6;
	v4, _, _ =	vpop (xrf2)  }
0x49d: {  	v2 =	vsel vm10, v3, v2;
	v3 =	vbroadcast v4, $0xF;
	v4 =	vld [tilespmem:s19+$0x0]  }
0x49e: {  	v0 =	vbroadcast v0, $0xF;
	v6 =	vsel vm11, v2, v1  }
0x49f: {  	v3 =	vsel vm12, v6, v3;
	v2 =	vld.idx.msk [tilespmem:v5+s26+$0x0], $0xffff  }
0x4a0: {  	v0 =	vsel vm13, v3, v0;
	v1, _, _ =	vpop (xrf2)  }
0x4a1: {  	v0 =	vsel vm14, v0, v1;
	v1 =	vld [tilespmem:$0x1FEA0]  }
0x4a2: {  	v0 =	vadd.f32 v0, v4;
	_ =	sdelay $0x1  }
0x4a3: {  	v0 =	vadd.f32 v0, v2;
	_ =	sdelay $0x1  }
0x4a4: {  	v0 =	vadd.f32 v0, v1  }
0x4a5: {  	s20 =	sadd.s32 $0x10, s20  }
0x4a6: {  	s22 =	sshra.s32 s24, $0x2;
	[tilespmem:s20+$0x0] =	vst v0  }
0x4a7: {  	v2 =	vld [tilespmem:s22+$0x46A0]  }
0x4a8: {  	v43 =	vld [tilespmem:s22+$0x47B0]  }
0x4a9: {  	v0 =	vld [tilespmem:s22+$0x47C0]  }
0x4aa: {  	v1 =	vld [tilespmem:s22+$0x47A0]  }
0x4ab: {  	v36 =	vld [tilespmem:s22+$0x4730]  }
0x4ac: {  	[tilespmem:$0x1FC20] =	vst v2;
	v2 =	vld [tilespmem:s22+$0x4680]  }
0x4ad: {  	v6 =	vld [tilespmem:s22+$0x4780]  }
0x4ae: {  	v7 =	vld [tilespmem:s22+$0x4790]  }
0x4af: {  	v31 =	vld [tilespmem:s22+$0x46F0]  }
0x4b0: {  	v51 =	vld [tilespmem:s22+$0x4720]  }
0x4b1: {  	[tilespmem:$0x1FC30] =	vst v2;
	v2 =	vld [tilespmem:s22+$0x4690]  }
0x4b2: {  	v46 =	vld [tilespmem:s22+$0x46E0]  }
0x4b3: {  	v63 =	vld [tilespmem:s22+$0x4700]  }
0x4b4: {  	v32 =	vld [tilespmem:s22+$0x4670]  }
0x4b5: {  	v59 =	vld [tilespmem:s22+$0x46C0]  }
0x4b6: {  	[tilespmem:$0x1FC40] =	vst v2;
	v2 =	vld [tilespmem:s22+$0x45F0]  }
0x4b7: {  	v60 =	vld [tilespmem:s22+$0x46D0]  }
0x4b8: {  	v28 =	vld [tilespmem:s22+$0x4630]  }
0x4b9: {  	v47 =	vld [tilespmem:s22+$0x4660]  }
0x4ba: {  	v42 =	vld [tilespmem:s22+$0x4620]  }
0x4bb: {  	[tilespmem:$0x1FC50] =	vst v2;
	v2 =	vld [tilespmem:s22+$0x45E0]  }
0x4bc: {  	v61 =	vld [tilespmem:s22+$0x4640]  }
0x4bd: {  	v62 =	vld [tilespmem:s22+$0x4650]  }
0x4be: {  	v30 =	vld [tilespmem:s22+$0x45B0]  }
0x4bf: {  	v54 =	vld [tilespmem:s22+$0x4600]  }
0x4c0: {  	[tilespmem:$0x1FC60] =	vst v2;
	v2 =	vld [tilespmem:s22+$0x45C0]  }
0x4c1: {  	v55 =	vld [tilespmem:s22+$0x4610]  }
0x4c2: {  	v26 =	vld [tilespmem:s22+$0x4570]  }
0x4c3: {  	v41 =	vld [tilespmem:s22+$0x45A0]  }
0x4c4: {  	v33 =	vld [tilespmem:s22+$0x4560]  }
0x4c5: {  	[tilespmem:$0x1FC70] =	vst v2;
	v2 =	vld [tilespmem:s22+$0x45D0]  }
0x4c6: {  	[tilespmem:$0x1FBB0] =	vst v0;
	v0 =	vld [tilespmem:s22+$0x47D0]  }
0x4c7: {  	v53 =	vld [tilespmem:s22+$0x4580]  }
0x4c8: {  	v56 =	vld [tilespmem:s22+$0x4590]  }
0x4c9: {  	v27 =	vld [tilespmem:s22+$0x44F0]  }
0x4ca: {  	[tilespmem:$0x1FC80] =	vst v2;
	v2 =	vld [tilespmem:s22+$0x4530]  }
0x4cb: {  	[tilespmem:$0x1FBC0] =	vst v0;
	v0 =	vld [tilespmem:s22+$0x4770]  }
0x4cc: {  	v3 =	vld [tilespmem:s22+$0x4520]  }
0x4cd: {  	v48 =	vld [tilespmem:s22+$0x4540]  }
0x4ce: {  	s23 =	sadd.s32 $0x10, s23;
	v52 =	vld [tilespmem:s22+$0x4550]  }
0x4cf: {  	[tilespmem:$0x1FC90] =	vst v2;
	v2 =	vld [tilespmem:s23+$0x0]  }
0x4d0: {  	[tilespmem:$0x1FBD0] =	vst v0;
	v0 =	vld [tilespmem:s22+$0x4760]  }
0x4d1: {  	v24 =	vld [tilespmem:s22+$0x44B0]  }
0x4d2: {  	v40 =	vld [tilespmem:s22+$0x44E0]  }
0x4d3: {  	v23 =	vld [tilespmem:s22+$0x4430]  }
0x4d4: {  	v34 =	vld [tilespmem:s22+$0x44A0];
	[tilespmem:$0x1FCB0] =	vst v2;
	v2 =	vshll.u32 v2, $0x8  }
0x4d5: {  	[tilespmem:$0x1FBE0] =	vst v0;
	v0 =	vld [tilespmem:s22+$0x4740];
	v38 =	vshra.s32 v2, $0x2  }
0x4d6: {  	v57 =	vld [tilespmem:s22+$0x44C0];
	(v2sf) =	vpush v38, $0xE  }
0x4d7: {  	v58 =	vld [tilespmem:s22+$0x44D0]  }
0x4d8: {  	v29 =	vld [tilespmem:s22+$0x4420]  }
0x4d9: {  	v25 =	vld [tilespmem:s22+$0x4460]  }
0x4da: {  	[tilespmem:$0x1FBF0] =	vst v0;
	v0 =	vld [tilespmem:s22+$0x4750];
	(v2sf) =	vpush v38, $0xD  }
0x4db: {  	v2 =	vld [tilespmem:s22+$0x4500]  }
0x4dc: {  	v49 =	vld [tilespmem:s22+$0x4480];
	(v2sf) =	vpush v38, $0xC  }
0x4dd: {  	v50 =	vld [tilespmem:s22+$0x4490];
	(v2sf) =	vpush v38, $0xB  }
0x4de: {  	v44 =	vld [tilespmem:s22+$0x4400]  }
0x4df: {  	[tilespmem:$0x1FC00] =	vst v0;
	v0 =	vld [tilespmem:s22+$0x46B0]  }
0x4e0: {  	[tilespmem:$0x1FCC0] =	vst v2;
	v2 =	vld [tilespmem:s22+$0x4510]  }
0x4e1: {  	v45 =	vld [tilespmem:s22+$0x4410]  }
0x4e2: {  	v37 =	vld [tilespmem:s22+$0x4440]  }
0x4e3: {  	v39 =	vld [tilespmem:s22+$0x4450]  }
0x4e4: {  	[tilespmem:$0x1FC10] =	vst v0;
	v0 =	vld [tilespmem:s22+$0x4710];
	(v2sf) =	vpush v38, $0x9  }
0x4e5: {  	[tilespmem:$0x1FCD0] =	vst v2;
	v2 =	vld [tilespmem:s22+$0x4470];
	s16 =	spop (v2sf)  }
0x4e6: {  	(v2sf) =	vpush v38, $0x8;
	v12 =	vld [tilespmem:s16+$0x8630]  }
0x4e7: {  	v20 =	vld [tilespmem:s16+$0x8620]  }
0x4e8: {  	v18 =	vld [tilespmem:s16+$0x8600]  }
0x4e9: {  	s25 =	spop (v2sf);
	v21 =	vld [tilespmem:s16+$0x8610]  }
0x4ea: {  	[tilespmem:$0x1FCE0] =	vst v2;
	(v2sf) =	vpush v38, $0x6;
	v2 =	vld [tilespmem:s25+$0x8630]  }
0x4eb: {  	s18 =	spop (v2sf);
	(v2sf) =	vpush v38, $0xA;
	v22 =	vld [tilespmem:s25+$0x8600]  }
0x4ec: {  	v10 =	vld [tilespmem:s18+$0x8630];
	s21 =	spop (v2sf);
	(v2sf) =	vpush v38, $0x5  }
0x4ed: {  	v14 =	vld [tilespmem:s18+$0x8620]  }
0x4ee: {  	v17 =	vld [tilespmem:s18+$0x8600]  }
0x4ef: {  	v19 =	vld [tilespmem:s18+$0x8610]  }
0x4f0: {  	v9 =	vld [tilespmem:s21+$0x8630]  }
0x4f1: {  	v13 =	vld [tilespmem:s21+$0x8620]  }
0x4f2: {  	v15 =	vld [tilespmem:s21+$0x8600]  }
0x4f3: {  	s5 =	spop (v2sf);
	v16 =	vld [tilespmem:s21+$0x8610]  }
0x4f4: {  	v8 =	vld [tilespmem:s5+$0x8630]  }
0x4f5: {  	s16 =	spop (v2sf);
	v5 =	vld [tilespmem:s5+$0x8620]  }
0x4f6: {  	v4 =	vld [tilespmem:s16+$0x8630]  }
0x4f7: {  	p0 =	sne.s32 s24, $0x7000;
	v11 =	vld [tilespmem:s16+$0x8620]  }
.Ltmp2:
0x4f8: {  	v21 =	vmul.f32 v21, v7;
	v7 =	vld [tilespmem:s5+$0x8600];
	(pc) =	sbr.rel @p0 .LBB2_6-.Ltmp2, $4  }
0x4f9: {  	(v2sf) =	vpush v38, $0x3;
	v6 =	vmul.f32 v18, v6;
	v18 =	vld [tilespmem:s5+$0x8610];
	s21 =	spop (v2sf)  }
0x4fa: {  	[tilespmem:$0x1FCA0] =	vst v3;
	(v2sf) =	vpush v38, $0x7;
	v3 =	vld [tilespmem:s21+$0x8630];
	s28 =	spop (v2sf)  }
0x4fb: {  	(v2sf) =	vpush v38, $0x2;
	v35 =	vld [tilespmem:s28+$0x8600];
	s18 =	spop (v2sf)  }
0x4fc: {  	s24 =	sadd.s32 $0x1000, s24;
	v1 =	vmul.f32 v20, v1;
	[tilespmem:$0x1FCF0] =	vst v2;
	v6 =	vadd.f32 v21, v6;
	(v2sf) =	vpush v38, $0x0;
	v2 =	vld [tilespmem:s18+$0x8630]  }
0x4fd: {  	v20 =	vld [tilespmem:s21+$0x8620];
	_ =	sdelay $0x4  }
0x4fe: {  	[tilespmem:$0x1F670] =	vst v20;
	v20 =	vld [tilespmem:s16+$0x8600];
	_ =	sdelay $0x4  }
0x4ff: {  	[tilespmem:$0x1F660] =	vst v20  }
0x500: {  	s5 =	spop (v2sf)  }
0x501: {  	v21 =	vld [tilespmem:s5+$0x8630];
	_ =	sdelay $0x4  }
0x502: {  	[tilespmem:$0x1F690] =	vst v21;
	v21 =	vld [tilespmem:s18+$0x8620];
	_ =	sdelay $0x1  }
0x503: {  	v17 =	vmul.f32 v17, v63;
	v0 =	vmul.f32 v19, v0  }
0x504: {  	v1 =	vadd.f32 v1, v6  }
0x505: {  	v6 =	vmul.f32 v12, v43;
	v12 =	vmul.f32 v14, v51;
	v0 =	vadd.f32 v0, v17;
	v20 =	vld [tilespmem:s16+$0x8610];
	s16 =	spop (v2sf)  }
0x506: {  	[tilespmem:$0x1F680] =	vst v21;
	v21 =	vld [tilespmem:s16+$0x8600]  }
0x507: {  	v10 =	vmul.f32 v10, v36;
	v0 =	vadd.f32 v12, v0;
	_ =	sdelay $0x1  }
0x508: {  	v15 =	vmul.f32 v15, v59;
	v16 =	vmul.f32 v16, v60;
	v0 =	vadd.f32 v10, v0;
	v10 =	vld [tilespmem:$0x1F660]  }
0x509: {  	v1 =	vadd.f32 v6, v1;
	v6 =	vmul.f32 v7, v61;
	v7 =	vmul.f32 v18, v62;
	v19 =	vld [tilespmem:s21+$0x8610]  }
0x50a: {  	v13 =	vmul.f32 v13, v46;
	v12 =	vadd.f32 v16, v15;
	[tilespmem:$0x1F6A0] =	vst v21;
	v21 =	vld [tilespmem:s21+$0x8600]  }
0x50b: {  	v5 =	vmul.f32 v5, v47;
	v6 =	vadd.f32 v7, v6  }
0x50c: {  	v9 =	vmul.f32 v9, v31;
	v8 =	vmul.f32 v8, v32;
	v12 =	vadd.f32 v13, v12  }
0x50d: {  	v5 =	vadd.f32 v5, v6;
	v17 =	vld [tilespmem:s18+$0x8600];
	v10 =	vmul.f32 v10, v54;
	v16 =	vmul.f32 v20, v55  }
0x50e: {  	v11 =	vmul.f32 v11, v42;
	v9 =	vadd.f32 v9, v12;
	(v2sf) =	vpush v38, $0x1;
	v18 =	vld [tilespmem:s18+$0x8610]  }
0x50f: {  	v10 =	vadd.f32 v16, v10;
	v16 =	vmul.f32 v19, v56;
	v12 =	vmul.f32 v21, v53  }
0x510: {  	v5 =	vadd.f32 v8, v5  }
0x511: {  	v8 =	vadd.f32 v11, v10;
	v11 =	vadd.f32 v16, v12;
	v12 =	vld [tilespmem:$0x1F670]  }
0x512: {  	v7 =	vld [tilespmem:s5+$0x8600]  }
0x513: {  	v20 =	vld [tilespmem:s5+$0x8610];
	v18 =	vmul.f32 v18, v52;
	v16 =	vmul.f32 v17, v48  }
0x514: {  	v6 =	vld [tilespmem:s5+$0x8620]  }
0x515: {  	s7 =	spop (v2sf);
	v16 =	vadd.f32 v18, v16;
	v18 =	vld [tilespmem:$0x1F680]  }
0x516: {  	v13 =	vld [tilespmem:s7+$0x8600];
	v12 =	vmul.f32 v12, v41  }
0x517: {  	v19 =	vld [tilespmem:s7+$0x8610]  }
0x518: {  	v7 =	vmul.f32 v7, v57;
	v11 =	vadd.f32 v12, v11;
	v12 =	vmul.f32 v20, v58  }
0x519: {  	v4 =	vmul.f32 v4, v28;
	v10 =	vld [tilespmem:s7+$0x8620]  }
0x51a: {  	v6 =	vmul.f32 v6, v40;
	v18 =	vmul.f32 v18, v33;
	v7 =	vadd.f32 v12, v7  }
0x51b: {  	v2 =	vmul.f32 v2, v26;
	v14 =	vld [tilespmem:s7+$0x8630];
	v13 =	vmul.f32 v13, v49  }
0x51c: {  	(xrf2) =	vadd.scan.msk.f32 $0xffff, v1;
	s24 =	spop (v2sf);
	v16 =	vadd.f32 v18, v16;
	v18 =	vmul.f32 v19, v50;
	v6 =	vadd.f32 v6, v7;
	v7 =	vld [tilespmem:$0x1F690]  }
0x51d: {  	v3 =	vmul.f32 v3, v30;
	(xrf2) =	vadd.scan.msk.f32 $0xffff, v0;
	v4 =	vadd.f32 v4, v8;
	s21 =	spop (v2sf)  }
0x51e: {  	(xrf2) =	vadd.scan.msk.f32 $0xffff, v9;
	v10 =	vmul.f32 v10, v34;
	v21 =	vld [tilespmem:s21+$0x8600];
	v1 =	vadd.f32 v2, v16;
	v2 =	vadd.f32 v18, v13  }
0x51f: {  	(v2sf) =	vpush v38, $0x4;
	(xrf2) =	vadd.scan.msk.f32 $0xffff, v5;
	v12 =	vld [tilespmem:s21+$0x8610];
	v3 =	vadd.f32 v3, v11  }
0x520: {  	v5 =	vmul.f32 v14, v24;
	(xrf2) =	vadd.scan.msk.f32 $0xffff, v4;
	v2 =	vadd.f32 v10, v2  }
0x521: {  	v11 =	vld [tilespmem:s21+$0x8620];
	(xrf2) =	vadd.scan.msk.f32 $0xffff, v3;
	v7 =	vmul.f32 v7, v27  }
0x522: {  	(xrf2) =	vadd.scan.msk.f32 $0xffff, v1;
	v1 =	vadd.f32 v5, v2;
	v5 =	vld [tilespmem:$0x1FCE0]  }
0x523: {  	v6 =	vadd.f32 v7, v6;
	v7 =	vld [tilespmem:s21+$0x8630]  }
0x524: {  	v9 =	vmul.f32 v21, v37;
	v10 =	vmul.f32 v12, v39;
	_ =	sdelay $0x1  }
0x525: {  	v9 =	vadd.f32 v10, v9;
	v10 =	vmul.f32 v11, v25  }
0x526: {  	v8 =	vld [tilespmem:s24+$0x8610]  }
0x527: {  	v17 =	vld [tilespmem:s24+$0x8600];
	v2 =	vadd.f32 v10, v9;
	v5 =	vmul.f32 v7, v5  }
0x528: {  	v20 =	vld [tilespmem:s24+$0x8620];
	(xrf2) =	vadd.scan.msk.f32 $0xffff, v6  }
0x529: {  	(xrf2) =	vadd.scan.msk.f32 $0xffff, v1;
	v1 =	vadd.f32 v5, v2;
	v2 =	vld [tilespmem:$0x1FC70]  }
0x52a: {  	v5 =	vld [tilespmem:$0x1F6A0];
	_ =	sdelay $0x1  }
0x52b: {  	v15 =	vld [tilespmem:s24+$0x8630];
	v8 =	vmul.f32 v8, v45;
	v0 =	vmul.f32 v17, v44  }
0x52c: {  	v14 =	vld [tilespmem:s16+$0x8610];
	s23 =	spop (v2sf)  }
0x52d: {  	v0 =	vadd.f32 v8, v0;
	v13 =	vld [tilespmem:s23+$0x8610];
	v8 =	vmul.f32 v20, v29  }
0x52e: {  	v2 =	vmul.f32 v5, v2;
	v5 =	vld [tilespmem:$0x1FC80]  }
0x52f: {  	v0 =	vadd.f32 v8, v0;
	v8 =	vld [tilespmem:$0x1FCD0]  }
0x530: {  	v19 =	vld [tilespmem:s23+$0x8600]  }
0x531: {  	v4 =	vmul.f32 v15, v23;
	v3 =	vld [tilespmem:$0x1FCC0]  }
0x532: {  	v12 =	vld [tilespmem:s23+$0x8620]  }
0x533: {  	v0 =	vadd.f32 v4, v0;
	v4 =	vld [tilespmem:$0x1FCA0];
	v5 =	vmul.f32 v14, v5  }
0x534: {  	v8 =	vmul.f32 v13, v8;
	v13 =	vld [tilespmem:s16+$0x8620]  }
0x535: {  	v2 =	vadd.f32 v5, v2;
	v5 =	vld [tilespmem:$0x1FC60]  }
0x536: {  	v3 =	vmul.f32 v19, v3;
	_ =	sdelay $0x1  }
0x537: {  	v3 =	vadd.f32 v8, v3;
	v4 =	vmul.f32 v12, v4  }
0x538: {  	v11 =	vld [tilespmem:s23+$0x8630]  }
0x539: {  	(xrf2) =	vadd.scan.msk.f32 $0xffff, v0;
	v0 =	vadd.f32 v4, v3;
	v3 =	vld [tilespmem:$0x1FC90];
	v5 =	vmul.f32 v13, v5  }
0x53a: {  	v6 =	vld [tilespmem:s16+$0x8630]  }
0x53b: {  	v2 =	vadd.f32 v5, v2;
	v5 =	vld [tilespmem:$0x1FC50];
	_ =	sdelay $0x1  }
0x53c: {  	v7 =	vld [tilespmem:s28+$0x8610]  }
0x53d: {  	v4 =	vld [tilespmem:s25+$0x8610];
	v3 =	vmul.f32 v11, v3  }
0x53e: {  	(v2sf) =	vpush v38, $0xF;
	v11 =	vld [tilespmem:$0x1FC40]  }
0x53f: {  	v0 =	vadd.f32 v3, v0;
	v3 =	vld [tilespmem:$0x1FC30];
	v5 =	vmul.f32 v6, v5  }
0x540: {  	v14 =	vld [tilespmem:$0x1FC00]  }
0x541: {  	v2 =	vadd.f32 v5, v2;
	v5 =	vld [tilespmem:$0x1FBF0];
	_ =	sdelay $0x2  }
0x542: {  	v7 =	vmul.f32 v7, v11;
	v3 =	vmul.f32 v35, v3  }
0x543: {  	v8 =	vld [tilespmem:s28+$0x8620]  }
0x544: {  	v3 =	vadd.f32 v7, v3;
	v7 =	vld [tilespmem:$0x1FC20];
	v4 =	vmul.f32 v4, v14;
	v5 =	vmul.f32 v22, v5  }
0x545: {  	v11 =	vld [tilespmem:s25+$0x8620]  }
0x546: {  	v4 =	vadd.f32 v4, v5;
	v5 =	vld [tilespmem:$0x1FBE0];
	_ =	sdelay $0x2  }
0x547: {  	v7 =	vmul.f32 v8, v7  }
0x548: {  	v10 =	vld [tilespmem:s28+$0x8630]  }
0x549: {  	s24 =	spop (v2sf);
	v3 =	vadd.f32 v7, v3;
	v7 =	vld [tilespmem:$0x1FC10];
	v5 =	vmul.f32 v11, v5  }
0x54a: {  	v6 =	vld [tilespmem:s24+$0x8600]  }
0x54b: {  	v4 =	vadd.f32 v5, v4;
	v5 =	vld [tilespmem:$0x1FBB0];
	_ =	sdelay $0x3  }
0x54c: {  	v9, _, _ =	vpop (xrf2);
	(xrf2) =	vadd.scan.msk.f32 $0xffff, v1;
	v8 =	vld [tilespmem:s24+$0x8610]  }
0x54d: {  	v1, _, _ =	vpop (xrf2);
	v7 =	vmul.f32 v10, v7;
	v5 =	vmul.f32 v6, v5;
	v6 =	vld [tilespmem:$0x1FBC0]  }
0x54e: {  	v17 =	vld [tilespmem:$0x1FCF0];
	v12, _, _ =	vpop (xrf2)  }
0x54f: {  	v13, _, _ =	vpop (xrf2);
	v3 =	vadd.f32 v7, v3;
	v7 =	vld [tilespmem:$0x1FBD0]  }
0x550: {  	(xrf2) =	vadd.scan.msk.f32 $0xffff, v0;
	v0, _, _ =	vpop (xrf2)  }
0x551: {  	v15, _, _ =	vpop (xrf2)  }
0x552: {  	v16, _, _ =	vpop (xrf2);
	v6 =	vmul.f32 v8, v6  }
0x553: {  	(xrf2) =	vadd.scan.msk.f32 $0xffff, v2;
	v2, _, _ =	vpop (xrf2)  }
0x554: {  	v7 =	vmul.f32 v17, v7;
	v18, _, _ =	vpop (xrf2)  }
0x555: {  	v14 =	vld [tilespmem:s22+$0x47E0];
	v8, _, _ =	vpop (xrf2)  }
0x556: {  	v10 =	vld [tilespmem:s24+$0x8620];
	(xrf2) =	vadd.scan.msk.f32 $0xffff, v3;
	v3 =	vadd.f32 v7, v4;
	v4 =	vadd.f32 v6, v5;
	v6, _, _ =	vpop (xrf2)  }
0x557: {  	v17 =	vld [tilespmem:s24+$0x8630];
	v6 =	vbroadcast v6, $0xF  }
0x558: {  	v11 =	vld [tilespmem:s22+$0x47F0]  }
0x559: {  	v7 =	vbroadcast v8, $0xF;
	_ =	sdelay $0x1  }
0x55a: {  	(xrf2) =	vadd.scan.msk.f32 $0xffff, v3;
	v8 =	vbroadcast v18, $0xF;
	v5 =	vmul.f32 v10, v14;
	v3 =	vsel vm0, v7, v6;
	v6, _, _ =	vpop (xrf2)  }
0x55b: {  	v2 =	vbroadcast v2, $0xF;
	v6 =	vbroadcast v6, $0xF  }
0x55c: {  	v4 =	vadd.f32 v5, v4;
	v5 =	vmul.f32 v17, v11;
	v3 =	vsel vm1, v3, v8  }
0x55d: {  	v2 =	vsel vm2, v3, v2;
	v3 =	vbroadcast v16, $0xF  }
0x55e: {  	v4 =	vadd.f32 v5, v4;
	v5 =	vbroadcast v15, $0xF;
	v2 =	vsel vm3, v2, v6  }
0x55f: {  	v2 =	vsel vm4, v2, v3;
	v6, _, _ =	vpop (xrf2)  }
0x560: {  	v2 =	vsel vm5, v2, v5;
	v5 =	vld [tilespmem:$0x1FCB0];
	v3 =	vbroadcast v6, $0xF  }
0x561: {  	v0 =	vbroadcast v0, $0xF;
	(xrf2) =	vadd.scan.msk.f32 $0xffff, v4  }
0x562: {  	v4, _, _ =	vpop (xrf2);
	v2 =	vsel vm6, v2, v3;
	v3 =	vbroadcast v13, $0xF  }
0x563: {  	v0 =	vsel vm7, v2, v0;
	v2 =	vbroadcast v4, $0xF  }
0x564: {  	v0 =	vsel vm8, v0, v3;
	v3 =	vbroadcast v12, $0xF  }
0x565: {  	v1 =	vbroadcast v1, $0xF;
	v5 =	vshll.u32 v5, $0x3;
	v0 =	vsel vm9, v0, v2  }
0x566: {  	v0 =	vsel vm10, v0, v3  }
0x567: {  	s7 =	sadd.s32 $0x10, s19;
	v2, _, _ =	vpop (xrf2);
	v0 =	vsel vm11, v0, v1;
	v1 =	vbroadcast v9, $0xF  }
0x568: {  	v3 =	vld [tilespmem:s7+$0x0];
	v2 =	vbroadcast v2, $0xF;
	_ =	sdelay $0x1  }
0x569: {  	v4 =	vld.idx.msk [tilespmem:v5+s26+$0x0], $0xffff;
	v0 =	vsel vm12, v0, v2  }
0x56a: {  	v0 =	vsel vm13, v0, v1;
	v1, _, _ =	vpop (xrf2)  }
0x56b: {  	v0 =	vsel vm14, v0, v1;
	v1 =	vld [tilespmem:$0x1FEA0]  }
0x56c: {  	v0 =	vadd.f32 v0, v3;
	_ =	sdelay $0x1  }
0x56d: {  	v0 =	vadd.f32 v0, v4;
	_ =	sdelay $0x1  }
0x56e: {  	v0 =	vadd.f32 v0, v1  }
0x56f: {  	s16 =	sadd.s32 $0x10, s20  }
0x570: {  	[tilespmem:s16+$0x0] =	vst v0  }
0x571: {  	_ =	swait.ge [sflag:s14], $0x2000  }
0x572: {  	[sflag:s14] =	ssyncset.done $0x0  }
0x573: {  	[sflag:s14] =	ssyncadd.s32 $0xFFFFE000  }
0x574: {  	_ =	swait.ge [sflag:s15], $0x80  }
0x575: {  	[sflag:s15] =	ssyncset.done $0x0  }
0x576: {  	s19 =	simm.s32 $0x0;
	[sflag:s15] =	ssyncadd.s32 $0xFFFFFF80  }
0x577: {  	v0 =	vld [tilespmem:s19+$0x67C0];
	_ =	sdelay $0x4  }
0x578: {  	[tilespmem:$0x1F830] =	vst v0;
	v0 =	vld [tilespmem:s19+$0x67D0];
	_ =	sdelay $0x4  }
0x579: {  	[tilespmem:$0x1F840] =	vst v0;
	v0 =	vld [tilespmem:s19+$0x6770];
	_ =	sdelay $0x4  }
0x57a: {  	[tilespmem:$0x1F810] =	vst v0;
	v0 =	vld [tilespmem:s19+$0x6760];
	_ =	sdelay $0x4  }
0x57b: {  	[tilespmem:$0x1F800] =	vst v0;
	v0 =	vld [tilespmem:s19+$0x6740];
	_ =	sdelay $0x4  }
0x57c: {  	[tilespmem:$0x1F7C0] =	vst v0;
	v0 =	vld [tilespmem:s19+$0x6750];
	_ =	sdelay $0x4  }
0x57d: {  	[tilespmem:$0x1F7E0] =	vst v0;
	v0 =	vld [tilespmem:s19+$0x66B0];
	_ =	sdelay $0x4  }
0x57e: {  	[tilespmem:$0x1F7F0] =	vst v0;
	v0 =	vld [tilespmem:s19+$0x66A0];
	_ =	sdelay $0x4  }
0x57f: {  	[tilespmem:$0x1F7B0] =	vst v0;
	v0 =	vld [tilespmem:s19+$0x6680];
	_ =	sdelay $0x4  }
0x580: {  	[tilespmem:$0x1F780] =	vst v0;
	v0 =	vld [tilespmem:s19+$0x6690];
	_ =	sdelay $0x4  }
0x581: {  	[tilespmem:$0x1F790] =	vst v0;
	v0 =	vld [tilespmem:s19+$0x65F0]  }
0x582: {  	v45 =	vld [tilespmem:s19+$0x67B0]  }
0x583: {  	v48 =	vld [tilespmem:s19+$0x67A0]  }
0x584: {  	v38 =	vld [tilespmem:s19+$0x6730]  }
0x585: {  	v49 =	vld [tilespmem:s19+$0x6780]  }
0x586: {  	[tilespmem:$0x1F7A0] =	vst v0;
	v0 =	vld [tilespmem:s19+$0x65E0]  }
0x587: {  	v50 =	vld [tilespmem:s19+$0x6790]  }
0x588: {  	v31 =	vld [tilespmem:s19+$0x66F0]  }
0x589: {  	v51 =	vld [tilespmem:s19+$0x6720]  }
0x58a: {  	v44 =	vld [tilespmem:s19+$0x66E0]  }
0x58b: {  	[tilespmem:$0x1F770] =	vst v0;
	v0 =	vld [tilespmem:s19+$0x65C0]  }
0x58c: {  	v52 =	vld [tilespmem:s19+$0x6700]  }
0x58d: {  	v53 =	vld [tilespmem:s19+$0x6710]  }
0x58e: {  	v36 =	vld [tilespmem:s19+$0x6670]  }
0x58f: {  	v54 =	vld [tilespmem:s19+$0x66C0]  }
0x590: {  	[tilespmem:$0x1F740] =	vst v0;
	v0 =	vld [tilespmem:s19+$0x65D0]  }
0x591: {  	v55 =	vld [tilespmem:s19+$0x66D0]  }
0x592: {  	v29 =	vld [tilespmem:s19+$0x6630]  }
0x593: {  	v56 =	vld [tilespmem:s19+$0x6660]  }
0x594: {  	v43 =	vld [tilespmem:s19+$0x6620]  }
0x595: {  	[tilespmem:$0x1F750] =	vst v0;
	v0 =	vld [tilespmem:s19+$0x6530]  }
0x596: {  	v57 =	vld [tilespmem:s19+$0x6640]  }
0x597: {  	v58 =	vld [tilespmem:s19+$0x6650]  }
0x598: {  	v30 =	vld [tilespmem:s19+$0x65B0]  }
0x599: {  	s18 =	simm.s32 $0x380;
	v59 =	vld [tilespmem:s19+$0x6600]  }
0x59a: {  	[tilespmem:$0x1F760] =	vst v0;
	v0 =	vld [tilespmem:s18+$0x0]  }
0x59b: {  	v60 =	vld [tilespmem:s19+$0x6610]  }
0x59c: {  	v27 =	vld [tilespmem:s19+$0x6570]  }
0x59d: {  	v41 =	vld [tilespmem:s19+$0x65A0]  }
0x59e: {  	v32 =	vld [tilespmem:s19+$0x6560]  }
0x59f: {  	[tilespmem:$0x1F850] =	vst v0;
	v14 =	vshll.u32 v0, $0x8;
	v0 =	vld [tilespmem:s19+$0x64B0]  }
0x5a0: {  	v61 =	vld [tilespmem:s19+$0x6580];
	v42 =	vshra.s32 v14, $0x2  }
0x5a1: {  	v62 =	vld [tilespmem:s19+$0x6590];
	(v2sf) =	vpush v42, $0xE  }
0x5a2: {  	v1 =	vld [tilespmem:s19+$0x64F0]  }
0x5a3: {  	v63 =	vld [tilespmem:s19+$0x6540]  }
0x5a4: {  	[tilespmem:$0x1F6C0] =	vst v0;
	v0 =	vld [tilespmem:s19+$0x6500]  }
0x5a5: {  	v26 =	vld [tilespmem:s19+$0x6550];
	(v2sf) =	vpush v42, $0xD  }
0x5a6: {  	v37 =	vld [tilespmem:s19+$0x64E0];
	(v2sf) =	vpush v42, $0xC  }
0x5a7: {  	v33 =	vld [tilespmem:s19+$0x64A0]  }
0x5a8: {  	v24 =	vld [tilespmem:s19+$0x64C0]  }
0x5a9: {  	[tilespmem:$0x1F700] =	vst v0;
	v0 =	vld [tilespmem:s19+$0x6510]  }
0x5aa: {  	v25 =	vld [tilespmem:s19+$0x64D0];
	(v2sf) =	vpush v42, $0xB  }
0x5ab: {  	v46 =	vld [tilespmem:s19+$0x6480]  }
0x5ac: {  	v47 =	vld [tilespmem:s19+$0x6490];
	(v2sf) =	vpush v42, $0x9  }
0x5ad: {  	v34 =	vld [tilespmem:s19+$0x6440]  }
0x5ae: {  	[tilespmem:$0x1F710] =	vst v0;
	v0 =	vld [tilespmem:s19+$0x6430]  }
0x5af: {  	v35 =	vld [tilespmem:s19+$0x6450]  }
0x5b0: {  	[tilespmem:$0x1F6B0] =	vst v1;
	v1 =	vld [tilespmem:s19+$0x6520];
	s20 =	spop (v2sf)  }
0x5b1: {  	v14 =	vld [tilespmem:s20+$0x8630]  }
0x5b2: {  	v10 =	vld [tilespmem:s20+$0x8620]  }
0x5b3: {  	[tilespmem:$0x1F6E0] =	vst v0;
	v0 =	vld [tilespmem:s19+$0x6470]  }
0x5b4: {  	(v2sf) =	vpush v42, $0x8;
	s16 =	spop (v2sf);
	v5 =	vld [tilespmem:s20+$0x8600]  }
0x5b5: {  	[tilespmem:$0x1F730] =	vst v1;
	s21 =	spop (v2sf);
	v1 =	vld [tilespmem:s16+$0x8600]  }
0x5b6: {  	v17 =	vld [tilespmem:s21+$0x8630]  }
0x5b7: {  	(v2sf) =	vpush v42, $0x6;
	v11 =	vld [tilespmem:s21+$0x8620]  }
0x5b8: {  	(v2sf) =	vpush v42, $0xA;
	[tilespmem:$0x1F720] =	vst v0;
	v0 =	vld [tilespmem:s19+$0x6420]  }
0x5b9: {  	s22 =	spop (v2sf);
	(v2sf) =	vpush v42, $0x5;
	v2 =	vld [tilespmem:s21+$0x8610]  }
0x5ba: {  	v19 =	vld [tilespmem:s22+$0x8630];
	(v2sf) =	vpush v42, $0x3  }
0x5bb: {  	s24 =	spop (v2sf);
	v15 =	vld [tilespmem:s22+$0x8620];
	(v2sf) =	vpush v42, $0x7  }
0x5bc: {  	v7 =	vld [tilespmem:s22+$0x8600]  }
0x5bd: {  	[tilespmem:$0x1F6D0] =	vst v0;
	v0 =	vld [tilespmem:s19+$0x6460]  }
0x5be: {  	v6 =	vld [tilespmem:s22+$0x8610]  }
0x5bf: {  	v18 =	vld [tilespmem:s24+$0x8630]  }
0x5c0: {  	v12 =	vld [tilespmem:s24+$0x8620]  }
0x5c1: {  	v3 =	vld [tilespmem:s24+$0x8600]  }
0x5c2: {  	[tilespmem:$0x1F6F0] =	vst v0;
	v0 =	vld [tilespmem:s16+$0x8630]  }
0x5c3: {  	s25 =	spop (v2sf);
	v4 =	vld [tilespmem:s24+$0x8610]  }
0x5c4: {  	v21 =	vld [tilespmem:s25+$0x8630]  }
0x5c5: {  	v9 =	vld [tilespmem:s25+$0x8600]  }
0x5c6: {  	(v2sf) =	vpush v42, $0x2;
	[tilespmem:$0x1F7D0] =	vst v1;
	v1 =	vld [tilespmem:s21+$0x8600];
	s23 =	spop (v2sf)  }
0x5c7: {  	[tilespmem:$0x1F820] =	vst v0;
	v0 =	vld [tilespmem:s20+$0x8610];
	s20 =	spop (v2sf)  }
0x5c8: {  	v8 =	vld [tilespmem:s25+$0x8610];
	v5 =	vmul.f32 v5, v49;
	s22 =	spop (v2sf)  }
0x5c9: {  	v13 =	vld [tilespmem:s25+$0x8620];
	v2 =	vmul.f32 v2, v53;
	v11 =	vmul.f32 v11, v51;
	(v2sf) =	vpush v42, $0x0;
	s24 =	spop (v2sf)  }
0x5ca: {  	v6 =	vmul.f32 v6, v55;
	v15 =	vmul.f32 v15, v44;
	v20 =	vld [tilespmem:s23+$0x8630];
	s18 =	spop (v2sf);
	(v2sf) =	vpush v42, $0x1  }
0x5cb: {  	v3 =	vmul.f32 v3, v57;
	v4 =	vmul.f32 v4, v58;
	v16 =	vld [tilespmem:s23+$0x8620]  }
0x5cc: {  	v9 =	vmul.f32 v9, v59;
	v1 =	vmul.f32 v1, v52;
	v53 =	vld [tilespmem:s23+$0x8610]  }
0x5cd: {  	v8 =	vmul.f32 v8, v60;
	v22 =	vld [tilespmem:s22+$0x8630];
	v0 =	vmul.f32 v0, v50  }
0x5ce: {  	v3 =	vadd.f32 v4, v3;
	v4 =	vmul.f32 v12, v56;
	v1 =	vadd.f32 v2, v1;
	v49 =	vld [tilespmem:s22+$0x8620]  }
0x5cf: {  	v2 =	vmul.f32 v7, v54;
	v7 =	vld [tilespmem:s22+$0x8600];
	v0 =	vadd.f32 v0, v5;
	v5 =	vmul.f32 v10, v48  }
0x5d0: {  	v8 =	vadd.f32 v8, v9;
	v9 =	vmul.f32 v13, v43;
	v3 =	vadd.f32 v4, v3;
	v10 =	vld [tilespmem:s23+$0x8600]  }
0x5d1: {  	v2 =	vadd.f32 v6, v2;
	v23 =	vld [tilespmem:s24+$0x8630];
	v0 =	vadd.f32 v5, v0;
	v5 =	vmul.f32 v14, v45  }
0x5d2: {  	v8 =	vadd.f32 v9, v8;
	v1 =	vadd.f32 v11, v1;
	v11 =	vmul.f32 v17, v38;
	v12 =	vld [tilespmem:s24+$0x8600]  }
0x5d3: {  	v2 =	vadd.f32 v15, v2;
	v15 =	vmul.f32 v19, v31;
	v0 =	vadd.f32 v5, v0;
	v5 =	vld [tilespmem:s22+$0x8610]  }
0x5d4: {  	v9 =	vmul.f32 v21, v29;
	v17 =	vmul.f32 v18, v36;
	v1 =	vadd.f32 v11, v1;
	v11 =	vld [tilespmem:s24+$0x8610]  }
0x5d5: {  	v2 =	vadd.f32 v15, v2;
	v15 =	vmul.f32 v53, v62;
	v4 =	vld [tilespmem:s24+$0x8620];
	s25 =	spop (v2sf);
	v10 =	vmul.f32 v10, v61  }
0x5d6: {  	v8 =	vadd.f32 v9, v8;
	v3 =	vadd.f32 v17, v3;
	v13 =	vld [tilespmem:s25+$0x8600]  }
0x5d7: {  	v9 =	vmul.f32 v20, v30;
	v18 =	vld [tilespmem:s25+$0x8610];
	v10 =	vadd.f32 v15, v10;
	v15 =	vmul.f32 v16, v41  }
0x5d8: {  	(v2sf) =	vpush v42, $0x4;
	v17 =	vld [tilespmem:s25+$0x8620];
	v7 =	vmul.f32 v7, v63;
	s23 =	spop (v2sf);
	v5 =	vmul.f32 v5, v26  }
0x5d9: {  	v12 =	vmul.f32 v12, v24;
	v11 =	vmul.f32 v11, v25;
	v14 =	vld [tilespmem:s25+$0x8630];
	v10 =	vadd.f32 v15, v10;
	s24 =	spop (v2sf)  }
0x5da: {  	(xrf2) =	vadd.scan.msk.f32 $0xffff, v0;
	v5 =	vadd.f32 v5, v7;
	v7 =	vmul.f32 v49, v32;
	v20 =	vld [tilespmem:s24+$0x8600]  }
0x5db: {  	v21 =	vmul.f32 v22, v27;
	v11 =	vadd.f32 v11, v12;
	(xrf2) =	vadd.scan.msk.f32 $0xffff, v1;
	v9 =	vadd.f32 v9, v10;
	v12 =	vld [tilespmem:s24+$0x8610]  }
0x5dc: {  	(xrf2) =	vadd.scan.msk.f32 $0xffff, v2;
	v10 =	vld [tilespmem:$0x1F6B0];
	v5 =	vadd.f32 v7, v5;
	v7 =	vmul.f32 v13, v46;
	v13 =	vmul.f32 v18, v47  }
0x5dd: {  	(xrf2) =	vadd.scan.msk.f32 $0xffff, v3;
	v3 =	vld [tilespmem:$0x1F6C0]  }
0x5de: {  	v39 =	vld [tilespmem:s19+$0x6400];
	v0 =	vadd.f32 v21, v5;
	v5 =	vadd.f32 v13, v7;
	v7 =	vmul.f32 v17, v33  }
0x5df: {  	v40 =	vld [tilespmem:s19+$0x6410];
	v4 =	vmul.f32 v4, v37  }
0x5e0: {  	v15 =	vld [tilespmem:s23+$0x8620];
	v2 =	vadd.f32 v7, v5;
	v5 =	vmul.f32 v20, v34;
	v7 =	vmul.f32 v12, v35  }
0x5e1: {  	v4 =	vadd.f32 v4, v11;
	v11 =	vld [tilespmem:s24+$0x8620];
	v10 =	vmul.f32 v23, v10  }
0x5e2: {  	(xrf2) =	vadd.scan.msk.f32 $0xffff, v8;
	v3 =	vmul.f32 v14, v3;
	v5 =	vadd.f32 v7, v5;
	v7 =	vld [tilespmem:$0x1F6F0]  }
0x5e3: {  	(xrf2) =	vadd.scan.msk.f32 $0xffff, v9;
	v4 =	vadd.f32 v10, v4;
	v10 =	vld [tilespmem:s24+$0x8630]  }
0x5e4: {  	(xrf2) =	vadd.scan.msk.f32 $0xffff, v0;
	v0 =	vadd.f32 v3, v2;
	v3 =	vld [tilespmem:$0x1F720]  }
0x5e5: {  	v14 =	vld [tilespmem:$0x1F6D0]  }
0x5e6: {  	v50 =	vld [tilespmem:s18+$0x8600]  }
0x5e7: {  	v19 =	vld [tilespmem:s23+$0x8610];
	v7 =	vmul.f32 v11, v7  }
0x5e8: {  	v16 =	vld [tilespmem:s23+$0x8600];
	s25 =	spop (v2sf)  }
0x5e9: {  	v13 =	vld [tilespmem:s25+$0x8610];
	v3 =	vmul.f32 v10, v3;
	v2 =	vadd.f32 v7, v5  }
0x5ea: {  	v14 =	vmul.f32 v15, v14;
	v15 =	vld [tilespmem:s18+$0x8610];
	(xrf2) =	vadd.scan.msk.f32 $0xffff, v4  }
0x5eb: {  	(xrf2) =	vadd.scan.msk.f32 $0xffff, v0;
	v0 =	vadd.f32 v3, v2;
	v2 =	vld [tilespmem:$0x1F740]  }
0x5ec: {  	v3 =	vld [tilespmem:$0x1F750]  }
0x5ed: {  	v11 =	vld [tilespmem:$0x1F710];
	_ =	sdelay $0x2  }
0x5ee: {  	v6 =	vld [tilespmem:s23+$0x8630];
	v1 =	vmul.f32 v16, v39  }
0x5ef: {  	v8 =	vld [tilespmem:$0x1F6E0];
	v2 =	vmul.f32 v50, v2;
	v3 =	vmul.f32 v15, v3  }
0x5f0: {  	v16 =	vmul.f32 v19, v40;
	v11 =	vmul.f32 v13, v11;
	v13 =	vld [tilespmem:s18+$0x8620]  }
0x5f1: {  	v2 =	vadd.f32 v3, v2;
	v3 =	vld [tilespmem:$0x1F770]  }
0x5f2: {  	v1 =	vadd.f32 v16, v1  }
0x5f3: {  	v18 =	vld [tilespmem:s25+$0x8600]  }
0x5f4: {  	v9 =	vld [tilespmem:$0x1F700];
	v6 =	vmul.f32 v6, v8;
	v1 =	vadd.f32 v14, v1  }
0x5f5: {  	v12 =	vld [tilespmem:s25+$0x8620]  }
0x5f6: {  	v1 =	vadd.f32 v6, v1;
	v6 =	vld [tilespmem:$0x1F730];
	v3 =	vmul.f32 v13, v3  }
0x5f7: {  	v7 =	vld [tilespmem:s18+$0x8630]  }
0x5f8: {  	v2 =	vadd.f32 v3, v2;
	v3 =	vld [tilespmem:$0x1F7A0];
	_ =	sdelay $0x1  }
0x5f9: {  	v9 =	vmul.f32 v18, v9;
	_ =	sdelay $0x1  }
0x5fa: {  	v8 =	vld [tilespmem:s25+$0x8630];
	v6 =	vmul.f32 v12, v6;
	v4 =	vadd.f32 v11, v9  }
0x5fb: {  	v14 =	vld [tilespmem:$0x1F7D0];
	v3 =	vmul.f32 v7, v3  }
0x5fc: {  	(xrf2) =	vadd.scan.msk.f32 $0xffff, v1;
	v1 =	vadd.f32 v6, v4;
	v4 =	vld [tilespmem:$0x1F760]  }
0x5fd: {  	v2 =	vadd.f32 v3, v2;
	v3 =	vld [tilespmem:$0x1F7C0]  }
0x5fe: {  	v28 =	vld [tilespmem:s20+$0x8600]  }
0x5ff: {  	(v2sf) =	vpush v42, $0xF;
	v5 =	vld [tilespmem:s20+$0x8610]  }
0x600: {  	v11 =	vld [tilespmem:$0x1F790]  }
0x601: {  	v6 =	vld [tilespmem:s16+$0x8610];
	v4 =	vmul.f32 v8, v4  }
0x602: {  	v3 =	vmul.f32 v14, v3;
	v14 =	vld [tilespmem:$0x1F7E0]  }
0x603: {  	v1 =	vadd.f32 v4, v1;
	v4 =	vld [tilespmem:$0x1F780];
	_ =	sdelay $0x3  }
0x604: {  	v9 =	vld [tilespmem:s20+$0x8620];
	v6 =	vmul.f32 v6, v14  }
0x605: {  	v5 =	vmul.f32 v5, v11;
	v11 =	vld [tilespmem:s16+$0x8620];
	v4 =	vmul.f32 v28, v4  }
0x606: {  	v3 =	vadd.f32 v6, v3;
	v6 =	vld [tilespmem:$0x1F800]  }
0x607: {  	v4 =	vadd.f32 v5, v4;
	v5 =	vld [tilespmem:$0x1F7B0];
	_ =	sdelay $0x3  }
0x608: {  	s7 =	spop (v2sf);
	v10 =	vld [tilespmem:s20+$0x8630];
	v6 =	vmul.f32 v11, v6  }
0x609: {  	v7 =	vld [tilespmem:s7+$0x8600];
	v5 =	vmul.f32 v9, v5  }
0x60a: {  	v3 =	vadd.f32 v6, v3;
	v6 =	vld [tilespmem:$0x1F830]  }
0x60b: {  	v4 =	vadd.f32 v5, v4;
	v5 =	vld [tilespmem:$0x1F7F0]  }
0x60c: {  	v8, _, _ =	vpop (xrf2);
	(xrf2) =	vadd.scan.msk.f32 $0xffff, v0  }
0x60d: {  	v0, _, _ =	vpop (xrf2)  }
0x60e: {  	v12, _, _ =	vpop (xrf2);
	v9 =	vld [tilespmem:s7+$0x8610]  }
0x60f: {  	v13, _, _ =	vpop (xrf2);
	v6 =	vmul.f32 v7, v6;
	v7 =	vld [tilespmem:$0x1F840]  }
0x610: {  	(xrf2) =	vadd.scan.msk.f32 $0xffff, v1;
	v1, _, _ =	vpop (xrf2);
	v5 =	vmul.f32 v10, v5  }
0x611: {  	v17 =	vld [tilespmem:$0x1F820];
	v15, _, _ =	vpop (xrf2)  }
0x612: {  	v16, _, _ =	vpop (xrf2);
	v4 =	vadd.f32 v5, v4;
	v5 =	vld [tilespmem:$0x1F810]  }
0x613: {  	(xrf2) =	vadd.scan.msk.f32 $0xffff, v2;
	v2, _, _ =	vpop (xrf2)  }
0x614: {  	v18, _, _ =	vpop (xrf2);
	v7 =	vmul.f32 v9, v7  }
0x615: {  	v14 =	vld [tilespmem:s19+$0x67E0];
	v9, _, _ =	vpop (xrf2)  }
0x616: {  	v10 =	vld [tilespmem:s7+$0x8620];
	(xrf2) =	vadd.scan.msk.f32 $0xffff, v4;
	v4 =	vadd.f32 v7, v6;
	v6, _, _ =	vpop (xrf2)  }
0x617: {  	v11 =	vld [tilespmem:s19+$0x67F0];
	v5 =	vmul.f32 v17, v5;
	v6 =	vbroadcast v6, $0xF  }
0x618: {  	v17 =	vld [tilespmem:s7+$0x8630]  }
0x619: {  	v3 =	vadd.f32 v5, v3;
	v7 =	vbroadcast v9, $0xF;
	_ =	sdelay $0x1  }
0x61a: {  	v5 =	vmul.f32 v10, v14;
	v9 =	vbroadcast v18, $0xF;
	(xrf2) =	vadd.scan.msk.f32 $0xffff, v3;
	v3 =	vsel vm0, v7, v6;
	v6, _, _ =	vpop (xrf2)  }
0x61b: {  	v2 =	vbroadcast v2, $0xF;
	v6 =	vbroadcast v6, $0xF  }
0x61c: {  	v4 =	vadd.f32 v5, v4;
	v5 =	vmul.f32 v17, v11;
	v3 =	vsel vm1, v3, v9  }
0x61d: {  	v2 =	vsel vm2, v3, v2;
	v3 =	vbroadcast v16, $0xF  }
0x61e: {  	v4 =	vadd.f32 v5, v4;
	v5 =	vbroadcast v15, $0xF;
	v2 =	vsel vm3, v2, v6  }
0x61f: {  	v2 =	vsel vm4, v2, v3;
	v6, _, _ =	vpop (xrf2)  }
0x620: {  	v2 =	vsel vm5, v2, v5;
	v5 =	vld [tilespmem:$0x1F850];
	v3 =	vbroadcast v6, $0xF  }
0x621: {  	v1 =	vbroadcast v1, $0xF;
	(xrf2) =	vadd.scan.msk.f32 $0xffff, v4  }
0x622: {  	v4, _, _ =	vpop (xrf2);
	v2 =	vsel vm6, v2, v3;
	v3 =	vbroadcast v13, $0xF  }
0x623: {  	v1 =	vsel vm7, v2, v1;
	v2 =	vbroadcast v4, $0xF  }
0x624: {  	v1 =	vsel vm8, v1, v3;
	v3 =	vbroadcast v12, $0xF  }
0x625: {  	v0 =	vbroadcast v0, $0xF;
	v5 =	vshll.u32 v5, $0x3;
	v1 =	vsel vm9, v1, v2  }
0x626: {  	v1 =	vsel vm10, v1, v3  }
0x627: {  	s19 =	simm.s32 $0x8580;
	v2, _, _ =	vpop (xrf2);
	v0 =	vsel vm11, v1, v0;
	v1 =	vbroadcast v8, $0xF  }
0x628: {  	v3 =	vld [tilespmem:s19+$0x0];
	v2 =	vbroadcast v2, $0xF;
	_ =	sdelay $0x1  }
0x629: {  	v4 =	vld.idx.msk [tilespmem:v5+s26+$0x0], $0xffff;
	v0 =	vsel vm12, v0, v2  }
0x62a: {  	v0 =	vsel vm13, v0, v1;
	v1, _, _ =	vpop (xrf2)  }
0x62b: {  	v0 =	vsel vm14, v0, v1;
	v1 =	vld [tilespmem:$0x1FEA0]  }
0x62c: {  	v0 =	vadd.f32 v0, v3;
	_ =	sdelay $0x1  }
0x62d: {  	v0 =	vadd.f32 v0, v4;
	_ =	sdelay $0x1  }
0x62e: {  	v0 =	vadd.f32 v0, v1  }
0x62f: {  	s20 =	simm.s32 $0xB250  }
0x630: {  	s22 =	simm.s32 $0x400;
	[tilespmem:s20+$0x0] =	vst v0  }
0x631: {  	v1 =	vld [tilespmem:s22+$0x66A0]  }
0x632: {  	v43 =	vld [tilespmem:s22+$0x67B0]  }
0x633: {  	v0 =	vld [tilespmem:s22+$0x67C0]  }
0x634: {  	v20 =	vld [tilespmem:s22+$0x67A0]  }
0x635: {  	v35 =	vld [tilespmem:s22+$0x6730]  }
0x636: {  	[tilespmem:$0x1F8D0] =	vst v1;
	v1 =	vld [tilespmem:s22+$0x6680]  }
0x637: {  	v2 =	vld [tilespmem:s22+$0x6780]  }
0x638: {  	v6 =	vld [tilespmem:s22+$0x6790]  }
0x639: {  	v31 =	vld [tilespmem:s22+$0x66F0]  }
0x63a: {  	v52 =	vld [tilespmem:s22+$0x6720]  }
0x63b: {  	[tilespmem:$0x1F8E0] =	vst v1;
	v1 =	vld [tilespmem:s22+$0x6690]  }
0x63c: {  	v46 =	vld [tilespmem:s22+$0x66E0]  }
0x63d: {  	v63 =	vld [tilespmem:s22+$0x6700]  }
0x63e: {  	v32 =	vld [tilespmem:s22+$0x6670]  }
0x63f: {  	v59 =	vld [tilespmem:s22+$0x66C0]  }
0x640: {  	[tilespmem:$0x1F8F0] =	vst v1;
	v1 =	vld [tilespmem:s22+$0x65F0]  }
0x641: {  	v60 =	vld [tilespmem:s22+$0x66D0]  }
0x642: {  	v28 =	vld [tilespmem:s22+$0x6630]  }
0x643: {  	v47 =	vld [tilespmem:s22+$0x6660]  }
0x644: {  	v42 =	vld [tilespmem:s22+$0x6620]  }
0x645: {  	[tilespmem:$0x1F900] =	vst v1;
	v1 =	vld [tilespmem:s22+$0x65E0]  }
0x646: {  	v61 =	vld [tilespmem:s22+$0x6640]  }
0x647: {  	v62 =	vld [tilespmem:s22+$0x6650]  }
0x648: {  	v30 =	vld [tilespmem:s22+$0x65B0]  }
0x649: {  	v54 =	vld [tilespmem:s22+$0x6600]  }
0x64a: {  	[tilespmem:$0x1F910] =	vst v1;
	v1 =	vld [tilespmem:s22+$0x65C0]  }
0x64b: {  	v55 =	vld [tilespmem:s22+$0x6610]  }
0x64c: {  	v26 =	vld [tilespmem:s22+$0x6570]  }
0x64d: {  	v41 =	vld [tilespmem:s22+$0x65A0]  }
0x64e: {  	v33 =	vld [tilespmem:s22+$0x6560]  }
0x64f: {  	[tilespmem:$0x1F920] =	vst v1;
	v1 =	vld [tilespmem:s22+$0x65D0]  }
0x650: {  	v53 =	vld [tilespmem:s22+$0x6580]  }
0x651: {  	[tilespmem:$0x1F860] =	vst v0;
	v0 =	vld [tilespmem:s22+$0x67D0]  }
0x652: {  	v56 =	vld [tilespmem:s22+$0x6590]  }
0x653: {  	v27 =	vld [tilespmem:s22+$0x64F0]  }
0x654: {  	[tilespmem:$0x1F930] =	vst v1;
	v1 =	vld [tilespmem:s22+$0x6530]  }
0x655: {  	v3 =	vld [tilespmem:s22+$0x6520]  }
0x656: {  	[tilespmem:$0x1F870] =	vst v0;
	v0 =	vld [tilespmem:s22+$0x6770]  }
0x657: {  	v48 =	vld [tilespmem:s22+$0x6540]  }
0x658: {  	s23 =	simm.s32 $0x390;
	v51 =	vld [tilespmem:s22+$0x6550]  }
0x659: {  	[tilespmem:$0x1F940] =	vst v1;
	v1 =	vld [tilespmem:s23+$0x0]  }
0x65a: {  	v24 =	vld [tilespmem:s22+$0x64B0]  }
0x65b: {  	[tilespmem:$0x1F880] =	vst v0;
	v0 =	vld [tilespmem:s22+$0x6760]  }
0x65c: {  	v40 =	vld [tilespmem:s22+$0x64E0]  }
0x65d: {  	v23 =	vld [tilespmem:s22+$0x6430]  }
0x65e: {  	v34 =	vld [tilespmem:s22+$0x64A0];
	[tilespmem:$0x1F950] =	vst v3;
	v3 =	vshll.u32 v1, $0x8  }
0x65f: {  	v57 =	vld [tilespmem:s22+$0x64C0];
	v38 =	vshra.s32 v3, $0x2  }
0x660: {  	[tilespmem:$0x1F890] =	vst v0;
	v0 =	vld [tilespmem:s22+$0x6740];
	(v2sf) =	vpush v38, $0xE  }
0x661: {  	v58 =	vld [tilespmem:s22+$0x64D0]  }
0x662: {  	v29 =	vld [tilespmem:s22+$0x6420]  }
0x663: {  	v25 =	vld [tilespmem:s22+$0x6460];
	(v2sf) =	vpush v38, $0xD  }
0x664: {  	[tilespmem:$0x1F960] =	vst v1;
	v1 =	vld [tilespmem:s22+$0x6500]  }
0x665: {  	[tilespmem:$0x1F8A0] =	vst v0;
	v0 =	vld [tilespmem:s22+$0x6750];
	(v2sf) =	vpush v38, $0xC  }
0x666: {  	v49 =	vld [tilespmem:s22+$0x6480]  }
0x667: {  	v50 =	vld [tilespmem:s22+$0x6490];
	(v2sf) =	vpush v38, $0xB  }
0x668: {  	v44 =	vld [tilespmem:s22+$0x6400]  }
0x669: {  	[tilespmem:$0x1F970] =	vst v1;
	v1 =	vld [tilespmem:s22+$0x6510]  }
0x66a: {  	[tilespmem:$0x1F8B0] =	vst v0;
	v0 =	vld [tilespmem:s22+$0x66B0]  }
0x66b: {  	v45 =	vld [tilespmem:s22+$0x6410]  }
0x66c: {  	v36 =	vld [tilespmem:s22+$0x6440]  }
0x66d: {  	v39 =	vld [tilespmem:s22+$0x6450];
	(v2sf) =	vpush v38, $0x9  }
0x66e: {  	[tilespmem:$0x1F980] =	vst v1;
	v1 =	vld [tilespmem:s22+$0x6470]  }
0x66f: {  	[tilespmem:$0x1F8C0] =	vst v0;
	v0 =	vld [tilespmem:s22+$0x6710];
	s16 =	spop (v2sf)  }
0x670: {  	v12 =	vld [tilespmem:s16+$0x8630]  }
0x671: {  	v7 =	vld [tilespmem:s16+$0x8600]  }
0x672: {  	(v2sf) =	vpush v38, $0x8;
	s25 =	spop (v2sf);
	v18 =	vld [tilespmem:s16+$0x8610]  }
0x673: {  	[tilespmem:$0x1F990] =	vst v1;
	v1 =	vld [tilespmem:s25+$0x8630]  }
0x674: {  	(v2sf) =	vpush v38, $0x6;
	s21 =	spop (v2sf);
	v22 =	vld [tilespmem:s25+$0x8600]  }
0x675: {  	(v2sf) =	vpush v38, $0xA;
	v10 =	vld [tilespmem:s21+$0x8630]  }
0x676: {  	s18 =	spop (v2sf);
	v14 =	vld [tilespmem:s21+$0x8620];
	(v2sf) =	vpush v38, $0x5  }
0x677: {  	v17 =	vld [tilespmem:s21+$0x8600]  }
0x678: {  	v19 =	vld [tilespmem:s21+$0x8610]  }
0x679: {  	v9 =	vld [tilespmem:s18+$0x8630]  }
0x67a: {  	v13 =	vld [tilespmem:s18+$0x8620]  }
0x67b: {  	v15 =	vld [tilespmem:s18+$0x8600]  }
0x67c: {  	s24 =	spop (v2sf);
	v16 =	vld [tilespmem:s18+$0x8610]  }
0x67d: {  	v8 =	vld [tilespmem:s24+$0x8630]  }
0x67e: {  	v5 =	vld [tilespmem:s24+$0x8620]  }
0x67f: {  	v2 =	vmul.f32 v7, v2;
	v7 =	vld [tilespmem:s24+$0x8600]  }
0x680: {  	v6 =	vmul.f32 v18, v6;
	v18 =	vld [tilespmem:s24+$0x8610]  }
0x681: {  	[tilespmem:$0x1F9A0] =	vst v1;
	v1 =	vld [tilespmem:s16+$0x8620];
	s16 =	spop (v2sf)  }
0x682: {  	v4 =	vld [tilespmem:s16+$0x8630]  }
0x683: {  	(v2sf) =	vpush v38, $0x3;
	v11 =	vld [tilespmem:s16+$0x8620];
	s21 =	spop (v2sf)  }
0x684: {  	v3 =	vld [tilespmem:s21+$0x8630];
	s28 =	spop (v2sf);
	(v2sf) =	vpush v38, $0x7  }
0x685: {  	v37 =	vld [tilespmem:s28+$0x8600];
	(v2sf) =	vpush v38, $0x2;
	s18 =	spop (v2sf)  }
0x686: {  	s24 =	simm.s32 $0x2000;
	v6 =	vadd.f32 v6, v2;
	v1 =	vmul.f32 v1, v20;
	(v2sf) =	vpush v38, $0x0;
	v2 =	vld [tilespmem:s18+$0x8630]  }
.LBB2_8:
0x687: {  	_ =	sdelay $0x8  }
0x688: {  	v17 =	vmul.f32 v17, v63;
	v0 =	vmul.f32 v19, v0  }
0x689: {  	v1 =	vadd.f32 v1, v6;
	v6 =	vmul.f32 v12, v43  }
0x68a: {  	v19 =	vld [tilespmem:s16+$0x8600];
	v14 =	vmul.f32 v14, v52;
	v15 =	vmul.f32 v15, v59;
	v0 =	vadd.f32 v0, v17;
	s5 =	spop (v2sf)  }
0x68b: {  	v12 =	vld [tilespmem:s16+$0x8610];
	v16 =	vmul.f32 v16, v60;
	v1 =	vadd.f32 v6, v1;
	s16 =	spop (v2sf);
	(v2sf) =	vpush v38, $0x1  }
0x68c: {  	v20 =	vld [tilespmem:s21+$0x8620];
	v10 =	vmul.f32 v10, v35;
	v0 =	vadd.f32 v14, v0  }
0x68d: {  	v13 =	vmul.f32 v13, v46;
	v14 =	vadd.f32 v16, v15;
	(xrf2) =	vadd.scan.msk.f32 $0xffff, v1;
	v1 =	vld [tilespmem:s21+$0x8600]  }
0x68e: {  	v7 =	vmul.f32 v7, v61;
	v15 =	vmul.f32 v18, v62;
	v0 =	vadd.f32 v10, v0;
	v10 =	vld [tilespmem:s21+$0x8610]  }
0x68f: {  	v63 =	vld [tilespmem:s18+$0x8620];
	v9 =	vmul.f32 v9, v31;
	v5 =	vmul.f32 v5, v47;
	v13 =	vadd.f32 v13, v14  }
0x690: {  	v12 =	vmul.f32 v12, v55;
	v7 =	vadd.f32 v15, v7;
	v15 =	vmul.f32 v19, v54;
	(xrf2) =	vadd.scan.msk.f32 $0xffff, v0;
	v0 =	vld [tilespmem:s18+$0x8600]  }
0x691: {  	v11 =	vmul.f32 v11, v42;
	v9 =	vadd.f32 v9, v13;
	v13 =	vld [tilespmem:s18+$0x8610]  }
0x692: {  	v17 =	vld [tilespmem:s5+$0x8630];
	v5 =	vadd.f32 v5, v7;
	v7 =	vmul.f32 v8, v32;
	v12 =	vadd.f32 v12, v15  }
0x693: {  	s7 =	spop (v2sf);
	(v2sf) =	vpush v38, $0x4;
	v1 =	vmul.f32 v1, v53;
	(xrf2) =	vadd.scan.msk.f32 $0xffff, v9;
	v9 =	vld [tilespmem:s5+$0x8600];
	v10 =	vmul.f32 v10, v56  }
0x694: {  	v4 =	vmul.f32 v4, v28;
	v5 =	vadd.f32 v7, v5;
	v7 =	vld [tilespmem:s5+$0x8610]  }
0x695: {  	v11 =	vadd.f32 v11, v12;
	v12 =	vld [tilespmem:s5+$0x8620];
	v1 =	vadd.f32 v10, v1;
	v10 =	vmul.f32 v20, v41  }
0x696: {  	(xrf2) =	vadd.scan.msk.f32 $0xffff, v5;
	v5 =	vld [tilespmem:s7+$0x8600];
	v15 =	vmul.f32 v0, v48;
	v13 =	vmul.f32 v13, v51  }
0x697: {  	v3 =	vmul.f32 v3, v30;
	v4 =	vadd.f32 v4, v11;
	v11 =	vld [tilespmem:s7+$0x8610];
	v16 =	vadd.f32 v10, v1  }
0x698: {  	s21 =	spop (v2sf);
	v10 =	vld [tilespmem:s7+$0x8620];
	v13 =	vadd.f32 v13, v15;
	v15 =	vmul.f32 v63, v33  }
0x699: {  	v9 =	vmul.f32 v9, v57;
	v7 =	vmul.f32 v7, v58;
	v3 =	vadd.f32 v3, v16;
	v16 =	vld [tilespmem:s21+$0x8610]  }
0x69a: {  	v18 =	vmul.f32 v2, v26;
	v14 =	vld [tilespmem:s7+$0x8630];
	v0, _, _ =	vpop (xrf2);
	(xrf2) =	vadd.scan.msk.f32 $0xffff, v4;
	v13 =	vadd.f32 v15, v13;
	s18 =	spop (v2sf)  }
0x69b: {  	v7 =	vadd.f32 v7, v9;
	v9 =	vmul.f32 v12, v40;
	v12 =	vld [tilespmem:s18+$0x8600]  }
0x69c: {  	v19 =	vmul.f32 v5, v49;
	v5 =	vmul.f32 v11, v50;
	v11 =	vadd.f32 v18, v13;
	v13 =	vld [tilespmem:s18+$0x8610]  }
0x69d: {  	v1, _, _ =	vpop (xrf2);
	(xrf2) =	vadd.scan.msk.f32 $0xffff, v3;
	v7 =	vadd.f32 v9, v7;
	v9 =	vmul.f32 v17, v27  }
0x69e: {  	v5 =	vadd.f32 v5, v19;
	v2, _, _ =	vpop (xrf2);
	v10 =	vmul.f32 v10, v34;
	(xrf2) =	vadd.scan.msk.f32 $0xffff, v11;
	v11 =	vmul.f32 v16, v45;
	v16 =	vld [tilespmem:s18+$0x8620]  }
0x69f: {  	v4 =	vld [tilespmem:s21+$0x8600];
	v7 =	vadd.f32 v9, v7  }
0x6a0: {  	v8 =	vld [tilespmem:s21+$0x8630];
	v9 =	vmul.f32 v14, v24;
	v5 =	vadd.f32 v10, v5  }
0x6a1: {  	v15 =	vld [tilespmem:s21+$0x8620];
	v3, _, _ =	vpop (xrf2);
	(xrf2) =	vadd.scan.msk.f32 $0xffff, v7;
	v7 =	vmul.f32 v12, v36;
	v12 =	vmul.f32 v13, v39  }
0x6a2: {  	s21 =	spop (v2sf);
	v14 =	vld [tilespmem:s18+$0x8630];
	v5 =	vadd.f32 v9, v5  }
0x6a3: {  	v17 =	vld [tilespmem:s21+$0x8600];
	v7 =	vadd.f32 v12, v7;
	v12 =	vmul.f32 v16, v25  }
0x6a4: {  	v4 =	vmul.f32 v4, v44;
	v13, _, _ =	vpop (xrf2);
	(xrf2) =	vadd.scan.msk.f32 $0xffff, v5;
	v5 =	vld [tilespmem:$0x1F970]  }
0x6a5: {  	v7 =	vadd.f32 v12, v7;
	v12 =	vld [tilespmem:$0x1F990]  }
0x6a6: {  	v4 =	vadd.f32 v11, v4;
	v11 =	vmul.f32 v15, v29;
	_ =	sdelay $0x1  }
0x6a7: {  	v8 =	vmul.f32 v8, v23;
	v4 =	vadd.f32 v11, v4;
	_ =	sdelay $0x1  }
0x6a8: {  	v6 =	vld [tilespmem:s16+$0x8600];
	v4 =	vadd.f32 v8, v4;
	v5 =	vmul.f32 v17, v5;
	v17 =	vmul.f32 v14, v12  }
0x6a9: {  	v10 =	vld [tilespmem:s21+$0x8610]  }
0x6aa: {  	v16, _, _ =	vpop (xrf2);
	(xrf2) =	vadd.scan.msk.f32 $0xffff, v4;
	v4 =	vadd.f32 v17, v7;
	v7 =	vld [tilespmem:$0x1F920]  }
0x6ab: {  	v8 =	vld [tilespmem:$0x1F980];
	_ =	sdelay $0x2  }
0x6ac: {  	v11 =	vld [tilespmem:s16+$0x8610]  }
0x6ad: {  	v6 =	vmul.f32 v6, v7;
	v7 =	vld [tilespmem:$0x1F930]  }
0x6ae: {  	v8 =	vmul.f32 v10, v8  }
0x6af: {  	v9 =	vld [tilespmem:s21+$0x8620]  }
0x6b0: {  	v5 =	vadd.f32 v8, v5;
	v8 =	vld [tilespmem:$0x1F950];
	_ =	sdelay $0x1  }
0x6b1: {  	v7 =	vmul.f32 v11, v7  }
0x6b2: {  	v10 =	vld [tilespmem:s16+$0x8620]  }
0x6b3: {  	v6 =	vadd.f32 v7, v6;
	v7 =	vld [tilespmem:$0x1F910]  }
0x6b4: {  	v8 =	vmul.f32 v9, v8  }
0x6b5: {  	v15 =	vld [tilespmem:s21+$0x8630]  }
0x6b6: {  	v5 =	vadd.f32 v8, v5;
	v8 =	vld [tilespmem:$0x1F940];
	_ =	sdelay $0x1  }
0x6b7: {  	v7 =	vmul.f32 v10, v7  }
0x6b8: {  	v9 =	vld [tilespmem:s16+$0x8630]  }
0x6b9: {  	v6 =	vadd.f32 v7, v6;
	v7 =	vld [tilespmem:$0x1F900]  }
0x6ba: {  	v8 =	vmul.f32 v15, v8  }
0x6bb: {  	v14 =	vld [tilespmem:s28+$0x8610]  }
0x6bc: {  	v12, _, _ =	vpop (xrf2);
	(xrf2) =	vadd.scan.msk.f32 $0xffff, v4;
	v4 =	vadd.f32 v8, v5;
	v5 =	vld [tilespmem:$0x1F8E0]  }
0x6bd: {  	v8 =	vld [tilespmem:$0x1F8F0]  }
0x6be: {  	(v2sf) =	vpush v38, $0xF;
	v7 =	vmul.f32 v9, v7  }
0x6bf: {  	v15 =	vld [tilespmem:s25+$0x8610]  }
0x6c0: {  	v17, _, _ =	vpop (xrf2);
	(xrf2) =	vadd.scan.msk.f32 $0xffff, v4;
	v4 =	vadd.f32 v7, v6;
	v6 =	vld [tilespmem:$0x1F8A0]  }
0x6c1: {  	v7 =	vld [tilespmem:$0x1F8B0]  }
0x6c2: {  	v5 =	vmul.f32 v37, v5;
	v8 =	vmul.f32 v14, v8  }
0x6c3: {  	v11 =	vld [tilespmem:s28+$0x8620]  }
0x6c4: {  	v5 =	vadd.f32 v8, v5;
	v8 =	vld [tilespmem:$0x1F8D0];
	_ =	sdelay $0x1  }
0x6c5: {  	v6 =	vmul.f32 v22, v6;
	v7 =	vmul.f32 v15, v7  }
0x6c6: {  	v14 =	vld [tilespmem:s25+$0x8620]  }
0x6c7: {  	v6 =	vadd.f32 v7, v6;
	v7 =	vld [tilespmem:$0x1F890]  }
0x6c8: {  	v8 =	vmul.f32 v11, v8  }
0x6c9: {  	v10 =	vld [tilespmem:s28+$0x8630]  }
0x6ca: {  	v5 =	vadd.f32 v8, v5;
	v8 =	vld [tilespmem:$0x1F8C0];
	_ =	sdelay $0x1  }
0x6cb: {  	s7 =	spop (v2sf);
	v7 =	vmul.f32 v14, v7  }
0x6cc: {  	v9 =	vld [tilespmem:s7+$0x8600]  }
0x6cd: {  	v6 =	vadd.f32 v7, v6;
	v7 =	vld [tilespmem:$0x1F860]  }
0x6ce: {  	v8 =	vmul.f32 v10, v8  }
0x6cf: {  	v11 =	vld [tilespmem:s7+$0x8610]  }
0x6d0: {  	v18, _, _ =	vpop (xrf2);
	(xrf2) =	vadd.scan.msk.f32 $0xffff, v4;
	v4 =	vadd.f32 v8, v5;
	v5 =	vld [tilespmem:$0x1F880]  }
0x6d1: {  	v8 =	vld [tilespmem:$0x1F9A0]  }
0x6d2: {  	v20 =	vmul.f32 v9, v7;
	v9 =	vld [tilespmem:$0x1F870]  }
0x6d3: {  	v10 =	vld [tilespmem:s7+$0x8620]  }
0x6d4: {  	v15 =	vld [tilespmem:s22+$0x67E0];
	_ =	sdelay $0x1  }
0x6d5: {  	v5 =	vmul.f32 v8, v5;
	v8 =	vld [tilespmem:s7+$0x8630]  }
0x6d6: {  	v14 =	vld [tilespmem:s22+$0x67F0];
	v9 =	vmul.f32 v11, v9  }
0x6d7: {  	v19, _, _ =	vpop (xrf2)  }
0x6d8: {  	(xrf2) =	vadd.scan.msk.f32 $0xffff, v4;
	v4 =	vadd.f32 v5, v6;
	v6 =	vmul.f32 v10, v15;
	v7, _, _ =	vpop (xrf2);
	v5 =	vadd.f32 v9, v20  }
0x6d9: {  	v7 =	vbroadcast v7, $0xF;
	v9 =	vbroadcast v19, $0xF  }
0x6da: {  	v10 =	vbroadcast v18, $0xF;
	v5 =	vadd.f32 v6, v5  }
0x6db: {  	(xrf2) =	vadd.scan.msk.f32 $0xffff, v4;
	v6 =	vmul.f32 v8, v14;
	v4 =	vsel vm0, v9, v7;
	v7 =	vbroadcast v17, $0xF;
	v8, _, _ =	vpop (xrf2)  }
0x6dc: {  	v4 =	vsel vm1, v4, v10;
	v9 =	vbroadcast v8, $0xF  }
0x6dd: {  	v5 =	vadd.f32 v6, v5;
	v4 =	vsel vm2, v4, v7;
	v6 =	vbroadcast v12, $0xF  }
0x6de: {  	v8, _, _ =	vpop (xrf2);
	v4 =	vsel vm3, v4, v9;
	v9 =	vbroadcast v16, $0xF  }
0x6df: {  	(xrf2) =	vadd.scan.msk.f32 $0xffff, v5;
	v4 =	vsel vm4, v4, v6;
	v5 =	vbroadcast v8, $0xF  }
0x6e0: {  	v4 =	vsel vm5, v4, v9  }
0x6e1: {  	v4 =	vsel vm6, v4, v5;
	v5 =	vld [tilespmem:$0x1F960];
	_ =	sdelay $0x2  }
0x6e2: {  	v6 =	vbroadcast v13, $0xF  }
0x6e3: {  	v3 =	vbroadcast v3, $0xF;
	v7, _, _ =	vpop (xrf2)  }
0x6e4: {  	v8 =	vsel vm7, v4, v6;
	v6 =	vbroadcast v7, $0xF;
	v5 =	vshll.u32 v5, $0x3  }
0x6e5: {  	v2 =	vbroadcast v2, $0xF;
	v3 =	vsel vm8, v8, v3  }
0x6e6: {  	s19 =	sadd.s32 $0x10, s19;
	v1 =	vbroadcast v1, $0xF;
	v3 =	vsel vm9, v3, v6;
	v4, _, _ =	vpop (xrf2)  }
0x6e7: {  	v2 =	vsel vm10, v3, v2;
	v3 =	vbroadcast v4, $0xF;
	v4 =	vld [tilespmem:s19+$0x0]  }
0x6e8: {  	v0 =	vbroadcast v0, $0xF;
	v6 =	vsel vm11, v2, v1  }
0x6e9: {  	v3 =	vsel vm12, v6, v3;
	v2 =	vld.idx.msk [tilespmem:v5+s26+$0x0], $0xffff  }
0x6ea: {  	v0 =	vsel vm13, v3, v0;
	v1, _, _ =	vpop (xrf2)  }
0x6eb: {  	v0 =	vsel vm14, v0, v1;
	v1 =	vld [tilespmem:$0x1FEA0]  }
0x6ec: {  	v0 =	vadd.f32 v0, v4;
	_ =	sdelay $0x1  }
0x6ed: {  	v0 =	vadd.f32 v0, v2;
	_ =	sdelay $0x1  }
0x6ee: {  	v0 =	vadd.f32 v0, v1  }
0x6ef: {  	s20 =	sadd.s32 $0x10, s20  }
0x6f0: {  	s22 =	sshra.s32 s24, $0x2;
	[tilespmem:s20+$0x0] =	vst v0  }
0x6f1: {  	v2 =	vld [tilespmem:s22+$0x66A0]  }
0x6f2: {  	v43 =	vld [tilespmem:s22+$0x67B0]  }
0x6f3: {  	v0 =	vld [tilespmem:s22+$0x67C0]  }
0x6f4: {  	v1 =	vld [tilespmem:s22+$0x67A0]  }
0x6f5: {  	v35 =	vld [tilespmem:s22+$0x6730]  }
0x6f6: {  	[tilespmem:$0x1F8D0] =	vst v2;
	v2 =	vld [tilespmem:s22+$0x6680]  }
0x6f7: {  	v6 =	vld [tilespmem:s22+$0x6780]  }
0x6f8: {  	v7 =	vld [tilespmem:s22+$0x6790]  }
0x6f9: {  	v31 =	vld [tilespmem:s22+$0x66F0]  }
0x6fa: {  	v52 =	vld [tilespmem:s22+$0x6720]  }
0x6fb: {  	[tilespmem:$0x1F8E0] =	vst v2;
	v2 =	vld [tilespmem:s22+$0x6690]  }
0x6fc: {  	v46 =	vld [tilespmem:s22+$0x66E0]  }
0x6fd: {  	v63 =	vld [tilespmem:s22+$0x6700]  }
0x6fe: {  	v32 =	vld [tilespmem:s22+$0x6670]  }
0x6ff: {  	v59 =	vld [tilespmem:s22+$0x66C0]  }
0x700: {  	[tilespmem:$0x1F8F0] =	vst v2;
	v2 =	vld [tilespmem:s22+$0x65F0]  }
0x701: {  	v60 =	vld [tilespmem:s22+$0x66D0]  }
0x702: {  	v28 =	vld [tilespmem:s22+$0x6630]  }
0x703: {  	v47 =	vld [tilespmem:s22+$0x6660]  }
0x704: {  	v42 =	vld [tilespmem:s22+$0x6620]  }
0x705: {  	[tilespmem:$0x1F900] =	vst v2;
	v2 =	vld [tilespmem:s22+$0x65E0]  }
0x706: {  	v61 =	vld [tilespmem:s22+$0x6640]  }
0x707: {  	v62 =	vld [tilespmem:s22+$0x6650]  }
0x708: {  	v30 =	vld [tilespmem:s22+$0x65B0]  }
0x709: {  	v54 =	vld [tilespmem:s22+$0x6600]  }
0x70a: {  	[tilespmem:$0x1F910] =	vst v2;
	v2 =	vld [tilespmem:s22+$0x65C0]  }
0x70b: {  	v55 =	vld [tilespmem:s22+$0x6610]  }
0x70c: {  	v26 =	vld [tilespmem:s22+$0x6570]  }
0x70d: {  	v41 =	vld [tilespmem:s22+$0x65A0]  }
0x70e: {  	v33 =	vld [tilespmem:s22+$0x6560]  }
0x70f: {  	[tilespmem:$0x1F920] =	vst v2;
	v2 =	vld [tilespmem:s22+$0x65D0]  }
0x710: {  	[tilespmem:$0x1F860] =	vst v0;
	v0 =	vld [tilespmem:s22+$0x67D0]  }
0x711: {  	v53 =	vld [tilespmem:s22+$0x6580]  }
0x712: {  	v56 =	vld [tilespmem:s22+$0x6590]  }
0x713: {  	v27 =	vld [tilespmem:s22+$0x64F0]  }
0x714: {  	[tilespmem:$0x1F930] =	vst v2;
	v2 =	vld [tilespmem:s22+$0x6530]  }
0x715: {  	[tilespmem:$0x1F870] =	vst v0;
	v0 =	vld [tilespmem:s22+$0x6770]  }
0x716: {  	v3 =	vld [tilespmem:s22+$0x6520]  }
0x717: {  	v48 =	vld [tilespmem:s22+$0x6540]  }
0x718: {  	s23 =	sadd.s32 $0x10, s23;
	v51 =	vld [tilespmem:s22+$0x6550]  }
0x719: {  	[tilespmem:$0x1F940] =	vst v2;
	v2 =	vld [tilespmem:s23+$0x0]  }
0x71a: {  	[tilespmem:$0x1F880] =	vst v0;
	v0 =	vld [tilespmem:s22+$0x6760]  }
0x71b: {  	v24 =	vld [tilespmem:s22+$0x64B0]  }
0x71c: {  	v40 =	vld [tilespmem:s22+$0x64E0]  }
0x71d: {  	v23 =	vld [tilespmem:s22+$0x6430]  }
0x71e: {  	v34 =	vld [tilespmem:s22+$0x64A0];
	[tilespmem:$0x1F960] =	vst v2;
	v2 =	vshll.u32 v2, $0x8  }
0x71f: {  	[tilespmem:$0x1F890] =	vst v0;
	v0 =	vld [tilespmem:s22+$0x6740];
	v38 =	vshra.s32 v2, $0x2  }
0x720: {  	v57 =	vld [tilespmem:s22+$0x64C0];
	(v2sf) =	vpush v38, $0xE  }
0x721: {  	v58 =	vld [tilespmem:s22+$0x64D0]  }
0x722: {  	v29 =	vld [tilespmem:s22+$0x6420]  }
0x723: {  	v25 =	vld [tilespmem:s22+$0x6460]  }
0x724: {  	[tilespmem:$0x1F8A0] =	vst v0;
	v0 =	vld [tilespmem:s22+$0x6750];
	(v2sf) =	vpush v38, $0xD  }
0x725: {  	v2 =	vld [tilespmem:s22+$0x6500]  }
0x726: {  	v49 =	vld [tilespmem:s22+$0x6480];
	(v2sf) =	vpush v38, $0xC  }
0x727: {  	v50 =	vld [tilespmem:s22+$0x6490];
	(v2sf) =	vpush v38, $0xB  }
0x728: {  	v44 =	vld [tilespmem:s22+$0x6400]  }
0x729: {  	[tilespmem:$0x1F8B0] =	vst v0;
	v0 =	vld [tilespmem:s22+$0x66B0]  }
0x72a: {  	[tilespmem:$0x1F970] =	vst v2;
	v2 =	vld [tilespmem:s22+$0x6510]  }
0x72b: {  	v45 =	vld [tilespmem:s22+$0x6410]  }
0x72c: {  	v36 =	vld [tilespmem:s22+$0x6440]  }
0x72d: {  	v39 =	vld [tilespmem:s22+$0x6450]  }
0x72e: {  	[tilespmem:$0x1F8C0] =	vst v0;
	v0 =	vld [tilespmem:s22+$0x6710];
	(v2sf) =	vpush v38, $0x9  }
0x72f: {  	[tilespmem:$0x1F980] =	vst v2;
	v2 =	vld [tilespmem:s22+$0x6470];
	s16 =	spop (v2sf)  }
0x730: {  	(v2sf) =	vpush v38, $0x8;
	v12 =	vld [tilespmem:s16+$0x8630]  }
0x731: {  	v20 =	vld [tilespmem:s16+$0x8620]  }
0x732: {  	v18 =	vld [tilespmem:s16+$0x8600]  }
0x733: {  	s25 =	spop (v2sf);
	v21 =	vld [tilespmem:s16+$0x8610]  }
0x734: {  	[tilespmem:$0x1F990] =	vst v2;
	(v2sf) =	vpush v38, $0x6;
	v2 =	vld [tilespmem:s25+$0x8630]  }
0x735: {  	s18 =	spop (v2sf);
	(v2sf) =	vpush v38, $0xA;
	v22 =	vld [tilespmem:s25+$0x8600]  }
0x736: {  	v10 =	vld [tilespmem:s18+$0x8630];
	s21 =	spop (v2sf);
	(v2sf) =	vpush v38, $0x5  }
0x737: {  	v14 =	vld [tilespmem:s18+$0x8620]  }
0x738: {  	v17 =	vld [tilespmem:s18+$0x8600]  }
0x739: {  	v19 =	vld [tilespmem:s18+$0x8610]  }
0x73a: {  	v9 =	vld [tilespmem:s21+$0x8630]  }
0x73b: {  	v13 =	vld [tilespmem:s21+$0x8620]  }
0x73c: {  	v15 =	vld [tilespmem:s21+$0x8600]  }
0x73d: {  	s5 =	spop (v2sf);
	v16 =	vld [tilespmem:s21+$0x8610]  }
0x73e: {  	v8 =	vld [tilespmem:s5+$0x8630]  }
0x73f: {  	s16 =	spop (v2sf);
	v5 =	vld [tilespmem:s5+$0x8620]  }
0x740: {  	v4 =	vld [tilespmem:s16+$0x8630]  }
0x741: {  	p0 =	sne.s32 s24, $0x7000;
	v11 =	vld [tilespmem:s16+$0x8620]  }
.Ltmp3:
0x742: {  	v21 =	vmul.f32 v21, v7;
	v7 =	vld [tilespmem:s5+$0x8600];
	(pc) =	sbr.rel @p0 .LBB2_8-.Ltmp3, $4  }
0x743: {  	(v2sf) =	vpush v38, $0x3;
	v6 =	vmul.f32 v18, v6;
	v18 =	vld [tilespmem:s5+$0x8610];
	s21 =	spop (v2sf)  }
0x744: {  	[tilespmem:$0x1F950] =	vst v3;
	(v2sf) =	vpush v38, $0x7;
	v3 =	vld [tilespmem:s21+$0x8630];
	s28 =	spop (v2sf)  }
0x745: {  	(v2sf) =	vpush v38, $0x2;
	v37 =	vld [tilespmem:s28+$0x8600];
	s18 =	spop (v2sf)  }
0x746: {  	s24 =	sadd.s32 $0x1000, s24;
	v1 =	vmul.f32 v20, v1;
	[tilespmem:$0x1F9A0] =	vst v2;
	v6 =	vadd.f32 v21, v6;
	(v2sf) =	vpush v38, $0x0;
	v2 =	vld [tilespmem:s18+$0x8630]  }
0x747: {  	v20 =	vld [tilespmem:s21+$0x8620];
	_ =	sdelay $0x3  }
0x748: {  	v17 =	vmul.f32 v17, v63;
	v0 =	vmul.f32 v19, v0;
	v19 =	vld [tilespmem:s21+$0x8610]  }
0x749: {  	v52 =	vmul.f32 v14, v52;
	[tilespmem:$0x1F620] =	vst v20;
	v20 =	vld [tilespmem:s16+$0x8600]  }
0x74a: {  	v14 =	vld [tilespmem:s18+$0x8600];
	v15 =	vmul.f32 v15, v59;
	v16 =	vmul.f32 v16, v60;
	v0 =	vadd.f32 v0, v17  }
0x74b: {  	v5 =	vmul.f32 v5, v47;
	v47 =	vld [tilespmem:$0x1F620]  }
0x74c: {  	v13 =	vmul.f32 v13, v46;
	v17 =	vld [tilespmem:s18+$0x8610];
	v0 =	vadd.f32 v52, v0;
	v52 =	vadd.f32 v16, v15  }
0x74d: {  	v8 =	vmul.f32 v8, v32;
	v32 =	vmul.f32 v19, v56;
	v19 =	vld [tilespmem:$0x1F900]  }
0x74e: {  	v43 =	vmul.f32 v12, v43;
	v9 =	vmul.f32 v9, v31;
	v12 =	vadd.f32 v13, v52;
	[tilespmem:$0x1F610] =	vst v20;
	v20 =	vld [tilespmem:s16+$0x8610]  }
0x74f: {  	v59 =	vld [tilespmem:$0x1F610]  }
0x750: {  	v9 =	vadd.f32 v9, v12;
	v12 =	vmul.f32 v47, v41;
	v41 =	vld [tilespmem:$0x1F980]  }
0x751: {  	s5 =	spop (v2sf);
	v47 =	vld [tilespmem:$0x1F950]  }
0x752: {  	v21 =	vld [tilespmem:s5+$0x8630]  }
0x753: {  	v63 =	vmul.f32 v7, v61;
	v1 =	vadd.f32 v1, v6;
	v7 =	vld [tilespmem:s5+$0x8600]  }
0x754: {  	v61 =	vld [tilespmem:s5+$0x8610]  }
0x755: {  	v1 =	vadd.f32 v43, v1;
	v43 =	vmul.f32 v18, v62;
	s23 =	spop (v2sf);
	v62 =	vld [tilespmem:s5+$0x8620]  }
0x756: {  	v14 =	vmul.f32 v14, v48;
	s7 =	spop (v2sf);
	v48 =	vld [tilespmem:s23+$0x8630]  }
0x757: {  	v18 =	vld [tilespmem:s7+$0x8630]  }
0x758: {  	v6 =	vadd.f32 v43, v63;
	v63 =	vld [tilespmem:s7+$0x8600]  }
0x759: {  	v10 =	vmul.f32 v10, v35;
	v35 =	vld [tilespmem:s7+$0x8610]  }
0x75a: {  	(v2sf) =	vpush v38, $0x1;
	s24 =	spop (v2sf);
	v43 =	vld [tilespmem:s7+$0x8620]  }
0x75b: {  	v15 =	vld [tilespmem:s24+$0x8630]  }
0x75c: {  	v52 =	vld [tilespmem:s24+$0x8600]  }
0x75d: {  	v60 =	vmul.f32 v20, v55;
	v55 =	vld [tilespmem:s24+$0x8620]  }
0x75e: {  	v0 =	vadd.f32 v10, v0;
	[tilespmem:$0x1F640] =	vst v21;
	v21 =	vld [tilespmem:s18+$0x8620]  }
0x75f: {  	v5 =	vadd.f32 v5, v6;
	v10 =	vmul.f32 v59, v54;
	v6 =	vmul.f32 v62, v40;
	v40 =	vld [tilespmem:$0x1F970]  }
0x760: {  	(v2sf) =	vpush v38, $0x4;
	v54 =	vmul.f32 v61, v58;
	v61 =	vld [tilespmem:$0x1F640]  }
0x761: {  	v11 =	vmul.f32 v11, v42;
	v10 =	vadd.f32 v60, v10;
	v59 =	vmul.f32 v35, v50;
	v35 =	vld [tilespmem:s23+$0x8610]  }
0x762: {  	v4 =	vmul.f32 v4, v28;
	(v2sf) =	vpush v38, $0xF;
	v7 =	vmul.f32 v7, v57;
	v50 =	vld [tilespmem:$0x1F920]  }
0x763: {  	v42 =	vadd.f32 v11, v10;
	v10 =	vmul.f32 v43, v34;
	v34 =	vmul.f32 v55, v29;
	v55 =	vld [tilespmem:$0x1F940]  }
0x764: {  	[tilespmem:$0x1F630] =	vst v21;
	v21 =	vld [tilespmem:s23+$0x8600]  }
0x765: {  	v7 =	vadd.f32 v54, v7;
	v4 =	vadd.f32 v4, v42;
	v42 =	vld [tilespmem:s23+$0x8620]  }
0x766: {  	v56 =	vld [tilespmem:$0x1F630]  }
0x767: {  	v6 =	vadd.f32 v6, v7;
	v7 =	vmul.f32 v61, v27;
	v27 =	vmul.f32 v52, v44;
	v52 =	vld [tilespmem:$0x1F930]  }
0x768: {  	v61 =	vld [tilespmem:$0x1F8F0]  }
0x769: {  	[tilespmem:$0x1F650] =	vst v21;
	v21 =	vld [tilespmem:s21+$0x8600];
	s18 =	spop (v2sf)  }
0x76a: {  	v57 =	vld [tilespmem:s18+$0x8600]  }
0x76b: {  	v58 =	vld [tilespmem:s18+$0x8610]  }
0x76c: {  	v62 =	vld [tilespmem:s18+$0x8620]  }
0x76d: {  	v17 =	vmul.f32 v17, v51;
	v28 =	vld [tilespmem:s18+$0x8630]  }
0x76e: {  	v51 =	vld [tilespmem:$0x1F650]  }
0x76f: {  	v14 =	vadd.f32 v17, v14;
	v17 =	vmul.f32 v56, v33;
	s21 =	spop (v2sf);
	v56 =	vld [tilespmem:s25+$0x8610]  }
0x770: {  	v13 =	vmul.f32 v63, v49;
	v60 =	vld [tilespmem:s21+$0x8600]  }
0x771: {  	v2 =	vmul.f32 v2, v26;
	v26 =	vld [tilespmem:s21+$0x8610]  }
0x772: {  	s23 =	spop (v2sf);
	v14 =	vadd.f32 v17, v14;
	v17 =	vadd.f32 v59, v13;
	v59 =	vld [tilespmem:$0x1F8E0]  }
0x773: {  	v20 =	vld [tilespmem:s23+$0x8600]  }
0x774: {  	v33 =	vmul.f32 v18, v24;
	v24 =	vld [tilespmem:s23+$0x8610]  }
0x775: {  	v31 =	vmul.f32 v21, v53;
	v53 =	vld [tilespmem:s24+$0x8610]  }
0x776: {  	v21 =	vld [tilespmem:$0x1F8D0]  }
0x777: {  	v3 =	vmul.f32 v3, v30;
	v30 =	vmul.f32 v57, v36;
	v57 =	vld [tilespmem:$0x1F910]  }
0x778: {  	v38 =	vmul.f32 v62, v25;
	v62 =	vld [tilespmem:s25+$0x8620];
	v46 =	vadd.f32 v32, v31  }
0x779: {  	(xrf2) =	vadd.scan.msk.f32 $0xffff, v1;
	v25 =	vld [tilespmem:$0x1F8A0]  }
0x77a: {  	(xrf2) =	vadd.scan.msk.f32 $0xffff, v0;
	v5 =	vadd.f32 v8, v5;
	v11 =	vadd.f32 v12, v46;
	v8 =	vmul.f32 v53, v45;
	v45 =	vld [tilespmem:$0x1F990]  }
0x77b: {  	(xrf2) =	vadd.scan.msk.f32 $0xffff, v9;
	v6 =	vadd.f32 v7, v6;
	v63 =	vadd.f32 v2, v14;
	v31 =	vmul.f32 v58, v39;
	v32 =	vld [tilespmem:s21+$0x8620]  }
0x77c: {  	(xrf2) =	vadd.scan.msk.f32 $0xffff, v5;
	v39 =	vld [tilespmem:s21+$0x8630];
	v3 =	vadd.f32 v3, v11;
	v0 =	vadd.f32 v8, v27  }
0x77d: {  	(xrf2) =	vadd.scan.msk.f32 $0xffff, v4;
	v2 =	vadd.f32 v10, v17;
	v36 =	vmul.f32 v15, v23;
	v58 =	vld [tilespmem:s28+$0x8630];
	v9 =	vadd.f32 v31, v30  }
0x77e: {  	v46 =	vld [tilespmem:s28+$0x8610];
	v8 =	vmul.f32 v26, v41;
	(xrf2) =	vadd.scan.msk.f32 $0xffff, v3;
	v3 =	vmul.f32 v60, v40;
	v0 =	vadd.f32 v34, v0  }
0x77f: {  	v43 =	vadd.f32 v33, v2;
	v30 =	vld [tilespmem:$0x1F8C0];
	v44 =	vadd.f32 v38, v9;
	(xrf2) =	vadd.scan.msk.f32 $0xffff, v63;
	v5 =	vmul.f32 v28, v45  }
0x780: {  	v53 =	vld [tilespmem:s28+$0x8620];
	v4 =	vmul.f32 v32, v47;
	(xrf2) =	vadd.scan.msk.f32 $0xffff, v6;
	v3 =	vadd.f32 v8, v3;
	v0 =	vadd.f32 v36, v0  }
0x781: {  	v2 =	vmul.f32 v51, v50;
	v27 =	vld [tilespmem:$0x1F8B0];
	(xrf2) =	vadd.scan.msk.f32 $0xffff, v43;
	v49 =	vadd.f32 v5, v44;
	v5 =	vmul.f32 v35, v52  }
0x782: {  	v32 =	vld [tilespmem:$0x1F890];
	v54 =	vadd.f32 v4, v3;
	v3 =	vmul.f32 v39, v55;
	(xrf2) =	vadd.scan.msk.f32 $0xffff, v0  }
0x783: {  	v9, _, _ =	vpop (xrf2);
	v40 =	vld [tilespmem:$0x1F870];
	v2 =	vadd.f32 v5, v2;
	v5 =	vmul.f32 v42, v57;
	(xrf2) =	vadd.scan.msk.f32 $0xffff, v49  }
0x784: {  	v60, _, _ =	vpop (xrf2);
	v7 =	vmul.f32 v46, v61;
	v36 =	vld [tilespmem:$0x1F880];
	v0 =	vadd.f32 v3, v54;
	v3 =	vmul.f32 v37, v59  }
0x785: {  	v63, _, _ =	vpop (xrf2);
	v6 =	vmul.f32 v48, v19;
	v39 =	vld [tilespmem:$0x1F860];
	v2 =	vadd.f32 v5, v2  }
0x786: {  	v23, _, _ =	vpop (xrf2);
	v37 =	vld [tilespmem:$0x1F9A0];
	v3 =	vadd.f32 v7, v3;
	v7 =	vmul.f32 v53, v21;
	(xrf2) =	vadd.scan.msk.f32 $0xffff, v0  }
0x787: {  	v31 =	vld [tilespmem:s23+$0x8620];
	v26, _, _ =	vpop (xrf2);
	v4 =	vmul.f32 v56, v27;
	v2 =	vadd.f32 v6, v2;
	v6 =	vmul.f32 v22, v25  }
0x788: {  	v1 =	vmul.f32 v58, v30;
	v28 =	vld [tilespmem:s22+$0x67E0];
	v3 =	vadd.f32 v7, v3;
	v29, _, _ =	vpop (xrf2)  }
0x789: {  	v38 =	vld [tilespmem:s23+$0x8630];
	v33, _, _ =	vpop (xrf2);
	v4 =	vadd.f32 v4, v6;
	v6 =	vmul.f32 v62, v32;
	(xrf2) =	vadd.scan.msk.f32 $0xffff, v2  }
0x78a: {  	v34 =	vld [tilespmem:s22+$0x67F0];
	v0 =	vmul.f32 v24, v40;
	v1 =	vadd.f32 v1, v3;
	v35, _, _ =	vpop (xrf2)  }
0x78b: {  	v16 =	vmul.f32 v37, v36;
	v41, _, _ =	vpop (xrf2);
	v4 =	vadd.f32 v6, v4;
	v6 =	vmul.f32 v20, v39  }
0x78c: {  	(xrf2) =	vadd.scan.msk.f32 $0xffff, v1;
	v42, _, _ =	vpop (xrf2)  }
0x78d: {  	v43 =	vmul.f32 v31, v28;
	v4 =	vadd.f32 v16, v4;
	v0 =	vadd.f32 v0, v6;
	v44, _, _ =	vpop (xrf2)  }
0x78e: {  	v1 =	vbroadcast v42, $0xF;
	v14 =	vbroadcast v44, $0xF  }
0x78f: {  	v2 =	vmul.f32 v38, v34;
	v45 =	vbroadcast v41, $0xF;
	v0 =	vadd.f32 v43, v0;
	(xrf2) =	vadd.scan.msk.f32 $0xffff, v4  }
0x790: {  	v3 =	vbroadcast v35, $0xF;
	v46, _, _ =	vpop (xrf2);
	v1 =	vsel vm0, v1, v14  }
0x791: {  	v47 =	vbroadcast v46, $0xF;
	v1 =	vsel vm1, v1, v45;
	v0 =	vadd.f32 v2, v0  }
0x792: {  	v54 =	vld [tilespmem:$0x1F960];
	v48 =	vbroadcast v33, $0xF;
	v1 =	vsel vm2, v1, v3  }
0x793: {  	v49 =	vbroadcast v29, $0xF;
	v1 =	vsel vm3, v1, v47;
	(xrf2) =	vadd.scan.msk.f32 $0xffff, v0;
	v50, _, _ =	vpop (xrf2)  }
0x794: {  	v1 =	vsel vm4, v1, v48;
	v0 =	vbroadcast v50, $0xF  }
0x795: {  	v51 =	vbroadcast v26, $0xF;
	v1 =	vsel vm5, v1, v49  }
0x796: {  	v52 =	vbroadcast v23, $0xF;
	v53, _, _ =	vpop (xrf2);
	v0 =	vsel vm6, v1, v0  }
0x797: {  	v2 =	vshll.u32 v54, $0x3;
	v3 =	vbroadcast v53, $0xF;
	v0 =	vsel vm7, v0, v51  }
0x798: {  	v55 =	vbroadcast v63, $0xF;
	v0 =	vsel vm8, v0, v52  }
0x799: {  	s24 =	sadd.s32 $0x10, s19;
	v56 =	vbroadcast v60, $0xF;
	v0 =	vsel vm9, v0, v3;
	v57, _, _ =	vpop (xrf2)  }
0x79a: {  	v59 =	vld [tilespmem:s24+$0x0];
	v0 =	vsel vm10, v0, v55;
	v58 =	vbroadcast v57, $0xF  }
0x79b: {  	v60 =	vbroadcast v9, $0xF;
	v0 =	vsel vm11, v0, v56  }
0x79c: {  	v61 =	vld.idx.msk [tilespmem:v2+s26+$0x0], $0xffff;
	v0 =	vsel vm12, v0, v58  }
0x79d: {  	v0 =	vsel vm13, v0, v60;
	v62, _, _ =	vpop (xrf2)  }
0x79e: {  	v63 =	vld [tilespmem:$0x1FEA0];
	v0 =	vsel vm14, v0, v62  }
0x79f: {  	v0 =	vadd.f32 v0, v59;
	_ =	sdelay $0x1  }
0x7a0: {  	v0 =	vadd.f32 v0, v61;
	_ =	sdelay $0x1  }
0x7a1: {  	s17 =	sadd.s32 $0x1, s17;
	v0 =	vadd.f32 v0, v63  }
0x7a2: {  	p0 =	sne.s32 s17, s11;
	s25 =	sadd.s32 $0x10, s20  }
.Ltmp4:
0x7a3: {  	s28 =	simm.s32 $0xB0D0;
	[tilespmem:s25+$0x0] =	vst v0;
	(pc) =	sbr.rel @p0 .LBB2_1-.Ltmp4, $4  }
0x7a4: {  	[hbm4b:s10+s2] =	stream.linear.scatter [tilespmem:s28], [sflag:$0x9], $0x200, $0x38;
	[tilespmem:$0xB2D0] =	vst v63  }
0x7a5: {  	_ =	swait.ge [sflag:s12], $0x200  }
0x7a6: {  	[sflag:s12] =	ssyncset.done $0x0  }
0x7a7: {  	[sflag:s12] =	ssyncadd.s32 $0xFFFFFE00  }
0x7a8: {  	_ =	sfence.sel $0x180000  }
0x7a9: {  	[bflag:$0x0] =	sbarrier.arrive $0xFFFF  }
0x7aa: {  	_ =	strace $0x90000047  }
0x7ab: {  	s0 =	stileid.u32;
	[bflag:$0x2] =	sbarrier.arrive $0xFFFF  }
0x7ac: {  	p0 =	sne.s32 s0, $0x0;
	s0 =	rddreg [dreg:$0x5]  }
0x7ad: {  	s0 =	sadd.s32 @!p0 $0x100000, s0  }
0x7ae: {  	[sflag:s0] =	ssyncadd.tile.s32 @!p0 $0x1;
	_ =	shalt  }
.Lfunc_end2:
_tile_overlayer_lowered:
.L_overlay_start_2:
0x7af: {  	(tag) =	ssettag $0x2  }
0x7b0: {  	s0 =	rddreg [dreg:$0x0];
	s2 =	stileid.u32  }
0x7b1: {  	s1 =	rddreg [dreg:$0x1];
	p0 =	sne.s32 s2, $0x0  }
0x7b2: {  	s3 =	rddreg [dreg:$0x2];
	[bflag:$0x3] =	sbarrier.arrive $0xFFFF;
	s2 =	simm.s32 @!p0 $0x1C09  }
0x7b3: {  	[timem:s3], [sflag:s2] =	dma.local @!p0 [hbm:s0], s1  }
0x7b4: {  	s0 =	simm.s32 @!p0 $0x9  }
0x7b5: {  	_ =	swait.ge @!p0 [sflag:s0], s1  }
0x7b6: {  	s1 =	ssub.s32 @!p0 $0x0, s1;
	[sflag:s0] =	ssyncset.done @!p0 $0x0  }
0x7b7: {  	[sflag:s0] =	ssyncadd.s32 @!p0 s1  }
0x7b8: {  	[bflag:$0x3] =	sbarrier.arrive $0xFFFF  }
0x7b9: {  	_ =	shalt  }

</sc_bundles>
